<compile_context>
chip_gen: v7x
topology: tpu7x:2x2x1
jax: 0.10.2.dev20260603
libtpu: 0.0.44.dev20260713+nightly
codegen_flags: <defaults>
</compile_context>

<pallas_src>
import functools

import jax
import jax.numpy as jnp
from jax import lax
from jax.experimental import pallas as pl
from jax.experimental.pallas import tpu as pltpu
from jax.experimental.pallas import tpu_sc as plsc

N_NODES = 10000
N_EDGES = 320000
D_IN = 128
D_HID = 128
N_CLASSES = 64

NC = 2
NS = 16
CH = 80
CHUNKS_PER_TILE = N_EDGES // (NC * NS * CH)
ROWS_PER_TILE = 10240 // NS
DEG_W = 16
N_PAD = 10240
BR = 2000
GRID = N_NODES // BR

_mesh = plsc.VectorSubcoreMesh(
    core_axis_name="c", subcore_axis_name="s", num_cores=NC, num_subcores=NS
)



DEG_NB = 5


def _deg_body(src_hbm, dst_hbm, z16_hbm, ones_hbm, out_hbm,
              sidx, didx, ones_v, ssem, dsem, s_tbl, d_tbl):
    c = lax.axis_index("c")
    s = lax.axis_index("s")
    rbase = s * ROWS_PER_TILE
    rows = pl.ds(rbase, ROWS_PER_TILE)
    pltpu.sync_copy(z16_hbm.at[rows], s_tbl.at[rows])
    pltpu.sync_copy(z16_hbm.at[rows], d_tbl.at[rows])
    pltpu.sync_copy(ones_hbm, ones_v)
    wid = c * NS + s
    pltpu.sync_copy(src_hbm.at[wid], sidx)
    pltpu.sync_copy(dst_hbm.at[wid], didx)
    plsc.subcore_barrier()

    for b in range(DEG_NB):
        pltpu.async_copy(ones_v, s_tbl.at[sidx.at[b]], ssem.at[b], add=True)
        pltpu.async_copy(ones_v, d_tbl.at[didx.at[b]], dsem.at[b], add=True)

    @pl.loop(1, CHUNKS_PER_TILE // DEG_NB)
    def _(t):
        j0 = t * DEG_NB
        for b in range(DEG_NB):
            pltpu.make_async_copy(
                ones_v, s_tbl.at[sidx.at[j0 - DEG_NB + b]], ssem.at[b]).wait()
            pltpu.make_async_copy(
                ones_v, d_tbl.at[didx.at[j0 - DEG_NB + b]], dsem.at[b]).wait()
            pltpu.async_copy(ones_v, s_tbl.at[sidx.at[j0 + b]], ssem.at[b],
                             add=True)
            pltpu.async_copy(ones_v, d_tbl.at[didx.at[j0 + b]], dsem.at[b],
                             add=True)

    j0 = CHUNKS_PER_TILE - DEG_NB
    for b in range(DEG_NB):
        pltpu.make_async_copy(ones_v, s_tbl.at[sidx.at[j0 + b]],
                              ssem.at[b]).wait()
        pltpu.make_async_copy(ones_v, d_tbl.at[didx.at[j0 + b]],
                              dsem.at[b]).wait()

    plsc.subcore_barrier()
    pltpu.sync_copy(s_tbl.at[rows], out_hbm.at[c, 0, rows])
    pltpu.sync_copy(d_tbl.at[rows], out_hbm.at[c, 1, rows])


_deg_kernel = pl.kernel(
    _deg_body,
    out_type=jax.ShapeDtypeStruct((NC, 2, N_PAD, DEG_W), jnp.float32),
    mesh=_mesh,
    compiler_params=pltpu.CompilerParams(use_tc_tiling_on_sc=False),
    scratch_types=[
        pltpu.VMEM((CHUNKS_PER_TILE, CH), jnp.int32),
        pltpu.VMEM((CHUNKS_PER_TILE, CH), jnp.int32),
        pltpu.VMEM((CH, DEG_W), jnp.float32),
        pltpu.SemaphoreType.DMA((DEG_NB,)),
        pltpu.SemaphoreType.DMA((DEG_NB,)),
        pltpu.VMEM_SHARED((N_PAD, DEG_W), jnp.float32),
        pltpu.VMEM_SHARED((N_PAD, DEG_W), jnp.float32),
    ],
)


def _gs_body(nb, h_hbm, src_hbm, dst_hbm, z_hbm, out_hbm, sidx, didx, rows_v,
             gsem, ssem, acc):
    c = lax.axis_index("c")
    s = lax.axis_index("s")
    rbase = s * ROWS_PER_TILE
    rows = pl.ds(rbase, ROWS_PER_TILE)
    pltpu.sync_copy(z_hbm.at[rows], acc.at[rows])
    wid = c * NS + s
    pltpu.sync_copy(src_hbm.at[wid], sidx)
    pltpu.sync_copy(dst_hbm.at[wid], didx)
    plsc.subcore_barrier()

    npipe = CHUNKS_PER_TILE // nb

    for b in range(nb):
        pltpu.async_copy(h_hbm.at[sidx.at[b]], rows_v.at[b], gsem.at[b])

    @pl.loop(0, npipe - 1)
    def _(t):
        j0 = t * nb
        scat = []
        for b in range(nb):
            pltpu.make_async_copy(
                h_hbm.at[sidx.at[j0 + b]], rows_v.at[b], gsem.at[b]).wait()
            scat.append(pltpu.async_copy(
                rows_v.at[b], acc.at[didx.at[j0 + b]], ssem.at[b], add=True))
        for b in range(nb):
            scat[b].wait()
            pltpu.async_copy(
                h_hbm.at[sidx.at[j0 + nb + b]], rows_v.at[b], gsem.at[b])

    j0 = (npipe - 1) * nb
    scat = []
    for b in range(nb):
        pltpu.make_async_copy(
            h_hbm.at[sidx.at[j0 + b]], rows_v.at[b], gsem.at[b]).wait()
        scat.append(pltpu.async_copy(
            rows_v.at[b], acc.at[didx.at[j0 + b]], ssem.at[b], add=True))
    for d in scat:
        d.wait()
    for j in range(npipe * nb, CHUNKS_PER_TILE):
        pltpu.sync_copy(h_hbm.at[sidx.at[j]], rows_v.at[0])
        pltpu.sync_copy(rows_v.at[0], acc.at[didx.at[j]], add=True)

    plsc.subcore_barrier()
    pltpu.sync_copy(acc.at[rows], out_hbm.at[c, rows])



def _gs128_body(h_hbm, src_hbm, dst_hbm, z_hbm, out_hbm, sidx, didx, rows_v,
                gsem, ssem, acc):
    c = lax.axis_index("c")
    s = lax.axis_index("s")
    rbase = s * ROWS_PER_TILE
    rows = pl.ds(rbase, ROWS_PER_TILE)
    pltpu.sync_copy(z_hbm.at[rows], acc.at[rows])
    wid = c * NS + s
    plsc.subcore_barrier()

    nb = 4
    PC = 25
    npipe = PC // nb

    @pl.loop(0, CHUNKS_PER_TILE // PC)
    def _(p):
        pltpu.sync_copy(src_hbm.at[wid].at[pl.ds(p * PC, PC)], sidx)
        pltpu.sync_copy(dst_hbm.at[wid].at[pl.ds(p * PC, PC)], didx)

        for b in range(nb):
            pltpu.async_copy(h_hbm.at[sidx.at[b]], rows_v.at[b], gsem.at[b])

        @pl.loop(0, npipe - 1)
        def _(t):
            j0 = t * nb
            scat = []
            for b in range(nb):
                pltpu.make_async_copy(
                    h_hbm.at[sidx.at[j0 + b]], rows_v.at[b], gsem.at[b]).wait()
                scat.append(pltpu.async_copy(
                    rows_v.at[b], acc.at[didx.at[j0 + b]], ssem.at[b],
                    add=True))
            for b in range(nb):
                scat[b].wait()
                pltpu.async_copy(
                    h_hbm.at[sidx.at[j0 + nb + b]], rows_v.at[b], gsem.at[b])

        j0 = (npipe - 1) * nb
        scat = []
        for b in range(nb):
            pltpu.make_async_copy(
                h_hbm.at[sidx.at[j0 + b]], rows_v.at[b], gsem.at[b]).wait()
            scat.append(pltpu.async_copy(
                rows_v.at[b], acc.at[didx.at[j0 + b]], ssem.at[b], add=True))
        for d in scat:
            d.wait()
        for j in range(npipe * nb, PC):
            pltpu.sync_copy(h_hbm.at[sidx.at[j]], rows_v.at[0])
            pltpu.sync_copy(rows_v.at[0], acc.at[didx.at[j]], add=True)

    plsc.subcore_barrier()
    pltpu.sync_copy(acc.at[rows], out_hbm.at[c, rows])


_gs128 = pl.kernel(
    _gs128_body,
    out_type=jax.ShapeDtypeStruct((NC, N_PAD, D_IN), jnp.float32),
    mesh=_mesh,
    compiler_params=pltpu.CompilerParams(use_tc_tiling_on_sc=False),
    scratch_types=[
        pltpu.VMEM((25, CH), jnp.int32),
        pltpu.VMEM((25, CH), jnp.int32),
        pltpu.VMEM((4, CH, D_IN), jnp.float32),
        pltpu.SemaphoreType.DMA((4,)),
        pltpu.SemaphoreType.DMA((4,)),
        pltpu.VMEM_SHARED((N_PAD, D_IN), jnp.float32),
    ],
)


CHUNKS1 = N_EDGES // (NS * CH)


def _gs1_body(h_hbm, src_hbm, dst_hbm, z_hbm, out_hbm, sidx, didx, rows_v,
              gsem, ssem, acc):
    c = lax.axis_index("c")
    s = lax.axis_index("s")
    rbase = s * ROWS_PER_TILE
    rows = pl.ds(rbase, ROWS_PER_TILE)
    pltpu.sync_copy(z_hbm.at[rows], acc.at[rows])
    pltpu.sync_copy(src_hbm.at[s], sidx)
    pltpu.sync_copy(dst_hbm.at[s], didx)
    plsc.subcore_barrier()

    nb = 8
    npipe = CHUNKS1 // nb
    h_c = h_hbm.at[c]
    for b in range(nb):
        pltpu.async_copy(h_c.at[sidx.at[b]], rows_v.at[b], gsem.at[b])

    @pl.loop(0, npipe - 1)
    def _(t):
        j0 = t * nb
        scat = []
        for b in range(nb):
            pltpu.make_async_copy(
                h_c.at[sidx.at[j0 + b]], rows_v.at[b], gsem.at[b]).wait()
            scat.append(pltpu.async_copy(
                rows_v.at[b], acc.at[didx.at[j0 + b]], ssem.at[b], add=True))
        for b in range(nb):
            scat[b].wait()
            pltpu.async_copy(
                h_c.at[sidx.at[j0 + nb + b]], rows_v.at[b], gsem.at[b])

    j0 = (npipe - 1) * nb
    scat = []
    for b in range(nb):
        pltpu.make_async_copy(
            h_c.at[sidx.at[j0 + b]], rows_v.at[b], gsem.at[b]).wait()
        scat.append(pltpu.async_copy(
            rows_v.at[b], acc.at[didx.at[j0 + b]], ssem.at[b], add=True))
    for d in scat:
        d.wait()
    for j in range(npipe * nb, CHUNKS1):
        pltpu.sync_copy(h_c.at[sidx.at[j]], rows_v.at[0])
        pltpu.sync_copy(rows_v.at[0], acc.at[didx.at[j]], add=True)

    plsc.subcore_barrier()
    pltpu.sync_copy(acc.at[rows], out_hbm.at[c, rows])


_gs1 = pl.kernel(
    _gs1_body,
    out_type=jax.ShapeDtypeStruct((NC, N_PAD, N_CLASSES), jnp.float32),
    mesh=_mesh,
    compiler_params=pltpu.CompilerParams(use_tc_tiling_on_sc=False),
    scratch_types=[
        pltpu.VMEM((CHUNKS1, CH), jnp.int32),
        pltpu.VMEM((CHUNKS1, CH), jnp.int32),
        pltpu.VMEM((8, CH, N_CLASSES), jnp.float32),
        pltpu.SemaphoreType.DMA((8,)),
        pltpu.SemaphoreType.DMA((8,)),
        pltpu.VMEM_SHARED((N_PAD, N_CLASSES), jnp.float32),
    ],
)


def _make_gs(width, nb):
    return pl.kernel(
        functools.partial(_gs_body, nb),
        out_type=jax.ShapeDtypeStruct((NC, N_PAD, width), jnp.float32),
        mesh=_mesh,
        compiler_params=pltpu.CompilerParams(use_tc_tiling_on_sc=False),
        scratch_types=[
            pltpu.VMEM((CHUNKS_PER_TILE, CH), jnp.int32),
            pltpu.VMEM((CHUNKS_PER_TILE, CH), jnp.int32),
            pltpu.VMEM((nb, CH, width), jnp.float32),
            pltpu.SemaphoreType.DMA((nb,)),
            pltpu.SemaphoreType.DMA((nb,)),
            pltpu.VMEM_SHARED((N_PAD, width), jnp.float32),
        ],
    )


_gs64 = _make_gs(N_CLASSES, 8)



def _inv_sqrt_deg(degs_ref, kind):
    d = degs_ref[0, kind][:, :1] + degs_ref[1, kind][:, :1]
    return lax.rsqrt(jnp.maximum(d, 1.0))


def _prescale_body(x_ref, degs_ref, h_ref):
    h_ref[...] = x_ref[...] * _inv_sqrt_deg(degs_ref, 0)


def _mid_body(p_ref, degs_ref, w1_ref, b1_ref, w2_ref, g_ref):
    agg = (p_ref[0] + p_ref[1]) * _inv_sqrt_deg(degs_ref, 1)
    t = jnp.dot(agg, w1_ref[...], preferred_element_type=jnp.float32)
    t = jnp.maximum(t + b1_ref[...], 0.0) * _inv_sqrt_deg(degs_ref, 0)
    g_ref[...] = jnp.dot(t, w2_ref[...], preferred_element_type=jnp.float32)


def _final_body(q_ref, degs_ref, b2_ref, o_ref):
    o_ref[...] = (q_ref[0] + q_ref[1]) * _inv_sqrt_deg(degs_ref, 1) + b2_ref[...]


_DEG_SPEC = pl.BlockSpec((NC, 2, BR, DEG_W), lambda i: (0, 0, i, 0))


def _prescale(x, degs):
    return pl.pallas_call(
        _prescale_body,
        out_shape=jax.ShapeDtypeStruct((N_NODES, D_IN), jnp.float32),
        grid=(GRID,),
        in_specs=[pl.BlockSpec((BR, D_IN), lambda i: (i, 0)), _DEG_SPEC],
        out_specs=pl.BlockSpec((BR, D_IN), lambda i: (i, 0)),
    )(x, degs)


def _mid(p, degs, W1, b1, W2):
    return pl.pallas_call(
        _mid_body,
        out_shape=jax.ShapeDtypeStruct((N_NODES, N_CLASSES), jnp.float32),
        grid=(GRID,),
        in_specs=[
            pl.BlockSpec((NC, BR, D_IN), lambda i: (0, i, 0)),
            _DEG_SPEC,
            pl.BlockSpec((D_IN, D_HID), lambda i: (0, 0)),
            pl.BlockSpec((1, D_HID), lambda i: (0, 0)),
            pl.BlockSpec((D_HID, N_CLASSES), lambda i: (0, 0)),
        ],
        out_specs=pl.BlockSpec((BR, N_CLASSES), lambda i: (i, 0)),
    )(p, degs, W1, b1, W2)


def _final(q, degs, b2):
    return pl.pallas_call(
        _final_body,
        out_shape=jax.ShapeDtypeStruct((N_NODES, N_CLASSES), jnp.float32),
        grid=(GRID,),
        in_specs=[
            pl.BlockSpec((NC, BR, N_CLASSES), lambda i: (0, i, 0)),
            _DEG_SPEC,
            pl.BlockSpec((1, N_CLASSES), lambda i: (0, 0)),
        ],
        out_specs=pl.BlockSpec((BR, N_CLASSES), lambda i: (i, 0)),
    )(q, degs, b2)


def kernel(x, edge_index, W1, b1, W2, b2):
    ei = edge_index.astype(jnp.int32)
    src2d = ei[0].reshape(NC * NS, CHUNKS_PER_TILE, CH)
    dst2d = ei[1].reshape(NC * NS, CHUNKS_PER_TILE, CH)
    z16 = jnp.zeros((N_PAD, DEG_W), jnp.float32)
    z64 = jnp.zeros((N_PAD, N_CLASSES), jnp.float32)
    ones16 = jnp.ones((CH, DEG_W), jnp.float32)

    src1 = ei[0].reshape(NS, CHUNKS1, CH)
    dst1 = ei[1].reshape(NS, CHUNKS1, CH)

    z128 = jnp.zeros((N_PAD, D_IN), jnp.float32)
    degs = _deg_kernel(src2d, dst2d, z16, ones16)
    h1 = _prescale(x, degs)
    p1 = _gs128(h1, src2d, dst2d, z128)
    g = _mid(p1, degs, W1, b1.reshape(1, D_HID), W2)
    p2 = _gs64(g, src2d, dst2d, z64)
    return _final(p2, degs, b2.reshape(1, N_CLASSES))

# --- scband reference (transcript-rebuilt; emitter-appended) ---
"""Pipeline reference for scband-node-classifier-72232759984610 (READ-ONLY COPY).

The authoritative reference and input builder live on the scoring server;
editing this copy changes nothing except your own understanding.
"""

import jax, jax.numpy as jnp
import numpy as np

N_NODES = 10000
N_EDGES = 320000
D_IN = 128
D_HID = 128
N_CLASSES = 64


def setup_inputs(seed: int = 0) -> dict:
    key = jax.random.key(seed)
    k1, k2, k3, k4 = jax.random.split(key, 4)
    x = jax.random.normal(k1, (N_NODES, D_IN), dtype=jnp.float32)
    edge_index = jax.random.randint(k2, (2, N_EDGES), 0, N_NODES, dtype=jnp.int64)
    # Glorot-style init for GraphConv weights (dgl default), zero bias
    W1 = jax.random.normal(k3, (D_IN, D_HID), dtype=jnp.float32) * (1.0 / np.sqrt(D_IN))
    b1 = jnp.zeros((D_HID,), dtype=jnp.float32)
    W2 = jax.random.normal(k4, (D_HID, N_CLASSES), dtype=jnp.float32) * (1.0 / np.sqrt(D_HID))
    b2 = jnp.zeros((N_CLASSES,), dtype=jnp.float32)
    return {"x": x, "edge_index": edge_index, "W1": W1, "b1": b1, "W2": W2, "b2": b2}


def _graph_conv(x, src, dst, W, b, n_nodes):
    # dgl GraphConv with norm='both':
    # out = D_in^{-1/2} A D_out^{-1/2} X W + b
    ones = jnp.ones((src.shape[0],), dtype=jnp.float32)
    out_deg = jnp.zeros((n_nodes,), dtype=jnp.float32).at[src].add(ones)
    in_deg = jnp.zeros((n_nodes,), dtype=jnp.float32).at[dst].add(ones)
    norm_src = jnp.clip(out_deg, 1.0, None) ** (-0.5)
    norm_dst = jnp.clip(in_deg, 1.0, None) ** (-0.5)
    h = x * norm_src[:, None]
    msgs = jnp.take(h, src, axis=0)
    agg = jnp.zeros((n_nodes, x.shape[1]), dtype=x.dtype).at[dst].add(msgs)
    agg = agg * norm_dst[:, None]
    return agg @ W + b


def reference(x, edge_index, W1, b1, W2, b2):
    src = edge_index[0]
    dst = edge_index[1]
    h = _graph_conv(x, src, dst, W1, b1, N_NODES)
    h = jax.nn.relu(h)
    h = _graph_conv(h, src, dst, W2, b2, N_NODES)
    return h

if __name__ == "__main__":
    import jax
    _d = setup_inputs()
    print(jax.jit(kernel)(*tuple(_d.values())))

</pallas_src>

<mosaic_0001>
#map = affine_map<(d0, d1) -> (0, 0, 0)>
#map1 = affine_map<(d0, d1) -> (0, 0)>
#map2 = affine_map<(d0, d1) -> (0, 0, 0, 0)>
module attributes {stable_mosaic.version = 14 : i64} {
  func.func @_deg_body(%arg0: i32, %arg1: i32, %arg2: memref<32x125x80xi32, #tpu.memory_space<hbm>>, %arg3: memref<32x125x80xi32, #tpu.memory_space<hbm>>, %arg4: memref<10240x16xf32, #tpu.memory_space<hbm>>, %arg5: memref<80x16xf32, #tpu.memory_space<hbm>>, %arg6: memref<2x2x10240x16xf32, #tpu.memory_space<hbm>>, %arg7: memref<125x80xi32, #tpu.memory_space<vmem>>, %arg8: memref<125x80xi32, #tpu.memory_space<vmem>>, %arg9: memref<80x16xf32, #tpu.memory_space<vmem>>, %arg10: memref<5x!tpu.dma_semaphore, #tpu.memory_space<semaphore_mem>>, %arg11: memref<5x!tpu.dma_semaphore, #tpu.memory_space<semaphore_mem>>, %arg12: memref<10240x16xf32, #tpu.memory_space<vmem_shared>>, %arg13: memref<10240x16xf32, #tpu.memory_space<vmem_shared>>) attributes {dimension_semantics = [#tpu.dimension_semantics<core_parallel>, #tpu.dimension_semantics<subcore_parallel>], iteration_bounds = array<i64: 2, 16>, scalar_prefetch = 0 : i64, scratch_operands = 7 : i64, tpu.core_type = #tpu.core_type<sc_vector_subcore>, window_params = [{transform_indices = #map}, {transform_indices = #map}, {transform_indices = #map1}, {transform_indices = #map1}, {transform_indices = #map2}]} {
    %mul3A = arith.constant 640 : i32
    %mul3A_0 = arith.muli %arg1, %mul3A : i32
    "tpu.region"() ({
      %run_scoped3A_207 = tpu.sem_alloc : memref<!tpu.dma_semaphore, #tpu.memory_space<semaphore_mem>>
      %dma_start3A_208 = arith.constant 0 : i32
      %dma_start3A_209 = tpu.memref_slice %arg12[%mul3A_0, %dma_start3A_208] : memref<10240x16xf32, #tpu.memory_space<vmem_shared>> -> memref<640x16xf32, #tpu.memory_space<vmem_shared>>
      %dma_start3A_210 = arith.constant 0 : i32
      %dma_start3A_211 = tpu.memref_slice %arg4[%mul3A_0, %dma_start3A_210] : memref<10240x16xf32, #tpu.memory_space<hbm>> -> memref<640x16xf32, #tpu.memory_space<hbm>>
      tpu.enqueue_dma source(%dma_start3A_211 : memref<640x16xf32, #tpu.memory_space<hbm>>) target(%dma_start3A_209 : memref<640x16xf32, #tpu.memory_space<vmem_shared>>) target_semaphore(%run_scoped3A_207 : memref<!tpu.dma_semaphore, #tpu.memory_space<semaphore_mem>>)
      %dma_wait3A_212 = arith.constant 0 : i32
      %dma_wait3A_213 = tpu.memref_slice %arg12[%mul3A_0, %dma_wait3A_212] : memref<10240x16xf32, #tpu.memory_space<vmem_shared>> -> memref<640x16xf32, #tpu.memory_space<vmem_shared>>
      %dma_wait3A_214 = arith.constant 0 : i32
      %dma_wait3A_215 = tpu.memref_slice %arg4[%mul3A_0, %dma_wait3A_214] : memref<10240x16xf32, #tpu.memory_space<hbm>> -> memref<640x16xf32, #tpu.memory_space<hbm>>
      tpu.wait_dma2 semaphore(%run_scoped3A_207 : memref<!tpu.dma_semaphore, #tpu.memory_space<semaphore_mem>>) src(%dma_wait3A_215 : memref<640x16xf32, #tpu.memory_space<hbm>>) dst(%dma_wait3A_213 : memref<640x16xf32, #tpu.memory_space<vmem_shared>>)
      tpu.yield
    }) : () -> ()
    "tpu.region"() ({
      %run_scoped3A_207 = tpu.sem_alloc : memref<!tpu.dma_semaphore, #tpu.memory_space<semaphore_mem>>
      %dma_start3A_208 = arith.constant 0 : i32
      %dma_start3A_209 = tpu.memref_slice %arg13[%mul3A_0, %dma_start3A_208] : memref<10240x16xf32, #tpu.memory_space<vmem_shared>> -> memref<640x16xf32, #tpu.memory_space<vmem_shared>>
      %dma_start3A_210 = arith.constant 0 : i32
      %dma_start3A_211 = tpu.memref_slice %arg4[%mul3A_0, %dma_start3A_210] : memref<10240x16xf32, #tpu.memory_space<hbm>> -> memref<640x16xf32, #tpu.memory_space<hbm>>
      tpu.enqueue_dma source(%dma_start3A_211 : memref<640x16xf32, #tpu.memory_space<hbm>>) target(%dma_start3A_209 : memref<640x16xf32, #tpu.memory_space<vmem_shared>>) target_semaphore(%run_scoped3A_207 : memref<!tpu.dma_semaphore, #tpu.memory_space<semaphore_mem>>)
      %dma_wait3A_212 = arith.constant 0 : i32
      %dma_wait3A_213 = tpu.memref_slice %arg13[%mul3A_0, %dma_wait3A_212] : memref<10240x16xf32, #tpu.memory_space<vmem_shared>> -> memref<640x16xf32, #tpu.memory_space<vmem_shared>>
      %dma_wait3A_214 = arith.constant 0 : i32
      %dma_wait3A_215 = tpu.memref_slice %arg4[%mul3A_0, %dma_wait3A_214] : memref<10240x16xf32, #tpu.memory_space<hbm>> -> memref<640x16xf32, #tpu.memory_space<hbm>>
      tpu.wait_dma2 semaphore(%run_scoped3A_207 : memref<!tpu.dma_semaphore, #tpu.memory_space<semaphore_mem>>) src(%dma_wait3A_215 : memref<640x16xf32, #tpu.memory_space<hbm>>) dst(%dma_wait3A_213 : memref<640x16xf32, #tpu.memory_space<vmem_shared>>)
      tpu.yield
    }) : () -> ()
    "tpu.region"() ({
      %run_scoped3A_207 = tpu.sem_alloc : memref<!tpu.dma_semaphore, #tpu.memory_space<semaphore_mem>>
      tpu.enqueue_dma source(%arg5 : memref<80x16xf32, #tpu.memory_space<hbm>>) target(%arg9 : memref<80x16xf32, #tpu.memory_space<vmem>>) target_semaphore(%run_scoped3A_207 : memref<!tpu.dma_semaphore, #tpu.memory_space<semaphore_mem>>)
      tpu.wait_dma2 semaphore(%run_scoped3A_207 : memref<!tpu.dma_semaphore, #tpu.memory_space<semaphore_mem>>) src(%arg5 : memref<80x16xf32, #tpu.memory_space<hbm>>) dst(%arg9 : memref<80x16xf32, #tpu.memory_space<vmem>>)
      tpu.yield
    }) : () -> ()
    %mul3A_1 = arith.constant 16 : i32
    %mul3A_2 = arith.muli %arg0, %mul3A_1 : i32
    %add3A = arith.addi %mul3A_2, %arg1 : i32
    "tpu.region"() ({
      %run_scoped3A_207 = tpu.sem_alloc : memref<!tpu.dma_semaphore, #tpu.memory_space<semaphore_mem>>
      %dma_start3A_208 = arith.constant 0 : i32
      %dma_start3A_209 = arith.constant 0 : i32
      %dma_start3A_210 = tpu.memref_slice %arg2[%add3A, %dma_start3A_208, %dma_start3A_209] : memref<32x125x80xi32, #tpu.memory_space<hbm>> -> memref<1x125x80xi32, #tpu.memory_space<hbm>>
      %dma_start3A_211 = tpu.memref_squeeze %dma_start3A_210 : memref<1x125x80xi32, #tpu.memory_space<hbm>> -> memref<125x80xi32, #tpu.memory_space<hbm>>
      %dma_start3A_212 = arith.constant 0 : i32
      %dma_start3A_213 = arith.constant 0 : i32
      %dma_start3A_214 = tpu.memref_slice %arg2[%add3A, %dma_start3A_212, %dma_start3A_213] : memref<32x125x80xi32, #tpu.memory_space<hbm>> -> memref<1x125x80xi32, #tpu.memory_space<hbm>>
      %dma_start3A_215 = tpu.memref_squeeze %dma_start3A_214 : memref<1x125x80xi32, #tpu.memory_space<hbm>> -> memref<125x80xi32, #tpu.memory_space<hbm>>
      tpu.enqueue_dma source(%dma_start3A_215 : memref<125x80xi32, #tpu.memory_space<hbm>>) target(%arg7 : memref<125x80xi32, #tpu.memory_space<vmem>>) target_semaphore(%run_scoped3A_207 : memref<!tpu.dma_semaphore, #tpu.memory_space<semaphore_mem>>)
      %dma_wait3A_216 = arith.constant 0 : i32
      %dma_wait3A_217 = arith.constant 0 : i32
      %dma_wait3A_218 = tpu.memref_slice %arg2[%add3A, %dma_wait3A_216, %dma_wait3A_217] : memref<32x125x80xi32, #tpu.memory_space<hbm>> -> memref<1x125x80xi32, #tpu.memory_space<hbm>>
      %dma_wait3A_219 = tpu.memref_squeeze %dma_wait3A_218 : memref<1x125x80xi32, #tpu.memory_space<hbm>> -> memref<125x80xi32, #tpu.memory_space<hbm>>
      %dma_wait3A_220 = arith.constant 0 : i32
      %dma_wait3A_221 = arith.constant 0 : i32
      %dma_wait3A_222 = tpu.memref_slice %arg2[%add3A, %dma_wait3A_220, %dma_wait3A_221] : memref<32x125x80xi32, #tpu.memory_space<hbm>> -> memref<1x125x80xi32, #tpu.memory_space<hbm>>
      %dma_wait3A_223 = tpu.memref_squeeze %dma_wait3A_222 : memref<1x125x80xi32, #tpu.memory_space<hbm>> -> memref<125x80xi32, #tpu.memory_space<hbm>>
      tpu.wait_dma2 semaphore(%run_scoped3A_207 : memref<!tpu.dma_semaphore, #tpu.memory_space<semaphore_mem>>) src(%dma_wait3A_223 : memref<125x80xi32, #tpu.memory_space<hbm>>) dst(%arg7 : memref<125x80xi32, #tpu.memory_space<vmem>>)
      tpu.yield
    }) : () -> ()
    "tpu.region"() ({
      %run_scoped3A_207 = tpu.sem_alloc : memref<!tpu.dma_semaphore, #tpu.memory_space<semaphore_mem>>
      %dma_start3A_208 = arith.constant 0 : i32
      %dma_start3A_209 = arith.constant 0 : i32
      %dma_start3A_210 = tpu.memref_slice %arg3[%add3A, %dma_start3A_208, %dma_start3A_209] : memref<32x125x80xi32, #tpu.memory_space<hbm>> -> memref<1x125x80xi32, #tpu.memory_space<hbm>>
      %dma_start3A_211 = tpu.memref_squeeze %dma_start3A_210 : memref<1x125x80xi32, #tpu.memory_space<hbm>> -> memref<125x80xi32, #tpu.memory_space<hbm>>
      %dma_start3A_212 = arith.constant 0 : i32
      %dma_start3A_213 = arith.constant 0 : i32
      %dma_start3A_214 = tpu.memref_slice %arg3[%add3A, %dma_start3A_212, %dma_start3A_213] : memref<32x125x80xi32, #tpu.memory_space<hbm>> -> memref<1x125x80xi32, #tpu.memory_space<hbm>>
      %dma_start3A_215 = tpu.memref_squeeze %dma_start3A_214 : memref<1x125x80xi32, #tpu.memory_space<hbm>> -> memref<125x80xi32, #tpu.memory_space<hbm>>
      tpu.enqueue_dma source(%dma_start3A_215 : memref<125x80xi32, #tpu.memory_space<hbm>>) target(%arg8 : memref<125x80xi32, #tpu.memory_space<vmem>>) target_semaphore(%run_scoped3A_207 : memref<!tpu.dma_semaphore, #tpu.memory_space<semaphore_mem>>)
      %dma_wait3A_216 = arith.constant 0 : i32
      %dma_wait3A_217 = arith.constant 0 : i32
      %dma_wait3A_218 = tpu.memref_slice %arg3[%add3A, %dma_wait3A_216, %dma_wait3A_217] : memref<32x125x80xi32, #tpu.memory_space<hbm>> -> memref<1x125x80xi32, #tpu.memory_space<hbm>>
      %dma_wait3A_219 = tpu.memref_squeeze %dma_wait3A_218 : memref<1x125x80xi32, #tpu.memory_space<hbm>> -> memref<125x80xi32, #tpu.memory_space<hbm>>
      %dma_wait3A_220 = arith.constant 0 : i32
      %dma_wait3A_221 = arith.constant 0 : i32
      %dma_wait3A_222 = tpu.memref_slice %arg3[%add3A, %dma_wait3A_220, %dma_wait3A_221] : memref<32x125x80xi32, #tpu.memory_space<hbm>> -> memref<1x125x80xi32, #tpu.memory_space<hbm>>
      %dma_wait3A_223 = tpu.memref_squeeze %dma_wait3A_222 : memref<1x125x80xi32, #tpu.memory_space<hbm>> -> memref<125x80xi32, #tpu.memory_space<hbm>>
      tpu.wait_dma2 semaphore(%run_scoped3A_207 : memref<!tpu.dma_semaphore, #tpu.memory_space<semaphore_mem>>) src(%dma_wait3A_223 : memref<125x80xi32, #tpu.memory_space<hbm>>) dst(%arg8 : memref<125x80xi32, #tpu.memory_space<vmem>>)
      tpu.yield
    }) : () -> ()
    %barrier3A = arith.constant 0 : index
    tpu.barrier barrier_id(%barrier3A)
    %dma_start3A = arith.constant 0 : i32
    %dma_start3A_3 = arith.constant 0 : i32
    %dma_start3A_4 = arith.constant 0 : i32
    %dma_start3A_5 = tpu.memref_slice %arg7[%dma_start3A, %dma_start3A_4] : memref<125x80xi32, #tpu.memory_space<vmem>> -> memref<1x80xi32, #tpu.memory_space<vmem>>
    %dma_start3A_6 = tpu.memref_squeeze %dma_start3A_5 : memref<1x80xi32, #tpu.memory_space<vmem>> -> memref<80xi32, #tpu.memory_space<vmem>>
    %dma_start3A_7 = arith.constant 0 : i32
    %dma_start3A_8 = arith.constant 0 : i32
    %dma_start3A_9 = tpu.memref_slice %arg12[%dma_start3A_7, %dma_start3A_8] : memref<10240x16xf32, #tpu.memory_space<vmem_shared>> -> memref<10240x16xf32, #tpu.memory_space<vmem_shared>>
    %dma_start3A_10 = tpu.memref_slice %arg10[%dma_start3A_3] : memref<5x!tpu.dma_semaphore, #tpu.memory_space<semaphore_mem>> -> memref<1x!tpu.dma_semaphore, #tpu.memory_space<semaphore_mem>>
    %dma_start3A_11 = tpu.memref_squeeze %dma_start3A_10 : memref<1x!tpu.dma_semaphore, #tpu.memory_space<semaphore_mem>> -> memref<!tpu.dma_semaphore, #tpu.memory_space<semaphore_mem>>
    tpu.enqueue_indirect_dma source(%arg9 : memref<80x16xf32, #tpu.memory_space<vmem>>) target(%dma_start3A_9 : memref<10240x16xf32, #tpu.memory_space<vmem_shared>>) offsets(%dma_start3A_6 : memref<80xi32, #tpu.memory_space<vmem>>) semaphore(%dma_start3A_11 : memref<!tpu.dma_semaphore, #tpu.memory_space<semaphore_mem>>) {add = true}
    %dma_start3A_12 = arith.constant 0 : i32
    %dma_start3A_13 = arith.constant 0 : i32
    %dma_start3A_14 = arith.constant 0 : i32
    %dma_start3A_15 = tpu.memref_slice %arg8[%dma_start3A_12, %dma_start3A_14] : memref<125x80xi32, #tpu.memory_space<vmem>> -> memref<1x80xi32, #tpu.memory_space<vmem>>
    %dma_start3A_16 = tpu.memref_squeeze %dma_start3A_15 : memref<1x80xi32, #tpu.memory_space<vmem>> -> memref<80xi32, #tpu.memory_space<vmem>>
    %dma_start3A_17 = arith.constant 0 : i32
    %dma_start3A_18 = arith.constant 0 : i32
    %dma_start3A_19 = tpu.memref_slice %arg13[%dma_start3A_17, %dma_start3A_18] : memref<10240x16xf32, #tpu.memory_space<vmem_shared>> -> memref<10240x16xf32, #tpu.memory_space<vmem_shared>>
    %dma_start3A_20 = tpu.memref_slice %arg11[%dma_start3A_13] : memref<5x!tpu.dma_semaphore, #tpu.memory_space<semaphore_mem>> -> memref<1x!tpu.dma_semaphore, #tpu.memory_space<semaphore_mem>>
    %dma_start3A_21 = tpu.memref_squeeze %dma_start3A_20 : memref<1x!tpu.dma_semaphore, #tpu.memory_space<semaphore_mem>> -> memref<!tpu.dma_semaphore, #tpu.memory_space<semaphore_mem>>
    tpu.enqueue_indirect_dma source(%arg9 : memref<80x16xf32, #tpu.memory_space<vmem>>) target(%dma_start3A_19 : memref<10240x16xf32, #tpu.memory_space<vmem_shared>>) offsets(%dma_start3A_16 : memref<80xi32, #tpu.memory_space<vmem>>) semaphore(%dma_start3A_21 : memref<!tpu.dma_semaphore, #tpu.memory_space<semaphore_mem>>) {add = true}
    %dma_start3A_22 = arith.constant 1 : i32
    %dma_start3A_23 = arith.constant 1 : i32
    %dma_start3A_24 = arith.constant 0 : i32
    %dma_start3A_25 = tpu.memref_slice %arg7[%dma_start3A_22, %dma_start3A_24] : memref<125x80xi32, #tpu.memory_space<vmem>> -> memref<1x80xi32, #tpu.memory_space<vmem>>
    %dma_start3A_26 = tpu.memref_squeeze %dma_start3A_25 : memref<1x80xi32, #tpu.memory_space<vmem>> -> memref<80xi32, #tpu.memory_space<vmem>>
    %dma_start3A_27 = arith.constant 0 : i32
    %dma_start3A_28 = arith.constant 0 : i32
    %dma_start3A_29 = tpu.memref_slice %arg12[%dma_start3A_27, %dma_start3A_28] : memref<10240x16xf32, #tpu.memory_space<vmem_shared>> -> memref<10240x16xf32, #tpu.memory_space<vmem_shared>>
    %dma_start3A_30 = tpu.memref_slice %arg10[%dma_start3A_23] : memref<5x!tpu.dma_semaphore, #tpu.memory_space<semaphore_mem>> -> memref<1x!tpu.dma_semaphore, #tpu.memory_space<semaphore_mem>>
    %dma_start3A_31 = tpu.memref_squeeze %dma_start3A_30 : memref<1x!tpu.dma_semaphore, #tpu.memory_space<semaphore_mem>> -> memref<!tpu.dma_semaphore, #tpu.memory_space<semaphore_mem>>
    tpu.enqueue_indirect_dma source(%arg9 : memref<80x16xf32, #tpu.memory_space<vmem>>) target(%dma_start3A_29 : memref<10240x16xf32, #tpu.memory_space<vmem_shared>>) offsets(%dma_start3A_26 : memref<80xi32, #tpu.memory_space<vmem>>) semaphore(%dma_start3A_31 : memref<!tpu.dma_semaphore, #tpu.memory_space<semaphore_mem>>) {add = true}
    %dma_start3A_32 = arith.constant 1 : i32
    %dma_start3A_33 = arith.constant 1 : i32
    %dma_start3A_34 = arith.constant 0 : i32
    %dma_start3A_35 = tpu.memref_slice %arg8[%dma_start3A_32, %dma_start3A_34] : memref<125x80xi32, #tpu.memory_space<vmem>> -> memref<1x80xi32, #tpu.memory_space<vmem>>
    %dma_start3A_36 = tpu.memref_squeeze %dma_start3A_35 : memref<1x80xi32, #tpu.memory_space<vmem>> -> memref<80xi32, #tpu.memory_space<vmem>>
    %dma_start3A_37 = arith.constant 0 : i32
    %dma_start3A_38 = arith.constant 0 : i32
    %dma_start3A_39 = tpu.memref_slice %arg13[%dma_start3A_37, %dma_start3A_38] : memref<10240x16xf32, #tpu.memory_space<vmem_shared>> -> memref<10240x16xf32, #tpu.memory_space<vmem_shared>>
    %dma_start3A_40 = tpu.memref_slice %arg11[%dma_start3A_33] : memref<5x!tpu.dma_semaphore, #tpu.memory_space<semaphore_mem>> -> memref<1x!tpu.dma_semaphore, #tpu.memory_space<semaphore_mem>>
    %dma_start3A_41 = tpu.memref_squeeze %dma_start3A_40 : memref<1x!tpu.dma_semaphore, #tpu.memory_space<semaphore_mem>> -> memref<!tpu.dma_semaphore, #tpu.memory_space<semaphore_mem>>
    tpu.enqueue_indirect_dma source(%arg9 : memref<80x16xf32, #tpu.memory_space<vmem>>) target(%dma_start3A_39 : memref<10240x16xf32, #tpu.memory_space<vmem_shared>>) offsets(%dma_start3A_36 : memref<80xi32, #tpu.memory_space<vmem>>) semaphore(%dma_start3A_41 : memref<!tpu.dma_semaphore, #tpu.memory_space<semaphore_mem>>) {add = true}
    %dma_start3A_42 = arith.constant 2 : i32
    %dma_start3A_43 = arith.constant 2 : i32
    %dma_start3A_44 = arith.constant 0 : i32
    %dma_start3A_45 = tpu.memref_slice %arg7[%dma_start3A_42, %dma_start3A_44] : memref<125x80xi32, #tpu.memory_space<vmem>> -> memref<1x80xi32, #tpu.memory_space<vmem>>
    %dma_start3A_46 = tpu.memref_squeeze %dma_start3A_45 : memref<1x80xi32, #tpu.memory_space<vmem>> -> memref<80xi32, #tpu.memory_space<vmem>>
    %dma_start3A_47 = arith.constant 0 : i32
    %dma_start3A_48 = arith.constant 0 : i32
    %dma_start3A_49 = tpu.memref_slice %arg12[%dma_start3A_47, %dma_start3A_48] : memref<10240x16xf32, #tpu.memory_space<vmem_shared>> -> memref<10240x16xf32, #tpu.memory_space<vmem_shared>>
    %dma_start3A_50 = tpu.memref_slice %arg10[%dma_start3A_43] : memref<5x!tpu.dma_semaphore, #tpu.memory_space<semaphore_mem>> -> memref<1x!tpu.dma_semaphore, #tpu.memory_space<semaphore_mem>>
    %dma_start3A_51 = tpu.memref_squeeze %dma_start3A_50 : memref<1x!tpu.dma_semaphore, #tpu.memory_space<semaphore_mem>> -> memref<!tpu.dma_semaphore, #tpu.memory_space<semaphore_mem>>
    tpu.enqueue_indirect_dma source(%arg9 : memref<80x16xf32, #tpu.memory_space<vmem>>) target(%dma_start3A_49 : memref<10240x16xf32, #tpu.memory_space<vmem_shared>>) offsets(%dma_start3A_46 : memref<80xi32, #tpu.memory_space<vmem>>) semaphore(%dma_start3A_51 : memref<!tpu.dma_semaphore, #tpu.memory_space<semaphore_mem>>) {add = true}
    %dma_start3A_52 = arith.constant 2 : i32
    %dma_start3A_53 = arith.constant 2 : i32
    %dma_start3A_54 = arith.constant 0 : i32
    %dma_start3A_55 = tpu.memref_slice %arg8[%dma_start3A_52, %dma_start3A_54] : memref<125x80xi32, #tpu.memory_space<vmem>> -> memref<1x80xi32, #tpu.memory_space<vmem>>
    %dma_start3A_56 = tpu.memref_squeeze %dma_start3A_55 : memref<1x80xi32, #tpu.memory_space<vmem>> -> memref<80xi32, #tpu.memory_space<vmem>>
    %dma_start3A_57 = arith.constant 0 : i32
    %dma_start3A_58 = arith.constant 0 : i32
    %dma_start3A_59 = tpu.memref_slice %arg13[%dma_start3A_57, %dma_start3A_58] : memref<10240x16xf32, #tpu.memory_space<vmem_shared>> -> memref<10240x16xf32, #tpu.memory_space<vmem_shared>>
    %dma_start3A_60 = tpu.memref_slice %arg11[%dma_start3A_53] : memref<5x!tpu.dma_semaphore, #tpu.memory_space<semaphore_mem>> -> memref<1x!tpu.dma_semaphore, #tpu.memory_space<semaphore_mem>>
    %dma_start3A_61 = tpu.memref_squeeze %dma_start3A_60 : memref<1x!tpu.dma_semaphore, #tpu.memory_space<semaphore_mem>> -> memref<!tpu.dma_semaphore, #tpu.memory_space<semaphore_mem>>
    tpu.enqueue_indirect_dma source(%arg9 : memref<80x16xf32, #tpu.memory_space<vmem>>) target(%dma_start3A_59 : memref<10240x16xf32, #tpu.memory_space<vmem_shared>>) offsets(%dma_start3A_56 : memref<80xi32, #tpu.memory_space<vmem>>) semaphore(%dma_start3A_61 : memref<!tpu.dma_semaphore, #tpu.memory_space<semaphore_mem>>) {add = true}
    %dma_start3A_62 = arith.constant 3 : i32
    %dma_start3A_63 = arith.constant 3 : i32
    %dma_start3A_64 = arith.constant 0 : i32
    %dma_start3A_65 = tpu.memref_slice %arg7[%dma_start3A_62, %dma_start3A_64] : memref<125x80xi32, #tpu.memory_space<vmem>> -> memref<1x80xi32, #tpu.memory_space<vmem>>
    %dma_start3A_66 = tpu.memref_squeeze %dma_start3A_65 : memref<1x80xi32, #tpu.memory_space<vmem>> -> memref<80xi32, #tpu.memory_space<vmem>>
    %dma_start3A_67 = arith.constant 0 : i32
    %dma_start3A_68 = arith.constant 0 : i32
    %dma_start3A_69 = tpu.memref_slice %arg12[%dma_start3A_67, %dma_start3A_68] : memref<10240x16xf32, #tpu.memory_space<vmem_shared>> -> memref<10240x16xf32, #tpu.memory_space<vmem_shared>>
    %dma_start3A_70 = tpu.memref_slice %arg10[%dma_start3A_63] : memref<5x!tpu.dma_semaphore, #tpu.memory_space<semaphore_mem>> -> memref<1x!tpu.dma_semaphore, #tpu.memory_space<semaphore_mem>>
    %dma_start3A_71 = tpu.memref_squeeze %dma_start3A_70 : memref<1x!tpu.dma_semaphore, #tpu.memory_space<semaphore_mem>> -> memref<!tpu.dma_semaphore, #tpu.memory_space<semaphore_mem>>
    tpu.enqueue_indirect_dma source(%arg9 : memref<80x16xf32, #tpu.memory_space<vmem>>) target(%dma_start3A_69 : memref<10240x16xf32, #tpu.memory_space<vmem_shared>>) offsets(%dma_start3A_66 : memref<80xi32, #tpu.memory_space<vmem>>) semaphore(%dma_start3A_71 : memref<!tpu.dma_semaphore, #tpu.memory_space<semaphore_mem>>) {add = true}
    %dma_start3A_72 = arith.constant 3 : i32
    %dma_start3A_73 = arith.constant 3 : i32
    %dma_start3A_74 = arith.constant 0 : i32
    %dma_start3A_75 = tpu.memref_slice %arg8[%dma_start3A_72, %dma_start3A_74] : memref<125x80xi32, #tpu.memory_space<vmem>> -> memref<1x80xi32, #tpu.memory_space<vmem>>
    %dma_start3A_76 = tpu.memref_squeeze %dma_start3A_75 : memref<1x80xi32, #tpu.memory_space<vmem>> -> memref<80xi32, #tpu.memory_space<vmem>>
    %dma_start3A_77 = arith.constant 0 : i32
    %dma_start3A_78 = arith.constant 0 : i32
    %dma_start3A_79 = tpu.memref_slice %arg13[%dma_start3A_77, %dma_start3A_78] : memref<10240x16xf32, #tpu.memory_space<vmem_shared>> -> memref<10240x16xf32, #tpu.memory_space<vmem_shared>>
    %dma_start3A_80 = tpu.memref_slice %arg11[%dma_start3A_73] : memref<5x!tpu.dma_semaphore, #tpu.memory_space<semaphore_mem>> -> memref<1x!tpu.dma_semaphore, #tpu.memory_space<semaphore_mem>>
    %dma_start3A_81 = tpu.memref_squeeze %dma_start3A_80 : memref<1x!tpu.dma_semaphore, #tpu.memory_space<semaphore_mem>> -> memref<!tpu.dma_semaphore, #tpu.memory_space<semaphore_mem>>
    tpu.enqueue_indirect_dma source(%arg9 : memref<80x16xf32, #tpu.memory_space<vmem>>) target(%dma_start3A_79 : memref<10240x16xf32, #tpu.memory_space<vmem_shared>>) offsets(%dma_start3A_76 : memref<80xi32, #tpu.memory_space<vmem>>) semaphore(%dma_start3A_81 : memref<!tpu.dma_semaphore, #tpu.memory_space<semaphore_mem>>) {add = true}
    %dma_start3A_82 = arith.constant 4 : i32
    %dma_start3A_83 = arith.constant 4 : i32
    %dma_start3A_84 = arith.constant 0 : i32
    %dma_start3A_85 = tpu.memref_slice %arg7[%dma_start3A_82, %dma_start3A_84] : memref<125x80xi32, #tpu.memory_space<vmem>> -> memref<1x80xi32, #tpu.memory_space<vmem>>
    %dma_start3A_86 = tpu.memref_squeeze %dma_start3A_85 : memref<1x80xi32, #tpu.memory_space<vmem>> -> memref<80xi32, #tpu.memory_space<vmem>>
    %dma_start3A_87 = arith.constant 0 : i32
    %dma_start3A_88 = arith.constant 0 : i32
    %dma_start3A_89 = tpu.memref_slice %arg12[%dma_start3A_87, %dma_start3A_88] : memref<10240x16xf32, #tpu.memory_space<vmem_shared>> -> memref<10240x16xf32, #tpu.memory_space<vmem_shared>>
    %dma_start3A_90 = tpu.memref_slice %arg10[%dma_start3A_83] : memref<5x!tpu.dma_semaphore, #tpu.memory_space<semaphore_mem>> -> memref<1x!tpu.dma_semaphore, #tpu.memory_space<semaphore_mem>>
    %dma_start3A_91 = tpu.memref_squeeze %dma_start3A_90 : memref<1x!tpu.dma_semaphore, #tpu.memory_space<semaphore_mem>> -> memref<!tpu.dma_semaphore, #tpu.memory_space<semaphore_mem>>
    tpu.enqueue_indirect_dma source(%arg9 : memref<80x16xf32, #tpu.memory_space<vmem>>) target(%dma_start3A_89 : memref<10240x16xf32, #tpu.memory_space<vmem_shared>>) offsets(%dma_start3A_86 : memref<80xi32, #tpu.memory_space<vmem>>) semaphore(%dma_start3A_91 : memref<!tpu.dma_semaphore, #tpu.memory_space<semaphore_mem>>) {add = true}
    %dma_start3A_92 = arith.constant 4 : i32
    %dma_start3A_93 = arith.constant 4 : i32
    %dma_start3A_94 = arith.constant 0 : i32
    %dma_start3A_95 = tpu.memref_slice %arg8[%dma_start3A_92, %dma_start3A_94] : memref<125x80xi32, #tpu.memory_space<vmem>> -> memref<1x80xi32, #tpu.memory_space<vmem>>
    %dma_start3A_96 = tpu.memref_squeeze %dma_start3A_95 : memref<1x80xi32, #tpu.memory_space<vmem>> -> memref<80xi32, #tpu.memory_space<vmem>>
    %dma_start3A_97 = arith.constant 0 : i32
    %dma_start3A_98 = arith.constant 0 : i32
    %dma_start3A_99 = tpu.memref_slice %arg13[%dma_start3A_97, %dma_start3A_98] : memref<10240x16xf32, #tpu.memory_space<vmem_shared>> -> memref<10240x16xf32, #tpu.memory_space<vmem_shared>>
    %dma_start3A_100 = tpu.memref_slice %arg11[%dma_start3A_93] : memref<5x!tpu.dma_semaphore, #tpu.memory_space<semaphore_mem>> -> memref<1x!tpu.dma_semaphore, #tpu.memory_space<semaphore_mem>>
    %dma_start3A_101 = tpu.memref_squeeze %dma_start3A_100 : memref<1x!tpu.dma_semaphore, #tpu.memory_space<semaphore_mem>> -> memref<!tpu.dma_semaphore, #tpu.memory_space<semaphore_mem>>
    tpu.enqueue_indirect_dma source(%arg9 : memref<80x16xf32, #tpu.memory_space<vmem>>) target(%dma_start3A_99 : memref<10240x16xf32, #tpu.memory_space<vmem_shared>>) offsets(%dma_start3A_96 : memref<80xi32, #tpu.memory_space<vmem>>) semaphore(%dma_start3A_101 : memref<!tpu.dma_semaphore, #tpu.memory_space<semaphore_mem>>) {add = true}
    %scan3A = arith.constant 0 : i32
    %scan3A_102 = arith.constant 24 : i32
    %scan3A_103 = arith.addi %scan3A, %scan3A_102 : i32
    %scan3A_104 = arith.constant 1 : i32
    scf.for %scan3A_207 = %scan3A to %scan3A_103 step %scan3A_104  : i32 {
      %mul3A_208 = arith.constant 1 : i32
      %mul3A_209 = arith.muli %scan3A_207, %mul3A_208 : i32
      %add3A_210 = arith.constant 1 : i32
      %add3A_211 = arith.addi %add3A_210, %mul3A_209 : i32
      %mul3A_212 = arith.constant 5 : i32
      %mul3A_213 = arith.muli %add3A_211, %mul3A_212 : i32
      %sub3A = arith.constant 5 : i32
      %sub3A_214 = arith.subi %mul3A_213, %sub3A : i32
      %add3A_215 = arith.constant 0 : i32
      %add3A_216 = arith.addi %sub3A_214, %add3A_215 : i32
      %dma_wait3A_217 = arith.constant 0 : i32
      %dma_wait3A_218 = arith.constant 0 : i32
      %dma_wait3A_219 = tpu.memref_slice %arg7[%add3A_216, %dma_wait3A_218] : memref<125x80xi32, #tpu.memory_space<vmem>> -> memref<1x80xi32, #tpu.memory_space<vmem>>
      %dma_wait3A_220 = tpu.memref_squeeze %dma_wait3A_219 : memref<1x80xi32, #tpu.memory_space<vmem>> -> memref<80xi32, #tpu.memory_space<vmem>>
      %dma_wait3A_221 = arith.constant 0 : i32
      %dma_wait3A_222 = arith.constant 0 : i32
      %dma_wait3A_223 = tpu.memref_slice %arg12[%dma_wait3A_221, %dma_wait3A_222] : memref<10240x16xf32, #tpu.memory_space<vmem_shared>> -> memref<10240x16xf32, #tpu.memory_space<vmem_shared>>
      %dma_wait3A_224 = tpu.memref_slice %arg10[%dma_wait3A_217] : memref<5x!tpu.dma_semaphore, #tpu.memory_space<semaphore_mem>> -> memref<1x!tpu.dma_semaphore, #tpu.memory_space<semaphore_mem>>
      %dma_wait3A_225 = tpu.memref_squeeze %dma_wait3A_224 : memref<1x!tpu.dma_semaphore, #tpu.memory_space<semaphore_mem>> -> memref<!tpu.dma_semaphore, #tpu.memory_space<semaphore_mem>>
      tpu.wait_indirect_dma semaphore(%dma_wait3A_225 : memref<!tpu.dma_semaphore, #tpu.memory_space<semaphore_mem>>) src(%arg9 : memref<80x16xf32, #tpu.memory_space<vmem>>) dst(%dma_wait3A_223 : memref<10240x16xf32, #tpu.memory_space<vmem_shared>>)
      %sub3A_226 = arith.constant 5 : i32
      %sub3A_227 = arith.subi %mul3A_213, %sub3A_226 : i32
      %add3A_228 = arith.constant 0 : i32
      %add3A_229 = arith.addi %sub3A_227, %add3A_228 : i32
      %dma_wait3A_230 = arith.constant 0 : i32
      %dma_wait3A_231 = arith.constant 0 : i32
      %dma_wait3A_232 = tpu.memref_slice %arg8[%add3A_229, %dma_wait3A_231] : memref<125x80xi32, #tpu.memory_space<vmem>> -> memref<1x80xi32, #tpu.memory_space<vmem>>
      %dma_wait3A_233 = tpu.memref_squeeze %dma_wait3A_232 : memref<1x80xi32, #tpu.memory_space<vmem>> -> memref<80xi32, #tpu.memory_space<vmem>>
      %dma_wait3A_234 = arith.constant 0 : i32
      %dma_wait3A_235 = arith.constant 0 : i32
      %dma_wait3A_236 = tpu.memref_slice %arg13[%dma_wait3A_234, %dma_wait3A_235] : memref<10240x16xf32, #tpu.memory_space<vmem_shared>> -> memref<10240x16xf32, #tpu.memory_space<vmem_shared>>
      %dma_wait3A_237 = tpu.memref_slice %arg11[%dma_wait3A_230] : memref<5x!tpu.dma_semaphore, #tpu.memory_space<semaphore_mem>> -> memref<1x!tpu.dma_semaphore, #tpu.memory_space<semaphore_mem>>
      %dma_wait3A_238 = tpu.memref_squeeze %dma_wait3A_237 : memref<1x!tpu.dma_semaphore, #tpu.memory_space<semaphore_mem>> -> memref<!tpu.dma_semaphore, #tpu.memory_space<semaphore_mem>>
      tpu.wait_indirect_dma semaphore(%dma_wait3A_238 : memref<!tpu.dma_semaphore, #tpu.memory_space<semaphore_mem>>) src(%arg9 : memref<80x16xf32, #tpu.memory_space<vmem>>) dst(%dma_wait3A_236 : memref<10240x16xf32, #tpu.memory_space<vmem_shared>>)
      %add3A_239 = arith.constant 0 : i32
      %add3A_240 = arith.addi %mul3A_213, %add3A_239 : i32
      %dma_start3A_241 = arith.constant 0 : i32
      %dma_start3A_242 = arith.constant 0 : i32
      %dma_start3A_243 = tpu.memref_slice %arg7[%add3A_240, %dma_start3A_242] : memref<125x80xi32, #tpu.memory_space<vmem>> -> memref<1x80xi32, #tpu.memory_space<vmem>>
      %dma_start3A_244 = tpu.memref_squeeze %dma_start3A_243 : memref<1x80xi32, #tpu.memory_space<vmem>> -> memref<80xi32, #tpu.memory_space<vmem>>
      %dma_start3A_245 = arith.constant 0 : i32
      %dma_start3A_246 = arith.constant 0 : i32
      %dma_start3A_247 = tpu.memref_slice %arg12[%dma_start3A_245, %dma_start3A_246] : memref<10240x16xf32, #tpu.memory_space<vmem_shared>> -> memref<10240x16xf32, #tpu.memory_space<vmem_shared>>
      %dma_start3A_248 = tpu.memref_slice %arg10[%dma_start3A_241] : memref<5x!tpu.dma_semaphore, #tpu.memory_space<semaphore_mem>> -> memref<1x!tpu.dma_semaphore, #tpu.memory_space<semaphore_mem>>
      %dma_start3A_249 = tpu.memref_squeeze %dma_start3A_248 : memref<1x!tpu.dma_semaphore, #tpu.memory_space<semaphore_mem>> -> memref<!tpu.dma_semaphore, #tpu.memory_space<semaphore_mem>>
      tpu.enqueue_indirect_dma source(%arg9 : memref<80x16xf32, #tpu.memory_space<vmem>>) target(%dma_start3A_247 : memref<10240x16xf32, #tpu.memory_space<vmem_shared>>) offsets(%dma_start3A_244 : memref<80xi32, #tpu.memory_space<vmem>>) semaphore(%dma_start3A_249 : memref<!tpu.dma_semaphore, #tpu.memory_space<semaphore_mem>>) {add = true}
      %add3A_250 = arith.constant 0 : i32
      %add3A_251 = arith.addi %mul3A_213, %add3A_250 : i32
      %dma_start3A_252 = arith.constant 0 : i32
      %dma_start3A_253 = arith.constant 0 : i32
      %dma_start3A_254 = tpu.memref_slice %arg8[%add3A_251, %dma_start3A_253] : memref<125x80xi32, #tpu.memory_space<vmem>> -> memref<1x80xi32, #tpu.memory_space<vmem>>
      %dma_start3A_255 = tpu.memref_squeeze %dma_start3A_254 : memref<1x80xi32, #tpu.memory_space<vmem>> -> memref<80xi32, #tpu.memory_space<vmem>>
      %dma_start3A_256 = arith.constant 0 : i32
      %dma_start3A_257 = arith.constant 0 : i32
      %dma_start3A_258 = tpu.memref_slice %arg13[%dma_start3A_256, %dma_start3A_257] : memref<10240x16xf32, #tpu.memory_space<vmem_shared>> -> memref<10240x16xf32, #tpu.memory_space<vmem_shared>>
      %dma_start3A_259 = tpu.memref_slice %arg11[%dma_start3A_252] : memref<5x!tpu.dma_semaphore, #tpu.memory_space<semaphore_mem>> -> memref<1x!tpu.dma_semaphore, #tpu.memory_space<semaphore_mem>>
      %dma_start3A_260 = tpu.memref_squeeze %dma_start3A_259 : memref<1x!tpu.dma_semaphore, #tpu.memory_space<semaphore_mem>> -> memref<!tpu.dma_semaphore, #tpu.memory_space<semaphore_mem>>
      tpu.enqueue_indirect_dma source(%arg9 : memref<80x16xf32, #tpu.memory_space<vmem>>) target(%dma_start3A_258 : memref<10240x16xf32, #tpu.memory_space<vmem_shared>>) offsets(%dma_start3A_255 : memref<80xi32, #tpu.memory_space<vmem>>) semaphore(%dma_start3A_260 : memref<!tpu.dma_semaphore, #tpu.memory_space<semaphore_mem>>) {add = true}
      %sub3A_261 = arith.constant 5 : i32
      %sub3A_262 = arith.subi %mul3A_213, %sub3A_261 : i32
      %add3A_263 = arith.constant 1 : i32
      %add3A_264 = arith.addi %sub3A_262, %add3A_263 : i32
      %dma_wait3A_265 = arith.constant 1 : i32
      %dma_wait3A_266 = arith.constant 0 : i32
      %dma_wait3A_267 = tpu.memref_slice %arg7[%add3A_264, %dma_wait3A_266] : memref<125x80xi32, #tpu.memory_space<vmem>> -> memref<1x80xi32, #tpu.memory_space<vmem>>
      %dma_wait3A_268 = tpu.memref_squeeze %dma_wait3A_267 : memref<1x80xi32, #tpu.memory_space<vmem>> -> memref<80xi32, #tpu.memory_space<vmem>>
      %dma_wait3A_269 = arith.constant 0 : i32
      %dma_wait3A_270 = arith.constant 0 : i32
      %dma_wait3A_271 = tpu.memref_slice %arg12[%dma_wait3A_269, %dma_wait3A_270] : memref<10240x16xf32, #tpu.memory_space<vmem_shared>> -> memref<10240x16xf32, #tpu.memory_space<vmem_shared>>
      %dma_wait3A_272 = tpu.memref_slice %arg10[%dma_wait3A_265] : memref<5x!tpu.dma_semaphore, #tpu.memory_space<semaphore_mem>> -> memref<1x!tpu.dma_semaphore, #tpu.memory_space<semaphore_mem>>
      %dma_wait3A_273 = tpu.memref_squeeze %dma_wait3A_272 : memref<1x!tpu.dma_semaphore, #tpu.memory_space<semaphore_mem>> -> memref<!tpu.dma_semaphore, #tpu.memory_space<semaphore_mem>>
      tpu.wait_indirect_dma semaphore(%dma_wait3A_273 : memref<!tpu.dma_semaphore, #tpu.memory_space<semaphore_mem>>) src(%arg9 : memref<80x16xf32, #tpu.memory_space<vmem>>) dst(%dma_wait3A_271 : memref<10240x16xf32, #tpu.memory_space<vmem_shared>>)
      %sub3A_274 = arith.constant 5 : i32
      %sub3A_275 = arith.subi %mul3A_213, %sub3A_274 : i32
      %add3A_276 = arith.constant 1 : i32
      %add3A_277 = arith.addi %sub3A_275, %add3A_276 : i32
      %dma_wait3A_278 = arith.constant 1 : i32
      %dma_wait3A_279 = arith.constant 0 : i32
      %dma_wait3A_280 = tpu.memref_slice %arg8[%add3A_277, %dma_wait3A_279] : memref<125x80xi32, #tpu.memory_space<vmem>> -> memref<1x80xi32, #tpu.memory_space<vmem>>
      %dma_wait3A_281 = tpu.memref_squeeze %dma_wait3A_280 : memref<1x80xi32, #tpu.memory_space<vmem>> -> memref<80xi32, #tpu.memory_space<vmem>>
      %dma_wait3A_282 = arith.constant 0 : i32
      %dma_wait3A_283 = arith.constant 0 : i32
      %dma_wait3A_284 = tpu.memref_slice %arg13[%dma_wait3A_282, %dma_wait3A_283] : memref<10240x16xf32, #tpu.memory_space<vmem_shared>> -> memref<10240x16xf32, #tpu.memory_space<vmem_shared>>
      %dma_wait3A_285 = tpu.memref_slice %arg11[%dma_wait3A_278] : memref<5x!tpu.dma_semaphore, #tpu.memory_space<semaphore_mem>> -> memref<1x!tpu.dma_semaphore, #tpu.memory_space<semaphore_mem>>
      %dma_wait3A_286 = tpu.memref_squeeze %dma_wait3A_285 : memref<1x!tpu.dma_semaphore, #tpu.memory_space<semaphore_mem>> -> memref<!tpu.dma_semaphore, #tpu.memory_space<semaphore_mem>>
      tpu.wait_indirect_dma semaphore(%dma_wait3A_286 : memref<!tpu.dma_semaphore, #tpu.memory_space<semaphore_mem>>) src(%arg9 : memref<80x16xf32, #tpu.memory_space<vmem>>) dst(%dma_wait3A_284 : memref<10240x16xf32, #tpu.memory_space<vmem_shared>>)
      %add3A_287 = arith.constant 1 : i32
      %add3A_288 = arith.addi %mul3A_213, %add3A_287 : i32
      %dma_start3A_289 = arith.constant 1 : i32
      %dma_start3A_290 = arith.constant 0 : i32
      %dma_start3A_291 = tpu.memref_slice %arg7[%add3A_288, %dma_start3A_290] : memref<125x80xi32, #tpu.memory_space<vmem>> -> memref<1x80xi32, #tpu.memory_space<vmem>>
      %dma_start3A_292 = tpu.memref_squeeze %dma_start3A_291 : memref<1x80xi32, #tpu.memory_space<vmem>> -> memref<80xi32, #tpu.memory_space<vmem>>
      %dma_start3A_293 = arith.constant 0 : i32
      %dma_start3A_294 = arith.constant 0 : i32
      %dma_start3A_295 = tpu.memref_slice %arg12[%dma_start3A_293, %dma_start3A_294] : memref<10240x16xf32, #tpu.memory_space<vmem_shared>> -> memref<10240x16xf32, #tpu.memory_space<vmem_shared>>
      %dma_start3A_296 = tpu.memref_slice %arg10[%dma_start3A_289] : memref<5x!tpu.dma_semaphore, #tpu.memory_space<semaphore_mem>> -> memref<1x!tpu.dma_semaphore, #tpu.memory_space<semaphore_mem>>
      %dma_start3A_297 = tpu.memref_squeeze %dma_start3A_296 : memref<1x!tpu.dma_semaphore, #tpu.memory_space<semaphore_mem>> -> memref<!tpu.dma_semaphore, #tpu.memory_space<semaphore_mem>>
      tpu.enqueue_indirect_dma source(%arg9 : memref<80x16xf32, #tpu.memory_space<vmem>>) target(%dma_start3A_295 : memref<10240x16xf32, #tpu.memory_space<vmem_shared>>) offsets(%dma_start3A_292 : memref<80xi32, #tpu.memory_space<vmem>>) semaphore(%dma_start3A_297 : memref<!tpu.dma_semaphore, #tpu.memory_space<semaphore_mem>>) {add = true}
      %add3A_298 = arith.constant 1 : i32
      %add3A_299 = arith.addi %mul3A_213, %add3A_298 : i32
      %dma_start3A_300 = arith.constant 1 : i32
      %dma_start3A_301 = arith.constant 0 : i32
      %dma_start3A_302 = tpu.memref_slice %arg8[%add3A_299, %dma_start3A_301] : memref<125x80xi32, #tpu.memory_space<vmem>> -> memref<1x80xi32, #tpu.memory_space<vmem>>
      %dma_start3A_303 = tpu.memref_squeeze %dma_start3A_302 : memref<1x80xi32, #tpu.memory_space<vmem>> -> memref<80xi32, #tpu.memory_space<vmem>>
      %dma_start3A_304 = arith.constant 0 : i32
      %dma_start3A_305 = arith.constant 0 : i32
      %dma_start3A_306 = tpu.memref_slice %arg13[%dma_start3A_304, %dma_start3A_305] : memref<10240x16xf32, #tpu.memory_space<vmem_shared>> -> memref<10240x16xf32, #tpu.memory_space<vmem_shared>>
      %dma_start3A_307 = tpu.memref_slice %arg11[%dma_start3A_300] : memref<5x!tpu.dma_semaphore, #tpu.memory_space<semaphore_mem>> -> memref<1x!tpu.dma_semaphore, #tpu.memory_space<semaphore_mem>>
      %dma_start3A_308 = tpu.memref_squeeze %dma_start3A_307 : memref<1x!tpu.dma_semaphore, #tpu.memory_space<semaphore_mem>> -> memref<!tpu.dma_semaphore, #tpu.memory_space<semaphore_mem>>
      tpu.enqueue_indirect_dma source(%arg9 : memref<80x16xf32, #tpu.memory_space<vmem>>) target(%dma_start3A_306 : memref<10240x16xf32, #tpu.memory_space<vmem_shared>>) offsets(%dma_start3A_303 : memref<80xi32, #tpu.memory_space<vmem>>) semaphore(%dma_start3A_308 : memref<!tpu.dma_semaphore, #tpu.memory_space<semaphore_mem>>) {add = true}
      %sub3A_309 = arith.constant 5 : i32
      %sub3A_310 = arith.subi %mul3A_213, %sub3A_309 : i32
      %add3A_311 = arith.constant 2 : i32
      %add3A_312 = arith.addi %sub3A_310, %add3A_311 : i32
      %dma_wait3A_313 = arith.constant 2 : i32
      %dma_wait3A_314 = arith.constant 0 : i32
      %dma_wait3A_315 = tpu.memref_slice %arg7[%add3A_312, %dma_wait3A_314] : memref<125x80xi32, #tpu.memory_space<vmem>> -> memref<1x80xi32, #tpu.memory_space<vmem>>
      %dma_wait3A_316 = tpu.memref_squeeze %dma_wait3A_315 : memref<1x80xi32, #tpu.memory_space<vmem>> -> memref<80xi32, #tpu.memory_space<vmem>>
      %dma_wait3A_317 = arith.constant 0 : i32
      %dma_wait3A_318 = arith.constant 0 : i32
      %dma_wait3A_319 = tpu.memref_slice %arg12[%dma_wait3A_317, %dma_wait3A_318] : memref<10240x16xf32, #tpu.memory_space<vmem_shared>> -> memref<10240x16xf32, #tpu.memory_space<vmem_shared>>
      %dma_wait3A_320 = tpu.memref_slice %arg10[%dma_wait3A_313] : memref<5x!tpu.dma_semaphore, #tpu.memory_space<semaphore_mem>> -> memref<1x!tpu.dma_semaphore, #tpu.memory_space<semaphore_mem>>
      %dma_wait3A_321 = tpu.memref_squeeze %dma_wait3A_320 : memref<1x!tpu.dma_semaphore, #tpu.memory_space<semaphore_mem>> -> memref<!tpu.dma_semaphore, #tpu.memory_space<semaphore_mem>>
      tpu.wait_indirect_dma semaphore(%dma_wait3A_321 : memref<!tpu.dma_semaphore, #tpu.memory_space<semaphore_mem>>) src(%arg9 : memref<80x16xf32, #tpu.memory_space<vmem>>) dst(%dma_wait3A_319 : memref<10240x16xf32, #tpu.memory_space<vmem_shared>>)
      %sub3A_322 = arith.constant 5 : i32
      %sub3A_323 = arith.subi %mul3A_213, %sub3A_322 : i32
      %add3A_324 = arith.constant 2 : i32
      %add3A_325 = arith.addi %sub3A_323, %add3A_324 : i32
      %dma_wait3A_326 = arith.constant 2 : i32
      %dma_wait3A_327 = arith.constant 0 : i32
      %dma_wait3A_328 = tpu.memref_slice %arg8[%add3A_325, %dma_wait3A_327] : memref<125x80xi32, #tpu.memory_space<vmem>> -> memref<1x80xi32, #tpu.memory_space<vmem>>
      %dma_wait3A_329 = tpu.memref_squeeze %dma_wait3A_328 : memref<1x80xi32, #tpu.memory_space<vmem>> -> memref<80xi32, #tpu.memory_space<vmem>>
      %dma_wait3A_330 = arith.constant 0 : i32
      %dma_wait3A_331 = arith.constant 0 : i32
      %dma_wait3A_332 = tpu.memref_slice %arg13[%dma_wait3A_330, %dma_wait3A_331] : memref<10240x16xf32, #tpu.memory_space<vmem_shared>> -> memref<10240x16xf32, #tpu.memory_space<vmem_shared>>
      %dma_wait3A_333 = tpu.memref_slice %arg11[%dma_wait3A_326] : memref<5x!tpu.dma_semaphore, #tpu.memory_space<semaphore_mem>> -> memref<1x!tpu.dma_semaphore, #tpu.memory_space<semaphore_mem>>
      %dma_wait3A_334 = tpu.memref_squeeze %dma_wait3A_333 : memref<1x!tpu.dma_semaphore, #tpu.memory_space<semaphore_mem>> -> memref<!tpu.dma_semaphore, #tpu.memory_space<semaphore_mem>>
      tpu.wait_indirect_dma semaphore(%dma_wait3A_334 : memref<!tpu.dma_semaphore, #tpu.memory_space<semaphore_mem>>) src(%arg9 : memref<80x16xf32, #tpu.memory_space<vmem>>) dst(%dma_wait3A_332 : memref<10240x16xf32, #tpu.memory_space<vmem_shared>>)
      %add3A_335 = arith.constant 2 : i32
      %add3A_336 = arith.addi %mul3A_213, %add3A_335 : i32
      %dma_start3A_337 = arith.constant 2 : i32
      %dma_start3A_338 = arith.constant 0 : i32
      %dma_start3A_339 = tpu.memref_slice %arg7[%add3A_336, %dma_start3A_338] : memref<125x80xi32, #tpu.memory_space<vmem>> -> memref<1x80xi32, #tpu.memory_space<vmem>>
      %dma_start3A_340 = tpu.memref_squeeze %dma_start3A_339 : memref<1x80xi32, #tpu.memory_space<vmem>> -> memref<80xi32, #tpu.memory_space<vmem>>
      %dma_start3A_341 = arith.constant 0 : i32
      %dma_start3A_342 = arith.constant 0 : i32
      %dma_start3A_343 = tpu.memref_slice %arg12[%dma_start3A_341, %dma_start3A_342] : memref<10240x16xf32, #tpu.memory_space<vmem_shared>> -> memref<10240x16xf32, #tpu.memory_space<vmem_shared>>
      %dma_start3A_344 = tpu.memref_slice %arg10[%dma_start3A_337] : memref<5x!tpu.dma_semaphore, #tpu.memory_space<semaphore_mem>> -> memref<1x!tpu.dma_semaphore, #tpu.memory_space<semaphore_mem>>
      %dma_start3A_345 = tpu.memref_squeeze %dma_start3A_344 : memref<1x!tpu.dma_semaphore, #tpu.memory_space<semaphore_mem>> -> memref<!tpu.dma_semaphore, #tpu.memory_space<semaphore_mem>>
      tpu.enqueue_indirect_dma source(%arg9 : memref<80x16xf32, #tpu.memory_space<vmem>>) target(%dma_start3A_343 : memref<10240x16xf32, #tpu.memory_space<vmem_shared>>) offsets(%dma_start3A_340 : memref<80xi32, #tpu.memory_space<vmem>>) semaphore(%dma_start3A_345 : memref<!tpu.dma_semaphore, #tpu.memory_space<semaphore_mem>>) {add = true}
      %add3A_346 = arith.constant 2 : i32
      %add3A_347 = arith.addi %mul3A_213, %add3A_346 : i32
      %dma_start3A_348 = arith.constant 2 : i32
      %dma_start3A_349 = arith.constant 0 : i32
      %dma_start3A_350 = tpu.memref_slice %arg8[%add3A_347, %dma_start3A_349] : memref<125x80xi32, #tpu.memory_space<vmem>> -> memref<1x80xi32, #tpu.memory_space<vmem>>
      %dma_start3A_351 = tpu.memref_squeeze %dma_start3A_350 : memref<1x80xi32, #tpu.memory_space<vmem>> -> memref<80xi32, #tpu.memory_space<vmem>>
      %dma_start3A_352 = arith.constant 0 : i32
      %dma_start3A_353 = arith.constant 0 : i32
      %dma_start3A_354 = tpu.memref_slice %arg13[%dma_start3A_352, %dma_start3A_353] : memref<10240x16xf32, #tpu.memory_space<vmem_shared>> -> memref<10240x16xf32, #tpu.memory_space<vmem_shared>>
      %dma_start3A_355 = tpu.memref_slice %arg11[%dma_start3A_348] : memref<5x!tpu.dma_semaphore, #tpu.memory_space<semaphore_mem>> -> memref<1x!tpu.dma_semaphore, #tpu.memory_space<semaphore_mem>>
      %dma_start3A_356 = tpu.memref_squeeze %dma_start3A_355 : memref<1x!tpu.dma_semaphore, #tpu.memory_space<semaphore_mem>> -> memref<!tpu.dma_semaphore, #tpu.memory_space<semaphore_mem>>
      tpu.enqueue_indirect_dma source(%arg9 : memref<80x16xf32, #tpu.memory_space<vmem>>) target(%dma_start3A_354 : memref<10240x16xf32, #tpu.memory_space<vmem_shared>>) offsets(%dma_start3A_351 : memref<80xi32, #tpu.memory_space<vmem>>) semaphore(%dma_start3A_356 : memref<!tpu.dma_semaphore, #tpu.memory_space<semaphore_mem>>) {add = true}
      %sub3A_357 = arith.constant 5 : i32
      %sub3A_358 = arith.subi %mul3A_213, %sub3A_357 : i32
      %add3A_359 = arith.constant 3 : i32
      %add3A_360 = arith.addi %sub3A_358, %add3A_359 : i32
      %dma_wait3A_361 = arith.constant 3 : i32
      %dma_wait3A_362 = arith.constant 0 : i32
      %dma_wait3A_363 = tpu.memref_slice %arg7[%add3A_360, %dma_wait3A_362] : memref<125x80xi32, #tpu.memory_space<vmem>> -> memref<1x80xi32, #tpu.memory_space<vmem>>
      %dma_wait3A_364 = tpu.memref_squeeze %dma_wait3A_363 : memref<1x80xi32, #tpu.memory_space<vmem>> -> memref<80xi32, #tpu.memory_space<vmem>>
      %dma_wait3A_365 = arith.constant 0 : i32
      %dma_wait3A_366 = arith.constant 0 : i32
      %dma_wait3A_367 = tpu.memref_slice %arg12[%dma_wait3A_365, %dma_wait3A_366] : memref<10240x16xf32, #tpu.memory_space<vmem_shared>> -> memref<10240x16xf32, #tpu.memory_space<vmem_shared>>
      %dma_wait3A_368 = tpu.memref_slice %arg10[%dma_wait3A_361] : memref<5x!tpu.dma_semaphore, #tpu.memory_space<semaphore_mem>> -> memref<1x!tpu.dma_semaphore, #tpu.memory_space<semaphore_mem>>
      %dma_wait3A_369 = tpu.memref_squeeze %dma_wait3A_368 : memref<1x!tpu.dma_semaphore, #tpu.memory_space<semaphore_mem>> -> memref<!tpu.dma_semaphore, #tpu.memory_space<semaphore_mem>>
      tpu.wait_indirect_dma semaphore(%dma_wait3A_369 : memref<!tpu.dma_semaphore, #tpu.memory_space<semaphore_mem>>) src(%arg9 : memref<80x16xf32, #tpu.memory_space<vmem>>) dst(%dma_wait3A_367 : memref<10240x16xf32, #tpu.memory_space<vmem_shared>>)
      %sub3A_370 = arith.constant 5 : i32
      %sub3A_371 = arith.subi %mul3A_213, %sub3A_370 : i32
      %add3A_372 = arith.constant 3 : i32
      %add3A_373 = arith.addi %sub3A_371, %add3A_372 : i32
      %dma_wait3A_374 = arith.constant 3 : i32
      %dma_wait3A_375 = arith.constant 0 : i32
      %dma_wait3A_376 = tpu.memref_slice %arg8[%add3A_373, %dma_wait3A_375] : memref<125x80xi32, #tpu.memory_space<vmem>> -> memref<1x80xi32, #tpu.memory_space<vmem>>
      %dma_wait3A_377 = tpu.memref_squeeze %dma_wait3A_376 : memref<1x80xi32, #tpu.memory_space<vmem>> -> memref<80xi32, #tpu.memory_space<vmem>>
      %dma_wait3A_378 = arith.constant 0 : i32
      %dma_wait3A_379 = arith.constant 0 : i32
      %dma_wait3A_380 = tpu.memref_slice %arg13[%dma_wait3A_378, %dma_wait3A_379] : memref<10240x16xf32, #tpu.memory_space<vmem_shared>> -> memref<10240x16xf32, #tpu.memory_space<vmem_shared>>
      %dma_wait3A_381 = tpu.memref_slice %arg11[%dma_wait3A_374] : memref<5x!tpu.dma_semaphore, #tpu.memory_space<semaphore_mem>> -> memref<1x!tpu.dma_semaphore, #tpu.memory_space<semaphore_mem>>
      %dma_wait3A_382 = tpu.memref_squeeze %dma_wait3A_381 : memref<1x!tpu.dma_semaphore, #tpu.memory_space<semaphore_mem>> -> memref<!tpu.dma_semaphore, #tpu.memory_space<semaphore_mem>>
      tpu.wait_indirect_dma semaphore(%dma_wait3A_382 : memref<!tpu.dma_semaphore, #tpu.memory_space<semaphore_mem>>) src(%arg9 : memref<80x16xf32, #tpu.memory_space<vmem>>) dst(%dma_wait3A_380 : memref<10240x16xf32, #tpu.memory_space<vmem_shared>>)
      %add3A_383 = arith.constant 3 : i32
      %add3A_384 = arith.addi %mul3A_213, %add3A_383 : i32
      %dma_start3A_385 = arith.constant 3 : i32
      %dma_start3A_386 = arith.constant 0 : i32
      %dma_start3A_387 = tpu.memref_slice %arg7[%add3A_384, %dma_start3A_386] : memref<125x80xi32, #tpu.memory_space<vmem>> -> memref<1x80xi32, #tpu.memory_space<vmem>>
      %dma_start3A_388 = tpu.memref_squeeze %dma_start3A_387 : memref<1x80xi32, #tpu.memory_space<vmem>> -> memref<80xi32, #tpu.memory_space<vmem>>
      %dma_start3A_389 = arith.constant 0 : i32
      %dma_start3A_390 = arith.constant 0 : i32
      %dma_start3A_391 = tpu.memref_slice %arg12[%dma_start3A_389, %dma_start3A_390] : memref<10240x16xf32, #tpu.memory_space<vmem_shared>> -> memref<10240x16xf32, #tpu.memory_space<vmem_shared>>
      %dma_start3A_392 = tpu.memref_slice %arg10[%dma_start3A_385] : memref<5x!tpu.dma_semaphore, #tpu.memory_space<semaphore_mem>> -> memref<1x!tpu.dma_semaphore, #tpu.memory_space<semaphore_mem>>
      %dma_start3A_393 = tpu.memref_squeeze %dma_start3A_392 : memref<1x!tpu.dma_semaphore, #tpu.memory_space<semaphore_mem>> -> memref<!tpu.dma_semaphore, #tpu.memory_space<semaphore_mem>>
      tpu.enqueue_indirect_dma source(%arg9 : memref<80x16xf32, #tpu.memory_space<vmem>>) target(%dma_start3A_391 : memref<10240x16xf32, #tpu.memory_space<vmem_shared>>) offsets(%dma_start3A_388 : memref<80xi32, #tpu.memory_space<vmem>>) semaphore(%dma_start3A_393 : memref<!tpu.dma_semaphore, #tpu.memory_space<semaphore_mem>>) {add = true}
      %add3A_394 = arith.constant 3 : i32
      %add3A_395 = arith.addi %mul3A_213, %add3A_394 : i32
      %dma_start3A_396 = arith.constant 3 : i32
      %dma_start3A_397 = arith.constant 0 : i32
      %dma_start3A_398 = tpu.memref_slice %arg8[%add3A_395, %dma_start3A_397] : memref<125x80xi32, #tpu.memory_space<vmem>> -> memref<1x80xi32, #tpu.memory_space<vmem>>
      %dma_start3A_399 = tpu.memref_squeeze %dma_start3A_398 : memref<1x80xi32, #tpu.memory_space<vmem>> -> memref<80xi32, #tpu.memory_space<vmem>>
      %dma_start3A_400 = arith.constant 0 : i32
      %dma_start3A_401 = arith.constant 0 : i32
      %dma_start3A_402 = tpu.memref_slice %arg13[%dma_start3A_400, %dma_start3A_401] : memref<10240x16xf32, #tpu.memory_space<vmem_shared>> -> memref<10240x16xf32, #tpu.memory_space<vmem_shared>>
      %dma_start3A_403 = tpu.memref_slice %arg11[%dma_start3A_396] : memref<5x!tpu.dma_semaphore, #tpu.memory_space<semaphore_mem>> -> memref<1x!tpu.dma_semaphore, #tpu.memory_space<semaphore_mem>>
      %dma_start3A_404 = tpu.memref_squeeze %dma_start3A_403 : memref<1x!tpu.dma_semaphore, #tpu.memory_space<semaphore_mem>> -> memref<!tpu.dma_semaphore, #tpu.memory_space<semaphore_mem>>
      tpu.enqueue_indirect_dma source(%arg9 : memref<80x16xf32, #tpu.memory_space<vmem>>) target(%dma_start3A_402 : memref<10240x16xf32, #tpu.memory_space<vmem_shared>>) offsets(%dma_start3A_399 : memref<80xi32, #tpu.memory_space<vmem>>) semaphore(%dma_start3A_404 : memref<!tpu.dma_semaphore, #tpu.memory_space<semaphore_mem>>) {add = true}
      %sub3A_405 = arith.constant 5 : i32
      %sub3A_406 = arith.subi %mul3A_213, %sub3A_405 : i32
      %add3A_407 = arith.constant 4 : i32
      %add3A_408 = arith.addi %sub3A_406, %add3A_407 : i32
      %dma_wait3A_409 = arith.constant 4 : i32
      %dma_wait3A_410 = arith.constant 0 : i32
      %dma_wait3A_411 = tpu.memref_slice %arg7[%add3A_408, %dma_wait3A_410] : memref<125x80xi32, #tpu.memory_space<vmem>> -> memref<1x80xi32, #tpu.memory_space<vmem>>
      %dma_wait3A_412 = tpu.memref_squeeze %dma_wait3A_411 : memref<1x80xi32, #tpu.memory_space<vmem>> -> memref<80xi32, #tpu.memory_space<vmem>>
      %dma_wait3A_413 = arith.constant 0 : i32
      %dma_wait3A_414 = arith.constant 0 : i32
      %dma_wait3A_415 = tpu.memref_slice %arg12[%dma_wait3A_413, %dma_wait3A_414] : memref<10240x16xf32, #tpu.memory_space<vmem_shared>> -> memref<10240x16xf32, #tpu.memory_space<vmem_shared>>
      %dma_wait3A_416 = tpu.memref_slice %arg10[%dma_wait3A_409] : memref<5x!tpu.dma_semaphore, #tpu.memory_space<semaphore_mem>> -> memref<1x!tpu.dma_semaphore, #tpu.memory_space<semaphore_mem>>
      %dma_wait3A_417 = tpu.memref_squeeze %dma_wait3A_416 : memref<1x!tpu.dma_semaphore, #tpu.memory_space<semaphore_mem>> -> memref<!tpu.dma_semaphore, #tpu.memory_space<semaphore_mem>>
      tpu.wait_indirect_dma semaphore(%dma_wait3A_417 : memref<!tpu.dma_semaphore, #tpu.memory_space<semaphore_mem>>) src(%arg9 : memref<80x16xf32, #tpu.memory_space<vmem>>) dst(%dma_wait3A_415 : memref<10240x16xf32, #tpu.memory_space<vmem_shared>>)
      %sub3A_418 = arith.constant 5 : i32
      %sub3A_419 = arith.subi %mul3A_213, %sub3A_418 : i32
      %add3A_420 = arith.constant 4 : i32
      %add3A_421 = arith.addi %sub3A_419, %add3A_420 : i32
      %dma_wait3A_422 = arith.constant 4 : i32
      %dma_wait3A_423 = arith.constant 0 : i32
      %dma_wait3A_424 = tpu.memref_slice %arg8[%add3A_421, %dma_wait3A_423] : memref<125x80xi32, #tpu.memory_space<vmem>> -> memref<1x80xi32, #tpu.memory_space<vmem>>
      %dma_wait3A_425 = tpu.memref_squeeze %dma_wait3A_424 : memref<1x80xi32, #tpu.memory_space<vmem>> -> memref<80xi32, #tpu.memory_space<vmem>>
      %dma_wait3A_426 = arith.constant 0 : i32
      %dma_wait3A_427 = arith.constant 0 : i32
      %dma_wait3A_428 = tpu.memref_slice %arg13[%dma_wait3A_426, %dma_wait3A_427] : memref<10240x16xf32, #tpu.memory_space<vmem_shared>> -> memref<10240x16xf32, #tpu.memory_space<vmem_shared>>
      %dma_wait3A_429 = tpu.memref_slice %arg11[%dma_wait3A_422] : memref<5x!tpu.dma_semaphore, #tpu.memory_space<semaphore_mem>> -> memref<1x!tpu.dma_semaphore, #tpu.memory_space<semaphore_mem>>
      %dma_wait3A_430 = tpu.memref_squeeze %dma_wait3A_429 : memref<1x!tpu.dma_semaphore, #tpu.memory_space<semaphore_mem>> -> memref<!tpu.dma_semaphore, #tpu.memory_space<semaphore_mem>>
      tpu.wait_indirect_dma semaphore(%dma_wait3A_430 : memref<!tpu.dma_semaphore, #tpu.memory_space<semaphore_mem>>) src(%arg9 : memref<80x16xf32, #tpu.memory_space<vmem>>) dst(%dma_wait3A_428 : memref<10240x16xf32, #tpu.memory_space<vmem_shared>>)
      %add3A_431 = arith.constant 4 : i32
      %add3A_432 = arith.addi %mul3A_213, %add3A_431 : i32
      %dma_start3A_433 = arith.constant 4 : i32
      %dma_start3A_434 = arith.constant 0 : i32
      %dma_start3A_435 = tpu.memref_slice %arg7[%add3A_432, %dma_start3A_434] : memref<125x80xi32, #tpu.memory_space<vmem>> -> memref<1x80xi32, #tpu.memory_space<vmem>>
      %dma_start3A_436 = tpu.memref_squeeze %dma_start3A_435 : memref<1x80xi32, #tpu.memory_space<vmem>> -> memref<80xi32, #tpu.memory_space<vmem>>
      %dma_start3A_437 = arith.constant 0 : i32
      %dma_start3A_438 = arith.constant 0 : i32
      %dma_start3A_439 = tpu.memref_slice %arg12[%dma_start3A_437, %dma_start3A_438] : memref<10240x16xf32, #tpu.memory_space<vmem_shared>> -> memref<10240x16xf32, #tpu.memory_space<vmem_shared>>
      %dma_start3A_440 = tpu.memref_slice %arg10[%dma_start3A_433] : memref<5x!tpu.dma_semaphore, #tpu.memory_space<semaphore_mem>> -> memref<1x!tpu.dma_semaphore, #tpu.memory_space<semaphore_mem>>
      %dma_start3A_441 = tpu.memref_squeeze %dma_start3A_440 : memref<1x!tpu.dma_semaphore, #tpu.memory_space<semaphore_mem>> -> memref<!tpu.dma_semaphore, #tpu.memory_space<semaphore_mem>>
      tpu.enqueue_indirect_dma source(%arg9 : memref<80x16xf32, #tpu.memory_space<vmem>>) target(%dma_start3A_439 : memref<10240x16xf32, #tpu.memory_space<vmem_shared>>) offsets(%dma_start3A_436 : memref<80xi32, #tpu.memory_space<vmem>>) semaphore(%dma_start3A_441 : memref<!tpu.dma_semaphore, #tpu.memory_space<semaphore_mem>>) {add = true}
      %add3A_442 = arith.constant 4 : i32
      %add3A_443 = arith.addi %mul3A_213, %add3A_442 : i32
      %dma_start3A_444 = arith.constant 4 : i32
      %dma_start3A_445 = arith.constant 0 : i32
      %dma_start3A_446 = tpu.memref_slice %arg8[%add3A_443, %dma_start3A_445] : memref<125x80xi32, #tpu.memory_space<vmem>> -> memref<1x80xi32, #tpu.memory_space<vmem>>
      %dma_start3A_447 = tpu.memref_squeeze %dma_start3A_446 : memref<1x80xi32, #tpu.memory_space<vmem>> -> memref<80xi32, #tpu.memory_space<vmem>>
      %dma_start3A_448 = arith.constant 0 : i32
      %dma_start3A_449 = arith.constant 0 : i32
      %dma_start3A_450 = tpu.memref_slice %arg13[%dma_start3A_448, %dma_start3A_449] : memref<10240x16xf32, #tpu.memory_space<vmem_shared>> -> memref<10240x16xf32, #tpu.memory_space<vmem_shared>>
      %dma_start3A_451 = tpu.memref_slice %arg11[%dma_start3A_444] : memref<5x!tpu.dma_semaphore, #tpu.memory_space<semaphore_mem>> -> memref<1x!tpu.dma_semaphore, #tpu.memory_space<semaphore_mem>>
      %dma_start3A_452 = tpu.memref_squeeze %dma_start3A_451 : memref<1x!tpu.dma_semaphore, #tpu.memory_space<semaphore_mem>> -> memref<!tpu.dma_semaphore, #tpu.memory_space<semaphore_mem>>
      tpu.enqueue_indirect_dma source(%arg9 : memref<80x16xf32, #tpu.memory_space<vmem>>) target(%dma_start3A_450 : memref<10240x16xf32, #tpu.memory_space<vmem_shared>>) offsets(%dma_start3A_447 : memref<80xi32, #tpu.memory_space<vmem>>) semaphore(%dma_start3A_452 : memref<!tpu.dma_semaphore, #tpu.memory_space<semaphore_mem>>) {add = true}
    }
    %scan3A_105 = arith.constant 24 : i32
    %dma_wait3A = arith.constant 120 : i32
    %dma_wait3A_106 = arith.constant 0 : i32
    %dma_wait3A_107 = arith.constant 0 : i32
    %dma_wait3A_108 = tpu.memref_slice %arg7[%dma_wait3A, %dma_wait3A_107] : memref<125x80xi32, #tpu.memory_space<vmem>> -> memref<1x80xi32, #tpu.memory_space<vmem>>
    %dma_wait3A_109 = tpu.memref_squeeze %dma_wait3A_108 : memref<1x80xi32, #tpu.memory_space<vmem>> -> memref<80xi32, #tpu.memory_space<vmem>>
    %dma_wait3A_110 = arith.constant 0 : i32
    %dma_wait3A_111 = arith.constant 0 : i32
    %dma_wait3A_112 = tpu.memref_slice %arg12[%dma_wait3A_110, %dma_wait3A_111] : memref<10240x16xf32, #tpu.memory_space<vmem_shared>> -> memref<10240x16xf32, #tpu.memory_space<vmem_shared>>
    %dma_wait3A_113 = tpu.memref_slice %arg10[%dma_wait3A_106] : memref<5x!tpu.dma_semaphore, #tpu.memory_space<semaphore_mem>> -> memref<1x!tpu.dma_semaphore, #tpu.memory_space<semaphore_mem>>
    %dma_wait3A_114 = tpu.memref_squeeze %dma_wait3A_113 : memref<1x!tpu.dma_semaphore, #tpu.memory_space<semaphore_mem>> -> memref<!tpu.dma_semaphore, #tpu.memory_space<semaphore_mem>>
    tpu.wait_indirect_dma semaphore(%dma_wait3A_114 : memref<!tpu.dma_semaphore, #tpu.memory_space<semaphore_mem>>) src(%arg9 : memref<80x16xf32, #tpu.memory_space<vmem>>) dst(%dma_wait3A_112 : memref<10240x16xf32, #tpu.memory_space<vmem_shared>>)
    %dma_wait3A_115 = arith.constant 120 : i32
    %dma_wait3A_116 = arith.constant 0 : i32
    %dma_wait3A_117 = arith.constant 0 : i32
    %dma_wait3A_118 = tpu.memref_slice %arg8[%dma_wait3A_115, %dma_wait3A_117] : memref<125x80xi32, #tpu.memory_space<vmem>> -> memref<1x80xi32, #tpu.memory_space<vmem>>
    %dma_wait3A_119 = tpu.memref_squeeze %dma_wait3A_118 : memref<1x80xi32, #tpu.memory_space<vmem>> -> memref<80xi32, #tpu.memory_space<vmem>>
    %dma_wait3A_120 = arith.constant 0 : i32
    %dma_wait3A_121 = arith.constant 0 : i32
    %dma_wait3A_122 = tpu.memref_slice %arg13[%dma_wait3A_120, %dma_wait3A_121] : memref<10240x16xf32, #tpu.memory_space<vmem_shared>> -> memref<10240x16xf32, #tpu.memory_space<vmem_shared>>
    %dma_wait3A_123 = tpu.memref_slice %arg11[%dma_wait3A_116] : memref<5x!tpu.dma_semaphore, #tpu.memory_space<semaphore_mem>> -> memref<1x!tpu.dma_semaphore, #tpu.memory_space<semaphore_mem>>
    %dma_wait3A_124 = tpu.memref_squeeze %dma_wait3A_123 : memref<1x!tpu.dma_semaphore, #tpu.memory_space<semaphore_mem>> -> memref<!tpu.dma_semaphore, #tpu.memory_space<semaphore_mem>>
    tpu.wait_indirect_dma semaphore(%dma_wait3A_124 : memref<!tpu.dma_semaphore, #tpu.memory_space<semaphore_mem>>) src(%arg9 : memref<80x16xf32, #tpu.memory_space<vmem>>) dst(%dma_wait3A_122 : memref<10240x16xf32, #tpu.memory_space<vmem_shared>>)
    %dma_wait3A_125 = arith.constant 121 : i32
    %dma_wait3A_126 = arith.constant 1 : i32
    %dma_wait3A_127 = arith.constant 0 : i32
    %dma_wait3A_128 = tpu.memref_slice %arg7[%dma_wait3A_125, %dma_wait3A_127] : memref<125x80xi32, #tpu.memory_space<vmem>> -> memref<1x80xi32, #tpu.memory_space<vmem>>
    %dma_wait3A_129 = tpu.memref_squeeze %dma_wait3A_128 : memref<1x80xi32, #tpu.memory_space<vmem>> -> memref<80xi32, #tpu.memory_space<vmem>>
    %dma_wait3A_130 = arith.constant 0 : i32
    %dma_wait3A_131 = arith.constant 0 : i32
    %dma_wait3A_132 = tpu.memref_slice %arg12[%dma_wait3A_130, %dma_wait3A_131] : memref<10240x16xf32, #tpu.memory_space<vmem_shared>> -> memref<10240x16xf32, #tpu.memory_space<vmem_shared>>
    %dma_wait3A_133 = tpu.memref_slice %arg10[%dma_wait3A_126] : memref<5x!tpu.dma_semaphore, #tpu.memory_space<semaphore_mem>> -> memref<1x!tpu.dma_semaphore, #tpu.memory_space<semaphore_mem>>
    %dma_wait3A_134 = tpu.memref_squeeze %dma_wait3A_133 : memref<1x!tpu.dma_semaphore, #tpu.memory_space<semaphore_mem>> -> memref<!tpu.dma_semaphore, #tpu.memory_space<semaphore_mem>>
    tpu.wait_indirect_dma semaphore(%dma_wait3A_134 : memref<!tpu.dma_semaphore, #tpu.memory_space<semaphore_mem>>) src(%arg9 : memref<80x16xf32, #tpu.memory_space<vmem>>) dst(%dma_wait3A_132 : memref<10240x16xf32, #tpu.memory_space<vmem_shared>>)
    %dma_wait3A_135 = arith.constant 121 : i32
    %dma_wait3A_136 = arith.constant 1 : i32
    %dma_wait3A_137 = arith.constant 0 : i32
    %dma_wait3A_138 = tpu.memref_slice %arg8[%dma_wait3A_135, %dma_wait3A_137] : memref<125x80xi32, #tpu.memory_space<vmem>> -> memref<1x80xi32, #tpu.memory_space<vmem>>
    %dma_wait3A_139 = tpu.memref_squeeze %dma_wait3A_138 : memref<1x80xi32, #tpu.memory_space<vmem>> -> memref<80xi32, #tpu.memory_space<vmem>>
    %dma_wait3A_140 = arith.constant 0 : i32
    %dma_wait3A_141 = arith.constant 0 : i32
    %dma_wait3A_142 = tpu.memref_slice %arg13[%dma_wait3A_140, %dma_wait3A_141] : memref<10240x16xf32, #tpu.memory_space<vmem_shared>> -> memref<10240x16xf32, #tpu.memory_space<vmem_shared>>
    %dma_wait3A_143 = tpu.memref_slice %arg11[%dma_wait3A_136] : memref<5x!tpu.dma_semaphore, #tpu.memory_space<semaphore_mem>> -> memref<1x!tpu.dma_semaphore, #tpu.memory_space<semaphore_mem>>
    %dma_wait3A_144 = tpu.memref_squeeze %dma_wait3A_143 : memref<1x!tpu.dma_semaphore, #tpu.memory_space<semaphore_mem>> -> memref<!tpu.dma_semaphore, #tpu.memory_space<semaphore_mem>>
    tpu.wait_indirect_dma semaphore(%dma_wait3A_144 : memref<!tpu.dma_semaphore, #tpu.memory_space<semaphore_mem>>) src(%arg9 : memref<80x16xf32, #tpu.memory_space<vmem>>) dst(%dma_wait3A_142 : memref<10240x16xf32, #tpu.memory_space<vmem_shared>>)
    %dma_wait3A_145 = arith.constant 122 : i32
    %dma_wait3A_146 = arith.constant 2 : i32
    %dma_wait3A_147 = arith.constant 0 : i32
    %dma_wait3A_148 = tpu.memref_slice %arg7[%dma_wait3A_145, %dma_wait3A_147] : memref<125x80xi32, #tpu.memory_space<vmem>> -> memref<1x80xi32, #tpu.memory_space<vmem>>
    %dma_wait3A_149 = tpu.memref_squeeze %dma_wait3A_148 : memref<1x80xi32, #tpu.memory_space<vmem>> -> memref<80xi32, #tpu.memory_space<vmem>>
    %dma_wait3A_150 = arith.constant 0 : i32
    %dma_wait3A_151 = arith.constant 0 : i32
    %dma_wait3A_152 = tpu.memref_slice %arg12[%dma_wait3A_150, %dma_wait3A_151] : memref<10240x16xf32, #tpu.memory_space<vmem_shared>> -> memref<10240x16xf32, #tpu.memory_space<vmem_shared>>
    %dma_wait3A_153 = tpu.memref_slice %arg10[%dma_wait3A_146] : memref<5x!tpu.dma_semaphore, #tpu.memory_space<semaphore_mem>> -> memref<1x!tpu.dma_semaphore, #tpu.memory_space<semaphore_mem>>
    %dma_wait3A_154 = tpu.memref_squeeze %dma_wait3A_153 : memref<1x!tpu.dma_semaphore, #tpu.memory_space<semaphore_mem>> -> memref<!tpu.dma_semaphore, #tpu.memory_space<semaphore_mem>>
    tpu.wait_indirect_dma semaphore(%dma_wait3A_154 : memref<!tpu.dma_semaphore, #tpu.memory_space<semaphore_mem>>) src(%arg9 : memref<80x16xf32, #tpu.memory_space<vmem>>) dst(%dma_wait3A_152 : memref<10240x16xf32, #tpu.memory_space<vmem_shared>>)
    %dma_wait3A_155 = arith.constant 122 : i32
    %dma_wait3A_156 = arith.constant 2 : i32
    %dma_wait3A_157 = arith.constant 0 : i32
    %dma_wait3A_158 = tpu.memref_slice %arg8[%dma_wait3A_155, %dma_wait3A_157] : memref<125x80xi32, #tpu.memory_space<vmem>> -> memref<1x80xi32, #tpu.memory_space<vmem>>
    %dma_wait3A_159 = tpu.memref_squeeze %dma_wait3A_158 : memref<1x80xi32, #tpu.memory_space<vmem>> -> memref<80xi32, #tpu.memory_space<vmem>>
    %dma_wait3A_160 = arith.constant 0 : i32
    %dma_wait3A_161 = arith.constant 0 : i32
    %dma_wait3A_162 = tpu.memref_slice %arg13[%dma_wait3A_160, %dma_wait3A_161] : memref<10240x16xf32, #tpu.memory_space<vmem_shared>> -> memref<10240x16xf32, #tpu.memory_space<vmem_shared>>
    %dma_wait3A_163 = tpu.memref_slice %arg11[%dma_wait3A_156] : memref<5x!tpu.dma_semaphore, #tpu.memory_space<semaphore_mem>> -> memref<1x!tpu.dma_semaphore, #tpu.memory_space<semaphore_mem>>
    %dma_wait3A_164 = tpu.memref_squeeze %dma_wait3A_163 : memref<1x!tpu.dma_semaphore, #tpu.memory_space<semaphore_mem>> -> memref<!tpu.dma_semaphore, #tpu.memory_space<semaphore_mem>>
    tpu.wait_indirect_dma semaphore(%dma_wait3A_164 : memref<!tpu.dma_semaphore, #tpu.memory_space<semaphore_mem>>) src(%arg9 : memref<80x16xf32, #tpu.memory_space<vmem>>) dst(%dma_wait3A_162 : memref<10240x16xf32, #tpu.memory_space<vmem_shared>>)
    %dma_wait3A_165 = arith.constant 123 : i32
    %dma_wait3A_166 = arith.constant 3 : i32
    %dma_wait3A_167 = arith.constant 0 : i32
    %dma_wait3A_168 = tpu.memref_slice %arg7[%dma_wait3A_165, %dma_wait3A_167] : memref<125x80xi32, #tpu.memory_space<vmem>> -> memref<1x80xi32, #tpu.memory_space<vmem>>
    %dma_wait3A_169 = tpu.memref_squeeze %dma_wait3A_168 : memref<1x80xi32, #tpu.memory_space<vmem>> -> memref<80xi32, #tpu.memory_space<vmem>>
    %dma_wait3A_170 = arith.constant 0 : i32
    %dma_wait3A_171 = arith.constant 0 : i32
    %dma_wait3A_172 = tpu.memref_slice %arg12[%dma_wait3A_170, %dma_wait3A_171] : memref<10240x16xf32, #tpu.memory_space<vmem_shared>> -> memref<10240x16xf32, #tpu.memory_space<vmem_shared>>
    %dma_wait3A_173 = tpu.memref_slice %arg10[%dma_wait3A_166] : memref<5x!tpu.dma_semaphore, #tpu.memory_space<semaphore_mem>> -> memref<1x!tpu.dma_semaphore, #tpu.memory_space<semaphore_mem>>
    %dma_wait3A_174 = tpu.memref_squeeze %dma_wait3A_173 : memref<1x!tpu.dma_semaphore, #tpu.memory_space<semaphore_mem>> -> memref<!tpu.dma_semaphore, #tpu.memory_space<semaphore_mem>>
    tpu.wait_indirect_dma semaphore(%dma_wait3A_174 : memref<!tpu.dma_semaphore, #tpu.memory_space<semaphore_mem>>) src(%arg9 : memref<80x16xf32, #tpu.memory_space<vmem>>) dst(%dma_wait3A_172 : memref<10240x16xf32, #tpu.memory_space<vmem_shared>>)
    %dma_wait3A_175 = arith.constant 123 : i32
    %dma_wait3A_176 = arith.constant 3 : i32
    %dma_wait3A_177 = arith.constant 0 : i32
    %dma_wait3A_178 = tpu.memref_slice %arg8[%dma_wait3A_175, %dma_wait3A_177] : memref<125x80xi32, #tpu.memory_space<vmem>> -> memref<1x80xi32, #tpu.memory_space<vmem>>
    %dma_wait3A_179 = tpu.memref_squeeze %dma_wait3A_178 : memref<1x80xi32, #tpu.memory_space<vmem>> -> memref<80xi32, #tpu.memory_space<vmem>>
    %dma_wait3A_180 = arith.constant 0 : i32
    %dma_wait3A_181 = arith.constant 0 : i32
    %dma_wait3A_182 = tpu.memref_slice %arg13[%dma_wait3A_180, %dma_wait3A_181] : memref<10240x16xf32, #tpu.memory_space<vmem_shared>> -> memref<10240x16xf32, #tpu.memory_space<vmem_shared>>
    %dma_wait3A_183 = tpu.memref_slice %arg11[%dma_wait3A_176] : memref<5x!tpu.dma_semaphore, #tpu.memory_space<semaphore_mem>> -> memref<1x!tpu.dma_semaphore, #tpu.memory_space<semaphore_mem>>
    %dma_wait3A_184 = tpu.memref_squeeze %dma_wait3A_183 : memref<1x!tpu.dma_semaphore, #tpu.memory_space<semaphore_mem>> -> memref<!tpu.dma_semaphore, #tpu.memory_space<semaphore_mem>>
    tpu.wait_indirect_dma semaphore(%dma_wait3A_184 : memref<!tpu.dma_semaphore, #tpu.memory_space<semaphore_mem>>) src(%arg9 : memref<80x16xf32, #tpu.memory_space<vmem>>) dst(%dma_wait3A_182 : memref<10240x16xf32, #tpu.memory_space<vmem_shared>>)
    %dma_wait3A_185 = arith.constant 124 : i32
    %dma_wait3A_186 = arith.constant 4 : i32
    %dma_wait3A_187 = arith.constant 0 : i32
    %dma_wait3A_188 = tpu.memref_slice %arg7[%dma_wait3A_185, %dma_wait3A_187] : memref<125x80xi32, #tpu.memory_space<vmem>> -> memref<1x80xi32, #tpu.memory_space<vmem>>
    %dma_wait3A_189 = tpu.memref_squeeze %dma_wait3A_188 : memref<1x80xi32, #tpu.memory_space<vmem>> -> memref<80xi32, #tpu.memory_space<vmem>>
    %dma_wait3A_190 = arith.constant 0 : i32
    %dma_wait3A_191 = arith.constant 0 : i32
    %dma_wait3A_192 = tpu.memref_slice %arg12[%dma_wait3A_190, %dma_wait3A_191] : memref<10240x16xf32, #tpu.memory_space<vmem_shared>> -> memref<10240x16xf32, #tpu.memory_space<vmem_shared>>
    %dma_wait3A_193 = tpu.memref_slice %arg10[%dma_wait3A_186] : memref<5x!tpu.dma_semaphore, #tpu.memory_space<semaphore_mem>> -> memref<1x!tpu.dma_semaphore, #tpu.memory_space<semaphore_mem>>
    %dma_wait3A_194 = tpu.memref_squeeze %dma_wait3A_193 : memref<1x!tpu.dma_semaphore, #tpu.memory_space<semaphore_mem>> -> memref<!tpu.dma_semaphore, #tpu.memory_space<semaphore_mem>>
    tpu.wait_indirect_dma semaphore(%dma_wait3A_194 : memref<!tpu.dma_semaphore, #tpu.memory_space<semaphore_mem>>) src(%arg9 : memref<80x16xf32, #tpu.memory_space<vmem>>) dst(%dma_wait3A_192 : memref<10240x16xf32, #tpu.memory_space<vmem_shared>>)
    %dma_wait3A_195 = arith.constant 124 : i32
    %dma_wait3A_196 = arith.constant 4 : i32
    %dma_wait3A_197 = arith.constant 0 : i32
    %dma_wait3A_198 = tpu.memref_slice %arg8[%dma_wait3A_195, %dma_wait3A_197] : memref<125x80xi32, #tpu.memory_space<vmem>> -> memref<1x80xi32, #tpu.memory_space<vmem>>
    %dma_wait3A_199 = tpu.memref_squeeze %dma_wait3A_198 : memref<1x80xi32, #tpu.memory_space<vmem>> -> memref<80xi32, #tpu.memory_space<vmem>>
    %dma_wait3A_200 = arith.constant 0 : i32
    %dma_wait3A_201 = arith.constant 0 : i32
    %dma_wait3A_202 = tpu.memref_slice %arg13[%dma_wait3A_200, %dma_wait3A_201] : memref<10240x16xf32, #tpu.memory_space<vmem_shared>> -> memref<10240x16xf32, #tpu.memory_space<vmem_shared>>
    %dma_wait3A_203 = tpu.memref_slice %arg11[%dma_wait3A_196] : memref<5x!tpu.dma_semaphore, #tpu.memory_space<semaphore_mem>> -> memref<1x!tpu.dma_semaphore, #tpu.memory_space<semaphore_mem>>
    %dma_wait3A_204 = tpu.memref_squeeze %dma_wait3A_203 : memref<1x!tpu.dma_semaphore, #tpu.memory_space<semaphore_mem>> -> memref<!tpu.dma_semaphore, #tpu.memory_space<semaphore_mem>>
    tpu.wait_indirect_dma semaphore(%dma_wait3A_204 : memref<!tpu.dma_semaphore, #tpu.memory_space<semaphore_mem>>) src(%arg9 : memref<80x16xf32, #tpu.memory_space<vmem>>) dst(%dma_wait3A_202 : memref<10240x16xf32, #tpu.memory_space<vmem_shared>>)
    %barrier3A_205 = arith.constant 0 : index
    tpu.barrier barrier_id(%barrier3A_205)
    %run_scoped3A = arith.constant 0 : i32
    "tpu.region"() ({
      %run_scoped3A_207 = tpu.sem_alloc : memref<!tpu.dma_semaphore, #tpu.memory_space<semaphore_mem>>
      %dma_start3A_208 = arith.constant 0 : i32
      %dma_start3A_209 = tpu.memref_slice %arg6[%arg0, %run_scoped3A, %mul3A_0, %dma_start3A_208] : memref<2x2x10240x16xf32, #tpu.memory_space<hbm>> -> memref<1x1x640x16xf32, #tpu.memory_space<hbm>>
      %dma_start3A_210 = tpu.memref_squeeze %dma_start3A_209 : memref<1x1x640x16xf32, #tpu.memory_space<hbm>> -> memref<640x16xf32, #tpu.memory_space<hbm>>
      %dma_start3A_211 = arith.constant 0 : i32
      %dma_start3A_212 = tpu.memref_slice %arg12[%mul3A_0, %dma_start3A_211] : memref<10240x16xf32, #tpu.memory_space<vmem_shared>> -> memref<640x16xf32, #tpu.memory_space<vmem_shared>>
      tpu.enqueue_dma source(%dma_start3A_212 : memref<640x16xf32, #tpu.memory_space<vmem_shared>>) target(%dma_start3A_210 : memref<640x16xf32, #tpu.memory_space<hbm>>) target_semaphore(%run_scoped3A_207 : memref<!tpu.dma_semaphore, #tpu.memory_space<semaphore_mem>>)
      %dma_wait3A_213 = arith.constant 0 : i32
      %dma_wait3A_214 = tpu.memref_slice %arg6[%arg0, %run_scoped3A, %mul3A_0, %dma_wait3A_213] : memref<2x2x10240x16xf32, #tpu.memory_space<hbm>> -> memref<1x1x640x16xf32, #tpu.memory_space<hbm>>
      %dma_wait3A_215 = tpu.memref_squeeze %dma_wait3A_214 : memref<1x1x640x16xf32, #tpu.memory_space<hbm>> -> memref<640x16xf32, #tpu.memory_space<hbm>>
      %dma_wait3A_216 = arith.constant 0 : i32
      %dma_wait3A_217 = tpu.memref_slice %arg12[%mul3A_0, %dma_wait3A_216] : memref<10240x16xf32, #tpu.memory_space<vmem_shared>> -> memref<640x16xf32, #tpu.memory_space<vmem_shared>>
      tpu.wait_dma2 semaphore(%run_scoped3A_207 : memref<!tpu.dma_semaphore, #tpu.memory_space<semaphore_mem>>) src(%dma_wait3A_217 : memref<640x16xf32, #tpu.memory_space<vmem_shared>>) dst(%dma_wait3A_215 : memref<640x16xf32, #tpu.memory_space<hbm>>)
      tpu.yield
    }) : () -> ()
    %run_scoped3A_206 = arith.constant 1 : i32
    "tpu.region"() ({
      %run_scoped3A_207 = tpu.sem_alloc : memref<!tpu.dma_semaphore, #tpu.memory_space<semaphore_mem>>
      %dma_start3A_208 = arith.constant 0 : i32
      %dma_start3A_209 = tpu.memref_slice %arg6[%arg0, %run_scoped3A_206, %mul3A_0, %dma_start3A_208] : memref<2x2x10240x16xf32, #tpu.memory_space<hbm>> -> memref<1x1x640x16xf32, #tpu.memory_space<hbm>>
      %dma_start3A_210 = tpu.memref_squeeze %dma_start3A_209 : memref<1x1x640x16xf32, #tpu.memory_space<hbm>> -> memref<640x16xf32, #tpu.memory_space<hbm>>
      %dma_start3A_211 = arith.constant 0 : i32
      %dma_start3A_212 = tpu.memref_slice %arg13[%mul3A_0, %dma_start3A_211] : memref<10240x16xf32, #tpu.memory_space<vmem_shared>> -> memref<640x16xf32, #tpu.memory_space<vmem_shared>>
      tpu.enqueue_dma source(%dma_start3A_212 : memref<640x16xf32, #tpu.memory_space<vmem_shared>>) target(%dma_start3A_210 : memref<640x16xf32, #tpu.memory_space<hbm>>) target_semaphore(%run_scoped3A_207 : memref<!tpu.dma_semaphore, #tpu.memory_space<semaphore_mem>>)
      %dma_wait3A_213 = arith.constant 0 : i32
      %dma_wait3A_214 = tpu.memref_slice %arg6[%arg0, %run_scoped3A_206, %mul3A_0, %dma_wait3A_213] : memref<2x2x10240x16xf32, #tpu.memory_space<hbm>> -> memref<1x1x640x16xf32, #tpu.memory_space<hbm>>
      %dma_wait3A_215 = tpu.memref_squeeze %dma_wait3A_214 : memref<1x1x640x16xf32, #tpu.memory_space<hbm>> -> memref<640x16xf32, #tpu.memory_space<hbm>>
      %dma_wait3A_216 = arith.constant 0 : i32
      %dma_wait3A_217 = tpu.memref_slice %arg13[%mul3A_0, %dma_wait3A_216] : memref<10240x16xf32, #tpu.memory_space<vmem_shared>> -> memref<640x16xf32, #tpu.memory_space<vmem_shared>>
      tpu.wait_dma2 semaphore(%run_scoped3A_207 : memref<!tpu.dma_semaphore, #tpu.memory_space<semaphore_mem>>) src(%dma_wait3A_217 : memref<640x16xf32, #tpu.memory_space<vmem_shared>>) dst(%dma_wait3A_215 : memref<640x16xf32, #tpu.memory_space<hbm>>)
      tpu.yield
    }) : () -> ()
    return
  }
}

#map = affine_map<(d0, d1) -> (0, 0)>
#map1 = affine_map<(d0, d1) -> (0, 0, 0)>
module attributes {stable_mosaic.version = 14 : i64} {
  func.func @_gs_body(%arg0: i32, %arg1: i32, %arg2: memref<10000x64xf32, #tpu.memory_space<hbm>>, %arg3: memref<32x125x80xi32, #tpu.memory_space<hbm>>, %arg4: memref<32x125x80xi32, #tpu.memory_space<hbm>>, %arg5: memref<10240x64xf32, #tpu.memory_space<hbm>>, %arg6: memref<2x10240x64xf32, #tpu.memory_space<hbm>>, %arg7: memref<125x80xi32, #tpu.memory_space<vmem>>, %arg8: memref<125x80xi32, #tpu.memory_space<vmem>>, %arg9: memref<8x80x64xf32, #tpu.memory_space<vmem>>, %arg10: memref<8x!tpu.dma_semaphore, #tpu.memory_space<semaphore_mem>>, %arg11: memref<8x!tpu.dma_semaphore, #tpu.memory_space<semaphore_mem>>, %arg12: memref<10240x64xf32, #tpu.memory_space<vmem_shared>>) attributes {dimension_semantics = [#tpu.dimension_semantics<core_parallel>, #tpu.dimension_semantics<subcore_parallel>], iteration_bounds = array<i64: 2, 16>, scalar_prefetch = 0 : i64, scratch_operands = 6 : i64, tpu.core_type = #tpu.core_type<sc_vector_subcore>, window_params = [{transform_indices = #map}, {transform_indices = #map1}, {transform_indices = #map1}, {transform_indices = #map}, {transform_indices = #map1}]} {
    %mul3A = arith.constant 640 : i32
    %mul3A_0 = arith.muli %arg1, %mul3A : i32
    "tpu.region"() ({
      %run_scoped3A_505 = tpu.sem_alloc : memref<!tpu.dma_semaphore, #tpu.memory_space<semaphore_mem>>
      %dma_start3A_506 = arith.constant 0 : i32
      %dma_start3A_507 = tpu.memref_slice %arg12[%mul3A_0, %dma_start3A_506] : memref<10240x64xf32, #tpu.memory_space<vmem_shared>> -> memref<640x64xf32, #tpu.memory_space<vmem_shared>>
      %dma_start3A_508 = arith.constant 0 : i32
      %dma_start3A_509 = tpu.memref_slice %arg5[%mul3A_0, %dma_start3A_508] : memref<10240x64xf32, #tpu.memory_space<hbm>> -> memref<640x64xf32, #tpu.memory_space<hbm>>
      tpu.enqueue_dma source(%dma_start3A_509 : memref<640x64xf32, #tpu.memory_space<hbm>>) target(%dma_start3A_507 : memref<640x64xf32, #tpu.memory_space<vmem_shared>>) target_semaphore(%run_scoped3A_505 : memref<!tpu.dma_semaphore, #tpu.memory_space<semaphore_mem>>)
      %dma_wait3A_510 = arith.constant 0 : i32
      %dma_wait3A_511 = tpu.memref_slice %arg12[%mul3A_0, %dma_wait3A_510] : memref<10240x64xf32, #tpu.memory_space<vmem_shared>> -> memref<640x64xf32, #tpu.memory_space<vmem_shared>>
      %dma_wait3A_512 = arith.constant 0 : i32
      %dma_wait3A_513 = tpu.memref_slice %arg5[%mul3A_0, %dma_wait3A_512] : memref<10240x64xf32, #tpu.memory_space<hbm>> -> memref<640x64xf32, #tpu.memory_space<hbm>>
      tpu.wait_dma2 semaphore(%run_scoped3A_505 : memref<!tpu.dma_semaphore, #tpu.memory_space<semaphore_mem>>) src(%dma_wait3A_513 : memref<640x64xf32, #tpu.memory_space<hbm>>) dst(%dma_wait3A_511 : memref<640x64xf32, #tpu.memory_space<vmem_shared>>)
      tpu.yield
    }) : () -> ()
    %mul3A_1 = arith.constant 16 : i32
    %mul3A_2 = arith.muli %arg0, %mul3A_1 : i32
    %add3A = arith.addi %mul3A_2, %arg1 : i32
    "tpu.region"() ({
      %run_scoped3A_505 = tpu.sem_alloc : memref<!tpu.dma_semaphore, #tpu.memory_space<semaphore_mem>>
      %dma_start3A_506 = arith.constant 0 : i32
      %dma_start3A_507 = arith.constant 0 : i32
      %dma_start3A_508 = tpu.memref_slice %arg3[%add3A, %dma_start3A_506, %dma_start3A_507] : memref<32x125x80xi32, #tpu.memory_space<hbm>> -> memref<1x125x80xi32, #tpu.memory_space<hbm>>
      %dma_start3A_509 = tpu.memref_squeeze %dma_start3A_508 : memref<1x125x80xi32, #tpu.memory_space<hbm>> -> memref<125x80xi32, #tpu.memory_space<hbm>>
      %dma_start3A_510 = arith.constant 0 : i32
      %dma_start3A_511 = arith.constant 0 : i32
      %dma_start3A_512 = tpu.memref_slice %arg3[%add3A, %dma_start3A_510, %dma_start3A_511] : memref<32x125x80xi32, #tpu.memory_space<hbm>> -> memref<1x125x80xi32, #tpu.memory_space<hbm>>
      %dma_start3A_513 = tpu.memref_squeeze %dma_start3A_512 : memref<1x125x80xi32, #tpu.memory_space<hbm>> -> memref<125x80xi32, #tpu.memory_space<hbm>>
      tpu.enqueue_dma source(%dma_start3A_513 : memref<125x80xi32, #tpu.memory_space<hbm>>) target(%arg7 : memref<125x80xi32, #tpu.memory_space<vmem>>) target_semaphore(%run_scoped3A_505 : memref<!tpu.dma_semaphore, #tpu.memory_space<semaphore_mem>>)
      %dma_wait3A_514 = arith.constant 0 : i32
      %dma_wait3A_515 = arith.constant 0 : i32
      %dma_wait3A_516 = tpu.memref_slice %arg3[%add3A, %dma_wait3A_514, %dma_wait3A_515] : memref<32x125x80xi32, #tpu.memory_space<hbm>> -> memref<1x125x80xi32, #tpu.memory_space<hbm>>
      %dma_wait3A_517 = tpu.memref_squeeze %dma_wait3A_516 : memref<1x125x80xi32, #tpu.memory_space<hbm>> -> memref<125x80xi32, #tpu.memory_space<hbm>>
      %dma_wait3A_518 = arith.constant 0 : i32
      %dma_wait3A_519 = arith.constant 0 : i32
      %dma_wait3A_520 = tpu.memref_slice %arg3[%add3A, %dma_wait3A_518, %dma_wait3A_519] : memref<32x125x80xi32, #tpu.memory_space<hbm>> -> memref<1x125x80xi32, #tpu.memory_space<hbm>>
      %dma_wait3A_521 = tpu.memref_squeeze %dma_wait3A_520 : memref<1x125x80xi32, #tpu.memory_space<hbm>> -> memref<125x80xi32, #tpu.memory_space<hbm>>
      tpu.wait_dma2 semaphore(%run_scoped3A_505 : memref<!tpu.dma_semaphore, #tpu.memory_space<semaphore_mem>>) src(%dma_wait3A_521 : memref<125x80xi32, #tpu.memory_space<hbm>>) dst(%arg7 : memref<125x80xi32, #tpu.memory_space<vmem>>)
      tpu.yield
    }) : () -> ()
    "tpu.region"() ({
      %run_scoped3A_505 = tpu.sem_alloc : memref<!tpu.dma_semaphore, #tpu.memory_space<semaphore_mem>>
      %dma_start3A_506 = arith.constant 0 : i32
      %dma_start3A_507 = arith.constant 0 : i32
      %dma_start3A_508 = tpu.memref_slice %arg4[%add3A, %dma_start3A_506, %dma_start3A_507] : memref<32x125x80xi32, #tpu.memory_space<hbm>> -> memref<1x125x80xi32, #tpu.memory_space<hbm>>
      %dma_start3A_509 = tpu.memref_squeeze %dma_start3A_508 : memref<1x125x80xi32, #tpu.memory_space<hbm>> -> memref<125x80xi32, #tpu.memory_space<hbm>>
      %dma_start3A_510 = arith.constant 0 : i32
      %dma_start3A_511 = arith.constant 0 : i32
      %dma_start3A_512 = tpu.memref_slice %arg4[%add3A, %dma_start3A_510, %dma_start3A_511] : memref<32x125x80xi32, #tpu.memory_space<hbm>> -> memref<1x125x80xi32, #tpu.memory_space<hbm>>
      %dma_start3A_513 = tpu.memref_squeeze %dma_start3A_512 : memref<1x125x80xi32, #tpu.memory_space<hbm>> -> memref<125x80xi32, #tpu.memory_space<hbm>>
      tpu.enqueue_dma source(%dma_start3A_513 : memref<125x80xi32, #tpu.memory_space<hbm>>) target(%arg8 : memref<125x80xi32, #tpu.memory_space<vmem>>) target_semaphore(%run_scoped3A_505 : memref<!tpu.dma_semaphore, #tpu.memory_space<semaphore_mem>>)
      %dma_wait3A_514 = arith.constant 0 : i32
      %dma_wait3A_515 = arith.constant 0 : i32
      %dma_wait3A_516 = tpu.memref_slice %arg4[%add3A, %dma_wait3A_514, %dma_wait3A_515] : memref<32x125x80xi32, #tpu.memory_space<hbm>> -> memref<1x125x80xi32, #tpu.memory_space<hbm>>
      %dma_wait3A_517 = tpu.memref_squeeze %dma_wait3A_516 : memref<1x125x80xi32, #tpu.memory_space<hbm>> -> memref<125x80xi32, #tpu.memory_space<hbm>>
      %dma_wait3A_518 = arith.constant 0 : i32
      %dma_wait3A_519 = arith.constant 0 : i32
      %dma_wait3A_520 = tpu.memref_slice %arg4[%add3A, %dma_wait3A_518, %dma_wait3A_519] : memref<32x125x80xi32, #tpu.memory_space<hbm>> -> memref<1x125x80xi32, #tpu.memory_space<hbm>>
      %dma_wait3A_521 = tpu.memref_squeeze %dma_wait3A_520 : memref<1x125x80xi32, #tpu.memory_space<hbm>> -> memref<125x80xi32, #tpu.memory_space<hbm>>
      tpu.wait_dma2 semaphore(%run_scoped3A_505 : memref<!tpu.dma_semaphore, #tpu.memory_space<semaphore_mem>>) src(%dma_wait3A_521 : memref<125x80xi32, #tpu.memory_space<hbm>>) dst(%arg8 : memref<125x80xi32, #tpu.memory_space<vmem>>)
      tpu.yield
    }) : () -> ()
    %barrier3A = arith.constant 0 : index
    tpu.barrier barrier_id(%barrier3A)
    %dma_start3A = arith.constant 0 : i32
    %dma_start3A_3 = arith.constant 0 : i32
    %dma_start3A_4 = arith.constant 0 : i32
    %dma_start3A_5 = arith.constant 0 : i32
    %dma_start3A_6 = arith.constant 0 : i32
    %dma_start3A_7 = tpu.memref_slice %arg9[%dma_start3A_3, %dma_start3A_5, %dma_start3A_6] : memref<8x80x64xf32, #tpu.memory_space<vmem>> -> memref<1x80x64xf32, #tpu.memory_space<vmem>>
    %dma_start3A_8 = tpu.memref_squeeze %dma_start3A_7 : memref<1x80x64xf32, #tpu.memory_space<vmem>> -> memref<80x64xf32, #tpu.memory_space<vmem>>
    %dma_start3A_9 = arith.constant 0 : i32
    %dma_start3A_10 = tpu.memref_slice %arg7[%dma_start3A, %dma_start3A_9] : memref<125x80xi32, #tpu.memory_space<vmem>> -> memref<1x80xi32, #tpu.memory_space<vmem>>
    %dma_start3A_11 = tpu.memref_squeeze %dma_start3A_10 : memref<1x80xi32, #tpu.memory_space<vmem>> -> memref<80xi32, #tpu.memory_space<vmem>>
    %dma_start3A_12 = arith.constant 0 : i32
    %dma_start3A_13 = arith.constant 0 : i32
    %dma_start3A_14 = tpu.memref_slice %arg2[%dma_start3A_12, %dma_start3A_13] : memref<10000x64xf32, #tpu.memory_space<hbm>> -> memref<10000x64xf32, #tpu.memory_space<hbm>>
    %dma_start3A_15 = tpu.memref_slice %arg10[%dma_start3A_4] : memref<8x!tpu.dma_semaphore, #tpu.memory_space<semaphore_mem>> -> memref<1x!tpu.dma_semaphore, #tpu.memory_space<semaphore_mem>>
    %dma_start3A_16 = tpu.memref_squeeze %dma_start3A_15 : memref<1x!tpu.dma_semaphore, #tpu.memory_space<semaphore_mem>> -> memref<!tpu.dma_semaphore, #tpu.memory_space<semaphore_mem>>
    tpu.enqueue_indirect_dma source(%dma_start3A_14 : memref<10000x64xf32, #tpu.memory_space<hbm>>) target(%dma_start3A_8 : memref<80x64xf32, #tpu.memory_space<vmem>>) offsets(%dma_start3A_11 : memref<80xi32, #tpu.memory_space<vmem>>) semaphore(%dma_start3A_16 : memref<!tpu.dma_semaphore, #tpu.memory_space<semaphore_mem>>)
    %dma_start3A_17 = arith.constant 1 : i32
    %dma_start3A_18 = arith.constant 1 : i32
    %dma_start3A_19 = arith.constant 1 : i32
    %dma_start3A_20 = arith.constant 0 : i32
    %dma_start3A_21 = arith.constant 0 : i32
    %dma_start3A_22 = tpu.memref_slice %arg9[%dma_start3A_18, %dma_start3A_20, %dma_start3A_21] : memref<8x80x64xf32, #tpu.memory_space<vmem>> -> memref<1x80x64xf32, #tpu.memory_space<vmem>>
    %dma_start3A_23 = tpu.memref_squeeze %dma_start3A_22 : memref<1x80x64xf32, #tpu.memory_space<vmem>> -> memref<80x64xf32, #tpu.memory_space<vmem>>
    %dma_start3A_24 = arith.constant 0 : i32
    %dma_start3A_25 = tpu.memref_slice %arg7[%dma_start3A_17, %dma_start3A_24] : memref<125x80xi32, #tpu.memory_space<vmem>> -> memref<1x80xi32, #tpu.memory_space<vmem>>
    %dma_start3A_26 = tpu.memref_squeeze %dma_start3A_25 : memref<1x80xi32, #tpu.memory_space<vmem>> -> memref<80xi32, #tpu.memory_space<vmem>>
    %dma_start3A_27 = arith.constant 0 : i32
    %dma_start3A_28 = arith.constant 0 : i32
    %dma_start3A_29 = tpu.memref_slice %arg2[%dma_start3A_27, %dma_start3A_28] : memref<10000x64xf32, #tpu.memory_space<hbm>> -> memref<10000x64xf32, #tpu.memory_space<hbm>>
    %dma_start3A_30 = tpu.memref_slice %arg10[%dma_start3A_19] : memref<8x!tpu.dma_semaphore, #tpu.memory_space<semaphore_mem>> -> memref<1x!tpu.dma_semaphore, #tpu.memory_space<semaphore_mem>>
    %dma_start3A_31 = tpu.memref_squeeze %dma_start3A_30 : memref<1x!tpu.dma_semaphore, #tpu.memory_space<semaphore_mem>> -> memref<!tpu.dma_semaphore, #tpu.memory_space<semaphore_mem>>
    tpu.enqueue_indirect_dma source(%dma_start3A_29 : memref<10000x64xf32, #tpu.memory_space<hbm>>) target(%dma_start3A_23 : memref<80x64xf32, #tpu.memory_space<vmem>>) offsets(%dma_start3A_26 : memref<80xi32, #tpu.memory_space<vmem>>) semaphore(%dma_start3A_31 : memref<!tpu.dma_semaphore, #tpu.memory_space<semaphore_mem>>)
    %dma_start3A_32 = arith.constant 2 : i32
    %dma_start3A_33 = arith.constant 2 : i32
    %dma_start3A_34 = arith.constant 2 : i32
    %dma_start3A_35 = arith.constant 0 : i32
    %dma_start3A_36 = arith.constant 0 : i32
    %dma_start3A_37 = tpu.memref_slice %arg9[%dma_start3A_33, %dma_start3A_35, %dma_start3A_36] : memref<8x80x64xf32, #tpu.memory_space<vmem>> -> memref<1x80x64xf32, #tpu.memory_space<vmem>>
    %dma_start3A_38 = tpu.memref_squeeze %dma_start3A_37 : memref<1x80x64xf32, #tpu.memory_space<vmem>> -> memref<80x64xf32, #tpu.memory_space<vmem>>
    %dma_start3A_39 = arith.constant 0 : i32
    %dma_start3A_40 = tpu.memref_slice %arg7[%dma_start3A_32, %dma_start3A_39] : memref<125x80xi32, #tpu.memory_space<vmem>> -> memref<1x80xi32, #tpu.memory_space<vmem>>
    %dma_start3A_41 = tpu.memref_squeeze %dma_start3A_40 : memref<1x80xi32, #tpu.memory_space<vmem>> -> memref<80xi32, #tpu.memory_space<vmem>>
    %dma_start3A_42 = arith.constant 0 : i32
    %dma_start3A_43 = arith.constant 0 : i32
    %dma_start3A_44 = tpu.memref_slice %arg2[%dma_start3A_42, %dma_start3A_43] : memref<10000x64xf32, #tpu.memory_space<hbm>> -> memref<10000x64xf32, #tpu.memory_space<hbm>>
    %dma_start3A_45 = tpu.memref_slice %arg10[%dma_start3A_34] : memref<8x!tpu.dma_semaphore, #tpu.memory_space<semaphore_mem>> -> memref<1x!tpu.dma_semaphore, #tpu.memory_space<semaphore_mem>>
    %dma_start3A_46 = tpu.memref_squeeze %dma_start3A_45 : memref<1x!tpu.dma_semaphore, #tpu.memory_space<semaphore_mem>> -> memref<!tpu.dma_semaphore, #tpu.memory_space<semaphore_mem>>
    tpu.enqueue_indirect_dma source(%dma_start3A_44 : memref<10000x64xf32, #tpu.memory_space<hbm>>) target(%dma_start3A_38 : memref<80x64xf32, #tpu.memory_space<vmem>>) offsets(%dma_start3A_41 : memref<80xi32, #tpu.memory_space<vmem>>) semaphore(%dma_start3A_46 : memref<!tpu.dma_semaphore, #tpu.memory_space<semaphore_mem>>)
    %dma_start3A_47 = arith.constant 3 : i32
    %dma_start3A_48 = arith.constant 3 : i32
    %dma_start3A_49 = arith.constant 3 : i32
    %dma_start3A_50 = arith.constant 0 : i32
    %dma_start3A_51 = arith.constant 0 : i32
    %dma_start3A_52 = tpu.memref_slice %arg9[%dma_start3A_48, %dma_start3A_50, %dma_start3A_51] : memref<8x80x64xf32, #tpu.memory_space<vmem>> -> memref<1x80x64xf32, #tpu.memory_space<vmem>>
    %dma_start3A_53 = tpu.memref_squeeze %dma_start3A_52 : memref<1x80x64xf32, #tpu.memory_space<vmem>> -> memref<80x64xf32, #tpu.memory_space<vmem>>
    %dma_start3A_54 = arith.constant 0 : i32
    %dma_start3A_55 = tpu.memref_slice %arg7[%dma_start3A_47, %dma_start3A_54] : memref<125x80xi32, #tpu.memory_space<vmem>> -> memref<1x80xi32, #tpu.memory_space<vmem>>
    %dma_start3A_56 = tpu.memref_squeeze %dma_start3A_55 : memref<1x80xi32, #tpu.memory_space<vmem>> -> memref<80xi32, #tpu.memory_space<vmem>>
    %dma_start3A_57 = arith.constant 0 : i32
    %dma_start3A_58 = arith.constant 0 : i32
    %dma_start3A_59 = tpu.memref_slice %arg2[%dma_start3A_57, %dma_start3A_58] : memref<10000x64xf32, #tpu.memory_space<hbm>> -> memref<10000x64xf32, #tpu.memory_space<hbm>>
    %dma_start3A_60 = tpu.memref_slice %arg10[%dma_start3A_49] : memref<8x!tpu.dma_semaphore, #tpu.memory_space<semaphore_mem>> -> memref<1x!tpu.dma_semaphore, #tpu.memory_space<semaphore_mem>>
    %dma_start3A_61 = tpu.memref_squeeze %dma_start3A_60 : memref<1x!tpu.dma_semaphore, #tpu.memory_space<semaphore_mem>> -> memref<!tpu.dma_semaphore, #tpu.memory_space<semaphore_mem>>
    tpu.enqueue_indirect_dma source(%dma_start3A_59 : memref<10000x64xf32, #tpu.memory_space<hbm>>) target(%dma_start3A_53 : memref<80x64xf32, #tpu.memory_space<vmem>>) offsets(%dma_start3A_56 : memref<80xi32, #tpu.memory_space<vmem>>) semaphore(%dma_start3A_61 : memref<!tpu.dma_semaphore, #tpu.memory_space<semaphore_mem>>)
    %dma_start3A_62 = arith.constant 4 : i32
    %dma_start3A_63 = arith.constant 4 : i32
    %dma_start3A_64 = arith.constant 4 : i32
    %dma_start3A_65 = arith.constant 0 : i32
    %dma_start3A_66 = arith.constant 0 : i32
    %dma_start3A_67 = tpu.memref_slice %arg9[%dma_start3A_63, %dma_start3A_65, %dma_start3A_66] : memref<8x80x64xf32, #tpu.memory_space<vmem>> -> memref<1x80x64xf32, #tpu.memory_space<vmem>>
    %dma_start3A_68 = tpu.memref_squeeze %dma_start3A_67 : memref<1x80x64xf32, #tpu.memory_space<vmem>> -> memref<80x64xf32, #tpu.memory_space<vmem>>
    %dma_start3A_69 = arith.constant 0 : i32
    %dma_start3A_70 = tpu.memref_slice %arg7[%dma_start3A_62, %dma_start3A_69] : memref<125x80xi32, #tpu.memory_space<vmem>> -> memref<1x80xi32, #tpu.memory_space<vmem>>
    %dma_start3A_71 = tpu.memref_squeeze %dma_start3A_70 : memref<1x80xi32, #tpu.memory_space<vmem>> -> memref<80xi32, #tpu.memory_space<vmem>>
    %dma_start3A_72 = arith.constant 0 : i32
    %dma_start3A_73 = arith.constant 0 : i32
    %dma_start3A_74 = tpu.memref_slice %arg2[%dma_start3A_72, %dma_start3A_73] : memref<10000x64xf32, #tpu.memory_space<hbm>> -> memref<10000x64xf32, #tpu.memory_space<hbm>>
    %dma_start3A_75 = tpu.memref_slice %arg10[%dma_start3A_64] : memref<8x!tpu.dma_semaphore, #tpu.memory_space<semaphore_mem>> -> memref<1x!tpu.dma_semaphore, #tpu.memory_space<semaphore_mem>>
    %dma_start3A_76 = tpu.memref_squeeze %dma_start3A_75 : memref<1x!tpu.dma_semaphore, #tpu.memory_space<semaphore_mem>> -> memref<!tpu.dma_semaphore, #tpu.memory_space<semaphore_mem>>
    tpu.enqueue_indirect_dma source(%dma_start3A_74 : memref<10000x64xf32, #tpu.memory_space<hbm>>) target(%dma_start3A_68 : memref<80x64xf32, #tpu.memory_space<vmem>>) offsets(%dma_start3A_71 : memref<80xi32, #tpu.memory_space<vmem>>) semaphore(%dma_start3A_76 : memref<!tpu.dma_semaphore, #tpu.memory_space<semaphore_mem>>)
    %dma_start3A_77 = arith.constant 5 : i32
    %dma_start3A_78 = arith.constant 5 : i32
    %dma_start3A_79 = arith.constant 5 : i32
    %dma_start3A_80 = arith.constant 0 : i32
    %dma_start3A_81 = arith.constant 0 : i32
    %dma_start3A_82 = tpu.memref_slice %arg9[%dma_start3A_78, %dma_start3A_80, %dma_start3A_81] : memref<8x80x64xf32, #tpu.memory_space<vmem>> -> memref<1x80x64xf32, #tpu.memory_space<vmem>>
    %dma_start3A_83 = tpu.memref_squeeze %dma_start3A_82 : memref<1x80x64xf32, #tpu.memory_space<vmem>> -> memref<80x64xf32, #tpu.memory_space<vmem>>
    %dma_start3A_84 = arith.constant 0 : i32
    %dma_start3A_85 = tpu.memref_slice %arg7[%dma_start3A_77, %dma_start3A_84] : memref<125x80xi32, #tpu.memory_space<vmem>> -> memref<1x80xi32, #tpu.memory_space<vmem>>
    %dma_start3A_86 = tpu.memref_squeeze %dma_start3A_85 : memref<1x80xi32, #tpu.memory_space<vmem>> -> memref<80xi32, #tpu.memory_space<vmem>>
    %dma_start3A_87 = arith.constant 0 : i32
    %dma_start3A_88 = arith.constant 0 : i32
    %dma_start3A_89 = tpu.memref_slice %arg2[%dma_start3A_87, %dma_start3A_88] : memref<10000x64xf32, #tpu.memory_space<hbm>> -> memref<10000x64xf32, #tpu.memory_space<hbm>>
    %dma_start3A_90 = tpu.memref_slice %arg10[%dma_start3A_79] : memref<8x!tpu.dma_semaphore, #tpu.memory_space<semaphore_mem>> -> memref<1x!tpu.dma_semaphore, #tpu.memory_space<semaphore_mem>>
    %dma_start3A_91 = tpu.memref_squeeze %dma_start3A_90 : memref<1x!tpu.dma_semaphore, #tpu.memory_space<semaphore_mem>> -> memref<!tpu.dma_semaphore, #tpu.memory_space<semaphore_mem>>
    tpu.enqueue_indirect_dma source(%dma_start3A_89 : memref<10000x64xf32, #tpu.memory_space<hbm>>) target(%dma_start3A_83 : memref<80x64xf32, #tpu.memory_space<vmem>>) offsets(%dma_start3A_86 : memref<80xi32, #tpu.memory_space<vmem>>) semaphore(%dma_start3A_91 : memref<!tpu.dma_semaphore, #tpu.memory_space<semaphore_mem>>)
    %dma_start3A_92 = arith.constant 6 : i32
    %dma_start3A_93 = arith.constant 6 : i32
    %dma_start3A_94 = arith.constant 6 : i32
    %dma_start3A_95 = arith.constant 0 : i32
    %dma_start3A_96 = arith.constant 0 : i32
    %dma_start3A_97 = tpu.memref_slice %arg9[%dma_start3A_93, %dma_start3A_95, %dma_start3A_96] : memref<8x80x64xf32, #tpu.memory_space<vmem>> -> memref<1x80x64xf32, #tpu.memory_space<vmem>>
    %dma_start3A_98 = tpu.memref_squeeze %dma_start3A_97 : memref<1x80x64xf32, #tpu.memory_space<vmem>> -> memref<80x64xf32, #tpu.memory_space<vmem>>
    %dma_start3A_99 = arith.constant 0 : i32
    %dma_start3A_100 = tpu.memref_slice %arg7[%dma_start3A_92, %dma_start3A_99] : memref<125x80xi32, #tpu.memory_space<vmem>> -> memref<1x80xi32, #tpu.memory_space<vmem>>
    %dma_start3A_101 = tpu.memref_squeeze %dma_start3A_100 : memref<1x80xi32, #tpu.memory_space<vmem>> -> memref<80xi32, #tpu.memory_space<vmem>>
    %dma_start3A_102 = arith.constant 0 : i32
    %dma_start3A_103 = arith.constant 0 : i32
    %dma_start3A_104 = tpu.memref_slice %arg2[%dma_start3A_102, %dma_start3A_103] : memref<10000x64xf32, #tpu.memory_space<hbm>> -> memref<10000x64xf32, #tpu.memory_space<hbm>>
    %dma_start3A_105 = tpu.memref_slice %arg10[%dma_start3A_94] : memref<8x!tpu.dma_semaphore, #tpu.memory_space<semaphore_mem>> -> memref<1x!tpu.dma_semaphore, #tpu.memory_space<semaphore_mem>>
    %dma_start3A_106 = tpu.memref_squeeze %dma_start3A_105 : memref<1x!tpu.dma_semaphore, #tpu.memory_space<semaphore_mem>> -> memref<!tpu.dma_semaphore, #tpu.memory_space<semaphore_mem>>
    tpu.enqueue_indirect_dma source(%dma_start3A_104 : memref<10000x64xf32, #tpu.memory_space<hbm>>) target(%dma_start3A_98 : memref<80x64xf32, #tpu.memory_space<vmem>>) offsets(%dma_start3A_101 : memref<80xi32, #tpu.memory_space<vmem>>) semaphore(%dma_start3A_106 : memref<!tpu.dma_semaphore, #tpu.memory_space<semaphore_mem>>)
    %dma_start3A_107 = arith.constant 7 : i32
    %dma_start3A_108 = arith.constant 7 : i32
    %dma_start3A_109 = arith.constant 7 : i32
    %dma_start3A_110 = arith.constant 0 : i32
    %dma_start3A_111 = arith.constant 0 : i32
    %dma_start3A_112 = tpu.memref_slice %arg9[%dma_start3A_108, %dma_start3A_110, %dma_start3A_111] : memref<8x80x64xf32, #tpu.memory_space<vmem>> -> memref<1x80x64xf32, #tpu.memory_space<vmem>>
    %dma_start3A_113 = tpu.memref_squeeze %dma_start3A_112 : memref<1x80x64xf32, #tpu.memory_space<vmem>> -> memref<80x64xf32, #tpu.memory_space<vmem>>
    %dma_start3A_114 = arith.constant 0 : i32
    %dma_start3A_115 = tpu.memref_slice %arg7[%dma_start3A_107, %dma_start3A_114] : memref<125x80xi32, #tpu.memory_space<vmem>> -> memref<1x80xi32, #tpu.memory_space<vmem>>
    %dma_start3A_116 = tpu.memref_squeeze %dma_start3A_115 : memref<1x80xi32, #tpu.memory_space<vmem>> -> memref<80xi32, #tpu.memory_space<vmem>>
    %dma_start3A_117 = arith.constant 0 : i32
    %dma_start3A_118 = arith.constant 0 : i32
    %dma_start3A_119 = tpu.memref_slice %arg2[%dma_start3A_117, %dma_start3A_118] : memref<10000x64xf32, #tpu.memory_space<hbm>> -> memref<10000x64xf32, #tpu.memory_space<hbm>>
    %dma_start3A_120 = tpu.memref_slice %arg10[%dma_start3A_109] : memref<8x!tpu.dma_semaphore, #tpu.memory_space<semaphore_mem>> -> memref<1x!tpu.dma_semaphore, #tpu.memory_space<semaphore_mem>>
    %dma_start3A_121 = tpu.memref_squeeze %dma_start3A_120 : memref<1x!tpu.dma_semaphore, #tpu.memory_space<semaphore_mem>> -> memref<!tpu.dma_semaphore, #tpu.memory_space<semaphore_mem>>
    tpu.enqueue_indirect_dma source(%dma_start3A_119 : memref<10000x64xf32, #tpu.memory_space<hbm>>) target(%dma_start3A_113 : memref<80x64xf32, #tpu.memory_space<vmem>>) offsets(%dma_start3A_116 : memref<80xi32, #tpu.memory_space<vmem>>) semaphore(%dma_start3A_121 : memref<!tpu.dma_semaphore, #tpu.memory_space<semaphore_mem>>)
    %scan3A = arith.constant 0 : i32
    %scan3A_122 = arith.constant 14 : i32
    %scan3A_123 = arith.addi %scan3A, %scan3A_122 : i32
    %scan3A_124 = arith.constant 1 : i32
    scf.for %scan3A_505 = %scan3A to %scan3A_123 step %scan3A_124  : i32 {
      %mul3A_506 = arith.constant 1 : i32
      %mul3A_507 = arith.muli %scan3A_505, %mul3A_506 : i32
      %add3A_508 = arith.constant 0 : i32
      %add3A_509 = arith.addi %add3A_508, %mul3A_507 : i32
      %mul3A_510 = arith.constant 8 : i32
      %mul3A_511 = arith.muli %add3A_509, %mul3A_510 : i32
      %add3A_512 = arith.constant 0 : i32
      %add3A_513 = arith.addi %mul3A_511, %add3A_512 : i32
      %dma_wait3A_514 = arith.constant 0 : i32
      %dma_wait3A_515 = arith.constant 0 : i32
      %dma_wait3A_516 = arith.constant 0 : i32
      %dma_wait3A_517 = arith.constant 0 : i32
      %dma_wait3A_518 = tpu.memref_slice %arg9[%dma_wait3A_514, %dma_wait3A_516, %dma_wait3A_517] : memref<8x80x64xf32, #tpu.memory_space<vmem>> -> memref<1x80x64xf32, #tpu.memory_space<vmem>>
      %dma_wait3A_519 = tpu.memref_squeeze %dma_wait3A_518 : memref<1x80x64xf32, #tpu.memory_space<vmem>> -> memref<80x64xf32, #tpu.memory_space<vmem>>
      %dma_wait3A_520 = arith.constant 0 : i32
      %dma_wait3A_521 = tpu.memref_slice %arg7[%add3A_513, %dma_wait3A_520] : memref<125x80xi32, #tpu.memory_space<vmem>> -> memref<1x80xi32, #tpu.memory_space<vmem>>
      %dma_wait3A_522 = tpu.memref_squeeze %dma_wait3A_521 : memref<1x80xi32, #tpu.memory_space<vmem>> -> memref<80xi32, #tpu.memory_space<vmem>>
      %dma_wait3A_523 = arith.constant 0 : i32
      %dma_wait3A_524 = arith.constant 0 : i32
      %dma_wait3A_525 = tpu.memref_slice %arg2[%dma_wait3A_523, %dma_wait3A_524] : memref<10000x64xf32, #tpu.memory_space<hbm>> -> memref<10000x64xf32, #tpu.memory_space<hbm>>
      %dma_wait3A_526 = tpu.memref_slice %arg10[%dma_wait3A_515] : memref<8x!tpu.dma_semaphore, #tpu.memory_space<semaphore_mem>> -> memref<1x!tpu.dma_semaphore, #tpu.memory_space<semaphore_mem>>
      %dma_wait3A_527 = tpu.memref_squeeze %dma_wait3A_526 : memref<1x!tpu.dma_semaphore, #tpu.memory_space<semaphore_mem>> -> memref<!tpu.dma_semaphore, #tpu.memory_space<semaphore_mem>>
      tpu.wait_indirect_dma semaphore(%dma_wait3A_527 : memref<!tpu.dma_semaphore, #tpu.memory_space<semaphore_mem>>) src(%dma_wait3A_525 : memref<10000x64xf32, #tpu.memory_space<hbm>>) dst(%dma_wait3A_519 : memref<80x64xf32, #tpu.memory_space<vmem>>)
      %add3A_528 = arith.constant 0 : i32
      %add3A_529 = arith.addi %mul3A_511, %add3A_528 : i32
      %dma_start3A_530 = arith.constant 0 : i32
      %dma_start3A_531 = arith.constant 0 : i32
      %dma_start3A_532 = arith.constant 0 : i32
      %dma_start3A_533 = arith.constant 0 : i32
      %dma_start3A_534 = tpu.memref_slice %arg9[%dma_start3A_530, %dma_start3A_532, %dma_start3A_533] : memref<8x80x64xf32, #tpu.memory_space<vmem>> -> memref<1x80x64xf32, #tpu.memory_space<vmem>>
      %dma_start3A_535 = tpu.memref_squeeze %dma_start3A_534 : memref<1x80x64xf32, #tpu.memory_space<vmem>> -> memref<80x64xf32, #tpu.memory_space<vmem>>
      %dma_start3A_536 = arith.constant 0 : i32
      %dma_start3A_537 = tpu.memref_slice %arg8[%add3A_529, %dma_start3A_536] : memref<125x80xi32, #tpu.memory_space<vmem>> -> memref<1x80xi32, #tpu.memory_space<vmem>>
      %dma_start3A_538 = tpu.memref_squeeze %dma_start3A_537 : memref<1x80xi32, #tpu.memory_space<vmem>> -> memref<80xi32, #tpu.memory_space<vmem>>
      %dma_start3A_539 = arith.constant 0 : i32
      %dma_start3A_540 = arith.constant 0 : i32
      %dma_start3A_541 = tpu.memref_slice %arg12[%dma_start3A_539, %dma_start3A_540] : memref<10240x64xf32, #tpu.memory_space<vmem_shared>> -> memref<10240x64xf32, #tpu.memory_space<vmem_shared>>
      %dma_start3A_542 = tpu.memref_slice %arg11[%dma_start3A_531] : memref<8x!tpu.dma_semaphore, #tpu.memory_space<semaphore_mem>> -> memref<1x!tpu.dma_semaphore, #tpu.memory_space<semaphore_mem>>
      %dma_start3A_543 = tpu.memref_squeeze %dma_start3A_542 : memref<1x!tpu.dma_semaphore, #tpu.memory_space<semaphore_mem>> -> memref<!tpu.dma_semaphore, #tpu.memory_space<semaphore_mem>>
      tpu.enqueue_indirect_dma source(%dma_start3A_535 : memref<80x64xf32, #tpu.memory_space<vmem>>) target(%dma_start3A_541 : memref<10240x64xf32, #tpu.memory_space<vmem_shared>>) offsets(%dma_start3A_538 : memref<80xi32, #tpu.memory_space<vmem>>) semaphore(%dma_start3A_543 : memref<!tpu.dma_semaphore, #tpu.memory_space<semaphore_mem>>) {add = true}
      %add3A_544 = arith.constant 1 : i32
      %add3A_545 = arith.addi %mul3A_511, %add3A_544 : i32
      %dma_wait3A_546 = arith.constant 1 : i32
      %dma_wait3A_547 = arith.constant 1 : i32
      %dma_wait3A_548 = arith.constant 0 : i32
      %dma_wait3A_549 = arith.constant 0 : i32
      %dma_wait3A_550 = tpu.memref_slice %arg9[%dma_wait3A_546, %dma_wait3A_548, %dma_wait3A_549] : memref<8x80x64xf32, #tpu.memory_space<vmem>> -> memref<1x80x64xf32, #tpu.memory_space<vmem>>
      %dma_wait3A_551 = tpu.memref_squeeze %dma_wait3A_550 : memref<1x80x64xf32, #tpu.memory_space<vmem>> -> memref<80x64xf32, #tpu.memory_space<vmem>>
      %dma_wait3A_552 = arith.constant 0 : i32
      %dma_wait3A_553 = tpu.memref_slice %arg7[%add3A_545, %dma_wait3A_552] : memref<125x80xi32, #tpu.memory_space<vmem>> -> memref<1x80xi32, #tpu.memory_space<vmem>>
      %dma_wait3A_554 = tpu.memref_squeeze %dma_wait3A_553 : memref<1x80xi32, #tpu.memory_space<vmem>> -> memref<80xi32, #tpu.memory_space<vmem>>
      %dma_wait3A_555 = arith.constant 0 : i32
      %dma_wait3A_556 = arith.constant 0 : i32
      %dma_wait3A_557 = tpu.memref_slice %arg2[%dma_wait3A_555, %dma_wait3A_556] : memref<10000x64xf32, #tpu.memory_space<hbm>> -> memref<10000x64xf32, #tpu.memory_space<hbm>>
      %dma_wait3A_558 = tpu.memref_slice %arg10[%dma_wait3A_547] : memref<8x!tpu.dma_semaphore, #tpu.memory_space<semaphore_mem>> -> memref<1x!tpu.dma_semaphore, #tpu.memory_space<semaphore_mem>>
      %dma_wait3A_559 = tpu.memref_squeeze %dma_wait3A_558 : memref<1x!tpu.dma_semaphore, #tpu.memory_space<semaphore_mem>> -> memref<!tpu.dma_semaphore, #tpu.memory_space<semaphore_mem>>
      tpu.wait_indirect_dma semaphore(%dma_wait3A_559 : memref<!tpu.dma_semaphore, #tpu.memory_space<semaphore_mem>>) src(%dma_wait3A_557 : memref<10000x64xf32, #tpu.memory_space<hbm>>) dst(%dma_wait3A_551 : memref<80x64xf32, #tpu.memory_space<vmem>>)
      %add3A_560 = arith.constant 1 : i32
      %add3A_561 = arith.addi %mul3A_511, %add3A_560 : i32
      %dma_start3A_562 = arith.constant 1 : i32
      %dma_start3A_563 = arith.constant 1 : i32
      %dma_start3A_564 = arith.constant 0 : i32
      %dma_start3A_565 = arith.constant 0 : i32
      %dma_start3A_566 = tpu.memref_slice %arg9[%dma_start3A_562, %dma_start3A_564, %dma_start3A_565] : memref<8x80x64xf32, #tpu.memory_space<vmem>> -> memref<1x80x64xf32, #tpu.memory_space<vmem>>
      %dma_start3A_567 = tpu.memref_squeeze %dma_start3A_566 : memref<1x80x64xf32, #tpu.memory_space<vmem>> -> memref<80x64xf32, #tpu.memory_space<vmem>>
      %dma_start3A_568 = arith.constant 0 : i32
      %dma_start3A_569 = tpu.memref_slice %arg8[%add3A_561, %dma_start3A_568] : memref<125x80xi32, #tpu.memory_space<vmem>> -> memref<1x80xi32, #tpu.memory_space<vmem>>
      %dma_start3A_570 = tpu.memref_squeeze %dma_start3A_569 : memref<1x80xi32, #tpu.memory_space<vmem>> -> memref<80xi32, #tpu.memory_space<vmem>>
      %dma_start3A_571 = arith.constant 0 : i32
      %dma_start3A_572 = arith.constant 0 : i32
      %dma_start3A_573 = tpu.memref_slice %arg12[%dma_start3A_571, %dma_start3A_572] : memref<10240x64xf32, #tpu.memory_space<vmem_shared>> -> memref<10240x64xf32, #tpu.memory_space<vmem_shared>>
      %dma_start3A_574 = tpu.memref_slice %arg11[%dma_start3A_563] : memref<8x!tpu.dma_semaphore, #tpu.memory_space<semaphore_mem>> -> memref<1x!tpu.dma_semaphore, #tpu.memory_space<semaphore_mem>>
      %dma_start3A_575 = tpu.memref_squeeze %dma_start3A_574 : memref<1x!tpu.dma_semaphore, #tpu.memory_space<semaphore_mem>> -> memref<!tpu.dma_semaphore, #tpu.memory_space<semaphore_mem>>
      tpu.enqueue_indirect_dma source(%dma_start3A_567 : memref<80x64xf32, #tpu.memory_space<vmem>>) target(%dma_start3A_573 : memref<10240x64xf32, #tpu.memory_space<vmem_shared>>) offsets(%dma_start3A_570 : memref<80xi32, #tpu.memory_space<vmem>>) semaphore(%dma_start3A_575 : memref<!tpu.dma_semaphore, #tpu.memory_space<semaphore_mem>>) {add = true}
      %add3A_576 = arith.constant 2 : i32
      %add3A_577 = arith.addi %mul3A_511, %add3A_576 : i32
      %dma_wait3A_578 = arith.constant 2 : i32
      %dma_wait3A_579 = arith.constant 2 : i32
      %dma_wait3A_580 = arith.constant 0 : i32
      %dma_wait3A_581 = arith.constant 0 : i32
      %dma_wait3A_582 = tpu.memref_slice %arg9[%dma_wait3A_578, %dma_wait3A_580, %dma_wait3A_581] : memref<8x80x64xf32, #tpu.memory_space<vmem>> -> memref<1x80x64xf32, #tpu.memory_space<vmem>>
      %dma_wait3A_583 = tpu.memref_squeeze %dma_wait3A_582 : memref<1x80x64xf32, #tpu.memory_space<vmem>> -> memref<80x64xf32, #tpu.memory_space<vmem>>
      %dma_wait3A_584 = arith.constant 0 : i32
      %dma_wait3A_585 = tpu.memref_slice %arg7[%add3A_577, %dma_wait3A_584] : memref<125x80xi32, #tpu.memory_space<vmem>> -> memref<1x80xi32, #tpu.memory_space<vmem>>
      %dma_wait3A_586 = tpu.memref_squeeze %dma_wait3A_585 : memref<1x80xi32, #tpu.memory_space<vmem>> -> memref<80xi32, #tpu.memory_space<vmem>>
      %dma_wait3A_587 = arith.constant 0 : i32
      %dma_wait3A_588 = arith.constant 0 : i32
      %dma_wait3A_589 = tpu.memref_slice %arg2[%dma_wait3A_587, %dma_wait3A_588] : memref<10000x64xf32, #tpu.memory_space<hbm>> -> memref<10000x64xf32, #tpu.memory_space<hbm>>
      %dma_wait3A_590 = tpu.memref_slice %arg10[%dma_wait3A_579] : memref<8x!tpu.dma_semaphore, #tpu.memory_space<semaphore_mem>> -> memref<1x!tpu.dma_semaphore, #tpu.memory_space<semaphore_mem>>
      %dma_wait3A_591 = tpu.memref_squeeze %dma_wait3A_590 : memref<1x!tpu.dma_semaphore, #tpu.memory_space<semaphore_mem>> -> memref<!tpu.dma_semaphore, #tpu.memory_space<semaphore_mem>>
      tpu.wait_indirect_dma semaphore(%dma_wait3A_591 : memref<!tpu.dma_semaphore, #tpu.memory_space<semaphore_mem>>) src(%dma_wait3A_589 : memref<10000x64xf32, #tpu.memory_space<hbm>>) dst(%dma_wait3A_583 : memref<80x64xf32, #tpu.memory_space<vmem>>)
      %add3A_592 = arith.constant 2 : i32
      %add3A_593 = arith.addi %mul3A_511, %add3A_592 : i32
      %dma_start3A_594 = arith.constant 2 : i32
      %dma_start3A_595 = arith.constant 2 : i32
      %dma_start3A_596 = arith.constant 0 : i32
      %dma_start3A_597 = arith.constant 0 : i32
      %dma_start3A_598 = tpu.memref_slice %arg9[%dma_start3A_594, %dma_start3A_596, %dma_start3A_597] : memref<8x80x64xf32, #tpu.memory_space<vmem>> -> memref<1x80x64xf32, #tpu.memory_space<vmem>>
      %dma_start3A_599 = tpu.memref_squeeze %dma_start3A_598 : memref<1x80x64xf32, #tpu.memory_space<vmem>> -> memref<80x64xf32, #tpu.memory_space<vmem>>
      %dma_start3A_600 = arith.constant 0 : i32
      %dma_start3A_601 = tpu.memref_slice %arg8[%add3A_593, %dma_start3A_600] : memref<125x80xi32, #tpu.memory_space<vmem>> -> memref<1x80xi32, #tpu.memory_space<vmem>>
      %dma_start3A_602 = tpu.memref_squeeze %dma_start3A_601 : memref<1x80xi32, #tpu.memory_space<vmem>> -> memref<80xi32, #tpu.memory_space<vmem>>
      %dma_start3A_603 = arith.constant 0 : i32
      %dma_start3A_604 = arith.constant 0 : i32
      %dma_start3A_605 = tpu.memref_slice %arg12[%dma_start3A_603, %dma_start3A_604] : memref<10240x64xf32, #tpu.memory_space<vmem_shared>> -> memref<10240x64xf32, #tpu.memory_space<vmem_shared>>
      %dma_start3A_606 = tpu.memref_slice %arg11[%dma_start3A_595] : memref<8x!tpu.dma_semaphore, #tpu.memory_space<semaphore_mem>> -> memref<1x!tpu.dma_semaphore, #tpu.memory_space<semaphore_mem>>
      %dma_start3A_607 = tpu.memref_squeeze %dma_start3A_606 : memref<1x!tpu.dma_semaphore, #tpu.memory_space<semaphore_mem>> -> memref<!tpu.dma_semaphore, #tpu.memory_space<semaphore_mem>>
      tpu.enqueue_indirect_dma source(%dma_start3A_599 : memref<80x64xf32, #tpu.memory_space<vmem>>) target(%dma_start3A_605 : memref<10240x64xf32, #tpu.memory_space<vmem_shared>>) offsets(%dma_start3A_602 : memref<80xi32, #tpu.memory_space<vmem>>) semaphore(%dma_start3A_607 : memref<!tpu.dma_semaphore, #tpu.memory_space<semaphore_mem>>) {add = true}
      %add3A_608 = arith.constant 3 : i32
      %add3A_609 = arith.addi %mul3A_511, %add3A_608 : i32
      %dma_wait3A_610 = arith.constant 3 : i32
      %dma_wait3A_611 = arith.constant 3 : i32
      %dma_wait3A_612 = arith.constant 0 : i32
      %dma_wait3A_613 = arith.constant 0 : i32
      %dma_wait3A_614 = tpu.memref_slice %arg9[%dma_wait3A_610, %dma_wait3A_612, %dma_wait3A_613] : memref<8x80x64xf32, #tpu.memory_space<vmem>> -> memref<1x80x64xf32, #tpu.memory_space<vmem>>
      %dma_wait3A_615 = tpu.memref_squeeze %dma_wait3A_614 : memref<1x80x64xf32, #tpu.memory_space<vmem>> -> memref<80x64xf32, #tpu.memory_space<vmem>>
      %dma_wait3A_616 = arith.constant 0 : i32
      %dma_wait3A_617 = tpu.memref_slice %arg7[%add3A_609, %dma_wait3A_616] : memref<125x80xi32, #tpu.memory_space<vmem>> -> memref<1x80xi32, #tpu.memory_space<vmem>>
      %dma_wait3A_618 = tpu.memref_squeeze %dma_wait3A_617 : memref<1x80xi32, #tpu.memory_space<vmem>> -> memref<80xi32, #tpu.memory_space<vmem>>
      %dma_wait3A_619 = arith.constant 0 : i32
      %dma_wait3A_620 = arith.constant 0 : i32
      %dma_wait3A_621 = tpu.memref_slice %arg2[%dma_wait3A_619, %dma_wait3A_620] : memref<10000x64xf32, #tpu.memory_space<hbm>> -> memref<10000x64xf32, #tpu.memory_space<hbm>>
      %dma_wait3A_622 = tpu.memref_slice %arg10[%dma_wait3A_611] : memref<8x!tpu.dma_semaphore, #tpu.memory_space<semaphore_mem>> -> memref<1x!tpu.dma_semaphore, #tpu.memory_space<semaphore_mem>>
      %dma_wait3A_623 = tpu.memref_squeeze %dma_wait3A_622 : memref<1x!tpu.dma_semaphore, #tpu.memory_space<semaphore_mem>> -> memref<!tpu.dma_semaphore, #tpu.memory_space<semaphore_mem>>
      tpu.wait_indirect_dma semaphore(%dma_wait3A_623 : memref<!tpu.dma_semaphore, #tpu.memory_space<semaphore_mem>>) src(%dma_wait3A_621 : memref<10000x64xf32, #tpu.memory_space<hbm>>) dst(%dma_wait3A_615 : memref<80x64xf32, #tpu.memory_space<vmem>>)
      %add3A_624 = arith.constant 3 : i32
      %add3A_625 = arith.addi %mul3A_511, %add3A_624 : i32
      %dma_start3A_626 = arith.constant 3 : i32
      %dma_start3A_627 = arith.constant 3 : i32
      %dma_start3A_628 = arith.constant 0 : i32
      %dma_start3A_629 = arith.constant 0 : i32
      %dma_start3A_630 = tpu.memref_slice %arg9[%dma_start3A_626, %dma_start3A_628, %dma_start3A_629] : memref<8x80x64xf32, #tpu.memory_space<vmem>> -> memref<1x80x64xf32, #tpu.memory_space<vmem>>
      %dma_start3A_631 = tpu.memref_squeeze %dma_start3A_630 : memref<1x80x64xf32, #tpu.memory_space<vmem>> -> memref<80x64xf32, #tpu.memory_space<vmem>>
      %dma_start3A_632 = arith.constant 0 : i32
      %dma_start3A_633 = tpu.memref_slice %arg8[%add3A_625, %dma_start3A_632] : memref<125x80xi32, #tpu.memory_space<vmem>> -> memref<1x80xi32, #tpu.memory_space<vmem>>
      %dma_start3A_634 = tpu.memref_squeeze %dma_start3A_633 : memref<1x80xi32, #tpu.memory_space<vmem>> -> memref<80xi32, #tpu.memory_space<vmem>>
      %dma_start3A_635 = arith.constant 0 : i32
      %dma_start3A_636 = arith.constant 0 : i32
      %dma_start3A_637 = tpu.memref_slice %arg12[%dma_start3A_635, %dma_start3A_636] : memref<10240x64xf32, #tpu.memory_space<vmem_shared>> -> memref<10240x64xf32, #tpu.memory_space<vmem_shared>>
      %dma_start3A_638 = tpu.memref_slice %arg11[%dma_start3A_627] : memref<8x!tpu.dma_semaphore, #tpu.memory_space<semaphore_mem>> -> memref<1x!tpu.dma_semaphore, #tpu.memory_space<semaphore_mem>>
      %dma_start3A_639 = tpu.memref_squeeze %dma_start3A_638 : memref<1x!tpu.dma_semaphore, #tpu.memory_space<semaphore_mem>> -> memref<!tpu.dma_semaphore, #tpu.memory_space<semaphore_mem>>
      tpu.enqueue_indirect_dma source(%dma_start3A_631 : memref<80x64xf32, #tpu.memory_space<vmem>>) target(%dma_start3A_637 : memref<10240x64xf32, #tpu.memory_space<vmem_shared>>) offsets(%dma_start3A_634 : memref<80xi32, #tpu.memory_space<vmem>>) semaphore(%dma_start3A_639 : memref<!tpu.dma_semaphore, #tpu.memory_space<semaphore_mem>>) {add = true}
      %add3A_640 = arith.constant 4 : i32
      %add3A_641 = arith.addi %mul3A_511, %add3A_640 : i32
      %dma_wait3A_642 = arith.constant 4 : i32
      %dma_wait3A_643 = arith.constant 4 : i32
      %dma_wait3A_644 = arith.constant 0 : i32
      %dma_wait3A_645 = arith.constant 0 : i32
      %dma_wait3A_646 = tpu.memref_slice %arg9[%dma_wait3A_642, %dma_wait3A_644, %dma_wait3A_645] : memref<8x80x64xf32, #tpu.memory_space<vmem>> -> memref<1x80x64xf32, #tpu.memory_space<vmem>>
      %dma_wait3A_647 = tpu.memref_squeeze %dma_wait3A_646 : memref<1x80x64xf32, #tpu.memory_space<vmem>> -> memref<80x64xf32, #tpu.memory_space<vmem>>
      %dma_wait3A_648 = arith.constant 0 : i32
      %dma_wait3A_649 = tpu.memref_slice %arg7[%add3A_641, %dma_wait3A_648] : memref<125x80xi32, #tpu.memory_space<vmem>> -> memref<1x80xi32, #tpu.memory_space<vmem>>
      %dma_wait3A_650 = tpu.memref_squeeze %dma_wait3A_649 : memref<1x80xi32, #tpu.memory_space<vmem>> -> memref<80xi32, #tpu.memory_space<vmem>>
      %dma_wait3A_651 = arith.constant 0 : i32
      %dma_wait3A_652 = arith.constant 0 : i32
      %dma_wait3A_653 = tpu.memref_slice %arg2[%dma_wait3A_651, %dma_wait3A_652] : memref<10000x64xf32, #tpu.memory_space<hbm>> -> memref<10000x64xf32, #tpu.memory_space<hbm>>
      %dma_wait3A_654 = tpu.memref_slice %arg10[%dma_wait3A_643] : memref<8x!tpu.dma_semaphore, #tpu.memory_space<semaphore_mem>> -> memref<1x!tpu.dma_semaphore, #tpu.memory_space<semaphore_mem>>
      %dma_wait3A_655 = tpu.memref_squeeze %dma_wait3A_654 : memref<1x!tpu.dma_semaphore, #tpu.memory_space<semaphore_mem>> -> memref<!tpu.dma_semaphore, #tpu.memory_space<semaphore_mem>>
      tpu.wait_indirect_dma semaphore(%dma_wait3A_655 : memref<!tpu.dma_semaphore, #tpu.memory_space<semaphore_mem>>) src(%dma_wait3A_653 : memref<10000x64xf32, #tpu.memory_space<hbm>>) dst(%dma_wait3A_647 : memref<80x64xf32, #tpu.memory_space<vmem>>)
      %add3A_656 = arith.constant 4 : i32
      %add3A_657 = arith.addi %mul3A_511, %add3A_656 : i32
      %dma_start3A_658 = arith.constant 4 : i32
      %dma_start3A_659 = arith.constant 4 : i32
      %dma_start3A_660 = arith.constant 0 : i32
      %dma_start3A_661 = arith.constant 0 : i32
      %dma_start3A_662 = tpu.memref_slice %arg9[%dma_start3A_658, %dma_start3A_660, %dma_start3A_661] : memref<8x80x64xf32, #tpu.memory_space<vmem>> -> memref<1x80x64xf32, #tpu.memory_space<vmem>>
      %dma_start3A_663 = tpu.memref_squeeze %dma_start3A_662 : memref<1x80x64xf32, #tpu.memory_space<vmem>> -> memref<80x64xf32, #tpu.memory_space<vmem>>
      %dma_start3A_664 = arith.constant 0 : i32
      %dma_start3A_665 = tpu.memref_slice %arg8[%add3A_657, %dma_start3A_664] : memref<125x80xi32, #tpu.memory_space<vmem>> -> memref<1x80xi32, #tpu.memory_space<vmem>>
      %dma_start3A_666 = tpu.memref_squeeze %dma_start3A_665 : memref<1x80xi32, #tpu.memory_space<vmem>> -> memref<80xi32, #tpu.memory_space<vmem>>
      %dma_start3A_667 = arith.constant 0 : i32
      %dma_start3A_668 = arith.constant 0 : i32
      %dma_start3A_669 = tpu.memref_slice %arg12[%dma_start3A_667, %dma_start3A_668] : memref<10240x64xf32, #tpu.memory_space<vmem_shared>> -> memref<10240x64xf32, #tpu.memory_space<vmem_shared>>
      %dma_start3A_670 = tpu.memref_slice %arg11[%dma_start3A_659] : memref<8x!tpu.dma_semaphore, #tpu.memory_space<semaphore_mem>> -> memref<1x!tpu.dma_semaphore, #tpu.memory_space<semaphore_mem>>
      %dma_start3A_671 = tpu.memref_squeeze %dma_start3A_670 : memref<1x!tpu.dma_semaphore, #tpu.memory_space<semaphore_mem>> -> memref<!tpu.dma_semaphore, #tpu.memory_space<semaphore_mem>>
      tpu.enqueue_indirect_dma source(%dma_start3A_663 : memref<80x64xf32, #tpu.memory_space<vmem>>) target(%dma_start3A_669 : memref<10240x64xf32, #tpu.memory_space<vmem_shared>>) offsets(%dma_start3A_666 : memref<80xi32, #tpu.memory_space<vmem>>) semaphore(%dma_start3A_671 : memref<!tpu.dma_semaphore, #tpu.memory_space<semaphore_mem>>) {add = true}
      %add3A_672 = arith.constant 5 : i32
      %add3A_673 = arith.addi %mul3A_511, %add3A_672 : i32
      %dma_wait3A_674 = arith.constant 5 : i32
      %dma_wait3A_675 = arith.constant 5 : i32
      %dma_wait3A_676 = arith.constant 0 : i32
      %dma_wait3A_677 = arith.constant 0 : i32
      %dma_wait3A_678 = tpu.memref_slice %arg9[%dma_wait3A_674, %dma_wait3A_676, %dma_wait3A_677] : memref<8x80x64xf32, #tpu.memory_space<vmem>> -> memref<1x80x64xf32, #tpu.memory_space<vmem>>
      %dma_wait3A_679 = tpu.memref_squeeze %dma_wait3A_678 : memref<1x80x64xf32, #tpu.memory_space<vmem>> -> memref<80x64xf32, #tpu.memory_space<vmem>>
      %dma_wait3A_680 = arith.constant 0 : i32
      %dma_wait3A_681 = tpu.memref_slice %arg7[%add3A_673, %dma_wait3A_680] : memref<125x80xi32, #tpu.memory_space<vmem>> -> memref<1x80xi32, #tpu.memory_space<vmem>>
      %dma_wait3A_682 = tpu.memref_squeeze %dma_wait3A_681 : memref<1x80xi32, #tpu.memory_space<vmem>> -> memref<80xi32, #tpu.memory_space<vmem>>
      %dma_wait3A_683 = arith.constant 0 : i32
      %dma_wait3A_684 = arith.constant 0 : i32
      %dma_wait3A_685 = tpu.memref_slice %arg2[%dma_wait3A_683, %dma_wait3A_684] : memref<10000x64xf32, #tpu.memory_space<hbm>> -> memref<10000x64xf32, #tpu.memory_space<hbm>>
      %dma_wait3A_686 = tpu.memref_slice %arg10[%dma_wait3A_675] : memref<8x!tpu.dma_semaphore, #tpu.memory_space<semaphore_mem>> -> memref<1x!tpu.dma_semaphore, #tpu.memory_space<semaphore_mem>>
      %dma_wait3A_687 = tpu.memref_squeeze %dma_wait3A_686 : memref<1x!tpu.dma_semaphore, #tpu.memory_space<semaphore_mem>> -> memref<!tpu.dma_semaphore, #tpu.memory_space<semaphore_mem>>
      tpu.wait_indirect_dma semaphore(%dma_wait3A_687 : memref<!tpu.dma_semaphore, #tpu.memory_space<semaphore_mem>>) src(%dma_wait3A_685 : memref<10000x64xf32, #tpu.memory_space<hbm>>) dst(%dma_wait3A_679 : memref<80x64xf32, #tpu.memory_space<vmem>>)
      %add3A_688 = arith.constant 5 : i32
      %add3A_689 = arith.addi %mul3A_511, %add3A_688 : i32
      %dma_start3A_690 = arith.constant 5 : i32
      %dma_start3A_691 = arith.constant 5 : i32
      %dma_start3A_692 = arith.constant 0 : i32
      %dma_start3A_693 = arith.constant 0 : i32
      %dma_start3A_694 = tpu.memref_slice %arg9[%dma_start3A_690, %dma_start3A_692, %dma_start3A_693] : memref<8x80x64xf32, #tpu.memory_space<vmem>> -> memref<1x80x64xf32, #tpu.memory_space<vmem>>
      %dma_start3A_695 = tpu.memref_squeeze %dma_start3A_694 : memref<1x80x64xf32, #tpu.memory_space<vmem>> -> memref<80x64xf32, #tpu.memory_space<vmem>>
      %dma_start3A_696 = arith.constant 0 : i32
      %dma_start3A_697 = tpu.memref_slice %arg8[%add3A_689, %dma_start3A_696] : memref<125x80xi32, #tpu.memory_space<vmem>> -> memref<1x80xi32, #tpu.memory_space<vmem>>
      %dma_start3A_698 = tpu.memref_squeeze %dma_start3A_697 : memref<1x80xi32, #tpu.memory_space<vmem>> -> memref<80xi32, #tpu.memory_space<vmem>>
      %dma_start3A_699 = arith.constant 0 : i32
      %dma_start3A_700 = arith.constant 0 : i32
      %dma_start3A_701 = tpu.memref_slice %arg12[%dma_start3A_699, %dma_start3A_700] : memref<10240x64xf32, #tpu.memory_space<vmem_shared>> -> memref<10240x64xf32, #tpu.memory_space<vmem_shared>>
      %dma_start3A_702 = tpu.memref_slice %arg11[%dma_start3A_691] : memref<8x!tpu.dma_semaphore, #tpu.memory_space<semaphore_mem>> -> memref<1x!tpu.dma_semaphore, #tpu.memory_space<semaphore_mem>>
      %dma_start3A_703 = tpu.memref_squeeze %dma_start3A_702 : memref<1x!tpu.dma_semaphore, #tpu.memory_space<semaphore_mem>> -> memref<!tpu.dma_semaphore, #tpu.memory_space<semaphore_mem>>
      tpu.enqueue_indirect_dma source(%dma_start3A_695 : memref<80x64xf32, #tpu.memory_space<vmem>>) target(%dma_start3A_701 : memref<10240x64xf32, #tpu.memory_space<vmem_shared>>) offsets(%dma_start3A_698 : memref<80xi32, #tpu.memory_space<vmem>>) semaphore(%dma_start3A_703 : memref<!tpu.dma_semaphore, #tpu.memory_space<semaphore_mem>>) {add = true}
      %add3A_704 = arith.constant 6 : i32
      %add3A_705 = arith.addi %mul3A_511, %add3A_704 : i32
      %dma_wait3A_706 = arith.constant 6 : i32
      %dma_wait3A_707 = arith.constant 6 : i32
      %dma_wait3A_708 = arith.constant 0 : i32
      %dma_wait3A_709 = arith.constant 0 : i32
      %dma_wait3A_710 = tpu.memref_slice %arg9[%dma_wait3A_706, %dma_wait3A_708, %dma_wait3A_709] : memref<8x80x64xf32, #tpu.memory_space<vmem>> -> memref<1x80x64xf32, #tpu.memory_space<vmem>>
      %dma_wait3A_711 = tpu.memref_squeeze %dma_wait3A_710 : memref<1x80x64xf32, #tpu.memory_space<vmem>> -> memref<80x64xf32, #tpu.memory_space<vmem>>
      %dma_wait3A_712 = arith.constant 0 : i32
      %dma_wait3A_713 = tpu.memref_slice %arg7[%add3A_705, %dma_wait3A_712] : memref<125x80xi32, #tpu.memory_space<vmem>> -> memref<1x80xi32, #tpu.memory_space<vmem>>
      %dma_wait3A_714 = tpu.memref_squeeze %dma_wait3A_713 : memref<1x80xi32, #tpu.memory_space<vmem>> -> memref<80xi32, #tpu.memory_space<vmem>>
      %dma_wait3A_715 = arith.constant 0 : i32
      %dma_wait3A_716 = arith.constant 0 : i32
      %dma_wait3A_717 = tpu.memref_slice %arg2[%dma_wait3A_715, %dma_wait3A_716] : memref<10000x64xf32, #tpu.memory_space<hbm>> -> memref<10000x64xf32, #tpu.memory_space<hbm>>
      %dma_wait3A_718 = tpu.memref_slice %arg10[%dma_wait3A_707] : memref<8x!tpu.dma_semaphore, #tpu.memory_space<semaphore_mem>> -> memref<1x!tpu.dma_semaphore, #tpu.memory_space<semaphore_mem>>
      %dma_wait3A_719 = tpu.memref_squeeze %dma_wait3A_718 : memref<1x!tpu.dma_semaphore, #tpu.memory_space<semaphore_mem>> -> memref<!tpu.dma_semaphore, #tpu.memory_space<semaphore_mem>>
      tpu.wait_indirect_dma semaphore(%dma_wait3A_719 : memref<!tpu.dma_semaphore, #tpu.memory_space<semaphore_mem>>) src(%dma_wait3A_717 : memref<10000x64xf32, #tpu.memory_space<hbm>>) dst(%dma_wait3A_711 : memref<80x64xf32, #tpu.memory_space<vmem>>)
      %add3A_720 = arith.constant 6 : i32
      %add3A_721 = arith.addi %mul3A_511, %add3A_720 : i32
      %dma_start3A_722 = arith.constant 6 : i32
      %dma_start3A_723 = arith.constant 6 : i32
      %dma_start3A_724 = arith.constant 0 : i32
      %dma_start3A_725 = arith.constant 0 : i32
      %dma_start3A_726 = tpu.memref_slice %arg9[%dma_start3A_722, %dma_start3A_724, %dma_start3A_725] : memref<8x80x64xf32, #tpu.memory_space<vmem>> -> memref<1x80x64xf32, #tpu.memory_space<vmem>>
      %dma_start3A_727 = tpu.memref_squeeze %dma_start3A_726 : memref<1x80x64xf32, #tpu.memory_space<vmem>> -> memref<80x64xf32, #tpu.memory_space<vmem>>
      %dma_start3A_728 = arith.constant 0 : i32
      %dma_start3A_729 = tpu.memref_slice %arg8[%add3A_721, %dma_start3A_728] : memref<125x80xi32, #tpu.memory_space<vmem>> -> memref<1x80xi32, #tpu.memory_space<vmem>>
      %dma_start3A_730 = tpu.memref_squeeze %dma_start3A_729 : memref<1x80xi32, #tpu.memory_space<vmem>> -> memref<80xi32, #tpu.memory_space<vmem>>
      %dma_start3A_731 = arith.constant 0 : i32
      %dma_start3A_732 = arith.constant 0 : i32
      %dma_start3A_733 = tpu.memref_slice %arg12[%dma_start3A_731, %dma_start3A_732] : memref<10240x64xf32, #tpu.memory_space<vmem_shared>> -> memref<10240x64xf32, #tpu.memory_space<vmem_shared>>
      %dma_start3A_734 = tpu.memref_slice %arg11[%dma_start3A_723] : memref<8x!tpu.dma_semaphore, #tpu.memory_space<semaphore_mem>> -> memref<1x!tpu.dma_semaphore, #tpu.memory_space<semaphore_mem>>
      %dma_start3A_735 = tpu.memref_squeeze %dma_start3A_734 : memref<1x!tpu.dma_semaphore, #tpu.memory_space<semaphore_mem>> -> memref<!tpu.dma_semaphore, #tpu.memory_space<semaphore_mem>>
      tpu.enqueue_indirect_dma source(%dma_start3A_727 : memref<80x64xf32, #tpu.memory_space<vmem>>) target(%dma_start3A_733 : memref<10240x64xf32, #tpu.memory_space<vmem_shared>>) offsets(%dma_start3A_730 : memref<80xi32, #tpu.memory_space<vmem>>) semaphore(%dma_start3A_735 : memref<!tpu.dma_semaphore, #tpu.memory_space<semaphore_mem>>) {add = true}
      %add3A_736 = arith.constant 7 : i32
      %add3A_737 = arith.addi %mul3A_511, %add3A_736 : i32
      %dma_wait3A_738 = arith.constant 7 : i32
      %dma_wait3A_739 = arith.constant 7 : i32
      %dma_wait3A_740 = arith.constant 0 : i32
      %dma_wait3A_741 = arith.constant 0 : i32
      %dma_wait3A_742 = tpu.memref_slice %arg9[%dma_wait3A_738, %dma_wait3A_740, %dma_wait3A_741] : memref<8x80x64xf32, #tpu.memory_space<vmem>> -> memref<1x80x64xf32, #tpu.memory_space<vmem>>
      %dma_wait3A_743 = tpu.memref_squeeze %dma_wait3A_742 : memref<1x80x64xf32, #tpu.memory_space<vmem>> -> memref<80x64xf32, #tpu.memory_space<vmem>>
      %dma_wait3A_744 = arith.constant 0 : i32
      %dma_wait3A_745 = tpu.memref_slice %arg7[%add3A_737, %dma_wait3A_744] : memref<125x80xi32, #tpu.memory_space<vmem>> -> memref<1x80xi32, #tpu.memory_space<vmem>>
      %dma_wait3A_746 = tpu.memref_squeeze %dma_wait3A_745 : memref<1x80xi32, #tpu.memory_space<vmem>> -> memref<80xi32, #tpu.memory_space<vmem>>
      %dma_wait3A_747 = arith.constant 0 : i32
      %dma_wait3A_748 = arith.constant 0 : i32
      %dma_wait3A_749 = tpu.memref_slice %arg2[%dma_wait3A_747, %dma_wait3A_748] : memref<10000x64xf32, #tpu.memory_space<hbm>> -> memref<10000x64xf32, #tpu.memory_space<hbm>>
      %dma_wait3A_750 = tpu.memref_slice %arg10[%dma_wait3A_739] : memref<8x!tpu.dma_semaphore, #tpu.memory_space<semaphore_mem>> -> memref<1x!tpu.dma_semaphore, #tpu.memory_space<semaphore_mem>>
      %dma_wait3A_751 = tpu.memref_squeeze %dma_wait3A_750 : memref<1x!tpu.dma_semaphore, #tpu.memory_space<semaphore_mem>> -> memref<!tpu.dma_semaphore, #tpu.memory_space<semaphore_mem>>
      tpu.wait_indirect_dma semaphore(%dma_wait3A_751 : memref<!tpu.dma_semaphore, #tpu.memory_space<semaphore_mem>>) src(%dma_wait3A_749 : memref<10000x64xf32, #tpu.memory_space<hbm>>) dst(%dma_wait3A_743 : memref<80x64xf32, #tpu.memory_space<vmem>>)
      %add3A_752 = arith.constant 7 : i32
      %add3A_753 = arith.addi %mul3A_511, %add3A_752 : i32
      %dma_start3A_754 = arith.constant 7 : i32
      %dma_start3A_755 = arith.constant 7 : i32
      %dma_start3A_756 = arith.constant 0 : i32
      %dma_start3A_757 = arith.constant 0 : i32
      %dma_start3A_758 = tpu.memref_slice %arg9[%dma_start3A_754, %dma_start3A_756, %dma_start3A_757] : memref<8x80x64xf32, #tpu.memory_space<vmem>> -> memref<1x80x64xf32, #tpu.memory_space<vmem>>
      %dma_start3A_759 = tpu.memref_squeeze %dma_start3A_758 : memref<1x80x64xf32, #tpu.memory_space<vmem>> -> memref<80x64xf32, #tpu.memory_space<vmem>>
      %dma_start3A_760 = arith.constant 0 : i32
      %dma_start3A_761 = tpu.memref_slice %arg8[%add3A_753, %dma_start3A_760] : memref<125x80xi32, #tpu.memory_space<vmem>> -> memref<1x80xi32, #tpu.memory_space<vmem>>
      %dma_start3A_762 = tpu.memref_squeeze %dma_start3A_761 : memref<1x80xi32, #tpu.memory_space<vmem>> -> memref<80xi32, #tpu.memory_space<vmem>>
      %dma_start3A_763 = arith.constant 0 : i32
      %dma_start3A_764 = arith.constant 0 : i32
      %dma_start3A_765 = tpu.memref_slice %arg12[%dma_start3A_763, %dma_start3A_764] : memref<10240x64xf32, #tpu.memory_space<vmem_shared>> -> memref<10240x64xf32, #tpu.memory_space<vmem_shared>>
      %dma_start3A_766 = tpu.memref_slice %arg11[%dma_start3A_755] : memref<8x!tpu.dma_semaphore, #tpu.memory_space<semaphore_mem>> -> memref<1x!tpu.dma_semaphore, #tpu.memory_space<semaphore_mem>>
      %dma_start3A_767 = tpu.memref_squeeze %dma_start3A_766 : memref<1x!tpu.dma_semaphore, #tpu.memory_space<semaphore_mem>> -> memref<!tpu.dma_semaphore, #tpu.memory_space<semaphore_mem>>
      tpu.enqueue_indirect_dma source(%dma_start3A_759 : memref<80x64xf32, #tpu.memory_space<vmem>>) target(%dma_start3A_765 : memref<10240x64xf32, #tpu.memory_space<vmem_shared>>) offsets(%dma_start3A_762 : memref<80xi32, #tpu.memory_space<vmem>>) semaphore(%dma_start3A_767 : memref<!tpu.dma_semaphore, #tpu.memory_space<semaphore_mem>>) {add = true}
      %dma_wait3A_768 = arith.constant 0 : i32
      %dma_wait3A_769 = arith.constant 0 : i32
      %dma_wait3A_770 = arith.constant 0 : i32
      %dma_wait3A_771 = arith.constant 0 : i32
      %dma_wait3A_772 = tpu.memref_slice %arg9[%dma_wait3A_768, %dma_wait3A_770, %dma_wait3A_771] : memref<8x80x64xf32, #tpu.memory_space<vmem>> -> memref<1x80x64xf32, #tpu.memory_space<vmem>>
      %dma_wait3A_773 = tpu.memref_squeeze %dma_wait3A_772 : memref<1x80x64xf32, #tpu.memory_space<vmem>> -> memref<80x64xf32, #tpu.memory_space<vmem>>
      %dma_wait3A_774 = arith.constant 0 : i32
      %dma_wait3A_775 = tpu.memref_slice %arg8[%add3A_529, %dma_wait3A_774] : memref<125x80xi32, #tpu.memory_space<vmem>> -> memref<1x80xi32, #tpu.memory_space<vmem>>
      %dma_wait3A_776 = tpu.memref_squeeze %dma_wait3A_775 : memref<1x80xi32, #tpu.memory_space<vmem>> -> memref<80xi32, #tpu.memory_space<vmem>>
      %dma_wait3A_777 = arith.constant 0 : i32
      %dma_wait3A_778 = arith.constant 0 : i32
      %dma_wait3A_779 = tpu.memref_slice %arg12[%dma_wait3A_777, %dma_wait3A_778] : memref<10240x64xf32, #tpu.memory_space<vmem_shared>> -> memref<10240x64xf32, #tpu.memory_space<vmem_shared>>
      %dma_wait3A_780 = tpu.memref_slice %arg11[%dma_wait3A_769] : memref<8x!tpu.dma_semaphore, #tpu.memory_space<semaphore_mem>> -> memref<1x!tpu.dma_semaphore, #tpu.memory_space<semaphore_mem>>
      %dma_wait3A_781 = tpu.memref_squeeze %dma_wait3A_780 : memref<1x!tpu.dma_semaphore, #tpu.memory_space<semaphore_mem>> -> memref<!tpu.dma_semaphore, #tpu.memory_space<semaphore_mem>>
      tpu.wait_indirect_dma semaphore(%dma_wait3A_781 : memref<!tpu.dma_semaphore, #tpu.memory_space<semaphore_mem>>) src(%dma_wait3A_773 : memref<80x64xf32, #tpu.memory_space<vmem>>) dst(%dma_wait3A_779 : memref<10240x64xf32, #tpu.memory_space<vmem_shared>>)
      %add3A_782 = arith.constant 8 : i32
      %add3A_783 = arith.addi %mul3A_511, %add3A_782 : i32
      %add3A_784 = arith.constant 0 : i32
      %add3A_785 = arith.addi %add3A_783, %add3A_784 : i32
      %dma_start3A_786 = arith.constant 0 : i32
      %dma_start3A_787 = arith.constant 0 : i32
      %dma_start3A_788 = arith.constant 0 : i32
      %dma_start3A_789 = arith.constant 0 : i32
      %dma_start3A_790 = tpu.memref_slice %arg9[%dma_start3A_786, %dma_start3A_788, %dma_start3A_789] : memref<8x80x64xf32, #tpu.memory_space<vmem>> -> memref<1x80x64xf32, #tpu.memory_space<vmem>>
      %dma_start3A_791 = tpu.memref_squeeze %dma_start3A_790 : memref<1x80x64xf32, #tpu.memory_space<vmem>> -> memref<80x64xf32, #tpu.memory_space<vmem>>
      %dma_start3A_792 = arith.constant 0 : i32
      %dma_start3A_793 = tpu.memref_slice %arg7[%add3A_785, %dma_start3A_792] : memref<125x80xi32, #tpu.memory_space<vmem>> -> memref<1x80xi32, #tpu.memory_space<vmem>>
      %dma_start3A_794 = tpu.memref_squeeze %dma_start3A_793 : memref<1x80xi32, #tpu.memory_space<vmem>> -> memref<80xi32, #tpu.memory_space<vmem>>
      %dma_start3A_795 = arith.constant 0 : i32
      %dma_start3A_796 = arith.constant 0 : i32
      %dma_start3A_797 = tpu.memref_slice %arg2[%dma_start3A_795, %dma_start3A_796] : memref<10000x64xf32, #tpu.memory_space<hbm>> -> memref<10000x64xf32, #tpu.memory_space<hbm>>
      %dma_start3A_798 = tpu.memref_slice %arg10[%dma_start3A_787] : memref<8x!tpu.dma_semaphore, #tpu.memory_space<semaphore_mem>> -> memref<1x!tpu.dma_semaphore, #tpu.memory_space<semaphore_mem>>
      %dma_start3A_799 = tpu.memref_squeeze %dma_start3A_798 : memref<1x!tpu.dma_semaphore, #tpu.memory_space<semaphore_mem>> -> memref<!tpu.dma_semaphore, #tpu.memory_space<semaphore_mem>>
      tpu.enqueue_indirect_dma source(%dma_start3A_797 : memref<10000x64xf32, #tpu.memory_space<hbm>>) target(%dma_start3A_791 : memref<80x64xf32, #tpu.memory_space<vmem>>) offsets(%dma_start3A_794 : memref<80xi32, #tpu.memory_space<vmem>>) semaphore(%dma_start3A_799 : memref<!tpu.dma_semaphore, #tpu.memory_space<semaphore_mem>>)
      %dma_wait3A_800 = arith.constant 1 : i32
      %dma_wait3A_801 = arith.constant 1 : i32
      %dma_wait3A_802 = arith.constant 0 : i32
      %dma_wait3A_803 = arith.constant 0 : i32
      %dma_wait3A_804 = tpu.memref_slice %arg9[%dma_wait3A_800, %dma_wait3A_802, %dma_wait3A_803] : memref<8x80x64xf32, #tpu.memory_space<vmem>> -> memref<1x80x64xf32, #tpu.memory_space<vmem>>
      %dma_wait3A_805 = tpu.memref_squeeze %dma_wait3A_804 : memref<1x80x64xf32, #tpu.memory_space<vmem>> -> memref<80x64xf32, #tpu.memory_space<vmem>>
      %dma_wait3A_806 = arith.constant 0 : i32
      %dma_wait3A_807 = tpu.memref_slice %arg8[%add3A_561, %dma_wait3A_806] : memref<125x80xi32, #tpu.memory_space<vmem>> -> memref<1x80xi32, #tpu.memory_space<vmem>>
      %dma_wait3A_808 = tpu.memref_squeeze %dma_wait3A_807 : memref<1x80xi32, #tpu.memory_space<vmem>> -> memref<80xi32, #tpu.memory_space<vmem>>
      %dma_wait3A_809 = arith.constant 0 : i32
      %dma_wait3A_810 = arith.constant 0 : i32
      %dma_wait3A_811 = tpu.memref_slice %arg12[%dma_wait3A_809, %dma_wait3A_810] : memref<10240x64xf32, #tpu.memory_space<vmem_shared>> -> memref<10240x64xf32, #tpu.memory_space<vmem_shared>>
      %dma_wait3A_812 = tpu.memref_slice %arg11[%dma_wait3A_801] : memref<8x!tpu.dma_semaphore, #tpu.memory_space<semaphore_mem>> -> memref<1x!tpu.dma_semaphore, #tpu.memory_space<semaphore_mem>>
      %dma_wait3A_813 = tpu.memref_squeeze %dma_wait3A_812 : memref<1x!tpu.dma_semaphore, #tpu.memory_space<semaphore_mem>> -> memref<!tpu.dma_semaphore, #tpu.memory_space<semaphore_mem>>
      tpu.wait_indirect_dma semaphore(%dma_wait3A_813 : memref<!tpu.dma_semaphore, #tpu.memory_space<semaphore_mem>>) src(%dma_wait3A_805 : memref<80x64xf32, #tpu.memory_space<vmem>>) dst(%dma_wait3A_811 : memref<10240x64xf32, #tpu.memory_space<vmem_shared>>)
      %add3A_814 = arith.constant 8 : i32
      %add3A_815 = arith.addi %mul3A_511, %add3A_814 : i32
      %add3A_816 = arith.constant 1 : i32
      %add3A_817 = arith.addi %add3A_815, %add3A_816 : i32
      %dma_start3A_818 = arith.constant 1 : i32
      %dma_start3A_819 = arith.constant 1 : i32
      %dma_start3A_820 = arith.constant 0 : i32
      %dma_start3A_821 = arith.constant 0 : i32
      %dma_start3A_822 = tpu.memref_slice %arg9[%dma_start3A_818, %dma_start3A_820, %dma_start3A_821] : memref<8x80x64xf32, #tpu.memory_space<vmem>> -> memref<1x80x64xf32, #tpu.memory_space<vmem>>
      %dma_start3A_823 = tpu.memref_squeeze %dma_start3A_822 : memref<1x80x64xf32, #tpu.memory_space<vmem>> -> memref<80x64xf32, #tpu.memory_space<vmem>>
      %dma_start3A_824 = arith.constant 0 : i32
      %dma_start3A_825 = tpu.memref_slice %arg7[%add3A_817, %dma_start3A_824] : memref<125x80xi32, #tpu.memory_space<vmem>> -> memref<1x80xi32, #tpu.memory_space<vmem>>
      %dma_start3A_826 = tpu.memref_squeeze %dma_start3A_825 : memref<1x80xi32, #tpu.memory_space<vmem>> -> memref<80xi32, #tpu.memory_space<vmem>>
      %dma_start3A_827 = arith.constant 0 : i32
      %dma_start3A_828 = arith.constant 0 : i32
      %dma_start3A_829 = tpu.memref_slice %arg2[%dma_start3A_827, %dma_start3A_828] : memref<10000x64xf32, #tpu.memory_space<hbm>> -> memref<10000x64xf32, #tpu.memory_space<hbm>>
      %dma_start3A_830 = tpu.memref_slice %arg10[%dma_start3A_819] : memref<8x!tpu.dma_semaphore, #tpu.memory_space<semaphore_mem>> -> memref<1x!tpu.dma_semaphore, #tpu.memory_space<semaphore_mem>>
      %dma_start3A_831 = tpu.memref_squeeze %dma_start3A_830 : memref<1x!tpu.dma_semaphore, #tpu.memory_space<semaphore_mem>> -> memref<!tpu.dma_semaphore, #tpu.memory_space<semaphore_mem>>
      tpu.enqueue_indirect_dma source(%dma_start3A_829 : memref<10000x64xf32, #tpu.memory_space<hbm>>) target(%dma_start3A_823 : memref<80x64xf32, #tpu.memory_space<vmem>>) offsets(%dma_start3A_826 : memref<80xi32, #tpu.memory_space<vmem>>) semaphore(%dma_start3A_831 : memref<!tpu.dma_semaphore, #tpu.memory_space<semaphore_mem>>)
      %dma_wait3A_832 = arith.constant 2 : i32
      %dma_wait3A_833 = arith.constant 2 : i32
      %dma_wait3A_834 = arith.constant 0 : i32
      %dma_wait3A_835 = arith.constant 0 : i32
      %dma_wait3A_836 = tpu.memref_slice %arg9[%dma_wait3A_832, %dma_wait3A_834, %dma_wait3A_835] : memref<8x80x64xf32, #tpu.memory_space<vmem>> -> memref<1x80x64xf32, #tpu.memory_space<vmem>>
      %dma_wait3A_837 = tpu.memref_squeeze %dma_wait3A_836 : memref<1x80x64xf32, #tpu.memory_space<vmem>> -> memref<80x64xf32, #tpu.memory_space<vmem>>
      %dma_wait3A_838 = arith.constant 0 : i32
      %dma_wait3A_839 = tpu.memref_slice %arg8[%add3A_593, %dma_wait3A_838] : memref<125x80xi32, #tpu.memory_space<vmem>> -> memref<1x80xi32, #tpu.memory_space<vmem>>
      %dma_wait3A_840 = tpu.memref_squeeze %dma_wait3A_839 : memref<1x80xi32, #tpu.memory_space<vmem>> -> memref<80xi32, #tpu.memory_space<vmem>>
      %dma_wait3A_841 = arith.constant 0 : i32
      %dma_wait3A_842 = arith.constant 0 : i32
      %dma_wait3A_843 = tpu.memref_slice %arg12[%dma_wait3A_841, %dma_wait3A_842] : memref<10240x64xf32, #tpu.memory_space<vmem_shared>> -> memref<10240x64xf32, #tpu.memory_space<vmem_shared>>
      %dma_wait3A_844 = tpu.memref_slice %arg11[%dma_wait3A_833] : memref<8x!tpu.dma_semaphore, #tpu.memory_space<semaphore_mem>> -> memref<1x!tpu.dma_semaphore, #tpu.memory_space<semaphore_mem>>
      %dma_wait3A_845 = tpu.memref_squeeze %dma_wait3A_844 : memref<1x!tpu.dma_semaphore, #tpu.memory_space<semaphore_mem>> -> memref<!tpu.dma_semaphore, #tpu.memory_space<semaphore_mem>>
      tpu.wait_indirect_dma semaphore(%dma_wait3A_845 : memref<!tpu.dma_semaphore, #tpu.memory_space<semaphore_mem>>) src(%dma_wait3A_837 : memref<80x64xf32, #tpu.memory_space<vmem>>) dst(%dma_wait3A_843 : memref<10240x64xf32, #tpu.memory_space<vmem_shared>>)
      %add3A_846 = arith.constant 8 : i32
      %add3A_847 = arith.addi %mul3A_511, %add3A_846 : i32
      %add3A_848 = arith.constant 2 : i32
      %add3A_849 = arith.addi %add3A_847, %add3A_848 : i32
      %dma_start3A_850 = arith.constant 2 : i32
      %dma_start3A_851 = arith.constant 2 : i32
      %dma_start3A_852 = arith.constant 0 : i32
      %dma_start3A_853 = arith.constant 0 : i32
      %dma_start3A_854 = tpu.memref_slice %arg9[%dma_start3A_850, %dma_start3A_852, %dma_start3A_853] : memref<8x80x64xf32, #tpu.memory_space<vmem>> -> memref<1x80x64xf32, #tpu.memory_space<vmem>>
      %dma_start3A_855 = tpu.memref_squeeze %dma_start3A_854 : memref<1x80x64xf32, #tpu.memory_space<vmem>> -> memref<80x64xf32, #tpu.memory_space<vmem>>
      %dma_start3A_856 = arith.constant 0 : i32
      %dma_start3A_857 = tpu.memref_slice %arg7[%add3A_849, %dma_start3A_856] : memref<125x80xi32, #tpu.memory_space<vmem>> -> memref<1x80xi32, #tpu.memory_space<vmem>>
      %dma_start3A_858 = tpu.memref_squeeze %dma_start3A_857 : memref<1x80xi32, #tpu.memory_space<vmem>> -> memref<80xi32, #tpu.memory_space<vmem>>
      %dma_start3A_859 = arith.constant 0 : i32
      %dma_start3A_860 = arith.constant 0 : i32
      %dma_start3A_861 = tpu.memref_slice %arg2[%dma_start3A_859, %dma_start3A_860] : memref<10000x64xf32, #tpu.memory_space<hbm>> -> memref<10000x64xf32, #tpu.memory_space<hbm>>
      %dma_start3A_862 = tpu.memref_slice %arg10[%dma_start3A_851] : memref<8x!tpu.dma_semaphore, #tpu.memory_space<semaphore_mem>> -> memref<1x!tpu.dma_semaphore, #tpu.memory_space<semaphore_mem>>
      %dma_start3A_863 = tpu.memref_squeeze %dma_start3A_862 : memref<1x!tpu.dma_semaphore, #tpu.memory_space<semaphore_mem>> -> memref<!tpu.dma_semaphore, #tpu.memory_space<semaphore_mem>>
      tpu.enqueue_indirect_dma source(%dma_start3A_861 : memref<10000x64xf32, #tpu.memory_space<hbm>>) target(%dma_start3A_855 : memref<80x64xf32, #tpu.memory_space<vmem>>) offsets(%dma_start3A_858 : memref<80xi32, #tpu.memory_space<vmem>>) semaphore(%dma_start3A_863 : memref<!tpu.dma_semaphore, #tpu.memory_space<semaphore_mem>>)
      %dma_wait3A_864 = arith.constant 3 : i32
      %dma_wait3A_865 = arith.constant 3 : i32
      %dma_wait3A_866 = arith.constant 0 : i32
      %dma_wait3A_867 = arith.constant 0 : i32
      %dma_wait3A_868 = tpu.memref_slice %arg9[%dma_wait3A_864, %dma_wait3A_866, %dma_wait3A_867] : memref<8x80x64xf32, #tpu.memory_space<vmem>> -> memref<1x80x64xf32, #tpu.memory_space<vmem>>
      %dma_wait3A_869 = tpu.memref_squeeze %dma_wait3A_868 : memref<1x80x64xf32, #tpu.memory_space<vmem>> -> memref<80x64xf32, #tpu.memory_space<vmem>>
      %dma_wait3A_870 = arith.constant 0 : i32
      %dma_wait3A_871 = tpu.memref_slice %arg8[%add3A_625, %dma_wait3A_870] : memref<125x80xi32, #tpu.memory_space<vmem>> -> memref<1x80xi32, #tpu.memory_space<vmem>>
      %dma_wait3A_872 = tpu.memref_squeeze %dma_wait3A_871 : memref<1x80xi32, #tpu.memory_space<vmem>> -> memref<80xi32, #tpu.memory_space<vmem>>
      %dma_wait3A_873 = arith.constant 0 : i32
      %dma_wait3A_874 = arith.constant 0 : i32
      %dma_wait3A_875 = tpu.memref_slice %arg12[%dma_wait3A_873, %dma_wait3A_874] : memref<10240x64xf32, #tpu.memory_space<vmem_shared>> -> memref<10240x64xf32, #tpu.memory_space<vmem_shared>>
      %dma_wait3A_876 = tpu.memref_slice %arg11[%dma_wait3A_865] : memref<8x!tpu.dma_semaphore, #tpu.memory_space<semaphore_mem>> -> memref<1x!tpu.dma_semaphore, #tpu.memory_space<semaphore_mem>>
      %dma_wait3A_877 = tpu.memref_squeeze %dma_wait3A_876 : memref<1x!tpu.dma_semaphore, #tpu.memory_space<semaphore_mem>> -> memref<!tpu.dma_semaphore, #tpu.memory_space<semaphore_mem>>
      tpu.wait_indirect_dma semaphore(%dma_wait3A_877 : memref<!tpu.dma_semaphore, #tpu.memory_space<semaphore_mem>>) src(%dma_wait3A_869 : memref<80x64xf32, #tpu.memory_space<vmem>>) dst(%dma_wait3A_875 : memref<10240x64xf32, #tpu.memory_space<vmem_shared>>)
      %add3A_878 = arith.constant 8 : i32
      %add3A_879 = arith.addi %mul3A_511, %add3A_878 : i32
      %add3A_880 = arith.constant 3 : i32
      %add3A_881 = arith.addi %add3A_879, %add3A_880 : i32
      %dma_start3A_882 = arith.constant 3 : i32
      %dma_start3A_883 = arith.constant 3 : i32
      %dma_start3A_884 = arith.constant 0 : i32
      %dma_start3A_885 = arith.constant 0 : i32
      %dma_start3A_886 = tpu.memref_slice %arg9[%dma_start3A_882, %dma_start3A_884, %dma_start3A_885] : memref<8x80x64xf32, #tpu.memory_space<vmem>> -> memref<1x80x64xf32, #tpu.memory_space<vmem>>
      %dma_start3A_887 = tpu.memref_squeeze %dma_start3A_886 : memref<1x80x64xf32, #tpu.memory_space<vmem>> -> memref<80x64xf32, #tpu.memory_space<vmem>>
      %dma_start3A_888 = arith.constant 0 : i32
      %dma_start3A_889 = tpu.memref_slice %arg7[%add3A_881, %dma_start3A_888] : memref<125x80xi32, #tpu.memory_space<vmem>> -> memref<1x80xi32, #tpu.memory_space<vmem>>
      %dma_start3A_890 = tpu.memref_squeeze %dma_start3A_889 : memref<1x80xi32, #tpu.memory_space<vmem>> -> memref<80xi32, #tpu.memory_space<vmem>>
      %dma_start3A_891 = arith.constant 0 : i32
      %dma_start3A_892 = arith.constant 0 : i32
      %dma_start3A_893 = tpu.memref_slice %arg2[%dma_start3A_891, %dma_start3A_892] : memref<10000x64xf32, #tpu.memory_space<hbm>> -> memref<10000x64xf32, #tpu.memory_space<hbm>>
      %dma_start3A_894 = tpu.memref_slice %arg10[%dma_start3A_883] : memref<8x!tpu.dma_semaphore, #tpu.memory_space<semaphore_mem>> -> memref<1x!tpu.dma_semaphore, #tpu.memory_space<semaphore_mem>>
      %dma_start3A_895 = tpu.memref_squeeze %dma_start3A_894 : memref<1x!tpu.dma_semaphore, #tpu.memory_space<semaphore_mem>> -> memref<!tpu.dma_semaphore, #tpu.memory_space<semaphore_mem>>
      tpu.enqueue_indirect_dma source(%dma_start3A_893 : memref<10000x64xf32, #tpu.memory_space<hbm>>) target(%dma_start3A_887 : memref<80x64xf32, #tpu.memory_space<vmem>>) offsets(%dma_start3A_890 : memref<80xi32, #tpu.memory_space<vmem>>) semaphore(%dma_start3A_895 : memref<!tpu.dma_semaphore, #tpu.memory_space<semaphore_mem>>)
      %dma_wait3A_896 = arith.constant 4 : i32
      %dma_wait3A_897 = arith.constant 4 : i32
      %dma_wait3A_898 = arith.constant 0 : i32
      %dma_wait3A_899 = arith.constant 0 : i32
      %dma_wait3A_900 = tpu.memref_slice %arg9[%dma_wait3A_896, %dma_wait3A_898, %dma_wait3A_899] : memref<8x80x64xf32, #tpu.memory_space<vmem>> -> memref<1x80x64xf32, #tpu.memory_space<vmem>>
      %dma_wait3A_901 = tpu.memref_squeeze %dma_wait3A_900 : memref<1x80x64xf32, #tpu.memory_space<vmem>> -> memref<80x64xf32, #tpu.memory_space<vmem>>
      %dma_wait3A_902 = arith.constant 0 : i32
      %dma_wait3A_903 = tpu.memref_slice %arg8[%add3A_657, %dma_wait3A_902] : memref<125x80xi32, #tpu.memory_space<vmem>> -> memref<1x80xi32, #tpu.memory_space<vmem>>
      %dma_wait3A_904 = tpu.memref_squeeze %dma_wait3A_903 : memref<1x80xi32, #tpu.memory_space<vmem>> -> memref<80xi32, #tpu.memory_space<vmem>>
      %dma_wait3A_905 = arith.constant 0 : i32
      %dma_wait3A_906 = arith.constant 0 : i32
      %dma_wait3A_907 = tpu.memref_slice %arg12[%dma_wait3A_905, %dma_wait3A_906] : memref<10240x64xf32, #tpu.memory_space<vmem_shared>> -> memref<10240x64xf32, #tpu.memory_space<vmem_shared>>
      %dma_wait3A_908 = tpu.memref_slice %arg11[%dma_wait3A_897] : memref<8x!tpu.dma_semaphore, #tpu.memory_space<semaphore_mem>> -> memref<1x!tpu.dma_semaphore, #tpu.memory_space<semaphore_mem>>
      %dma_wait3A_909 = tpu.memref_squeeze %dma_wait3A_908 : memref<1x!tpu.dma_semaphore, #tpu.memory_space<semaphore_mem>> -> memref<!tpu.dma_semaphore, #tpu.memory_space<semaphore_mem>>
      tpu.wait_indirect_dma semaphore(%dma_wait3A_909 : memref<!tpu.dma_semaphore, #tpu.memory_space<semaphore_mem>>) src(%dma_wait3A_901 : memref<80x64xf32, #tpu.memory_space<vmem>>) dst(%dma_wait3A_907 : memref<10240x64xf32, #tpu.memory_space<vmem_shared>>)
      %add3A_910 = arith.constant 8 : i32
      %add3A_911 = arith.addi %mul3A_511, %add3A_910 : i32
      %add3A_912 = arith.constant 4 : i32
      %add3A_913 = arith.addi %add3A_911, %add3A_912 : i32
      %dma_start3A_914 = arith.constant 4 : i32
      %dma_start3A_915 = arith.constant 4 : i32
      %dma_start3A_916 = arith.constant 0 : i32
      %dma_start3A_917 = arith.constant 0 : i32
      %dma_start3A_918 = tpu.memref_slice %arg9[%dma_start3A_914, %dma_start3A_916, %dma_start3A_917] : memref<8x80x64xf32, #tpu.memory_space<vmem>> -> memref<1x80x64xf32, #tpu.memory_space<vmem>>
      %dma_start3A_919 = tpu.memref_squeeze %dma_start3A_918 : memref<1x80x64xf32, #tpu.memory_space<vmem>> -> memref<80x64xf32, #tpu.memory_space<vmem>>
      %dma_start3A_920 = arith.constant 0 : i32
      %dma_start3A_921 = tpu.memref_slice %arg7[%add3A_913, %dma_start3A_920] : memref<125x80xi32, #tpu.memory_space<vmem>> -> memref<1x80xi32, #tpu.memory_space<vmem>>
      %dma_start3A_922 = tpu.memref_squeeze %dma_start3A_921 : memref<1x80xi32, #tpu.memory_space<vmem>> -> memref<80xi32, #tpu.memory_space<vmem>>
      %dma_start3A_923 = arith.constant 0 : i32
      %dma_start3A_924 = arith.constant 0 : i32
      %dma_start3A_925 = tpu.memref_slice %arg2[%dma_start3A_923, %dma_start3A_924] : memref<10000x64xf32, #tpu.memory_space<hbm>> -> memref<10000x64xf32, #tpu.memory_space<hbm>>
      %dma_start3A_926 = tpu.memref_slice %arg10[%dma_start3A_915] : memref<8x!tpu.dma_semaphore, #tpu.memory_space<semaphore_mem>> -> memref<1x!tpu.dma_semaphore, #tpu.memory_space<semaphore_mem>>
      %dma_start3A_927 = tpu.memref_squeeze %dma_start3A_926 : memref<1x!tpu.dma_semaphore, #tpu.memory_space<semaphore_mem>> -> memref<!tpu.dma_semaphore, #tpu.memory_space<semaphore_mem>>
      tpu.enqueue_indirect_dma source(%dma_start3A_925 : memref<10000x64xf32, #tpu.memory_space<hbm>>) target(%dma_start3A_919 : memref<80x64xf32, #tpu.memory_space<vmem>>) offsets(%dma_start3A_922 : memref<80xi32, #tpu.memory_space<vmem>>) semaphore(%dma_start3A_927 : memref<!tpu.dma_semaphore, #tpu.memory_space<semaphore_mem>>)
      %dma_wait3A_928 = arith.constant 5 : i32
      %dma_wait3A_929 = arith.constant 5 : i32
      %dma_wait3A_930 = arith.constant 0 : i32
      %dma_wait3A_931 = arith.constant 0 : i32
      %dma_wait3A_932 = tpu.memref_slice %arg9[%dma_wait3A_928, %dma_wait3A_930, %dma_wait3A_931] : memref<8x80x64xf32, #tpu.memory_space<vmem>> -> memref<1x80x64xf32, #tpu.memory_space<vmem>>
      %dma_wait3A_933 = tpu.memref_squeeze %dma_wait3A_932 : memref<1x80x64xf32, #tpu.memory_space<vmem>> -> memref<80x64xf32, #tpu.memory_space<vmem>>
      %dma_wait3A_934 = arith.constant 0 : i32
      %dma_wait3A_935 = tpu.memref_slice %arg8[%add3A_689, %dma_wait3A_934] : memref<125x80xi32, #tpu.memory_space<vmem>> -> memref<1x80xi32, #tpu.memory_space<vmem>>
      %dma_wait3A_936 = tpu.memref_squeeze %dma_wait3A_935 : memref<1x80xi32, #tpu.memory_space<vmem>> -> memref<80xi32, #tpu.memory_space<vmem>>
      %dma_wait3A_937 = arith.constant 0 : i32
      %dma_wait3A_938 = arith.constant 0 : i32
      %dma_wait3A_939 = tpu.memref_slice %arg12[%dma_wait3A_937, %dma_wait3A_938] : memref<10240x64xf32, #tpu.memory_space<vmem_shared>> -> memref<10240x64xf32, #tpu.memory_space<vmem_shared>>
      %dma_wait3A_940 = tpu.memref_slice %arg11[%dma_wait3A_929] : memref<8x!tpu.dma_semaphore, #tpu.memory_space<semaphore_mem>> -> memref<1x!tpu.dma_semaphore, #tpu.memory_space<semaphore_mem>>
      %dma_wait3A_941 = tpu.memref_squeeze %dma_wait3A_940 : memref<1x!tpu.dma_semaphore, #tpu.memory_space<semaphore_mem>> -> memref<!tpu.dma_semaphore, #tpu.memory_space<semaphore_mem>>
      tpu.wait_indirect_dma semaphore(%dma_wait3A_941 : memref<!tpu.dma_semaphore, #tpu.memory_space<semaphore_mem>>) src(%dma_wait3A_933 : memref<80x64xf32, #tpu.memory_space<vmem>>) dst(%dma_wait3A_939 : memref<10240x64xf32, #tpu.memory_space<vmem_shared>>)
      %add3A_942 = arith.constant 8 : i32
      %add3A_943 = arith.addi %mul3A_511, %add3A_942 : i32
      %add3A_944 = arith.constant 5 : i32
      %add3A_945 = arith.addi %add3A_943, %add3A_944 : i32
      %dma_start3A_946 = arith.constant 5 : i32
      %dma_start3A_947 = arith.constant 5 : i32
      %dma_start3A_948 = arith.constant 0 : i32
      %dma_start3A_949 = arith.constant 0 : i32
      %dma_start3A_950 = tpu.memref_slice %arg9[%dma_start3A_946, %dma_start3A_948, %dma_start3A_949] : memref<8x80x64xf32, #tpu.memory_space<vmem>> -> memref<1x80x64xf32, #tpu.memory_space<vmem>>
      %dma_start3A_951 = tpu.memref_squeeze %dma_start3A_950 : memref<1x80x64xf32, #tpu.memory_space<vmem>> -> memref<80x64xf32, #tpu.memory_space<vmem>>
      %dma_start3A_952 = arith.constant 0 : i32
      %dma_start3A_953 = tpu.memref_slice %arg7[%add3A_945, %dma_start3A_952] : memref<125x80xi32, #tpu.memory_space<vmem>> -> memref<1x80xi32, #tpu.memory_space<vmem>>
      %dma_start3A_954 = tpu.memref_squeeze %dma_start3A_953 : memref<1x80xi32, #tpu.memory_space<vmem>> -> memref<80xi32, #tpu.memory_space<vmem>>
      %dma_start3A_955 = arith.constant 0 : i32
      %dma_start3A_956 = arith.constant 0 : i32
      %dma_start3A_957 = tpu.memref_slice %arg2[%dma_start3A_955, %dma_start3A_956] : memref<10000x64xf32, #tpu.memory_space<hbm>> -> memref<10000x64xf32, #tpu.memory_space<hbm>>
      %dma_start3A_958 = tpu.memref_slice %arg10[%dma_start3A_947] : memref<8x!tpu.dma_semaphore, #tpu.memory_space<semaphore_mem>> -> memref<1x!tpu.dma_semaphore, #tpu.memory_space<semaphore_mem>>
      %dma_start3A_959 = tpu.memref_squeeze %dma_start3A_958 : memref<1x!tpu.dma_semaphore, #tpu.memory_space<semaphore_mem>> -> memref<!tpu.dma_semaphore, #tpu.memory_space<semaphore_mem>>
      tpu.enqueue_indirect_dma source(%dma_start3A_957 : memref<10000x64xf32, #tpu.memory_space<hbm>>) target(%dma_start3A_951 : memref<80x64xf32, #tpu.memory_space<vmem>>) offsets(%dma_start3A_954 : memref<80xi32, #tpu.memory_space<vmem>>) semaphore(%dma_start3A_959 : memref<!tpu.dma_semaphore, #tpu.memory_space<semaphore_mem>>)
      %dma_wait3A_960 = arith.constant 6 : i32
      %dma_wait3A_961 = arith.constant 6 : i32
      %dma_wait3A_962 = arith.constant 0 : i32
      %dma_wait3A_963 = arith.constant 0 : i32
      %dma_wait3A_964 = tpu.memref_slice %arg9[%dma_wait3A_960, %dma_wait3A_962, %dma_wait3A_963] : memref<8x80x64xf32, #tpu.memory_space<vmem>> -> memref<1x80x64xf32, #tpu.memory_space<vmem>>
      %dma_wait3A_965 = tpu.memref_squeeze %dma_wait3A_964 : memref<1x80x64xf32, #tpu.memory_space<vmem>> -> memref<80x64xf32, #tpu.memory_space<vmem>>
      %dma_wait3A_966 = arith.constant 0 : i32
      %dma_wait3A_967 = tpu.memref_slice %arg8[%add3A_721, %dma_wait3A_966] : memref<125x80xi32, #tpu.memory_space<vmem>> -> memref<1x80xi32, #tpu.memory_space<vmem>>
      %dma_wait3A_968 = tpu.memref_squeeze %dma_wait3A_967 : memref<1x80xi32, #tpu.memory_space<vmem>> -> memref<80xi32, #tpu.memory_space<vmem>>
      %dma_wait3A_969 = arith.constant 0 : i32
      %dma_wait3A_970 = arith.constant 0 : i32
      %dma_wait3A_971 = tpu.memref_slice %arg12[%dma_wait3A_969, %dma_wait3A_970] : memref<10240x64xf32, #tpu.memory_space<vmem_shared>> -> memref<10240x64xf32, #tpu.memory_space<vmem_shared>>
      %dma_wait3A_972 = tpu.memref_slice %arg11[%dma_wait3A_961] : memref<8x!tpu.dma_semaphore, #tpu.memory_space<semaphore_mem>> -> memref<1x!tpu.dma_semaphore, #tpu.memory_space<semaphore_mem>>
      %dma_wait3A_973 = tpu.memref_squeeze %dma_wait3A_972 : memref<1x!tpu.dma_semaphore, #tpu.memory_space<semaphore_mem>> -> memref<!tpu.dma_semaphore, #tpu.memory_space<semaphore_mem>>
      tpu.wait_indirect_dma semaphore(%dma_wait3A_973 : memref<!tpu.dma_semaphore, #tpu.memory_space<semaphore_mem>>) src(%dma_wait3A_965 : memref<80x64xf32, #tpu.memory_space<vmem>>) dst(%dma_wait3A_971 : memref<10240x64xf32, #tpu.memory_space<vmem_shared>>)
      %add3A_974 = arith.constant 8 : i32
      %add3A_975 = arith.addi %mul3A_511, %add3A_974 : i32
      %add3A_976 = arith.constant 6 : i32
      %add3A_977 = arith.addi %add3A_975, %add3A_976 : i32
      %dma_start3A_978 = arith.constant 6 : i32
      %dma_start3A_979 = arith.constant 6 : i32
      %dma_start3A_980 = arith.constant 0 : i32
      %dma_start3A_981 = arith.constant 0 : i32
      %dma_start3A_982 = tpu.memref_slice %arg9[%dma_start3A_978, %dma_start3A_980, %dma_start3A_981] : memref<8x80x64xf32, #tpu.memory_space<vmem>> -> memref<1x80x64xf32, #tpu.memory_space<vmem>>
      %dma_start3A_983 = tpu.memref_squeeze %dma_start3A_982 : memref<1x80x64xf32, #tpu.memory_space<vmem>> -> memref<80x64xf32, #tpu.memory_space<vmem>>
      %dma_start3A_984 = arith.constant 0 : i32
      %dma_start3A_985 = tpu.memref_slice %arg7[%add3A_977, %dma_start3A_984] : memref<125x80xi32, #tpu.memory_space<vmem>> -> memref<1x80xi32, #tpu.memory_space<vmem>>
      %dma_start3A_986 = tpu.memref_squeeze %dma_start3A_985 : memref<1x80xi32, #tpu.memory_space<vmem>> -> memref<80xi32, #tpu.memory_space<vmem>>
      %dma_start3A_987 = arith.constant 0 : i32
      %dma_start3A_988 = arith.constant 0 : i32
      %dma_start3A_989 = tpu.memref_slice %arg2[%dma_start3A_987, %dma_start3A_988] : memref<10000x64xf32, #tpu.memory_space<hbm>> -> memref<10000x64xf32, #tpu.memory_space<hbm>>
      %dma_start3A_990 = tpu.memref_slice %arg10[%dma_start3A_979] : memref<8x!tpu.dma_semaphore, #tpu.memory_space<semaphore_mem>> -> memref<1x!tpu.dma_semaphore, #tpu.memory_space<semaphore_mem>>
      %dma_start3A_991 = tpu.memref_squeeze %dma_start3A_990 : memref<1x!tpu.dma_semaphore, #tpu.memory_space<semaphore_mem>> -> memref<!tpu.dma_semaphore, #tpu.memory_space<semaphore_mem>>
      tpu.enqueue_indirect_dma source(%dma_start3A_989 : memref<10000x64xf32, #tpu.memory_space<hbm>>) target(%dma_start3A_983 : memref<80x64xf32, #tpu.memory_space<vmem>>) offsets(%dma_start3A_986 : memref<80xi32, #tpu.memory_space<vmem>>) semaphore(%dma_start3A_991 : memref<!tpu.dma_semaphore, #tpu.memory_space<semaphore_mem>>)
      %dma_wait3A_992 = arith.constant 7 : i32
      %dma_wait3A_993 = arith.constant 7 : i32
      %dma_wait3A_994 = arith.constant 0 : i32
      %dma_wait3A_995 = arith.constant 0 : i32
      %dma_wait3A_996 = tpu.memref_slice %arg9[%dma_wait3A_992, %dma_wait3A_994, %dma_wait3A_995] : memref<8x80x64xf32, #tpu.memory_space<vmem>> -> memref<1x80x64xf32, #tpu.memory_space<vmem>>
      %dma_wait3A_997 = tpu.memref_squeeze %dma_wait3A_996 : memref<1x80x64xf32, #tpu.memory_space<vmem>> -> memref<80x64xf32, #tpu.memory_space<vmem>>
      %dma_wait3A_998 = arith.constant 0 : i32
      %dma_wait3A_999 = tpu.memref_slice %arg8[%add3A_753, %dma_wait3A_998] : memref<125x80xi32, #tpu.memory_space<vmem>> -> memref<1x80xi32, #tpu.memory_space<vmem>>
      %dma_wait3A_1000 = tpu.memref_squeeze %dma_wait3A_999 : memref<1x80xi32, #tpu.memory_space<vmem>> -> memref<80xi32, #tpu.memory_space<vmem>>
      %dma_wait3A_1001 = arith.constant 0 : i32
      %dma_wait3A_1002 = arith.constant 0 : i32
      %dma_wait3A_1003 = tpu.memref_slice %arg12[%dma_wait3A_1001, %dma_wait3A_1002] : memref<10240x64xf32, #tpu.memory_space<vmem_shared>> -> memref<10240x64xf32, #tpu.memory_space<vmem_shared>>
      %dma_wait3A_1004 = tpu.memref_slice %arg11[%dma_wait3A_993] : memref<8x!tpu.dma_semaphore, #tpu.memory_space<semaphore_mem>> -> memref<1x!tpu.dma_semaphore, #tpu.memory_space<semaphore_mem>>
      %dma_wait3A_1005 = tpu.memref_squeeze %dma_wait3A_1004 : memref<1x!tpu.dma_semaphore, #tpu.memory_space<semaphore_mem>> -> memref<!tpu.dma_semaphore, #tpu.memory_space<semaphore_mem>>
      tpu.wait_indirect_dma semaphore(%dma_wait3A_1005 : memref<!tpu.dma_semaphore, #tpu.memory_space<semaphore_mem>>) src(%dma_wait3A_997 : memref<80x64xf32, #tpu.memory_space<vmem>>) dst(%dma_wait3A_1003 : memref<10240x64xf32, #tpu.memory_space<vmem_shared>>)
      %add3A_1006 = arith.constant 8 : i32
      %add3A_1007 = arith.addi %mul3A_511, %add3A_1006 : i32
      %add3A_1008 = arith.constant 7 : i32
      %add3A_1009 = arith.addi %add3A_1007, %add3A_1008 : i32
      %dma_start3A_1010 = arith.constant 7 : i32
      %dma_start3A_1011 = arith.constant 7 : i32
      %dma_start3A_1012 = arith.constant 0 : i32
      %dma_start3A_1013 = arith.constant 0 : i32
      %dma_start3A_1014 = tpu.memref_slice %arg9[%dma_start3A_1010, %dma_start3A_1012, %dma_start3A_1013] : memref<8x80x64xf32, #tpu.memory_space<vmem>> -> memref<1x80x64xf32, #tpu.memory_space<vmem>>
      %dma_start3A_1015 = tpu.memref_squeeze %dma_start3A_1014 : memref<1x80x64xf32, #tpu.memory_space<vmem>> -> memref<80x64xf32, #tpu.memory_space<vmem>>
      %dma_start3A_1016 = arith.constant 0 : i32
      %dma_start3A_1017 = tpu.memref_slice %arg7[%add3A_1009, %dma_start3A_1016] : memref<125x80xi32, #tpu.memory_space<vmem>> -> memref<1x80xi32, #tpu.memory_space<vmem>>
      %dma_start3A_1018 = tpu.memref_squeeze %dma_start3A_1017 : memref<1x80xi32, #tpu.memory_space<vmem>> -> memref<80xi32, #tpu.memory_space<vmem>>
      %dma_start3A_1019 = arith.constant 0 : i32
      %dma_start3A_1020 = arith.constant 0 : i32
      %dma_start3A_1021 = tpu.memref_slice %arg2[%dma_start3A_1019, %dma_start3A_1020] : memref<10000x64xf32, #tpu.memory_space<hbm>> -> memref<10000x64xf32, #tpu.memory_space<hbm>>
      %dma_start3A_1022 = tpu.memref_slice %arg10[%dma_start3A_1011] : memref<8x!tpu.dma_semaphore, #tpu.memory_space<semaphore_mem>> -> memref<1x!tpu.dma_semaphore, #tpu.memory_space<semaphore_mem>>
      %dma_start3A_1023 = tpu.memref_squeeze %dma_start3A_1022 : memref<1x!tpu.dma_semaphore, #tpu.memory_space<semaphore_mem>> -> memref<!tpu.dma_semaphore, #tpu.memory_space<semaphore_mem>>
      tpu.enqueue_indirect_dma source(%dma_start3A_1021 : memref<10000x64xf32, #tpu.memory_space<hbm>>) target(%dma_start3A_1015 : memref<80x64xf32, #tpu.memory_space<vmem>>) offsets(%dma_start3A_1018 : memref<80xi32, #tpu.memory_space<vmem>>) semaphore(%dma_start3A_1023 : memref<!tpu.dma_semaphore, #tpu.memory_space<semaphore_mem>>)
    }
    %scan3A_125 = arith.constant 14 : i32
    %dma_wait3A = arith.constant 112 : i32
    %dma_wait3A_126 = arith.constant 0 : i32
    %dma_wait3A_127 = arith.constant 0 : i32
    %dma_wait3A_128 = arith.constant 0 : i32
    %dma_wait3A_129 = arith.constant 0 : i32
    %dma_wait3A_130 = tpu.memref_slice %arg9[%dma_wait3A_126, %dma_wait3A_128, %dma_wait3A_129] : memref<8x80x64xf32, #tpu.memory_space<vmem>> -> memref<1x80x64xf32, #tpu.memory_space<vmem>>
    %dma_wait3A_131 = tpu.memref_squeeze %dma_wait3A_130 : memref<1x80x64xf32, #tpu.memory_space<vmem>> -> memref<80x64xf32, #tpu.memory_space<vmem>>
    %dma_wait3A_132 = arith.constant 0 : i32
    %dma_wait3A_133 = tpu.memref_slice %arg7[%dma_wait3A, %dma_wait3A_132] : memref<125x80xi32, #tpu.memory_space<vmem>> -> memref<1x80xi32, #tpu.memory_space<vmem>>
    %dma_wait3A_134 = tpu.memref_squeeze %dma_wait3A_133 : memref<1x80xi32, #tpu.memory_space<vmem>> -> memref<80xi32, #tpu.memory_space<vmem>>
    %dma_wait3A_135 = arith.constant 0 : i32
    %dma_wait3A_136 = arith.constant 0 : i32
    %dma_wait3A_137 = tpu.memref_slice %arg2[%dma_wait3A_135, %dma_wait3A_136] : memref<10000x64xf32, #tpu.memory_space<hbm>> -> memref<10000x64xf32, #tpu.memory_space<hbm>>
    %dma_wait3A_138 = tpu.memref_slice %arg10[%dma_wait3A_127] : memref<8x!tpu.dma_semaphore, #tpu.memory_space<semaphore_mem>> -> memref<1x!tpu.dma_semaphore, #tpu.memory_space<semaphore_mem>>
    %dma_wait3A_139 = tpu.memref_squeeze %dma_wait3A_138 : memref<1x!tpu.dma_semaphore, #tpu.memory_space<semaphore_mem>> -> memref<!tpu.dma_semaphore, #tpu.memory_space<semaphore_mem>>
    tpu.wait_indirect_dma semaphore(%dma_wait3A_139 : memref<!tpu.dma_semaphore, #tpu.memory_space<semaphore_mem>>) src(%dma_wait3A_137 : memref<10000x64xf32, #tpu.memory_space<hbm>>) dst(%dma_wait3A_131 : memref<80x64xf32, #tpu.memory_space<vmem>>)
    %dma_start3A_140 = arith.constant 0 : i32
    %dma_start3A_141 = arith.constant 112 : i32
    %dma_start3A_142 = arith.constant 0 : i32
    %dma_start3A_143 = arith.constant 0 : i32
    %dma_start3A_144 = arith.constant 0 : i32
    %dma_start3A_145 = tpu.memref_slice %arg9[%dma_start3A_140, %dma_start3A_143, %dma_start3A_144] : memref<8x80x64xf32, #tpu.memory_space<vmem>> -> memref<1x80x64xf32, #tpu.memory_space<vmem>>
    %dma_start3A_146 = tpu.memref_squeeze %dma_start3A_145 : memref<1x80x64xf32, #tpu.memory_space<vmem>> -> memref<80x64xf32, #tpu.memory_space<vmem>>
    %dma_start3A_147 = arith.constant 0 : i32
    %dma_start3A_148 = tpu.memref_slice %arg8[%dma_start3A_141, %dma_start3A_147] : memref<125x80xi32, #tpu.memory_space<vmem>> -> memref<1x80xi32, #tpu.memory_space<vmem>>
    %dma_start3A_149 = tpu.memref_squeeze %dma_start3A_148 : memref<1x80xi32, #tpu.memory_space<vmem>> -> memref<80xi32, #tpu.memory_space<vmem>>
    %dma_start3A_150 = arith.constant 0 : i32
    %dma_start3A_151 = arith.constant 0 : i32
    %dma_start3A_152 = tpu.memref_slice %arg12[%dma_start3A_150, %dma_start3A_151] : memref<10240x64xf32, #tpu.memory_space<vmem_shared>> -> memref<10240x64xf32, #tpu.memory_space<vmem_shared>>
    %dma_start3A_153 = tpu.memref_slice %arg11[%dma_start3A_142] : memref<8x!tpu.dma_semaphore, #tpu.memory_space<semaphore_mem>> -> memref<1x!tpu.dma_semaphore, #tpu.memory_space<semaphore_mem>>
    %dma_start3A_154 = tpu.memref_squeeze %dma_start3A_153 : memref<1x!tpu.dma_semaphore, #tpu.memory_space<semaphore_mem>> -> memref<!tpu.dma_semaphore, #tpu.memory_space<semaphore_mem>>
    tpu.enqueue_indirect_dma source(%dma_start3A_146 : memref<80x64xf32, #tpu.memory_space<vmem>>) target(%dma_start3A_152 : memref<10240x64xf32, #tpu.memory_space<vmem_shared>>) offsets(%dma_start3A_149 : memref<80xi32, #tpu.memory_space<vmem>>) semaphore(%dma_start3A_154 : memref<!tpu.dma_semaphore, #tpu.memory_space<semaphore_mem>>) {add = true}
    %dma_wait3A_155 = arith.constant 113 : i32
    %dma_wait3A_156 = arith.constant 1 : i32
    %dma_wait3A_157 = arith.constant 1 : i32
    %dma_wait3A_158 = arith.constant 0 : i32
    %dma_wait3A_159 = arith.constant 0 : i32
    %dma_wait3A_160 = tpu.memref_slice %arg9[%dma_wait3A_156, %dma_wait3A_158, %dma_wait3A_159] : memref<8x80x64xf32, #tpu.memory_space<vmem>> -> memref<1x80x64xf32, #tpu.memory_space<vmem>>
    %dma_wait3A_161 = tpu.memref_squeeze %dma_wait3A_160 : memref<1x80x64xf32, #tpu.memory_space<vmem>> -> memref<80x64xf32, #tpu.memory_space<vmem>>
    %dma_wait3A_162 = arith.constant 0 : i32
    %dma_wait3A_163 = tpu.memref_slice %arg7[%dma_wait3A_155, %dma_wait3A_162] : memref<125x80xi32, #tpu.memory_space<vmem>> -> memref<1x80xi32, #tpu.memory_space<vmem>>
    %dma_wait3A_164 = tpu.memref_squeeze %dma_wait3A_163 : memref<1x80xi32, #tpu.memory_space<vmem>> -> memref<80xi32, #tpu.memory_space<vmem>>
    %dma_wait3A_165 = arith.constant 0 : i32
    %dma_wait3A_166 = arith.constant 0 : i32
    %dma_wait3A_167 = tpu.memref_slice %arg2[%dma_wait3A_165, %dma_wait3A_166] : memref<10000x64xf32, #tpu.memory_space<hbm>> -> memref<10000x64xf32, #tpu.memory_space<hbm>>
    %dma_wait3A_168 = tpu.memref_slice %arg10[%dma_wait3A_157] : memref<8x!tpu.dma_semaphore, #tpu.memory_space<semaphore_mem>> -> memref<1x!tpu.dma_semaphore, #tpu.memory_space<semaphore_mem>>
    %dma_wait3A_169 = tpu.memref_squeeze %dma_wait3A_168 : memref<1x!tpu.dma_semaphore, #tpu.memory_space<semaphore_mem>> -> memref<!tpu.dma_semaphore, #tpu.memory_space<semaphore_mem>>
    tpu.wait_indirect_dma semaphore(%dma_wait3A_169 : memref<!tpu.dma_semaphore, #tpu.memory_space<semaphore_mem>>) src(%dma_wait3A_167 : memref<10000x64xf32, #tpu.memory_space<hbm>>) dst(%dma_wait3A_161 : memref<80x64xf32, #tpu.memory_space<vmem>>)
    %dma_start3A_170 = arith.constant 1 : i32
    %dma_start3A_171 = arith.constant 113 : i32
    %dma_start3A_172 = arith.constant 1 : i32
    %dma_start3A_173 = arith.constant 0 : i32
    %dma_start3A_174 = arith.constant 0 : i32
    %dma_start3A_175 = tpu.memref_slice %arg9[%dma_start3A_170, %dma_start3A_173, %dma_start3A_174] : memref<8x80x64xf32, #tpu.memory_space<vmem>> -> memref<1x80x64xf32, #tpu.memory_space<vmem>>
    %dma_start3A_176 = tpu.memref_squeeze %dma_start3A_175 : memref<1x80x64xf32, #tpu.memory_space<vmem>> -> memref<80x64xf32, #tpu.memory_space<vmem>>
    %dma_start3A_177 = arith.constant 0 : i32
    %dma_start3A_178 = tpu.memref_slice %arg8[%dma_start3A_171, %dma_start3A_177] : memref<125x80xi32, #tpu.memory_space<vmem>> -> memref<1x80xi32, #tpu.memory_space<vmem>>
    %dma_start3A_179 = tpu.memref_squeeze %dma_start3A_178 : memref<1x80xi32, #tpu.memory_space<vmem>> -> memref<80xi32, #tpu.memory_space<vmem>>
    %dma_start3A_180 = arith.constant 0 : i32
    %dma_start3A_181 = arith.constant 0 : i32
    %dma_start3A_182 = tpu.memref_slice %arg12[%dma_start3A_180, %dma_start3A_181] : memref<10240x64xf32, #tpu.memory_space<vmem_shared>> -> memref<10240x64xf32, #tpu.memory_space<vmem_shared>>
    %dma_start3A_183 = tpu.memref_slice %arg11[%dma_start3A_172] : memref<8x!tpu.dma_semaphore, #tpu.memory_space<semaphore_mem>> -> memref<1x!tpu.dma_semaphore, #tpu.memory_space<semaphore_mem>>
    %dma_start3A_184 = tpu.memref_squeeze %dma_start3A_183 : memref<1x!tpu.dma_semaphore, #tpu.memory_space<semaphore_mem>> -> memref<!tpu.dma_semaphore, #tpu.memory_space<semaphore_mem>>
    tpu.enqueue_indirect_dma source(%dma_start3A_176 : memref<80x64xf32, #tpu.memory_space<vmem>>) target(%dma_start3A_182 : memref<10240x64xf32, #tpu.memory_space<vmem_shared>>) offsets(%dma_start3A_179 : memref<80xi32, #tpu.memory_space<vmem>>) semaphore(%dma_start3A_184 : memref<!tpu.dma_semaphore, #tpu.memory_space<semaphore_mem>>) {add = true}
    %dma_wait3A_185 = arith.constant 114 : i32
    %dma_wait3A_186 = arith.constant 2 : i32
    %dma_wait3A_187 = arith.constant 2 : i32
    %dma_wait3A_188 = arith.constant 0 : i32
    %dma_wait3A_189 = arith.constant 0 : i32
    %dma_wait3A_190 = tpu.memref_slice %arg9[%dma_wait3A_186, %dma_wait3A_188, %dma_wait3A_189] : memref<8x80x64xf32, #tpu.memory_space<vmem>> -> memref<1x80x64xf32, #tpu.memory_space<vmem>>
    %dma_wait3A_191 = tpu.memref_squeeze %dma_wait3A_190 : memref<1x80x64xf32, #tpu.memory_space<vmem>> -> memref<80x64xf32, #tpu.memory_space<vmem>>
    %dma_wait3A_192 = arith.constant 0 : i32
    %dma_wait3A_193 = tpu.memref_slice %arg7[%dma_wait3A_185, %dma_wait3A_192] : memref<125x80xi32, #tpu.memory_space<vmem>> -> memref<1x80xi32, #tpu.memory_space<vmem>>
    %dma_wait3A_194 = tpu.memref_squeeze %dma_wait3A_193 : memref<1x80xi32, #tpu.memory_space<vmem>> -> memref<80xi32, #tpu.memory_space<vmem>>
    %dma_wait3A_195 = arith.constant 0 : i32
    %dma_wait3A_196 = arith.constant 0 : i32
    %dma_wait3A_197 = tpu.memref_slice %arg2[%dma_wait3A_195, %dma_wait3A_196] : memref<10000x64xf32, #tpu.memory_space<hbm>> -> memref<10000x64xf32, #tpu.memory_space<hbm>>
    %dma_wait3A_198 = tpu.memref_slice %arg10[%dma_wait3A_187] : memref<8x!tpu.dma_semaphore, #tpu.memory_space<semaphore_mem>> -> memref<1x!tpu.dma_semaphore, #tpu.memory_space<semaphore_mem>>
    %dma_wait3A_199 = tpu.memref_squeeze %dma_wait3A_198 : memref<1x!tpu.dma_semaphore, #tpu.memory_space<semaphore_mem>> -> memref<!tpu.dma_semaphore, #tpu.memory_space<semaphore_mem>>
    tpu.wait_indirect_dma semaphore(%dma_wait3A_199 : memref<!tpu.dma_semaphore, #tpu.memory_space<semaphore_mem>>) src(%dma_wait3A_197 : memref<10000x64xf32, #tpu.memory_space<hbm>>) dst(%dma_wait3A_191 : memref<80x64xf32, #tpu.memory_space<vmem>>)
    %dma_start3A_200 = arith.constant 2 : i32
    %dma_start3A_201 = arith.constant 114 : i32
    %dma_start3A_202 = arith.constant 2 : i32
    %dma_start3A_203 = arith.constant 0 : i32
    %dma_start3A_204 = arith.constant 0 : i32
    %dma_start3A_205 = tpu.memref_slice %arg9[%dma_start3A_200, %dma_start3A_203, %dma_start3A_204] : memref<8x80x64xf32, #tpu.memory_space<vmem>> -> memref<1x80x64xf32, #tpu.memory_space<vmem>>
    %dma_start3A_206 = tpu.memref_squeeze %dma_start3A_205 : memref<1x80x64xf32, #tpu.memory_space<vmem>> -> memref<80x64xf32, #tpu.memory_space<vmem>>
    %dma_start3A_207 = arith.constant 0 : i32
    %dma_start3A_208 = tpu.memref_slice %arg8[%dma_start3A_201, %dma_start3A_207] : memref<125x80xi32, #tpu.memory_space<vmem>> -> memref<1x80xi32, #tpu.memory_space<vmem>>
    %dma_start3A_209 = tpu.memref_squeeze %dma_start3A_208 : memref<1x80xi32, #tpu.memory_space<vmem>> -> memref<80xi32, #tpu.memory_space<vmem>>
    %dma_start3A_210 = arith.constant 0 : i32
    %dma_start3A_211 = arith.constant 0 : i32
    %dma_start3A_212 = tpu.memref_slice %arg12[%dma_start3A_210, %dma_start3A_211] : memref<10240x64xf32, #tpu.memory_space<vmem_shared>> -> memref<10240x64xf32, #tpu.memory_space<vmem_shared>>
    %dma_start3A_213 = tpu.memref_slice %arg11[%dma_start3A_202] : memref<8x!tpu.dma_semaphore, #tpu.memory_space<semaphore_mem>> -> memref<1x!tpu.dma_semaphore, #tpu.memory_space<semaphore_mem>>
    %dma_start3A_214 = tpu.memref_squeeze %dma_start3A_213 : memref<1x!tpu.dma_semaphore, #tpu.memory_space<semaphore_mem>> -> memref<!tpu.dma_semaphore, #tpu.memory_space<semaphore_mem>>
    tpu.enqueue_indirect_dma source(%dma_start3A_206 : memref<80x64xf32, #tpu.memory_space<vmem>>) target(%dma_start3A_212 : memref<10240x64xf32, #tpu.memory_space<vmem_shared>>) offsets(%dma_start3A_209 : memref<80xi32, #tpu.memory_space<vmem>>) semaphore(%dma_start3A_214 : memref<!tpu.dma_semaphore, #tpu.memory_space<semaphore_mem>>) {add = true}
    %dma_wait3A_215 = arith.constant 115 : i32
    %dma_wait3A_216 = arith.constant 3 : i32
    %dma_wait3A_217 = arith.constant 3 : i32
    %dma_wait3A_218 = arith.constant 0 : i32
    %dma_wait3A_219 = arith.constant 0 : i32
    %dma_wait3A_220 = tpu.memref_slice %arg9[%dma_wait3A_216, %dma_wait3A_218, %dma_wait3A_219] : memref<8x80x64xf32, #tpu.memory_space<vmem>> -> memref<1x80x64xf32, #tpu.memory_space<vmem>>
    %dma_wait3A_221 = tpu.memref_squeeze %dma_wait3A_220 : memref<1x80x64xf32, #tpu.memory_space<vmem>> -> memref<80x64xf32, #tpu.memory_space<vmem>>
    %dma_wait3A_222 = arith.constant 0 : i32
    %dma_wait3A_223 = tpu.memref_slice %arg7[%dma_wait3A_215, %dma_wait3A_222] : memref<125x80xi32, #tpu.memory_space<vmem>> -> memref<1x80xi32, #tpu.memory_space<vmem>>
    %dma_wait3A_224 = tpu.memref_squeeze %dma_wait3A_223 : memref<1x80xi32, #tpu.memory_space<vmem>> -> memref<80xi32, #tpu.memory_space<vmem>>
    %dma_wait3A_225 = arith.constant 0 : i32
    %dma_wait3A_226 = arith.constant 0 : i32
    %dma_wait3A_227 = tpu.memref_slice %arg2[%dma_wait3A_225, %dma_wait3A_226] : memref<10000x64xf32, #tpu.memory_space<hbm>> -> memref<10000x64xf32, #tpu.memory_space<hbm>>
    %dma_wait3A_228 = tpu.memref_slice %arg10[%dma_wait3A_217] : memref<8x!tpu.dma_semaphore, #tpu.memory_space<semaphore_mem>> -> memref<1x!tpu.dma_semaphore, #tpu.memory_space<semaphore_mem>>
    %dma_wait3A_229 = tpu.memref_squeeze %dma_wait3A_228 : memref<1x!tpu.dma_semaphore, #tpu.memory_space<semaphore_mem>> -> memref<!tpu.dma_semaphore, #tpu.memory_space<semaphore_mem>>
    tpu.wait_indirect_dma semaphore(%dma_wait3A_229 : memref<!tpu.dma_semaphore, #tpu.memory_space<semaphore_mem>>) src(%dma_wait3A_227 : memref<10000x64xf32, #tpu.memory_space<hbm>>) dst(%dma_wait3A_221 : memref<80x64xf32, #tpu.memory_space<vmem>>)
    %dma_start3A_230 = arith.constant 3 : i32
    %dma_start3A_231 = arith.constant 115 : i32
    %dma_start3A_232 = arith.constant 3 : i32
    %dma_start3A_233 = arith.constant 0 : i32
    %dma_start3A_234 = arith.constant 0 : i32
    %dma_start3A_235 = tpu.memref_slice %arg9[%dma_start3A_230, %dma_start3A_233, %dma_start3A_234] : memref<8x80x64xf32, #tpu.memory_space<vmem>> -> memref<1x80x64xf32, #tpu.memory_space<vmem>>
    %dma_start3A_236 = tpu.memref_squeeze %dma_start3A_235 : memref<1x80x64xf32, #tpu.memory_space<vmem>> -> memref<80x64xf32, #tpu.memory_space<vmem>>
    %dma_start3A_237 = arith.constant 0 : i32
    %dma_start3A_238 = tpu.memref_slice %arg8[%dma_start3A_231, %dma_start3A_237] : memref<125x80xi32, #tpu.memory_space<vmem>> -> memref<1x80xi32, #tpu.memory_space<vmem>>
    %dma_start3A_239 = tpu.memref_squeeze %dma_start3A_238 : memref<1x80xi32, #tpu.memory_space<vmem>> -> memref<80xi32, #tpu.memory_space<vmem>>
    %dma_start3A_240 = arith.constant 0 : i32
    %dma_start3A_241 = arith.constant 0 : i32
    %dma_start3A_242 = tpu.memref_slice %arg12[%dma_start3A_240, %dma_start3A_241] : memref<10240x64xf32, #tpu.memory_space<vmem_shared>> -> memref<10240x64xf32, #tpu.memory_space<vmem_shared>>
    %dma_start3A_243 = tpu.memref_slice %arg11[%dma_start3A_232] : memref<8x!tpu.dma_semaphore, #tpu.memory_space<semaphore_mem>> -> memref<1x!tpu.dma_semaphore, #tpu.memory_space<semaphore_mem>>
    %dma_start3A_244 = tpu.memref_squeeze %dma_start3A_243 : memref<1x!tpu.dma_semaphore, #tpu.memory_space<semaphore_mem>> -> memref<!tpu.dma_semaphore, #tpu.memory_space<semaphore_mem>>
    tpu.enqueue_indirect_dma source(%dma_start3A_236 : memref<80x64xf32, #tpu.memory_space<vmem>>) target(%dma_start3A_242 : memref<10240x64xf32, #tpu.memory_space<vmem_shared>>) offsets(%dma_start3A_239 : memref<80xi32, #tpu.memory_space<vmem>>) semaphore(%dma_start3A_244 : memref<!tpu.dma_semaphore, #tpu.memory_space<semaphore_mem>>) {add = true}
    %dma_wait3A_245 = arith.constant 116 : i32
    %dma_wait3A_246 = arith.constant 4 : i32
    %dma_wait3A_247 = arith.constant 4 : i32
    %dma_wait3A_248 = arith.constant 0 : i32
    %dma_wait3A_249 = arith.constant 0 : i32
    %dma_wait3A_250 = tpu.memref_slice %arg9[%dma_wait3A_246, %dma_wait3A_248, %dma_wait3A_249] : memref<8x80x64xf32, #tpu.memory_space<vmem>> -> memref<1x80x64xf32, #tpu.memory_space<vmem>>
    %dma_wait3A_251 = tpu.memref_squeeze %dma_wait3A_250 : memref<1x80x64xf32, #tpu.memory_space<vmem>> -> memref<80x64xf32, #tpu.memory_space<vmem>>
    %dma_wait3A_252 = arith.constant 0 : i32
    %dma_wait3A_253 = tpu.memref_slice %arg7[%dma_wait3A_245, %dma_wait3A_252] : memref<125x80xi32, #tpu.memory_space<vmem>> -> memref<1x80xi32, #tpu.memory_space<vmem>>
    %dma_wait3A_254 = tpu.memref_squeeze %dma_wait3A_253 : memref<1x80xi32, #tpu.memory_space<vmem>> -> memref<80xi32, #tpu.memory_space<vmem>>
    %dma_wait3A_255 = arith.constant 0 : i32
    %dma_wait3A_256 = arith.constant 0 : i32
    %dma_wait3A_257 = tpu.memref_slice %arg2[%dma_wait3A_255, %dma_wait3A_256] : memref<10000x64xf32, #tpu.memory_space<hbm>> -> memref<10000x64xf32, #tpu.memory_space<hbm>>
    %dma_wait3A_258 = tpu.memref_slice %arg10[%dma_wait3A_247] : memref<8x!tpu.dma_semaphore, #tpu.memory_space<semaphore_mem>> -> memref<1x!tpu.dma_semaphore, #tpu.memory_space<semaphore_mem>>
    %dma_wait3A_259 = tpu.memref_squeeze %dma_wait3A_258 : memref<1x!tpu.dma_semaphore, #tpu.memory_space<semaphore_mem>> -> memref<!tpu.dma_semaphore, #tpu.memory_space<semaphore_mem>>
    tpu.wait_indirect_dma semaphore(%dma_wait3A_259 : memref<!tpu.dma_semaphore, #tpu.memory_space<semaphore_mem>>) src(%dma_wait3A_257 : memref<10000x64xf32, #tpu.memory_space<hbm>>) dst(%dma_wait3A_251 : memref<80x64xf32, #tpu.memory_space<vmem>>)
    %dma_start3A_260 = arith.constant 4 : i32
    %dma_start3A_261 = arith.constant 116 : i32
    %dma_start3A_262 = arith.constant 4 : i32
    %dma_start3A_263 = arith.constant 0 : i32
    %dma_start3A_264 = arith.constant 0 : i32
    %dma_start3A_265 = tpu.memref_slice %arg9[%dma_start3A_260, %dma_start3A_263, %dma_start3A_264] : memref<8x80x64xf32, #tpu.memory_space<vmem>> -> memref<1x80x64xf32, #tpu.memory_space<vmem>>
    %dma_start3A_266 = tpu.memref_squeeze %dma_start3A_265 : memref<1x80x64xf32, #tpu.memory_space<vmem>> -> memref<80x64xf32, #tpu.memory_space<vmem>>
    %dma_start3A_267 = arith.constant 0 : i32
    %dma_start3A_268 = tpu.memref_slice %arg8[%dma_start3A_261, %dma_start3A_267] : memref<125x80xi32, #tpu.memory_space<vmem>> -> memref<1x80xi32, #tpu.memory_space<vmem>>
    %dma_start3A_269 = tpu.memref_squeeze %dma_start3A_268 : memref<1x80xi32, #tpu.memory_space<vmem>> -> memref<80xi32, #tpu.memory_space<vmem>>
    %dma_start3A_270 = arith.constant 0 : i32
    %dma_start3A_271 = arith.constant 0 : i32
    %dma_start3A_272 = tpu.memref_slice %arg12[%dma_start3A_270, %dma_start3A_271] : memref<10240x64xf32, #tpu.memory_space<vmem_shared>> -> memref<10240x64xf32, #tpu.memory_space<vmem_shared>>
    %dma_start3A_273 = tpu.memref_slice %arg11[%dma_start3A_262] : memref<8x!tpu.dma_semaphore, #tpu.memory_space<semaphore_mem>> -> memref<1x!tpu.dma_semaphore, #tpu.memory_space<semaphore_mem>>
    %dma_start3A_274 = tpu.memref_squeeze %dma_start3A_273 : memref<1x!tpu.dma_semaphore, #tpu.memory_space<semaphore_mem>> -> memref<!tpu.dma_semaphore, #tpu.memory_space<semaphore_mem>>
    tpu.enqueue_indirect_dma source(%dma_start3A_266 : memref<80x64xf32, #tpu.memory_space<vmem>>) target(%dma_start3A_272 : memref<10240x64xf32, #tpu.memory_space<vmem_shared>>) offsets(%dma_start3A_269 : memref<80xi32, #tpu.memory_space<vmem>>) semaphore(%dma_start3A_274 : memref<!tpu.dma_semaphore, #tpu.memory_space<semaphore_mem>>) {add = true}
    %dma_wait3A_275 = arith.constant 117 : i32
    %dma_wait3A_276 = arith.constant 5 : i32
    %dma_wait3A_277 = arith.constant 5 : i32
    %dma_wait3A_278 = arith.constant 0 : i32
    %dma_wait3A_279 = arith.constant 0 : i32
    %dma_wait3A_280 = tpu.memref_slice %arg9[%dma_wait3A_276, %dma_wait3A_278, %dma_wait3A_279] : memref<8x80x64xf32, #tpu.memory_space<vmem>> -> memref<1x80x64xf32, #tpu.memory_space<vmem>>
    %dma_wait3A_281 = tpu.memref_squeeze %dma_wait3A_280 : memref<1x80x64xf32, #tpu.memory_space<vmem>> -> memref<80x64xf32, #tpu.memory_space<vmem>>
    %dma_wait3A_282 = arith.constant 0 : i32
    %dma_wait3A_283 = tpu.memref_slice %arg7[%dma_wait3A_275, %dma_wait3A_282] : memref<125x80xi32, #tpu.memory_space<vmem>> -> memref<1x80xi32, #tpu.memory_space<vmem>>
    %dma_wait3A_284 = tpu.memref_squeeze %dma_wait3A_283 : memref<1x80xi32, #tpu.memory_space<vmem>> -> memref<80xi32, #tpu.memory_space<vmem>>
    %dma_wait3A_285 = arith.constant 0 : i32
    %dma_wait3A_286 = arith.constant 0 : i32
    %dma_wait3A_287 = tpu.memref_slice %arg2[%dma_wait3A_285, %dma_wait3A_286] : memref<10000x64xf32, #tpu.memory_space<hbm>> -> memref<10000x64xf32, #tpu.memory_space<hbm>>
    %dma_wait3A_288 = tpu.memref_slice %arg10[%dma_wait3A_277] : memref<8x!tpu.dma_semaphore, #tpu.memory_space<semaphore_mem>> -> memref<1x!tpu.dma_semaphore, #tpu.memory_space<semaphore_mem>>
    %dma_wait3A_289 = tpu.memref_squeeze %dma_wait3A_288 : memref<1x!tpu.dma_semaphore, #tpu.memory_space<semaphore_mem>> -> memref<!tpu.dma_semaphore, #tpu.memory_space<semaphore_mem>>
    tpu.wait_indirect_dma semaphore(%dma_wait3A_289 : memref<!tpu.dma_semaphore, #tpu.memory_space<semaphore_mem>>) src(%dma_wait3A_287 : memref<10000x64xf32, #tpu.memory_space<hbm>>) dst(%dma_wait3A_281 : memref<80x64xf32, #tpu.memory_space<vmem>>)
    %dma_start3A_290 = arith.constant 5 : i32
    %dma_start3A_291 = arith.constant 117 : i32
    %dma_start3A_292 = arith.constant 5 : i32
    %dma_start3A_293 = arith.constant 0 : i32
    %dma_start3A_294 = arith.constant 0 : i32
    %dma_start3A_295 = tpu.memref_slice %arg9[%dma_start3A_290, %dma_start3A_293, %dma_start3A_294] : memref<8x80x64xf32, #tpu.memory_space<vmem>> -> memref<1x80x64xf32, #tpu.memory_space<vmem>>
    %dma_start3A_296 = tpu.memref_squeeze %dma_start3A_295 : memref<1x80x64xf32, #tpu.memory_space<vmem>> -> memref<80x64xf32, #tpu.memory_space<vmem>>
    %dma_start3A_297 = arith.constant 0 : i32
    %dma_start3A_298 = tpu.memref_slice %arg8[%dma_start3A_291, %dma_start3A_297] : memref<125x80xi32, #tpu.memory_space<vmem>> -> memref<1x80xi32, #tpu.memory_space<vmem>>
    %dma_start3A_299 = tpu.memref_squeeze %dma_start3A_298 : memref<1x80xi32, #tpu.memory_space<vmem>> -> memref<80xi32, #tpu.memory_space<vmem>>
    %dma_start3A_300 = arith.constant 0 : i32
    %dma_start3A_301 = arith.constant 0 : i32
    %dma_start3A_302 = tpu.memref_slice %arg12[%dma_start3A_300, %dma_start3A_301] : memref<10240x64xf32, #tpu.memory_space<vmem_shared>> -> memref<10240x64xf32, #tpu.memory_space<vmem_shared>>
    %dma_start3A_303 = tpu.memref_slice %arg11[%dma_start3A_292] : memref<8x!tpu.dma_semaphore, #tpu.memory_space<semaphore_mem>> -> memref<1x!tpu.dma_semaphore, #tpu.memory_space<semaphore_mem>>
    %dma_start3A_304 = tpu.memref_squeeze %dma_start3A_303 : memref<1x!tpu.dma_semaphore, #tpu.memory_space<semaphore_mem>> -> memref<!tpu.dma_semaphore, #tpu.memory_space<semaphore_mem>>
    tpu.enqueue_indirect_dma source(%dma_start3A_296 : memref<80x64xf32, #tpu.memory_space<vmem>>) target(%dma_start3A_302 : memref<10240x64xf32, #tpu.memory_space<vmem_shared>>) offsets(%dma_start3A_299 : memref<80xi32, #tpu.memory_space<vmem>>) semaphore(%dma_start3A_304 : memref<!tpu.dma_semaphore, #tpu.memory_space<semaphore_mem>>) {add = true}
    %dma_wait3A_305 = arith.constant 118 : i32
    %dma_wait3A_306 = arith.constant 6 : i32
    %dma_wait3A_307 = arith.constant 6 : i32
    %dma_wait3A_308 = arith.constant 0 : i32
    %dma_wait3A_309 = arith.constant 0 : i32
    %dma_wait3A_310 = tpu.memref_slice %arg9[%dma_wait3A_306, %dma_wait3A_308, %dma_wait3A_309] : memref<8x80x64xf32, #tpu.memory_space<vmem>> -> memref<1x80x64xf32, #tpu.memory_space<vmem>>
    %dma_wait3A_311 = tpu.memref_squeeze %dma_wait3A_310 : memref<1x80x64xf32, #tpu.memory_space<vmem>> -> memref<80x64xf32, #tpu.memory_space<vmem>>
    %dma_wait3A_312 = arith.constant 0 : i32
    %dma_wait3A_313 = tpu.memref_slice %arg7[%dma_wait3A_305, %dma_wait3A_312] : memref<125x80xi32, #tpu.memory_space<vmem>> -> memref<1x80xi32, #tpu.memory_space<vmem>>
    %dma_wait3A_314 = tpu.memref_squeeze %dma_wait3A_313 : memref<1x80xi32, #tpu.memory_space<vmem>> -> memref<80xi32, #tpu.memory_space<vmem>>
    %dma_wait3A_315 = arith.constant 0 : i32
    %dma_wait3A_316 = arith.constant 0 : i32
    %dma_wait3A_317 = tpu.memref_slice %arg2[%dma_wait3A_315, %dma_wait3A_316] : memref<10000x64xf32, #tpu.memory_space<hbm>> -> memref<10000x64xf32, #tpu.memory_space<hbm>>
    %dma_wait3A_318 = tpu.memref_slice %arg10[%dma_wait3A_307] : memref<8x!tpu.dma_semaphore, #tpu.memory_space<semaphore_mem>> -> memref<1x!tpu.dma_semaphore, #tpu.memory_space<semaphore_mem>>
    %dma_wait3A_319 = tpu.memref_squeeze %dma_wait3A_318 : memref<1x!tpu.dma_semaphore, #tpu.memory_space<semaphore_mem>> -> memref<!tpu.dma_semaphore, #tpu.memory_space<semaphore_mem>>
    tpu.wait_indirect_dma semaphore(%dma_wait3A_319 : memref<!tpu.dma_semaphore, #tpu.memory_space<semaphore_mem>>) src(%dma_wait3A_317 : memref<10000x64xf32, #tpu.memory_space<hbm>>) dst(%dma_wait3A_311 : memref<80x64xf32, #tpu.memory_space<vmem>>)
    %dma_start3A_320 = arith.constant 6 : i32
    %dma_start3A_321 = arith.constant 118 : i32
    %dma_start3A_322 = arith.constant 6 : i32
    %dma_start3A_323 = arith.constant 0 : i32
    %dma_start3A_324 = arith.constant 0 : i32
    %dma_start3A_325 = tpu.memref_slice %arg9[%dma_start3A_320, %dma_start3A_323, %dma_start3A_324] : memref<8x80x64xf32, #tpu.memory_space<vmem>> -> memref<1x80x64xf32, #tpu.memory_space<vmem>>
    %dma_start3A_326 = tpu.memref_squeeze %dma_start3A_325 : memref<1x80x64xf32, #tpu.memory_space<vmem>> -> memref<80x64xf32, #tpu.memory_space<vmem>>
    %dma_start3A_327 = arith.constant 0 : i32
    %dma_start3A_328 = tpu.memref_slice %arg8[%dma_start3A_321, %dma_start3A_327] : memref<125x80xi32, #tpu.memory_space<vmem>> -> memref<1x80xi32, #tpu.memory_space<vmem>>
    %dma_start3A_329 = tpu.memref_squeeze %dma_start3A_328 : memref<1x80xi32, #tpu.memory_space<vmem>> -> memref<80xi32, #tpu.memory_space<vmem>>
    %dma_start3A_330 = arith.constant 0 : i32
    %dma_start3A_331 = arith.constant 0 : i32
    %dma_start3A_332 = tpu.memref_slice %arg12[%dma_start3A_330, %dma_start3A_331] : memref<10240x64xf32, #tpu.memory_space<vmem_shared>> -> memref<10240x64xf32, #tpu.memory_space<vmem_shared>>
    %dma_start3A_333 = tpu.memref_slice %arg11[%dma_start3A_322] : memref<8x!tpu.dma_semaphore, #tpu.memory_space<semaphore_mem>> -> memref<1x!tpu.dma_semaphore, #tpu.memory_space<semaphore_mem>>
    %dma_start3A_334 = tpu.memref_squeeze %dma_start3A_333 : memref<1x!tpu.dma_semaphore, #tpu.memory_space<semaphore_mem>> -> memref<!tpu.dma_semaphore, #tpu.memory_space<semaphore_mem>>
    tpu.enqueue_indirect_dma source(%dma_start3A_326 : memref<80x64xf32, #tpu.memory_space<vmem>>) target(%dma_start3A_332 : memref<10240x64xf32, #tpu.memory_space<vmem_shared>>) offsets(%dma_start3A_329 : memref<80xi32, #tpu.memory_space<vmem>>) semaphore(%dma_start3A_334 : memref<!tpu.dma_semaphore, #tpu.memory_space<semaphore_mem>>) {add = true}
    %dma_wait3A_335 = arith.constant 119 : i32
    %dma_wait3A_336 = arith.constant 7 : i32
    %dma_wait3A_337 = arith.constant 7 : i32
    %dma_wait3A_338 = arith.constant 0 : i32
    %dma_wait3A_339 = arith.constant 0 : i32
    %dma_wait3A_340 = tpu.memref_slice %arg9[%dma_wait3A_336, %dma_wait3A_338, %dma_wait3A_339] : memref<8x80x64xf32, #tpu.memory_space<vmem>> -> memref<1x80x64xf32, #tpu.memory_space<vmem>>
    %dma_wait3A_341 = tpu.memref_squeeze %dma_wait3A_340 : memref<1x80x64xf32, #tpu.memory_space<vmem>> -> memref<80x64xf32, #tpu.memory_space<vmem>>
    %dma_wait3A_342 = arith.constant 0 : i32
    %dma_wait3A_343 = tpu.memref_slice %arg7[%dma_wait3A_335, %dma_wait3A_342] : memref<125x80xi32, #tpu.memory_space<vmem>> -> memref<1x80xi32, #tpu.memory_space<vmem>>
    %dma_wait3A_344 = tpu.memref_squeeze %dma_wait3A_343 : memref<1x80xi32, #tpu.memory_space<vmem>> -> memref<80xi32, #tpu.memory_space<vmem>>
    %dma_wait3A_345 = arith.constant 0 : i32
    %dma_wait3A_346 = arith.constant 0 : i32
    %dma_wait3A_347 = tpu.memref_slice %arg2[%dma_wait3A_345, %dma_wait3A_346] : memref<10000x64xf32, #tpu.memory_space<hbm>> -> memref<10000x64xf32, #tpu.memory_space<hbm>>
    %dma_wait3A_348 = tpu.memref_slice %arg10[%dma_wait3A_337] : memref<8x!tpu.dma_semaphore, #tpu.memory_space<semaphore_mem>> -> memref<1x!tpu.dma_semaphore, #tpu.memory_space<semaphore_mem>>
    %dma_wait3A_349 = tpu.memref_squeeze %dma_wait3A_348 : memref<1x!tpu.dma_semaphore, #tpu.memory_space<semaphore_mem>> -> memref<!tpu.dma_semaphore, #tpu.memory_space<semaphore_mem>>
    tpu.wait_indirect_dma semaphore(%dma_wait3A_349 : memref<!tpu.dma_semaphore, #tpu.memory_space<semaphore_mem>>) src(%dma_wait3A_347 : memref<10000x64xf32, #tpu.memory_space<hbm>>) dst(%dma_wait3A_341 : memref<80x64xf32, #tpu.memory_space<vmem>>)
    %dma_start3A_350 = arith.constant 7 : i32
    %dma_start3A_351 = arith.constant 119 : i32
    %dma_start3A_352 = arith.constant 7 : i32
    %dma_start3A_353 = arith.constant 0 : i32
    %dma_start3A_354 = arith.constant 0 : i32
    %dma_start3A_355 = tpu.memref_slice %arg9[%dma_start3A_350, %dma_start3A_353, %dma_start3A_354] : memref<8x80x64xf32, #tpu.memory_space<vmem>> -> memref<1x80x64xf32, #tpu.memory_space<vmem>>
    %dma_start3A_356 = tpu.memref_squeeze %dma_start3A_355 : memref<1x80x64xf32, #tpu.memory_space<vmem>> -> memref<80x64xf32, #tpu.memory_space<vmem>>
    %dma_start3A_357 = arith.constant 0 : i32
    %dma_start3A_358 = tpu.memref_slice %arg8[%dma_start3A_351, %dma_start3A_357] : memref<125x80xi32, #tpu.memory_space<vmem>> -> memref<1x80xi32, #tpu.memory_space<vmem>>
    %dma_start3A_359 = tpu.memref_squeeze %dma_start3A_358 : memref<1x80xi32, #tpu.memory_space<vmem>> -> memref<80xi32, #tpu.memory_space<vmem>>
    %dma_start3A_360 = arith.constant 0 : i32
    %dma_start3A_361 = arith.constant 0 : i32
    %dma_start3A_362 = tpu.memref_slice %arg12[%dma_start3A_360, %dma_start3A_361] : memref<10240x64xf32, #tpu.memory_space<vmem_shared>> -> memref<10240x64xf32, #tpu.memory_space<vmem_shared>>
    %dma_start3A_363 = tpu.memref_slice %arg11[%dma_start3A_352] : memref<8x!tpu.dma_semaphore, #tpu.memory_space<semaphore_mem>> -> memref<1x!tpu.dma_semaphore, #tpu.memory_space<semaphore_mem>>
    %dma_start3A_364 = tpu.memref_squeeze %dma_start3A_363 : memref<1x!tpu.dma_semaphore, #tpu.memory_space<semaphore_mem>> -> memref<!tpu.dma_semaphore, #tpu.memory_space<semaphore_mem>>
    tpu.enqueue_indirect_dma source(%dma_start3A_356 : memref<80x64xf32, #tpu.memory_space<vmem>>) target(%dma_start3A_362 : memref<10240x64xf32, #tpu.memory_space<vmem_shared>>) offsets(%dma_start3A_359 : memref<80xi32, #tpu.memory_space<vmem>>) semaphore(%dma_start3A_364 : memref<!tpu.dma_semaphore, #tpu.memory_space<semaphore_mem>>) {add = true}
    %dma_wait3A_365 = arith.constant 0 : i32
    %dma_wait3A_366 = arith.constant 112 : i32
    %dma_wait3A_367 = arith.constant 0 : i32
    %dma_wait3A_368 = arith.constant 0 : i32
    %dma_wait3A_369 = arith.constant 0 : i32
    %dma_wait3A_370 = tpu.memref_slice %arg9[%dma_wait3A_365, %dma_wait3A_368, %dma_wait3A_369] : memref<8x80x64xf32, #tpu.memory_space<vmem>> -> memref<1x80x64xf32, #tpu.memory_space<vmem>>
    %dma_wait3A_371 = tpu.memref_squeeze %dma_wait3A_370 : memref<1x80x64xf32, #tpu.memory_space<vmem>> -> memref<80x64xf32, #tpu.memory_space<vmem>>
    %dma_wait3A_372 = arith.constant 0 : i32
    %dma_wait3A_373 = tpu.memref_slice %arg8[%dma_wait3A_366, %dma_wait3A_372] : memref<125x80xi32, #tpu.memory_space<vmem>> -> memref<1x80xi32, #tpu.memory_space<vmem>>
    %dma_wait3A_374 = tpu.memref_squeeze %dma_wait3A_373 : memref<1x80xi32, #tpu.memory_space<vmem>> -> memref<80xi32, #tpu.memory_space<vmem>>
    %dma_wait3A_375 = arith.constant 0 : i32
    %dma_wait3A_376 = arith.constant 0 : i32
    %dma_wait3A_377 = tpu.memref_slice %arg12[%dma_wait3A_375, %dma_wait3A_376] : memref<10240x64xf32, #tpu.memory_space<vmem_shared>> -> memref<10240x64xf32, #tpu.memory_space<vmem_shared>>
    %dma_wait3A_378 = tpu.memref_slice %arg11[%dma_wait3A_367] : memref<8x!tpu.dma_semaphore, #tpu.memory_space<semaphore_mem>> -> memref<1x!tpu.dma_semaphore, #tpu.memory_space<semaphore_mem>>
    %dma_wait3A_379 = tpu.memref_squeeze %dma_wait3A_378 : memref<1x!tpu.dma_semaphore, #tpu.memory_space<semaphore_mem>> -> memref<!tpu.dma_semaphore, #tpu.memory_space<semaphore_mem>>
    tpu.wait_indirect_dma semaphore(%dma_wait3A_379 : memref<!tpu.dma_semaphore, #tpu.memory_space<semaphore_mem>>) src(%dma_wait3A_371 : memref<80x64xf32, #tpu.memory_space<vmem>>) dst(%dma_wait3A_377 : memref<10240x64xf32, #tpu.memory_space<vmem_shared>>)
    %dma_wait3A_380 = arith.constant 1 : i32
    %dma_wait3A_381 = arith.constant 113 : i32
    %dma_wait3A_382 = arith.constant 1 : i32
    %dma_wait3A_383 = arith.constant 0 : i32
    %dma_wait3A_384 = arith.constant 0 : i32
    %dma_wait3A_385 = tpu.memref_slice %arg9[%dma_wait3A_380, %dma_wait3A_383, %dma_wait3A_384] : memref<8x80x64xf32, #tpu.memory_space<vmem>> -> memref<1x80x64xf32, #tpu.memory_space<vmem>>
    %dma_wait3A_386 = tpu.memref_squeeze %dma_wait3A_385 : memref<1x80x64xf32, #tpu.memory_space<vmem>> -> memref<80x64xf32, #tpu.memory_space<vmem>>
    %dma_wait3A_387 = arith.constant 0 : i32
    %dma_wait3A_388 = tpu.memref_slice %arg8[%dma_wait3A_381, %dma_wait3A_387] : memref<125x80xi32, #tpu.memory_space<vmem>> -> memref<1x80xi32, #tpu.memory_space<vmem>>
    %dma_wait3A_389 = tpu.memref_squeeze %dma_wait3A_388 : memref<1x80xi32, #tpu.memory_space<vmem>> -> memref<80xi32, #tpu.memory_space<vmem>>
    %dma_wait3A_390 = arith.constant 0 : i32
    %dma_wait3A_391 = arith.constant 0 : i32
    %dma_wait3A_392 = tpu.memref_slice %arg12[%dma_wait3A_390, %dma_wait3A_391] : memref<10240x64xf32, #tpu.memory_space<vmem_shared>> -> memref<10240x64xf32, #tpu.memory_space<vmem_shared>>
    %dma_wait3A_393 = tpu.memref_slice %arg11[%dma_wait3A_382] : memref<8x!tpu.dma_semaphore, #tpu.memory_space<semaphore_mem>> -> memref<1x!tpu.dma_semaphore, #tpu.memory_space<semaphore_mem>>
    %dma_wait3A_394 = tpu.memref_squeeze %dma_wait3A_393 : memref<1x!tpu.dma_semaphore, #tpu.memory_space<semaphore_mem>> -> memref<!tpu.dma_semaphore, #tpu.memory_space<semaphore_mem>>
    tpu.wait_indirect_dma semaphore(%dma_wait3A_394 : memref<!tpu.dma_semaphore, #tpu.memory_space<semaphore_mem>>) src(%dma_wait3A_386 : memref<80x64xf32, #tpu.memory_space<vmem>>) dst(%dma_wait3A_392 : memref<10240x64xf32, #tpu.memory_space<vmem_shared>>)
    %dma_wait3A_395 = arith.constant 2 : i32
    %dma_wait3A_396 = arith.constant 114 : i32
    %dma_wait3A_397 = arith.constant 2 : i32
    %dma_wait3A_398 = arith.constant 0 : i32
    %dma_wait3A_399 = arith.constant 0 : i32
    %dma_wait3A_400 = tpu.memref_slice %arg9[%dma_wait3A_395, %dma_wait3A_398, %dma_wait3A_399] : memref<8x80x64xf32, #tpu.memory_space<vmem>> -> memref<1x80x64xf32, #tpu.memory_space<vmem>>
    %dma_wait3A_401 = tpu.memref_squeeze %dma_wait3A_400 : memref<1x80x64xf32, #tpu.memory_space<vmem>> -> memref<80x64xf32, #tpu.memory_space<vmem>>
    %dma_wait3A_402 = arith.constant 0 : i32
    %dma_wait3A_403 = tpu.memref_slice %arg8[%dma_wait3A_396, %dma_wait3A_402] : memref<125x80xi32, #tpu.memory_space<vmem>> -> memref<1x80xi32, #tpu.memory_space<vmem>>
    %dma_wait3A_404 = tpu.memref_squeeze %dma_wait3A_403 : memref<1x80xi32, #tpu.memory_space<vmem>> -> memref<80xi32, #tpu.memory_space<vmem>>
    %dma_wait3A_405 = arith.constant 0 : i32
    %dma_wait3A_406 = arith.constant 0 : i32
    %dma_wait3A_407 = tpu.memref_slice %arg12[%dma_wait3A_405, %dma_wait3A_406] : memref<10240x64xf32, #tpu.memory_space<vmem_shared>> -> memref<10240x64xf32, #tpu.memory_space<vmem_shared>>
    %dma_wait3A_408 = tpu.memref_slice %arg11[%dma_wait3A_397] : memref<8x!tpu.dma_semaphore, #tpu.memory_space<semaphore_mem>> -> memref<1x!tpu.dma_semaphore, #tpu.memory_space<semaphore_mem>>
    %dma_wait3A_409 = tpu.memref_squeeze %dma_wait3A_408 : memref<1x!tpu.dma_semaphore, #tpu.memory_space<semaphore_mem>> -> memref<!tpu.dma_semaphore, #tpu.memory_space<semaphore_mem>>
    tpu.wait_indirect_dma semaphore(%dma_wait3A_409 : memref<!tpu.dma_semaphore, #tpu.memory_space<semaphore_mem>>) src(%dma_wait3A_401 : memref<80x64xf32, #tpu.memory_space<vmem>>) dst(%dma_wait3A_407 : memref<10240x64xf32, #tpu.memory_space<vmem_shared>>)
    %dma_wait3A_410 = arith.constant 3 : i32
    %dma_wait3A_411 = arith.constant 115 : i32
    %dma_wait3A_412 = arith.constant 3 : i32
    %dma_wait3A_413 = arith.constant 0 : i32
    %dma_wait3A_414 = arith.constant 0 : i32
    %dma_wait3A_415 = tpu.memref_slice %arg9[%dma_wait3A_410, %dma_wait3A_413, %dma_wait3A_414] : memref<8x80x64xf32, #tpu.memory_space<vmem>> -> memref<1x80x64xf32, #tpu.memory_space<vmem>>
    %dma_wait3A_416 = tpu.memref_squeeze %dma_wait3A_415 : memref<1x80x64xf32, #tpu.memory_space<vmem>> -> memref<80x64xf32, #tpu.memory_space<vmem>>
    %dma_wait3A_417 = arith.constant 0 : i32
    %dma_wait3A_418 = tpu.memref_slice %arg8[%dma_wait3A_411, %dma_wait3A_417] : memref<125x80xi32, #tpu.memory_space<vmem>> -> memref<1x80xi32, #tpu.memory_space<vmem>>
    %dma_wait3A_419 = tpu.memref_squeeze %dma_wait3A_418 : memref<1x80xi32, #tpu.memory_space<vmem>> -> memref<80xi32, #tpu.memory_space<vmem>>
    %dma_wait3A_420 = arith.constant 0 : i32
    %dma_wait3A_421 = arith.constant 0 : i32
    %dma_wait3A_422 = tpu.memref_slice %arg12[%dma_wait3A_420, %dma_wait3A_421] : memref<10240x64xf32, #tpu.memory_space<vmem_shared>> -> memref<10240x64xf32, #tpu.memory_space<vmem_shared>>
    %dma_wait3A_423 = tpu.memref_slice %arg11[%dma_wait3A_412] : memref<8x!tpu.dma_semaphore, #tpu.memory_space<semaphore_mem>> -> memref<1x!tpu.dma_semaphore, #tpu.memory_space<semaphore_mem>>
    %dma_wait3A_424 = tpu.memref_squeeze %dma_wait3A_423 : memref<1x!tpu.dma_semaphore, #tpu.memory_space<semaphore_mem>> -> memref<!tpu.dma_semaphore, #tpu.memory_space<semaphore_mem>>
    tpu.wait_indirect_dma semaphore(%dma_wait3A_424 : memref<!tpu.dma_semaphore, #tpu.memory_space<semaphore_mem>>) src(%dma_wait3A_416 : memref<80x64xf32, #tpu.memory_space<vmem>>) dst(%dma_wait3A_422 : memref<10240x64xf32, #tpu.memory_space<vmem_shared>>)
    %dma_wait3A_425 = arith.constant 4 : i32
    %dma_wait3A_426 = arith.constant 116 : i32
    %dma_wait3A_427 = arith.constant 4 : i32
    %dma_wait3A_428 = arith.constant 0 : i32
    %dma_wait3A_429 = arith.constant 0 : i32
    %dma_wait3A_430 = tpu.memref_slice %arg9[%dma_wait3A_425, %dma_wait3A_428, %dma_wait3A_429] : memref<8x80x64xf32, #tpu.memory_space<vmem>> -> memref<1x80x64xf32, #tpu.memory_space<vmem>>
    %dma_wait3A_431 = tpu.memref_squeeze %dma_wait3A_430 : memref<1x80x64xf32, #tpu.memory_space<vmem>> -> memref<80x64xf32, #tpu.memory_space<vmem>>
    %dma_wait3A_432 = arith.constant 0 : i32
    %dma_wait3A_433 = tpu.memref_slice %arg8[%dma_wait3A_426, %dma_wait3A_432] : memref<125x80xi32, #tpu.memory_space<vmem>> -> memref<1x80xi32, #tpu.memory_space<vmem>>
    %dma_wait3A_434 = tpu.memref_squeeze %dma_wait3A_433 : memref<1x80xi32, #tpu.memory_space<vmem>> -> memref<80xi32, #tpu.memory_space<vmem>>
    %dma_wait3A_435 = arith.constant 0 : i32
    %dma_wait3A_436 = arith.constant 0 : i32
    %dma_wait3A_437 = tpu.memref_slice %arg12[%dma_wait3A_435, %dma_wait3A_436] : memref<10240x64xf32, #tpu.memory_space<vmem_shared>> -> memref<10240x64xf32, #tpu.memory_space<vmem_shared>>
    %dma_wait3A_438 = tpu.memref_slice %arg11[%dma_wait3A_427] : memref<8x!tpu.dma_semaphore, #tpu.memory_space<semaphore_mem>> -> memref<1x!tpu.dma_semaphore, #tpu.memory_space<semaphore_mem>>
    %dma_wait3A_439 = tpu.memref_squeeze %dma_wait3A_438 : memref<1x!tpu.dma_semaphore, #tpu.memory_space<semaphore_mem>> -> memref<!tpu.dma_semaphore, #tpu.memory_space<semaphore_mem>>
    tpu.wait_indirect_dma semaphore(%dma_wait3A_439 : memref<!tpu.dma_semaphore, #tpu.memory_space<semaphore_mem>>) src(%dma_wait3A_431 : memref<80x64xf32, #tpu.memory_space<vmem>>) dst(%dma_wait3A_437 : memref<10240x64xf32, #tpu.memory_space<vmem_shared>>)
    %dma_wait3A_440 = arith.constant 5 : i32
    %dma_wait3A_441 = arith.constant 117 : i32
    %dma_wait3A_442 = arith.constant 5 : i32
    %dma_wait3A_443 = arith.constant 0 : i32
    %dma_wait3A_444 = arith.constant 0 : i32
    %dma_wait3A_445 = tpu.memref_slice %arg9[%dma_wait3A_440, %dma_wait3A_443, %dma_wait3A_444] : memref<8x80x64xf32, #tpu.memory_space<vmem>> -> memref<1x80x64xf32, #tpu.memory_space<vmem>>
    %dma_wait3A_446 = tpu.memref_squeeze %dma_wait3A_445 : memref<1x80x64xf32, #tpu.memory_space<vmem>> -> memref<80x64xf32, #tpu.memory_space<vmem>>
    %dma_wait3A_447 = arith.constant 0 : i32
    %dma_wait3A_448 = tpu.memref_slice %arg8[%dma_wait3A_441, %dma_wait3A_447] : memref<125x80xi32, #tpu.memory_space<vmem>> -> memref<1x80xi32, #tpu.memory_space<vmem>>
    %dma_wait3A_449 = tpu.memref_squeeze %dma_wait3A_448 : memref<1x80xi32, #tpu.memory_space<vmem>> -> memref<80xi32, #tpu.memory_space<vmem>>
    %dma_wait3A_450 = arith.constant 0 : i32
    %dma_wait3A_451 = arith.constant 0 : i32
    %dma_wait3A_452 = tpu.memref_slice %arg12[%dma_wait3A_450, %dma_wait3A_451] : memref<10240x64xf32, #tpu.memory_space<vmem_shared>> -> memref<10240x64xf32, #tpu.memory_space<vmem_shared>>
    %dma_wait3A_453 = tpu.memref_slice %arg11[%dma_wait3A_442] : memref<8x!tpu.dma_semaphore, #tpu.memory_space<semaphore_mem>> -> memref<1x!tpu.dma_semaphore, #tpu.memory_space<semaphore_mem>>
    %dma_wait3A_454 = tpu.memref_squeeze %dma_wait3A_453 : memref<1x!tpu.dma_semaphore, #tpu.memory_space<semaphore_mem>> -> memref<!tpu.dma_semaphore, #tpu.memory_space<semaphore_mem>>
    tpu.wait_indirect_dma semaphore(%dma_wait3A_454 : memref<!tpu.dma_semaphore, #tpu.memory_space<semaphore_mem>>) src(%dma_wait3A_446 : memref<80x64xf32, #tpu.memory_space<vmem>>) dst(%dma_wait3A_452 : memref<10240x64xf32, #tpu.memory_space<vmem_shared>>)
    %dma_wait3A_455 = arith.constant 6 : i32
    %dma_wait3A_456 = arith.constant 118 : i32
    %dma_wait3A_457 = arith.constant 6 : i32
    %dma_wait3A_458 = arith.constant 0 : i32
    %dma_wait3A_459 = arith.constant 0 : i32
    %dma_wait3A_460 = tpu.memref_slice %arg9[%dma_wait3A_455, %dma_wait3A_458, %dma_wait3A_459] : memref<8x80x64xf32, #tpu.memory_space<vmem>> -> memref<1x80x64xf32, #tpu.memory_space<vmem>>
    %dma_wait3A_461 = tpu.memref_squeeze %dma_wait3A_460 : memref<1x80x64xf32, #tpu.memory_space<vmem>> -> memref<80x64xf32, #tpu.memory_space<vmem>>
    %dma_wait3A_462 = arith.constant 0 : i32
    %dma_wait3A_463 = tpu.memref_slice %arg8[%dma_wait3A_456, %dma_wait3A_462] : memref<125x80xi32, #tpu.memory_space<vmem>> -> memref<1x80xi32, #tpu.memory_space<vmem>>
    %dma_wait3A_464 = tpu.memref_squeeze %dma_wait3A_463 : memref<1x80xi32, #tpu.memory_space<vmem>> -> memref<80xi32, #tpu.memory_space<vmem>>
    %dma_wait3A_465 = arith.constant 0 : i32
    %dma_wait3A_466 = arith.constant 0 : i32
    %dma_wait3A_467 = tpu.memref_slice %arg12[%dma_wait3A_465, %dma_wait3A_466] : memref<10240x64xf32, #tpu.memory_space<vmem_shared>> -> memref<10240x64xf32, #tpu.memory_space<vmem_shared>>
    %dma_wait3A_468 = tpu.memref_slice %arg11[%dma_wait3A_457] : memref<8x!tpu.dma_semaphore, #tpu.memory_space<semaphore_mem>> -> memref<1x!tpu.dma_semaphore, #tpu.memory_space<semaphore_mem>>
    %dma_wait3A_469 = tpu.memref_squeeze %dma_wait3A_468 : memref<1x!tpu.dma_semaphore, #tpu.memory_space<semaphore_mem>> -> memref<!tpu.dma_semaphore, #tpu.memory_space<semaphore_mem>>
    tpu.wait_indirect_dma semaphore(%dma_wait3A_469 : memref<!tpu.dma_semaphore, #tpu.memory_space<semaphore_mem>>) src(%dma_wait3A_461 : memref<80x64xf32, #tpu.memory_space<vmem>>) dst(%dma_wait3A_467 : memref<10240x64xf32, #tpu.memory_space<vmem_shared>>)
    %dma_wait3A_470 = arith.constant 7 : i32
    %dma_wait3A_471 = arith.constant 119 : i32
    %dma_wait3A_472 = arith.constant 7 : i32
    %dma_wait3A_473 = arith.constant 0 : i32
    %dma_wait3A_474 = arith.constant 0 : i32
    %dma_wait3A_475 = tpu.memref_slice %arg9[%dma_wait3A_470, %dma_wait3A_473, %dma_wait3A_474] : memref<8x80x64xf32, #tpu.memory_space<vmem>> -> memref<1x80x64xf32, #tpu.memory_space<vmem>>
    %dma_wait3A_476 = tpu.memref_squeeze %dma_wait3A_475 : memref<1x80x64xf32, #tpu.memory_space<vmem>> -> memref<80x64xf32, #tpu.memory_space<vmem>>
    %dma_wait3A_477 = arith.constant 0 : i32
    %dma_wait3A_478 = tpu.memref_slice %arg8[%dma_wait3A_471, %dma_wait3A_477] : memref<125x80xi32, #tpu.memory_space<vmem>> -> memref<1x80xi32, #tpu.memory_space<vmem>>
    %dma_wait3A_479 = tpu.memref_squeeze %dma_wait3A_478 : memref<1x80xi32, #tpu.memory_space<vmem>> -> memref<80xi32, #tpu.memory_space<vmem>>
    %dma_wait3A_480 = arith.constant 0 : i32
    %dma_wait3A_481 = arith.constant 0 : i32
    %dma_wait3A_482 = tpu.memref_slice %arg12[%dma_wait3A_480, %dma_wait3A_481] : memref<10240x64xf32, #tpu.memory_space<vmem_shared>> -> memref<10240x64xf32, #tpu.memory_space<vmem_shared>>
    %dma_wait3A_483 = tpu.memref_slice %arg11[%dma_wait3A_472] : memref<8x!tpu.dma_semaphore, #tpu.memory_space<semaphore_mem>> -> memref<1x!tpu.dma_semaphore, #tpu.memory_space<semaphore_mem>>
    %dma_wait3A_484 = tpu.memref_squeeze %dma_wait3A_483 : memref<1x!tpu.dma_semaphore, #tpu.memory_space<semaphore_mem>> -> memref<!tpu.dma_semaphore, #tpu.memory_space<semaphore_mem>>
    tpu.wait_indirect_dma semaphore(%dma_wait3A_484 : memref<!tpu.dma_semaphore, #tpu.memory_space<semaphore_mem>>) src(%dma_wait3A_476 : memref<80x64xf32, #tpu.memory_space<vmem>>) dst(%dma_wait3A_482 : memref<10240x64xf32, #tpu.memory_space<vmem_shared>>)
    %run_scoped3A = arith.constant 120 : i32
    %run_scoped3A_485 = arith.constant 0 : i32
    "tpu.region"() ({
      %run_scoped3A_505 = tpu.sem_alloc : memref<!tpu.dma_semaphore, #tpu.memory_space<semaphore_mem>>
      %dma_start3A_506 = arith.constant 0 : i32
      %dma_start3A_507 = arith.constant 0 : i32
      %dma_start3A_508 = tpu.memref_slice %arg9[%run_scoped3A_485, %dma_start3A_506, %dma_start3A_507] : memref<8x80x64xf32, #tpu.memory_space<vmem>> -> memref<1x80x64xf32, #tpu.memory_space<vmem>>
      %dma_start3A_509 = tpu.memref_squeeze %dma_start3A_508 : memref<1x80x64xf32, #tpu.memory_space<vmem>> -> memref<80x64xf32, #tpu.memory_space<vmem>>
      %dma_start3A_510 = arith.constant 0 : i32
      %dma_start3A_511 = tpu.memref_slice %arg7[%run_scoped3A, %dma_start3A_510] : memref<125x80xi32, #tpu.memory_space<vmem>> -> memref<1x80xi32, #tpu.memory_space<vmem>>
      %dma_start3A_512 = tpu.memref_squeeze %dma_start3A_511 : memref<1x80xi32, #tpu.memory_space<vmem>> -> memref<80xi32, #tpu.memory_space<vmem>>
      %dma_start3A_513 = arith.constant 0 : i32
      %dma_start3A_514 = arith.constant 0 : i32
      %dma_start3A_515 = tpu.memref_slice %arg2[%dma_start3A_513, %dma_start3A_514] : memref<10000x64xf32, #tpu.memory_space<hbm>> -> memref<10000x64xf32, #tpu.memory_space<hbm>>
      tpu.enqueue_indirect_dma source(%dma_start3A_515 : memref<10000x64xf32, #tpu.memory_space<hbm>>) target(%dma_start3A_509 : memref<80x64xf32, #tpu.memory_space<vmem>>) offsets(%dma_start3A_512 : memref<80xi32, #tpu.memory_space<vmem>>) semaphore(%run_scoped3A_505 : memref<!tpu.dma_semaphore, #tpu.memory_space<semaphore_mem>>)
      %dma_wait3A_516 = arith.constant 0 : i32
      %dma_wait3A_517 = arith.constant 0 : i32
      %dma_wait3A_518 = tpu.memref_slice %arg9[%run_scoped3A_485, %dma_wait3A_516, %dma_wait3A_517] : memref<8x80x64xf32, #tpu.memory_space<vmem>> -> memref<1x80x64xf32, #tpu.memory_space<vmem>>
      %dma_wait3A_519 = tpu.memref_squeeze %dma_wait3A_518 : memref<1x80x64xf32, #tpu.memory_space<vmem>> -> memref<80x64xf32, #tpu.memory_space<vmem>>
      %dma_wait3A_520 = arith.constant 0 : i32
      %dma_wait3A_521 = tpu.memref_slice %arg7[%run_scoped3A, %dma_wait3A_520] : memref<125x80xi32, #tpu.memory_space<vmem>> -> memref<1x80xi32, #tpu.memory_space<vmem>>
      %dma_wait3A_522 = tpu.memref_squeeze %dma_wait3A_521 : memref<1x80xi32, #tpu.memory_space<vmem>> -> memref<80xi32, #tpu.memory_space<vmem>>
      %dma_wait3A_523 = arith.constant 0 : i32
      %dma_wait3A_524 = arith.constant 0 : i32
      %dma_wait3A_525 = tpu.memref_slice %arg2[%dma_wait3A_523, %dma_wait3A_524] : memref<10000x64xf32, #tpu.memory_space<hbm>> -> memref<10000x64xf32, #tpu.memory_space<hbm>>
      tpu.wait_indirect_dma semaphore(%run_scoped3A_505 : memref<!tpu.dma_semaphore, #tpu.memory_space<semaphore_mem>>) src(%dma_wait3A_525 : memref<10000x64xf32, #tpu.memory_space<hbm>>) dst(%dma_wait3A_519 : memref<80x64xf32, #tpu.memory_space<vmem>>)
      tpu.yield
    }) : () -> ()
    %run_scoped3A_486 = arith.constant 0 : i32
    %run_scoped3A_487 = arith.constant 120 : i32
    "tpu.region"() ({
      %run_scoped3A_505 = tpu.sem_alloc : memref<!tpu.dma_semaphore, #tpu.memory_space<semaphore_mem>>
      %dma_start3A_506 = arith.constant 0 : i32
      %dma_start3A_507 = arith.constant 0 : i32
      %dma_start3A_508 = tpu.memref_slice %arg9[%run_scoped3A_486, %dma_start3A_506, %dma_start3A_507] : memref<8x80x64xf32, #tpu.memory_space<vmem>> -> memref<1x80x64xf32, #tpu.memory_space<vmem>>
      %dma_start3A_509 = tpu.memref_squeeze %dma_start3A_508 : memref<1x80x64xf32, #tpu.memory_space<vmem>> -> memref<80x64xf32, #tpu.memory_space<vmem>>
      %dma_start3A_510 = arith.constant 0 : i32
      %dma_start3A_511 = tpu.memref_slice %arg8[%run_scoped3A_487, %dma_start3A_510] : memref<125x80xi32, #tpu.memory_space<vmem>> -> memref<1x80xi32, #tpu.memory_space<vmem>>
      %dma_start3A_512 = tpu.memref_squeeze %dma_start3A_511 : memref<1x80xi32, #tpu.memory_space<vmem>> -> memref<80xi32, #tpu.memory_space<vmem>>
      %dma_start3A_513 = arith.constant 0 : i32
      %dma_start3A_514 = arith.constant 0 : i32
      %dma_start3A_515 = tpu.memref_slice %arg12[%dma_start3A_513, %dma_start3A_514] : memref<10240x64xf32, #tpu.memory_space<vmem_shared>> -> memref<10240x64xf32, #tpu.memory_space<vmem_shared>>
      tpu.enqueue_indirect_dma source(%dma_start3A_509 : memref<80x64xf32, #tpu.memory_space<vmem>>) target(%dma_start3A_515 : memref<10240x64xf32, #tpu.memory_space<vmem_shared>>) offsets(%dma_start3A_512 : memref<80xi32, #tpu.memory_space<vmem>>) semaphore(%run_scoped3A_505 : memref<!tpu.dma_semaphore, #tpu.memory_space<semaphore_mem>>) {add = true}
      %dma_wait3A_516 = arith.constant 0 : i32
      %dma_wait3A_517 = arith.constant 0 : i32
      %dma_wait3A_518 = tpu.memref_slice %arg9[%run_scoped3A_486, %dma_wait3A_516, %dma_wait3A_517] : memref<8x80x64xf32, #tpu.memory_space<vmem>> -> memref<1x80x64xf32, #tpu.memory_space<vmem>>
      %dma_wait3A_519 = tpu.memref_squeeze %dma_wait3A_518 : memref<1x80x64xf32, #tpu.memory_space<vmem>> -> memref<80x64xf32, #tpu.memory_space<vmem>>
      %dma_wait3A_520 = arith.constant 0 : i32
      %dma_wait3A_521 = tpu.memref_slice %arg8[%run_scoped3A_487, %dma_wait3A_520] : memref<125x80xi32, #tpu.memory_space<vmem>> -> memref<1x80xi32, #tpu.memory_space<vmem>>
      %dma_wait3A_522 = tpu.memref_squeeze %dma_wait3A_521 : memref<1x80xi32, #tpu.memory_space<vmem>> -> memref<80xi32, #tpu.memory_space<vmem>>
      %dma_wait3A_523 = arith.constant 0 : i32
      %dma_wait3A_524 = arith.constant 0 : i32
      %dma_wait3A_525 = tpu.memref_slice %arg12[%dma_wait3A_523, %dma_wait3A_524] : memref<10240x64xf32, #tpu.memory_space<vmem_shared>> -> memref<10240x64xf32, #tpu.memory_space<vmem_shared>>
      tpu.wait_indirect_dma semaphore(%run_scoped3A_505 : memref<!tpu.dma_semaphore, #tpu.memory_space<semaphore_mem>>) src(%dma_wait3A_519 : memref<80x64xf32, #tpu.memory_space<vmem>>) dst(%dma_wait3A_525 : memref<10240x64xf32, #tpu.memory_space<vmem_shared>>)
      tpu.yield
    }) : () -> ()
    %run_scoped3A_488 = arith.constant 121 : i32
    %run_scoped3A_489 = arith.constant 0 : i32
    "tpu.region"() ({
      %run_scoped3A_505 = tpu.sem_alloc : memref<!tpu.dma_semaphore, #tpu.memory_space<semaphore_mem>>
      %dma_start3A_506 = arith.constant 0 : i32
      %dma_start3A_507 = arith.constant 0 : i32
      %dma_start3A_508 = tpu.memref_slice %arg9[%run_scoped3A_489, %dma_start3A_506, %dma_start3A_507] : memref<8x80x64xf32, #tpu.memory_space<vmem>> -> memref<1x80x64xf32, #tpu.memory_space<vmem>>
      %dma_start3A_509 = tpu.memref_squeeze %dma_start3A_508 : memref<1x80x64xf32, #tpu.memory_space<vmem>> -> memref<80x64xf32, #tpu.memory_space<vmem>>
      %dma_start3A_510 = arith.constant 0 : i32
      %dma_start3A_511 = tpu.memref_slice %arg7[%run_scoped3A_488, %dma_start3A_510] : memref<125x80xi32, #tpu.memory_space<vmem>> -> memref<1x80xi32, #tpu.memory_space<vmem>>
      %dma_start3A_512 = tpu.memref_squeeze %dma_start3A_511 : memref<1x80xi32, #tpu.memory_space<vmem>> -> memref<80xi32, #tpu.memory_space<vmem>>
      %dma_start3A_513 = arith.constant 0 : i32
      %dma_start3A_514 = arith.constant 0 : i32
      %dma_start3A_515 = tpu.memref_slice %arg2[%dma_start3A_513, %dma_start3A_514] : memref<10000x64xf32, #tpu.memory_space<hbm>> -> memref<10000x64xf32, #tpu.memory_space<hbm>>
      tpu.enqueue_indirect_dma source(%dma_start3A_515 : memref<10000x64xf32, #tpu.memory_space<hbm>>) target(%dma_start3A_509 : memref<80x64xf32, #tpu.memory_space<vmem>>) offsets(%dma_start3A_512 : memref<80xi32, #tpu.memory_space<vmem>>) semaphore(%run_scoped3A_505 : memref<!tpu.dma_semaphore, #tpu.memory_space<semaphore_mem>>)
      %dma_wait3A_516 = arith.constant 0 : i32
      %dma_wait3A_517 = arith.constant 0 : i32
      %dma_wait3A_518 = tpu.memref_slice %arg9[%run_scoped3A_489, %dma_wait3A_516, %dma_wait3A_517] : memref<8x80x64xf32, #tpu.memory_space<vmem>> -> memref<1x80x64xf32, #tpu.memory_space<vmem>>
      %dma_wait3A_519 = tpu.memref_squeeze %dma_wait3A_518 : memref<1x80x64xf32, #tpu.memory_space<vmem>> -> memref<80x64xf32, #tpu.memory_space<vmem>>
      %dma_wait3A_520 = arith.constant 0 : i32
      %dma_wait3A_521 = tpu.memref_slice %arg7[%run_scoped3A_488, %dma_wait3A_520] : memref<125x80xi32, #tpu.memory_space<vmem>> -> memref<1x80xi32, #tpu.memory_space<vmem>>
      %dma_wait3A_522 = tpu.memref_squeeze %dma_wait3A_521 : memref<1x80xi32, #tpu.memory_space<vmem>> -> memref<80xi32, #tpu.memory_space<vmem>>
      %dma_wait3A_523 = arith.constant 0 : i32
      %dma_wait3A_524 = arith.constant 0 : i32
      %dma_wait3A_525 = tpu.memref_slice %arg2[%dma_wait3A_523, %dma_wait3A_524] : memref<10000x64xf32, #tpu.memory_space<hbm>> -> memref<10000x64xf32, #tpu.memory_space<hbm>>
      tpu.wait_indirect_dma semaphore(%run_scoped3A_505 : memref<!tpu.dma_semaphore, #tpu.memory_space<semaphore_mem>>) src(%dma_wait3A_525 : memref<10000x64xf32, #tpu.memory_space<hbm>>) dst(%dma_wait3A_519 : memref<80x64xf32, #tpu.memory_space<vmem>>)
      tpu.yield
    }) : () -> ()
    %run_scoped3A_490 = arith.constant 0 : i32
    %run_scoped3A_491 = arith.constant 121 : i32
    "tpu.region"() ({
      %run_scoped3A_505 = tpu.sem_alloc : memref<!tpu.dma_semaphore, #tpu.memory_space<semaphore_mem>>
      %dma_start3A_506 = arith.constant 0 : i32
      %dma_start3A_507 = arith.constant 0 : i32
      %dma_start3A_508 = tpu.memref_slice %arg9[%run_scoped3A_490, %dma_start3A_506, %dma_start3A_507] : memref<8x80x64xf32, #tpu.memory_space<vmem>> -> memref<1x80x64xf32, #tpu.memory_space<vmem>>
      %dma_start3A_509 = tpu.memref_squeeze %dma_start3A_508 : memref<1x80x64xf32, #tpu.memory_space<vmem>> -> memref<80x64xf32, #tpu.memory_space<vmem>>
      %dma_start3A_510 = arith.constant 0 : i32
      %dma_start3A_511 = tpu.memref_slice %arg8[%run_scoped3A_491, %dma_start3A_510] : memref<125x80xi32, #tpu.memory_space<vmem>> -> memref<1x80xi32, #tpu.memory_space<vmem>>
      %dma_start3A_512 = tpu.memref_squeeze %dma_start3A_511 : memref<1x80xi32, #tpu.memory_space<vmem>> -> memref<80xi32, #tpu.memory_space<vmem>>
      %dma_start3A_513 = arith.constant 0 : i32
      %dma_start3A_514 = arith.constant 0 : i32
      %dma_start3A_515 = tpu.memref_slice %arg12[%dma_start3A_513, %dma_start3A_514] : memref<10240x64xf32, #tpu.memory_space<vmem_shared>> -> memref<10240x64xf32, #tpu.memory_space<vmem_shared>>
      tpu.enqueue_indirect_dma source(%dma_start3A_509 : memref<80x64xf32, #tpu.memory_space<vmem>>) target(%dma_start3A_515 : memref<10240x64xf32, #tpu.memory_space<vmem_shared>>) offsets(%dma_start3A_512 : memref<80xi32, #tpu.memory_space<vmem>>) semaphore(%run_scoped3A_505 : memref<!tpu.dma_semaphore, #tpu.memory_space<semaphore_mem>>) {add = true}
      %dma_wait3A_516 = arith.constant 0 : i32
      %dma_wait3A_517 = arith.constant 0 : i32
      %dma_wait3A_518 = tpu.memref_slice %arg9[%run_scoped3A_490, %dma_wait3A_516, %dma_wait3A_517] : memref<8x80x64xf32, #tpu.memory_space<vmem>> -> memref<1x80x64xf32, #tpu.memory_space<vmem>>
      %dma_wait3A_519 = tpu.memref_squeeze %dma_wait3A_518 : memref<1x80x64xf32, #tpu.memory_space<vmem>> -> memref<80x64xf32, #tpu.memory_space<vmem>>
      %dma_wait3A_520 = arith.constant 0 : i32
      %dma_wait3A_521 = tpu.memref_slice %arg8[%run_scoped3A_491, %dma_wait3A_520] : memref<125x80xi32, #tpu.memory_space<vmem>> -> memref<1x80xi32, #tpu.memory_space<vmem>>
      %dma_wait3A_522 = tpu.memref_squeeze %dma_wait3A_521 : memref<1x80xi32, #tpu.memory_space<vmem>> -> memref<80xi32, #tpu.memory_space<vmem>>
      %dma_wait3A_523 = arith.constant 0 : i32
      %dma_wait3A_524 = arith.constant 0 : i32
      %dma_wait3A_525 = tpu.memref_slice %arg12[%dma_wait3A_523, %dma_wait3A_524] : memref<10240x64xf32, #tpu.memory_space<vmem_shared>> -> memref<10240x64xf32, #tpu.memory_space<vmem_shared>>
      tpu.wait_indirect_dma semaphore(%run_scoped3A_505 : memref<!tpu.dma_semaphore, #tpu.memory_space<semaphore_mem>>) src(%dma_wait3A_519 : memref<80x64xf32, #tpu.memory_space<vmem>>) dst(%dma_wait3A_525 : memref<10240x64xf32, #tpu.memory_space<vmem_shared>>)
      tpu.yield
    }) : () -> ()
    %run_scoped3A_492 = arith.constant 122 : i32
    %run_scoped3A_493 = arith.constant 0 : i32
    "tpu.region"() ({
      %run_scoped3A_505 = tpu.sem_alloc : memref<!tpu.dma_semaphore, #tpu.memory_space<semaphore_mem>>
      %dma_start3A_506 = arith.constant 0 : i32
      %dma_start3A_507 = arith.constant 0 : i32
      %dma_start3A_508 = tpu.memref_slice %arg9[%run_scoped3A_493, %dma_start3A_506, %dma_start3A_507] : memref<8x80x64xf32, #tpu.memory_space<vmem>> -> memref<1x80x64xf32, #tpu.memory_space<vmem>>
      %dma_start3A_509 = tpu.memref_squeeze %dma_start3A_508 : memref<1x80x64xf32, #tpu.memory_space<vmem>> -> memref<80x64xf32, #tpu.memory_space<vmem>>
      %dma_start3A_510 = arith.constant 0 : i32
      %dma_start3A_511 = tpu.memref_slice %arg7[%run_scoped3A_492, %dma_start3A_510] : memref<125x80xi32, #tpu.memory_space<vmem>> -> memref<1x80xi32, #tpu.memory_space<vmem>>
      %dma_start3A_512 = tpu.memref_squeeze %dma_start3A_511 : memref<1x80xi32, #tpu.memory_space<vmem>> -> memref<80xi32, #tpu.memory_space<vmem>>
      %dma_start3A_513 = arith.constant 0 : i32
      %dma_start3A_514 = arith.constant 0 : i32
      %dma_start3A_515 = tpu.memref_slice %arg2[%dma_start3A_513, %dma_start3A_514] : memref<10000x64xf32, #tpu.memory_space<hbm>> -> memref<10000x64xf32, #tpu.memory_space<hbm>>
      tpu.enqueue_indirect_dma source(%dma_start3A_515 : memref<10000x64xf32, #tpu.memory_space<hbm>>) target(%dma_start3A_509 : memref<80x64xf32, #tpu.memory_space<vmem>>) offsets(%dma_start3A_512 : memref<80xi32, #tpu.memory_space<vmem>>) semaphore(%run_scoped3A_505 : memref<!tpu.dma_semaphore, #tpu.memory_space<semaphore_mem>>)
      %dma_wait3A_516 = arith.constant 0 : i32
      %dma_wait3A_517 = arith.constant 0 : i32
      %dma_wait3A_518 = tpu.memref_slice %arg9[%run_scoped3A_493, %dma_wait3A_516, %dma_wait3A_517] : memref<8x80x64xf32, #tpu.memory_space<vmem>> -> memref<1x80x64xf32, #tpu.memory_space<vmem>>
      %dma_wait3A_519 = tpu.memref_squeeze %dma_wait3A_518 : memref<1x80x64xf32, #tpu.memory_space<vmem>> -> memref<80x64xf32, #tpu.memory_space<vmem>>
      %dma_wait3A_520 = arith.constant 0 : i32
      %dma_wait3A_521 = tpu.memref_slice %arg7[%run_scoped3A_492, %dma_wait3A_520] : memref<125x80xi32, #tpu.memory_space<vmem>> -> memref<1x80xi32, #tpu.memory_space<vmem>>
      %dma_wait3A_522 = tpu.memref_squeeze %dma_wait3A_521 : memref<1x80xi32, #tpu.memory_space<vmem>> -> memref<80xi32, #tpu.memory_space<vmem>>
      %dma_wait3A_523 = arith.constant 0 : i32
      %dma_wait3A_524 = arith.constant 0 : i32
      %dma_wait3A_525 = tpu.memref_slice %arg2[%dma_wait3A_523, %dma_wait3A_524] : memref<10000x64xf32, #tpu.memory_space<hbm>> -> memref<10000x64xf32, #tpu.memory_space<hbm>>
      tpu.wait_indirect_dma semaphore(%run_scoped3A_505 : memref<!tpu.dma_semaphore, #tpu.memory_space<semaphore_mem>>) src(%dma_wait3A_525 : memref<10000x64xf32, #tpu.memory_space<hbm>>) dst(%dma_wait3A_519 : memref<80x64xf32, #tpu.memory_space<vmem>>)
      tpu.yield
    }) : () -> ()
    %run_scoped3A_494 = arith.constant 0 : i32
    %run_scoped3A_495 = arith.constant 122 : i32
    "tpu.region"() ({
      %run_scoped3A_505 = tpu.sem_alloc : memref<!tpu.dma_semaphore, #tpu.memory_space<semaphore_mem>>
      %dma_start3A_506 = arith.constant 0 : i32
      %dma_start3A_507 = arith.constant 0 : i32
      %dma_start3A_508 = tpu.memref_slice %arg9[%run_scoped3A_494, %dma_start3A_506, %dma_start3A_507] : memref<8x80x64xf32, #tpu.memory_space<vmem>> -> memref<1x80x64xf32, #tpu.memory_space<vmem>>
      %dma_start3A_509 = tpu.memref_squeeze %dma_start3A_508 : memref<1x80x64xf32, #tpu.memory_space<vmem>> -> memref<80x64xf32, #tpu.memory_space<vmem>>
      %dma_start3A_510 = arith.constant 0 : i32
      %dma_start3A_511 = tpu.memref_slice %arg8[%run_scoped3A_495, %dma_start3A_510] : memref<125x80xi32, #tpu.memory_space<vmem>> -> memref<1x80xi32, #tpu.memory_space<vmem>>
      %dma_start3A_512 = tpu.memref_squeeze %dma_start3A_511 : memref<1x80xi32, #tpu.memory_space<vmem>> -> memref<80xi32, #tpu.memory_space<vmem>>
      %dma_start3A_513 = arith.constant 0 : i32
      %dma_start3A_514 = arith.constant 0 : i32
      %dma_start3A_515 = tpu.memref_slice %arg12[%dma_start3A_513, %dma_start3A_514] : memref<10240x64xf32, #tpu.memory_space<vmem_shared>> -> memref<10240x64xf32, #tpu.memory_space<vmem_shared>>
      tpu.enqueue_indirect_dma source(%dma_start3A_509 : memref<80x64xf32, #tpu.memory_space<vmem>>) target(%dma_start3A_515 : memref<10240x64xf32, #tpu.memory_space<vmem_shared>>) offsets(%dma_start3A_512 : memref<80xi32, #tpu.memory_space<vmem>>) semaphore(%run_scoped3A_505 : memref<!tpu.dma_semaphore, #tpu.memory_space<semaphore_mem>>) {add = true}
      %dma_wait3A_516 = arith.constant 0 : i32
      %dma_wait3A_517 = arith.constant 0 : i32
      %dma_wait3A_518 = tpu.memref_slice %arg9[%run_scoped3A_494, %dma_wait3A_516, %dma_wait3A_517] : memref<8x80x64xf32, #tpu.memory_space<vmem>> -> memref<1x80x64xf32, #tpu.memory_space<vmem>>
      %dma_wait3A_519 = tpu.memref_squeeze %dma_wait3A_518 : memref<1x80x64xf32, #tpu.memory_space<vmem>> -> memref<80x64xf32, #tpu.memory_space<vmem>>
      %dma_wait3A_520 = arith.constant 0 : i32
      %dma_wait3A_521 = tpu.memref_slice %arg8[%run_scoped3A_495, %dma_wait3A_520] : memref<125x80xi32, #tpu.memory_space<vmem>> -> memref<1x80xi32, #tpu.memory_space<vmem>>
      %dma_wait3A_522 = tpu.memref_squeeze %dma_wait3A_521 : memref<1x80xi32, #tpu.memory_space<vmem>> -> memref<80xi32, #tpu.memory_space<vmem>>
      %dma_wait3A_523 = arith.constant 0 : i32
      %dma_wait3A_524 = arith.constant 0 : i32
      %dma_wait3A_525 = tpu.memref_slice %arg12[%dma_wait3A_523, %dma_wait3A_524] : memref<10240x64xf32, #tpu.memory_space<vmem_shared>> -> memref<10240x64xf32, #tpu.memory_space<vmem_shared>>
      tpu.wait_indirect_dma semaphore(%run_scoped3A_505 : memref<!tpu.dma_semaphore, #tpu.memory_space<semaphore_mem>>) src(%dma_wait3A_519 : memref<80x64xf32, #tpu.memory_space<vmem>>) dst(%dma_wait3A_525 : memref<10240x64xf32, #tpu.memory_space<vmem_shared>>)
      tpu.yield
    }) : () -> ()
    %run_scoped3A_496 = arith.constant 123 : i32
    %run_scoped3A_497 = arith.constant 0 : i32
    "tpu.region"() ({
      %run_scoped3A_505 = tpu.sem_alloc : memref<!tpu.dma_semaphore, #tpu.memory_space<semaphore_mem>>
      %dma_start3A_506 = arith.constant 0 : i32
      %dma_start3A_507 = arith.constant 0 : i32
      %dma_start3A_508 = tpu.memref_slice %arg9[%run_scoped3A_497, %dma_start3A_506, %dma_start3A_507] : memref<8x80x64xf32, #tpu.memory_space<vmem>> -> memref<1x80x64xf32, #tpu.memory_space<vmem>>
      %dma_start3A_509 = tpu.memref_squeeze %dma_start3A_508 : memref<1x80x64xf32, #tpu.memory_space<vmem>> -> memref<80x64xf32, #tpu.memory_space<vmem>>
      %dma_start3A_510 = arith.constant 0 : i32
      %dma_start3A_511 = tpu.memref_slice %arg7[%run_scoped3A_496, %dma_start3A_510] : memref<125x80xi32, #tpu.memory_space<vmem>> -> memref<1x80xi32, #tpu.memory_space<vmem>>
      %dma_start3A_512 = tpu.memref_squeeze %dma_start3A_511 : memref<1x80xi32, #tpu.memory_space<vmem>> -> memref<80xi32, #tpu.memory_space<vmem>>
      %dma_start3A_513 = arith.constant 0 : i32
      %dma_start3A_514 = arith.constant 0 : i32
      %dma_start3A_515 = tpu.memref_slice %arg2[%dma_start3A_513, %dma_start3A_514] : memref<10000x64xf32, #tpu.memory_space<hbm>> -> memref<10000x64xf32, #tpu.memory_space<hbm>>
      tpu.enqueue_indirect_dma source(%dma_start3A_515 : memref<10000x64xf32, #tpu.memory_space<hbm>>) target(%dma_start3A_509 : memref<80x64xf32, #tpu.memory_space<vmem>>) offsets(%dma_start3A_512 : memref<80xi32, #tpu.memory_space<vmem>>) semaphore(%run_scoped3A_505 : memref<!tpu.dma_semaphore, #tpu.memory_space<semaphore_mem>>)
      %dma_wait3A_516 = arith.constant 0 : i32
      %dma_wait3A_517 = arith.constant 0 : i32
      %dma_wait3A_518 = tpu.memref_slice %arg9[%run_scoped3A_497, %dma_wait3A_516, %dma_wait3A_517] : memref<8x80x64xf32, #tpu.memory_space<vmem>> -> memref<1x80x64xf32, #tpu.memory_space<vmem>>
      %dma_wait3A_519 = tpu.memref_squeeze %dma_wait3A_518 : memref<1x80x64xf32, #tpu.memory_space<vmem>> -> memref<80x64xf32, #tpu.memory_space<vmem>>
      %dma_wait3A_520 = arith.constant 0 : i32
      %dma_wait3A_521 = tpu.memref_slice %arg7[%run_scoped3A_496, %dma_wait3A_520] : memref<125x80xi32, #tpu.memory_space<vmem>> -> memref<1x80xi32, #tpu.memory_space<vmem>>
      %dma_wait3A_522 = tpu.memref_squeeze %dma_wait3A_521 : memref<1x80xi32, #tpu.memory_space<vmem>> -> memref<80xi32, #tpu.memory_space<vmem>>
      %dma_wait3A_523 = arith.constant 0 : i32
      %dma_wait3A_524 = arith.constant 0 : i32
      %dma_wait3A_525 = tpu.memref_slice %arg2[%dma_wait3A_523, %dma_wait3A_524] : memref<10000x64xf32, #tpu.memory_space<hbm>> -> memref<10000x64xf32, #tpu.memory_space<hbm>>
      tpu.wait_indirect_dma semaphore(%run_scoped3A_505 : memref<!tpu.dma_semaphore, #tpu.memory_space<semaphore_mem>>) src(%dma_wait3A_525 : memref<10000x64xf32, #tpu.memory_space<hbm>>) dst(%dma_wait3A_519 : memref<80x64xf32, #tpu.memory_space<vmem>>)
      tpu.yield
    }) : () -> ()
    %run_scoped3A_498 = arith.constant 0 : i32
    %run_scoped3A_499 = arith.constant 123 : i32
    "tpu.region"() ({
      %run_scoped3A_505 = tpu.sem_alloc : memref<!tpu.dma_semaphore, #tpu.memory_space<semaphore_mem>>
      %dma_start3A_506 = arith.constant 0 : i32
      %dma_start3A_507 = arith.constant 0 : i32
      %dma_start3A_508 = tpu.memref_slice %arg9[%run_scoped3A_498, %dma_start3A_506, %dma_start3A_507] : memref<8x80x64xf32, #tpu.memory_space<vmem>> -> memref<1x80x64xf32, #tpu.memory_space<vmem>>
      %dma_start3A_509 = tpu.memref_squeeze %dma_start3A_508 : memref<1x80x64xf32, #tpu.memory_space<vmem>> -> memref<80x64xf32, #tpu.memory_space<vmem>>
      %dma_start3A_510 = arith.constant 0 : i32
      %dma_start3A_511 = tpu.memref_slice %arg8[%run_scoped3A_499, %dma_start3A_510] : memref<125x80xi32, #tpu.memory_space<vmem>> -> memref<1x80xi32, #tpu.memory_space<vmem>>
      %dma_start3A_512 = tpu.memref_squeeze %dma_start3A_511 : memref<1x80xi32, #tpu.memory_space<vmem>> -> memref<80xi32, #tpu.memory_space<vmem>>
      %dma_start3A_513 = arith.constant 0 : i32
      %dma_start3A_514 = arith.constant 0 : i32
      %dma_start3A_515 = tpu.memref_slice %arg12[%dma_start3A_513, %dma_start3A_514] : memref<10240x64xf32, #tpu.memory_space<vmem_shared>> -> memref<10240x64xf32, #tpu.memory_space<vmem_shared>>
      tpu.enqueue_indirect_dma source(%dma_start3A_509 : memref<80x64xf32, #tpu.memory_space<vmem>>) target(%dma_start3A_515 : memref<10240x64xf32, #tpu.memory_space<vmem_shared>>) offsets(%dma_start3A_512 : memref<80xi32, #tpu.memory_space<vmem>>) semaphore(%run_scoped3A_505 : memref<!tpu.dma_semaphore, #tpu.memory_space<semaphore_mem>>) {add = true}
      %dma_wait3A_516 = arith.constant 0 : i32
      %dma_wait3A_517 = arith.constant 0 : i32
      %dma_wait3A_518 = tpu.memref_slice %arg9[%run_scoped3A_498, %dma_wait3A_516, %dma_wait3A_517] : memref<8x80x64xf32, #tpu.memory_space<vmem>> -> memref<1x80x64xf32, #tpu.memory_space<vmem>>
      %dma_wait3A_519 = tpu.memref_squeeze %dma_wait3A_518 : memref<1x80x64xf32, #tpu.memory_space<vmem>> -> memref<80x64xf32, #tpu.memory_space<vmem>>
      %dma_wait3A_520 = arith.constant 0 : i32
      %dma_wait3A_521 = tpu.memref_slice %arg8[%run_scoped3A_499, %dma_wait3A_520] : memref<125x80xi32, #tpu.memory_space<vmem>> -> memref<1x80xi32, #tpu.memory_space<vmem>>
      %dma_wait3A_522 = tpu.memref_squeeze %dma_wait3A_521 : memref<1x80xi32, #tpu.memory_space<vmem>> -> memref<80xi32, #tpu.memory_space<vmem>>
      %dma_wait3A_523 = arith.constant 0 : i32
      %dma_wait3A_524 = arith.constant 0 : i32
      %dma_wait3A_525 = tpu.memref_slice %arg12[%dma_wait3A_523, %dma_wait3A_524] : memref<10240x64xf32, #tpu.memory_space<vmem_shared>> -> memref<10240x64xf32, #tpu.memory_space<vmem_shared>>
      tpu.wait_indirect_dma semaphore(%run_scoped3A_505 : memref<!tpu.dma_semaphore, #tpu.memory_space<semaphore_mem>>) src(%dma_wait3A_519 : memref<80x64xf32, #tpu.memory_space<vmem>>) dst(%dma_wait3A_525 : memref<10240x64xf32, #tpu.memory_space<vmem_shared>>)
      tpu.yield
    }) : () -> ()
    %run_scoped3A_500 = arith.constant 124 : i32
    %run_scoped3A_501 = arith.constant 0 : i32
    "tpu.region"() ({
      %run_scoped3A_505 = tpu.sem_alloc : memref<!tpu.dma_semaphore, #tpu.memory_space<semaphore_mem>>
      %dma_start3A_506 = arith.constant 0 : i32
      %dma_start3A_507 = arith.constant 0 : i32
      %dma_start3A_508 = tpu.memref_slice %arg9[%run_scoped3A_501, %dma_start3A_506, %dma_start3A_507] : memref<8x80x64xf32, #tpu.memory_space<vmem>> -> memref<1x80x64xf32, #tpu.memory_space<vmem>>
      %dma_start3A_509 = tpu.memref_squeeze %dma_start3A_508 : memref<1x80x64xf32, #tpu.memory_space<vmem>> -> memref<80x64xf32, #tpu.memory_space<vmem>>
      %dma_start3A_510 = arith.constant 0 : i32
      %dma_start3A_511 = tpu.memref_slice %arg7[%run_scoped3A_500, %dma_start3A_510] : memref<125x80xi32, #tpu.memory_space<vmem>> -> memref<1x80xi32, #tpu.memory_space<vmem>>
      %dma_start3A_512 = tpu.memref_squeeze %dma_start3A_511 : memref<1x80xi32, #tpu.memory_space<vmem>> -> memref<80xi32, #tpu.memory_space<vmem>>
      %dma_start3A_513 = arith.constant 0 : i32
      %dma_start3A_514 = arith.constant 0 : i32
      %dma_start3A_515 = tpu.memref_slice %arg2[%dma_start3A_513, %dma_start3A_514] : memref<10000x64xf32, #tpu.memory_space<hbm>> -> memref<10000x64xf32, #tpu.memory_space<hbm>>
      tpu.enqueue_indirect_dma source(%dma_start3A_515 : memref<10000x64xf32, #tpu.memory_space<hbm>>) target(%dma_start3A_509 : memref<80x64xf32, #tpu.memory_space<vmem>>) offsets(%dma_start3A_512 : memref<80xi32, #tpu.memory_space<vmem>>) semaphore(%run_scoped3A_505 : memref<!tpu.dma_semaphore, #tpu.memory_space<semaphore_mem>>)
      %dma_wait3A_516 = arith.constant 0 : i32
      %dma_wait3A_517 = arith.constant 0 : i32
      %dma_wait3A_518 = tpu.memref_slice %arg9[%run_scoped3A_501, %dma_wait3A_516, %dma_wait3A_517] : memref<8x80x64xf32, #tpu.memory_space<vmem>> -> memref<1x80x64xf32, #tpu.memory_space<vmem>>
      %dma_wait3A_519 = tpu.memref_squeeze %dma_wait3A_518 : memref<1x80x64xf32, #tpu.memory_space<vmem>> -> memref<80x64xf32, #tpu.memory_space<vmem>>
      %dma_wait3A_520 = arith.constant 0 : i32
      %dma_wait3A_521 = tpu.memref_slice %arg7[%run_scoped3A_500, %dma_wait3A_520] : memref<125x80xi32, #tpu.memory_space<vmem>> -> memref<1x80xi32, #tpu.memory_space<vmem>>
      %dma_wait3A_522 = tpu.memref_squeeze %dma_wait3A_521 : memref<1x80xi32, #tpu.memory_space<vmem>> -> memref<80xi32, #tpu.memory_space<vmem>>
      %dma_wait3A_523 = arith.constant 0 : i32
      %dma_wait3A_524 = arith.constant 0 : i32
      %dma_wait3A_525 = tpu.memref_slice %arg2[%dma_wait3A_523, %dma_wait3A_524] : memref<10000x64xf32, #tpu.memory_space<hbm>> -> memref<10000x64xf32, #tpu.memory_space<hbm>>
      tpu.wait_indirect_dma semaphore(%run_scoped3A_505 : memref<!tpu.dma_semaphore, #tpu.memory_space<semaphore_mem>>) src(%dma_wait3A_525 : memref<10000x64xf32, #tpu.memory_space<hbm>>) dst(%dma_wait3A_519 : memref<80x64xf32, #tpu.memory_space<vmem>>)
      tpu.yield
    }) : () -> ()
    %run_scoped3A_502 = arith.constant 0 : i32
    %run_scoped3A_503 = arith.constant 124 : i32
    "tpu.region"() ({
      %run_scoped3A_505 = tpu.sem_alloc : memref<!tpu.dma_semaphore, #tpu.memory_space<semaphore_mem>>
      %dma_start3A_506 = arith.constant 0 : i32
      %dma_start3A_507 = arith.constant 0 : i32
      %dma_start3A_508 = tpu.memref_slice %arg9[%run_scoped3A_502, %dma_start3A_506, %dma_start3A_507] : memref<8x80x64xf32, #tpu.memory_space<vmem>> -> memref<1x80x64xf32, #tpu.memory_space<vmem>>
      %dma_start3A_509 = tpu.memref_squeeze %dma_start3A_508 : memref<1x80x64xf32, #tpu.memory_space<vmem>> -> memref<80x64xf32, #tpu.memory_space<vmem>>
      %dma_start3A_510 = arith.constant 0 : i32
      %dma_start3A_511 = tpu.memref_slice %arg8[%run_scoped3A_503, %dma_start3A_510] : memref<125x80xi32, #tpu.memory_space<vmem>> -> memref<1x80xi32, #tpu.memory_space<vmem>>
      %dma_start3A_512 = tpu.memref_squeeze %dma_start3A_511 : memref<1x80xi32, #tpu.memory_space<vmem>> -> memref<80xi32, #tpu.memory_space<vmem>>
      %dma_start3A_513 = arith.constant 0 : i32
      %dma_start3A_514 = arith.constant 0 : i32
      %dma_start3A_515 = tpu.memref_slice %arg12[%dma_start3A_513, %dma_start3A_514] : memref<10240x64xf32, #tpu.memory_space<vmem_shared>> -> memref<10240x64xf32, #tpu.memory_space<vmem_shared>>
      tpu.enqueue_indirect_dma source(%dma_start3A_509 : memref<80x64xf32, #tpu.memory_space<vmem>>) target(%dma_start3A_515 : memref<10240x64xf32, #tpu.memory_space<vmem_shared>>) offsets(%dma_start3A_512 : memref<80xi32, #tpu.memory_space<vmem>>) semaphore(%run_scoped3A_505 : memref<!tpu.dma_semaphore, #tpu.memory_space<semaphore_mem>>) {add = true}
      %dma_wait3A_516 = arith.constant 0 : i32
      %dma_wait3A_517 = arith.constant 0 : i32
      %dma_wait3A_518 = tpu.memref_slice %arg9[%run_scoped3A_502, %dma_wait3A_516, %dma_wait3A_517] : memref<8x80x64xf32, #tpu.memory_space<vmem>> -> memref<1x80x64xf32, #tpu.memory_space<vmem>>
      %dma_wait3A_519 = tpu.memref_squeeze %dma_wait3A_518 : memref<1x80x64xf32, #tpu.memory_space<vmem>> -> memref<80x64xf32, #tpu.memory_space<vmem>>
      %dma_wait3A_520 = arith.constant 0 : i32
      %dma_wait3A_521 = tpu.memref_slice %arg8[%run_scoped3A_503, %dma_wait3A_520] : memref<125x80xi32, #tpu.memory_space<vmem>> -> memref<1x80xi32, #tpu.memory_space<vmem>>
      %dma_wait3A_522 = tpu.memref_squeeze %dma_wait3A_521 : memref<1x80xi32, #tpu.memory_space<vmem>> -> memref<80xi32, #tpu.memory_space<vmem>>
      %dma_wait3A_523 = arith.constant 0 : i32
      %dma_wait3A_524 = arith.constant 0 : i32
      %dma_wait3A_525 = tpu.memref_slice %arg12[%dma_wait3A_523, %dma_wait3A_524] : memref<10240x64xf32, #tpu.memory_space<vmem_shared>> -> memref<10240x64xf32, #tpu.memory_space<vmem_shared>>
      tpu.wait_indirect_dma semaphore(%run_scoped3A_505 : memref<!tpu.dma_semaphore, #tpu.memory_space<semaphore_mem>>) src(%dma_wait3A_519 : memref<80x64xf32, #tpu.memory_space<vmem>>) dst(%dma_wait3A_525 : memref<10240x64xf32, #tpu.memory_space<vmem_shared>>)
      tpu.yield
    }) : () -> ()
    %barrier3A_504 = arith.constant 0 : index
    tpu.barrier barrier_id(%barrier3A_504)
    "tpu.region"() ({
      %run_scoped3A_505 = tpu.sem_alloc : memref<!tpu.dma_semaphore, #tpu.memory_space<semaphore_mem>>
      %dma_start3A_506 = arith.constant 0 : i32
      %dma_start3A_507 = tpu.memref_slice %arg6[%arg0, %mul3A_0, %dma_start3A_506] : memref<2x10240x64xf32, #tpu.memory_space<hbm>> -> memref<1x640x64xf32, #tpu.memory_space<hbm>>
      %dma_start3A_508 = tpu.memref_squeeze %dma_start3A_507 : memref<1x640x64xf32, #tpu.memory_space<hbm>> -> memref<640x64xf32, #tpu.memory_space<hbm>>
      %dma_start3A_509 = arith.constant 0 : i32
      %dma_start3A_510 = tpu.memref_slice %arg12[%mul3A_0, %dma_start3A_509] : memref<10240x64xf32, #tpu.memory_space<vmem_shared>> -> memref<640x64xf32, #tpu.memory_space<vmem_shared>>
      tpu.enqueue_dma source(%dma_start3A_510 : memref<640x64xf32, #tpu.memory_space<vmem_shared>>) target(%dma_start3A_508 : memref<640x64xf32, #tpu.memory_space<hbm>>) target_semaphore(%run_scoped3A_505 : memref<!tpu.dma_semaphore, #tpu.memory_space<semaphore_mem>>)
      %dma_wait3A_511 = arith.constant 0 : i32
      %dma_wait3A_512 = tpu.memref_slice %arg6[%arg0, %mul3A_0, %dma_wait3A_511] : memref<2x10240x64xf32, #tpu.memory_space<hbm>> -> memref<1x640x64xf32, #tpu.memory_space<hbm>>
      %dma_wait3A_513 = tpu.memref_squeeze %dma_wait3A_512 : memref<1x640x64xf32, #tpu.memory_space<hbm>> -> memref<640x64xf32, #tpu.memory_space<hbm>>
      %dma_wait3A_514 = arith.constant 0 : i32
      %dma_wait3A_515 = tpu.memref_slice %arg12[%mul3A_0, %dma_wait3A_514] : memref<10240x64xf32, #tpu.memory_space<vmem_shared>> -> memref<640x64xf32, #tpu.memory_space<vmem_shared>>
      tpu.wait_dma2 semaphore(%run_scoped3A_505 : memref<!tpu.dma_semaphore, #tpu.memory_space<semaphore_mem>>) src(%dma_wait3A_515 : memref<640x64xf32, #tpu.memory_space<vmem_shared>>) dst(%dma_wait3A_513 : memref<640x64xf32, #tpu.memory_space<hbm>>)
      tpu.yield
    }) : () -> ()
    return
  }
}

#map = affine_map<(d0, d1) -> (0, 0)>
#map1 = affine_map<(d0, d1) -> (0, 0, 0)>
module attributes {stable_mosaic.version = 14 : i64} {
  func.func @_gs128_body(%arg0: i32, %arg1: i32, %arg2: memref<10000x128xf32, #tpu.memory_space<hbm>>, %arg3: memref<32x125x80xi32, #tpu.memory_space<hbm>>, %arg4: memref<32x125x80xi32, #tpu.memory_space<hbm>>, %arg5: memref<10240x128xf32, #tpu.memory_space<hbm>>, %arg6: memref<2x10240x128xf32, #tpu.memory_space<hbm>>, %arg7: memref<25x80xi32, #tpu.memory_space<vmem>>, %arg8: memref<25x80xi32, #tpu.memory_space<vmem>>, %arg9: memref<4x80x128xf32, #tpu.memory_space<vmem>>, %arg10: memref<4x!tpu.dma_semaphore, #tpu.memory_space<semaphore_mem>>, %arg11: memref<4x!tpu.dma_semaphore, #tpu.memory_space<semaphore_mem>>, %arg12: memref<10240x128xf32, #tpu.memory_space<vmem_shared>>) attributes {dimension_semantics = [#tpu.dimension_semantics<core_parallel>, #tpu.dimension_semantics<subcore_parallel>], iteration_bounds = array<i64: 2, 16>, scalar_prefetch = 0 : i64, scratch_operands = 6 : i64, tpu.core_type = #tpu.core_type<sc_vector_subcore>, window_params = [{transform_indices = #map}, {transform_indices = #map1}, {transform_indices = #map1}, {transform_indices = #map}, {transform_indices = #map1}]} {
    %mul3A = arith.constant 640 : i32
    %mul3A_0 = arith.muli %arg1, %mul3A : i32
    "tpu.region"() ({
      %run_scoped3A = tpu.sem_alloc : memref<!tpu.dma_semaphore, #tpu.memory_space<semaphore_mem>>
      %dma_start3A = arith.constant 0 : i32
      %dma_start3A_8 = tpu.memref_slice %arg12[%mul3A_0, %dma_start3A] : memref<10240x128xf32, #tpu.memory_space<vmem_shared>> -> memref<640x128xf32, #tpu.memory_space<vmem_shared>>
      %dma_start3A_9 = arith.constant 0 : i32
      %dma_start3A_10 = tpu.memref_slice %arg5[%mul3A_0, %dma_start3A_9] : memref<10240x128xf32, #tpu.memory_space<hbm>> -> memref<640x128xf32, #tpu.memory_space<hbm>>
      tpu.enqueue_dma source(%dma_start3A_10 : memref<640x128xf32, #tpu.memory_space<hbm>>) target(%dma_start3A_8 : memref<640x128xf32, #tpu.memory_space<vmem_shared>>) target_semaphore(%run_scoped3A : memref<!tpu.dma_semaphore, #tpu.memory_space<semaphore_mem>>)
      %dma_wait3A = arith.constant 0 : i32
      %dma_wait3A_11 = tpu.memref_slice %arg12[%mul3A_0, %dma_wait3A] : memref<10240x128xf32, #tpu.memory_space<vmem_shared>> -> memref<640x128xf32, #tpu.memory_space<vmem_shared>>
      %dma_wait3A_12 = arith.constant 0 : i32
      %dma_wait3A_13 = tpu.memref_slice %arg5[%mul3A_0, %dma_wait3A_12] : memref<10240x128xf32, #tpu.memory_space<hbm>> -> memref<640x128xf32, #tpu.memory_space<hbm>>
      tpu.wait_dma2 semaphore(%run_scoped3A : memref<!tpu.dma_semaphore, #tpu.memory_space<semaphore_mem>>) src(%dma_wait3A_13 : memref<640x128xf32, #tpu.memory_space<hbm>>) dst(%dma_wait3A_11 : memref<640x128xf32, #tpu.memory_space<vmem_shared>>)
      tpu.yield
    }) : () -> ()
    %mul3A_1 = arith.constant 16 : i32
    %mul3A_2 = arith.muli %arg0, %mul3A_1 : i32
    %add3A = arith.addi %mul3A_2, %arg1 : i32
    %barrier3A = arith.constant 0 : index
    tpu.barrier barrier_id(%barrier3A)
    %scan3A = arith.constant 0 : i32
    %scan3A_3 = arith.constant 5 : i32
    %scan3A_4 = arith.addi %scan3A, %scan3A_3 : i32
    %scan3A_5 = arith.constant 1 : i32
    scf.for %scan3A_8 = %scan3A to %scan3A_4 step %scan3A_5  : i32 {
      %mul3A_9 = arith.constant 1 : i32
      %mul3A_10 = arith.muli %scan3A_8, %mul3A_9 : i32
      %add3A_11 = arith.constant 0 : i32
      %add3A_12 = arith.addi %add3A_11, %mul3A_10 : i32
      %mul3A_13 = arith.constant 25 : i32
      %mul3A_14 = arith.muli %add3A_12, %mul3A_13 : i32
      "tpu.region"() ({
        %run_scoped3A_263 = tpu.sem_alloc : memref<!tpu.dma_semaphore, #tpu.memory_space<semaphore_mem>>
        %dma_start3A_264 = arith.constant 0 : i32
        %dma_start3A_265 = arith.constant 0 : i32
        %dma_start3A_266 = tpu.memref_slice %arg3[%add3A, %dma_start3A_264, %dma_start3A_265] : memref<32x125x80xi32, #tpu.memory_space<hbm>> -> memref<1x125x80xi32, #tpu.memory_space<hbm>>
        %dma_start3A_267 = tpu.memref_squeeze %dma_start3A_266 : memref<1x125x80xi32, #tpu.memory_space<hbm>> -> memref<125x80xi32, #tpu.memory_space<hbm>>
        %dma_start3A_268 = arith.constant 0 : i32
        %dma_start3A_269 = tpu.memref_slice %dma_start3A_267[%mul3A_14, %dma_start3A_268] : memref<125x80xi32, #tpu.memory_space<hbm>> -> memref<25x80xi32, #tpu.memory_space<hbm>>
        %dma_start3A_270 = arith.constant 0 : i32
        %dma_start3A_271 = arith.constant 0 : i32
        %dma_start3A_272 = tpu.memref_slice %arg3[%add3A, %dma_start3A_270, %dma_start3A_271] : memref<32x125x80xi32, #tpu.memory_space<hbm>> -> memref<1x125x80xi32, #tpu.memory_space<hbm>>
        %dma_start3A_273 = tpu.memref_squeeze %dma_start3A_272 : memref<1x125x80xi32, #tpu.memory_space<hbm>> -> memref<125x80xi32, #tpu.memory_space<hbm>>
        %dma_start3A_274 = arith.constant 0 : i32
        %dma_start3A_275 = tpu.memref_slice %dma_start3A_273[%mul3A_14, %dma_start3A_274] : memref<125x80xi32, #tpu.memory_space<hbm>> -> memref<25x80xi32, #tpu.memory_space<hbm>>
        tpu.enqueue_dma source(%dma_start3A_275 : memref<25x80xi32, #tpu.memory_space<hbm>>) target(%arg7 : memref<25x80xi32, #tpu.memory_space<vmem>>) target_semaphore(%run_scoped3A_263 : memref<!tpu.dma_semaphore, #tpu.memory_space<semaphore_mem>>)
        %dma_wait3A_276 = arith.constant 0 : i32
        %dma_wait3A_277 = arith.constant 0 : i32
        %dma_wait3A_278 = tpu.memref_slice %arg3[%add3A, %dma_wait3A_276, %dma_wait3A_277] : memref<32x125x80xi32, #tpu.memory_space<hbm>> -> memref<1x125x80xi32, #tpu.memory_space<hbm>>
        %dma_wait3A_279 = tpu.memref_squeeze %dma_wait3A_278 : memref<1x125x80xi32, #tpu.memory_space<hbm>> -> memref<125x80xi32, #tpu.memory_space<hbm>>
        %dma_wait3A_280 = arith.constant 0 : i32
        %dma_wait3A_281 = tpu.memref_slice %dma_wait3A_279[%mul3A_14, %dma_wait3A_280] : memref<125x80xi32, #tpu.memory_space<hbm>> -> memref<25x80xi32, #tpu.memory_space<hbm>>
        %dma_wait3A_282 = arith.constant 0 : i32
        %dma_wait3A_283 = arith.constant 0 : i32
        %dma_wait3A_284 = tpu.memref_slice %arg3[%add3A, %dma_wait3A_282, %dma_wait3A_283] : memref<32x125x80xi32, #tpu.memory_space<hbm>> -> memref<1x125x80xi32, #tpu.memory_space<hbm>>
        %dma_wait3A_285 = tpu.memref_squeeze %dma_wait3A_284 : memref<1x125x80xi32, #tpu.memory_space<hbm>> -> memref<125x80xi32, #tpu.memory_space<hbm>>
        %dma_wait3A_286 = arith.constant 0 : i32
        %dma_wait3A_287 = tpu.memref_slice %dma_wait3A_285[%mul3A_14, %dma_wait3A_286] : memref<125x80xi32, #tpu.memory_space<hbm>> -> memref<25x80xi32, #tpu.memory_space<hbm>>
        tpu.wait_dma2 semaphore(%run_scoped3A_263 : memref<!tpu.dma_semaphore, #tpu.memory_space<semaphore_mem>>) src(%dma_wait3A_287 : memref<25x80xi32, #tpu.memory_space<hbm>>) dst(%arg7 : memref<25x80xi32, #tpu.memory_space<vmem>>)
        tpu.yield
      }) : () -> ()
      %mul3A_15 = arith.constant 25 : i32
      %mul3A_16 = arith.muli %add3A_12, %mul3A_15 : i32
      "tpu.region"() ({
        %run_scoped3A_263 = tpu.sem_alloc : memref<!tpu.dma_semaphore, #tpu.memory_space<semaphore_mem>>
        %dma_start3A_264 = arith.constant 0 : i32
        %dma_start3A_265 = arith.constant 0 : i32
        %dma_start3A_266 = tpu.memref_slice %arg4[%add3A, %dma_start3A_264, %dma_start3A_265] : memref<32x125x80xi32, #tpu.memory_space<hbm>> -> memref<1x125x80xi32, #tpu.memory_space<hbm>>
        %dma_start3A_267 = tpu.memref_squeeze %dma_start3A_266 : memref<1x125x80xi32, #tpu.memory_space<hbm>> -> memref<125x80xi32, #tpu.memory_space<hbm>>
        %dma_start3A_268 = arith.constant 0 : i32
        %dma_start3A_269 = tpu.memref_slice %dma_start3A_267[%mul3A_16, %dma_start3A_268] : memref<125x80xi32, #tpu.memory_space<hbm>> -> memref<25x80xi32, #tpu.memory_space<hbm>>
        %dma_start3A_270 = arith.constant 0 : i32
        %dma_start3A_271 = arith.constant 0 : i32
        %dma_start3A_272 = tpu.memref_slice %arg4[%add3A, %dma_start3A_270, %dma_start3A_271] : memref<32x125x80xi32, #tpu.memory_space<hbm>> -> memref<1x125x80xi32, #tpu.memory_space<hbm>>
        %dma_start3A_273 = tpu.memref_squeeze %dma_start3A_272 : memref<1x125x80xi32, #tpu.memory_space<hbm>> -> memref<125x80xi32, #tpu.memory_space<hbm>>
        %dma_start3A_274 = arith.constant 0 : i32
        %dma_start3A_275 = tpu.memref_slice %dma_start3A_273[%mul3A_16, %dma_start3A_274] : memref<125x80xi32, #tpu.memory_space<hbm>> -> memref<25x80xi32, #tpu.memory_space<hbm>>
        tpu.enqueue_dma source(%dma_start3A_275 : memref<25x80xi32, #tpu.memory_space<hbm>>) target(%arg8 : memref<25x80xi32, #tpu.memory_space<vmem>>) target_semaphore(%run_scoped3A_263 : memref<!tpu.dma_semaphore, #tpu.memory_space<semaphore_mem>>)
        %dma_wait3A_276 = arith.constant 0 : i32
        %dma_wait3A_277 = arith.constant 0 : i32
        %dma_wait3A_278 = tpu.memref_slice %arg4[%add3A, %dma_wait3A_276, %dma_wait3A_277] : memref<32x125x80xi32, #tpu.memory_space<hbm>> -> memref<1x125x80xi32, #tpu.memory_space<hbm>>
        %dma_wait3A_279 = tpu.memref_squeeze %dma_wait3A_278 : memref<1x125x80xi32, #tpu.memory_space<hbm>> -> memref<125x80xi32, #tpu.memory_space<hbm>>
        %dma_wait3A_280 = arith.constant 0 : i32
        %dma_wait3A_281 = tpu.memref_slice %dma_wait3A_279[%mul3A_16, %dma_wait3A_280] : memref<125x80xi32, #tpu.memory_space<hbm>> -> memref<25x80xi32, #tpu.memory_space<hbm>>
        %dma_wait3A_282 = arith.constant 0 : i32
        %dma_wait3A_283 = arith.constant 0 : i32
        %dma_wait3A_284 = tpu.memref_slice %arg4[%add3A, %dma_wait3A_282, %dma_wait3A_283] : memref<32x125x80xi32, #tpu.memory_space<hbm>> -> memref<1x125x80xi32, #tpu.memory_space<hbm>>
        %dma_wait3A_285 = tpu.memref_squeeze %dma_wait3A_284 : memref<1x125x80xi32, #tpu.memory_space<hbm>> -> memref<125x80xi32, #tpu.memory_space<hbm>>
        %dma_wait3A_286 = arith.constant 0 : i32
        %dma_wait3A_287 = tpu.memref_slice %dma_wait3A_285[%mul3A_16, %dma_wait3A_286] : memref<125x80xi32, #tpu.memory_space<hbm>> -> memref<25x80xi32, #tpu.memory_space<hbm>>
        tpu.wait_dma2 semaphore(%run_scoped3A_263 : memref<!tpu.dma_semaphore, #tpu.memory_space<semaphore_mem>>) src(%dma_wait3A_287 : memref<25x80xi32, #tpu.memory_space<hbm>>) dst(%arg8 : memref<25x80xi32, #tpu.memory_space<vmem>>)
        tpu.yield
      }) : () -> ()
      %dma_start3A = arith.constant 0 : i32
      %dma_start3A_17 = arith.constant 0 : i32
      %dma_start3A_18 = arith.constant 0 : i32
      %dma_start3A_19 = arith.constant 0 : i32
      %dma_start3A_20 = arith.constant 0 : i32
      %dma_start3A_21 = tpu.memref_slice %arg9[%dma_start3A_17, %dma_start3A_19, %dma_start3A_20] : memref<4x80x128xf32, #tpu.memory_space<vmem>> -> memref<1x80x128xf32, #tpu.memory_space<vmem>>
      %dma_start3A_22 = tpu.memref_squeeze %dma_start3A_21 : memref<1x80x128xf32, #tpu.memory_space<vmem>> -> memref<80x128xf32, #tpu.memory_space<vmem>>
      %dma_start3A_23 = arith.constant 0 : i32
      %dma_start3A_24 = tpu.memref_slice %arg7[%dma_start3A, %dma_start3A_23] : memref<25x80xi32, #tpu.memory_space<vmem>> -> memref<1x80xi32, #tpu.memory_space<vmem>>
      %dma_start3A_25 = tpu.memref_squeeze %dma_start3A_24 : memref<1x80xi32, #tpu.memory_space<vmem>> -> memref<80xi32, #tpu.memory_space<vmem>>
      %dma_start3A_26 = arith.constant 0 : i32
      %dma_start3A_27 = arith.constant 0 : i32
      %dma_start3A_28 = tpu.memref_slice %arg2[%dma_start3A_26, %dma_start3A_27] : memref<10000x128xf32, #tpu.memory_space<hbm>> -> memref<10000x128xf32, #tpu.memory_space<hbm>>
      %dma_start3A_29 = tpu.memref_slice %arg10[%dma_start3A_18] : memref<4x!tpu.dma_semaphore, #tpu.memory_space<semaphore_mem>> -> memref<1x!tpu.dma_semaphore, #tpu.memory_space<semaphore_mem>>
      %dma_start3A_30 = tpu.memref_squeeze %dma_start3A_29 : memref<1x!tpu.dma_semaphore, #tpu.memory_space<semaphore_mem>> -> memref<!tpu.dma_semaphore, #tpu.memory_space<semaphore_mem>>
      tpu.enqueue_indirect_dma source(%dma_start3A_28 : memref<10000x128xf32, #tpu.memory_space<hbm>>) target(%dma_start3A_22 : memref<80x128xf32, #tpu.memory_space<vmem>>) offsets(%dma_start3A_25 : memref<80xi32, #tpu.memory_space<vmem>>) semaphore(%dma_start3A_30 : memref<!tpu.dma_semaphore, #tpu.memory_space<semaphore_mem>>)
      %dma_start3A_31 = arith.constant 1 : i32
      %dma_start3A_32 = arith.constant 1 : i32
      %dma_start3A_33 = arith.constant 1 : i32
      %dma_start3A_34 = arith.constant 0 : i32
      %dma_start3A_35 = arith.constant 0 : i32
      %dma_start3A_36 = tpu.memref_slice %arg9[%dma_start3A_32, %dma_start3A_34, %dma_start3A_35] : memref<4x80x128xf32, #tpu.memory_space<vmem>> -> memref<1x80x128xf32, #tpu.memory_space<vmem>>
      %dma_start3A_37 = tpu.memref_squeeze %dma_start3A_36 : memref<1x80x128xf32, #tpu.memory_space<vmem>> -> memref<80x128xf32, #tpu.memory_space<vmem>>
      %dma_start3A_38 = arith.constant 0 : i32
      %dma_start3A_39 = tpu.memref_slice %arg7[%dma_start3A_31, %dma_start3A_38] : memref<25x80xi32, #tpu.memory_space<vmem>> -> memref<1x80xi32, #tpu.memory_space<vmem>>
      %dma_start3A_40 = tpu.memref_squeeze %dma_start3A_39 : memref<1x80xi32, #tpu.memory_space<vmem>> -> memref<80xi32, #tpu.memory_space<vmem>>
      %dma_start3A_41 = arith.constant 0 : i32
      %dma_start3A_42 = arith.constant 0 : i32
      %dma_start3A_43 = tpu.memref_slice %arg2[%dma_start3A_41, %dma_start3A_42] : memref<10000x128xf32, #tpu.memory_space<hbm>> -> memref<10000x128xf32, #tpu.memory_space<hbm>>
      %dma_start3A_44 = tpu.memref_slice %arg10[%dma_start3A_33] : memref<4x!tpu.dma_semaphore, #tpu.memory_space<semaphore_mem>> -> memref<1x!tpu.dma_semaphore, #tpu.memory_space<semaphore_mem>>
      %dma_start3A_45 = tpu.memref_squeeze %dma_start3A_44 : memref<1x!tpu.dma_semaphore, #tpu.memory_space<semaphore_mem>> -> memref<!tpu.dma_semaphore, #tpu.memory_space<semaphore_mem>>
      tpu.enqueue_indirect_dma source(%dma_start3A_43 : memref<10000x128xf32, #tpu.memory_space<hbm>>) target(%dma_start3A_37 : memref<80x128xf32, #tpu.memory_space<vmem>>) offsets(%dma_start3A_40 : memref<80xi32, #tpu.memory_space<vmem>>) semaphore(%dma_start3A_45 : memref<!tpu.dma_semaphore, #tpu.memory_space<semaphore_mem>>)
      %dma_start3A_46 = arith.constant 2 : i32
      %dma_start3A_47 = arith.constant 2 : i32
      %dma_start3A_48 = arith.constant 2 : i32
      %dma_start3A_49 = arith.constant 0 : i32
      %dma_start3A_50 = arith.constant 0 : i32
      %dma_start3A_51 = tpu.memref_slice %arg9[%dma_start3A_47, %dma_start3A_49, %dma_start3A_50] : memref<4x80x128xf32, #tpu.memory_space<vmem>> -> memref<1x80x128xf32, #tpu.memory_space<vmem>>
      %dma_start3A_52 = tpu.memref_squeeze %dma_start3A_51 : memref<1x80x128xf32, #tpu.memory_space<vmem>> -> memref<80x128xf32, #tpu.memory_space<vmem>>
      %dma_start3A_53 = arith.constant 0 : i32
      %dma_start3A_54 = tpu.memref_slice %arg7[%dma_start3A_46, %dma_start3A_53] : memref<25x80xi32, #tpu.memory_space<vmem>> -> memref<1x80xi32, #tpu.memory_space<vmem>>
      %dma_start3A_55 = tpu.memref_squeeze %dma_start3A_54 : memref<1x80xi32, #tpu.memory_space<vmem>> -> memref<80xi32, #tpu.memory_space<vmem>>
      %dma_start3A_56 = arith.constant 0 : i32
      %dma_start3A_57 = arith.constant 0 : i32
      %dma_start3A_58 = tpu.memref_slice %arg2[%dma_start3A_56, %dma_start3A_57] : memref<10000x128xf32, #tpu.memory_space<hbm>> -> memref<10000x128xf32, #tpu.memory_space<hbm>>
      %dma_start3A_59 = tpu.memref_slice %arg10[%dma_start3A_48] : memref<4x!tpu.dma_semaphore, #tpu.memory_space<semaphore_mem>> -> memref<1x!tpu.dma_semaphore, #tpu.memory_space<semaphore_mem>>
      %dma_start3A_60 = tpu.memref_squeeze %dma_start3A_59 : memref<1x!tpu.dma_semaphore, #tpu.memory_space<semaphore_mem>> -> memref<!tpu.dma_semaphore, #tpu.memory_space<semaphore_mem>>
      tpu.enqueue_indirect_dma source(%dma_start3A_58 : memref<10000x128xf32, #tpu.memory_space<hbm>>) target(%dma_start3A_52 : memref<80x128xf32, #tpu.memory_space<vmem>>) offsets(%dma_start3A_55 : memref<80xi32, #tpu.memory_space<vmem>>) semaphore(%dma_start3A_60 : memref<!tpu.dma_semaphore, #tpu.memory_space<semaphore_mem>>)
      %dma_start3A_61 = arith.constant 3 : i32
      %dma_start3A_62 = arith.constant 3 : i32
      %dma_start3A_63 = arith.constant 3 : i32
      %dma_start3A_64 = arith.constant 0 : i32
      %dma_start3A_65 = arith.constant 0 : i32
      %dma_start3A_66 = tpu.memref_slice %arg9[%dma_start3A_62, %dma_start3A_64, %dma_start3A_65] : memref<4x80x128xf32, #tpu.memory_space<vmem>> -> memref<1x80x128xf32, #tpu.memory_space<vmem>>
      %dma_start3A_67 = tpu.memref_squeeze %dma_start3A_66 : memref<1x80x128xf32, #tpu.memory_space<vmem>> -> memref<80x128xf32, #tpu.memory_space<vmem>>
      %dma_start3A_68 = arith.constant 0 : i32
      %dma_start3A_69 = tpu.memref_slice %arg7[%dma_start3A_61, %dma_start3A_68] : memref<25x80xi32, #tpu.memory_space<vmem>> -> memref<1x80xi32, #tpu.memory_space<vmem>>
      %dma_start3A_70 = tpu.memref_squeeze %dma_start3A_69 : memref<1x80xi32, #tpu.memory_space<vmem>> -> memref<80xi32, #tpu.memory_space<vmem>>
      %dma_start3A_71 = arith.constant 0 : i32
      %dma_start3A_72 = arith.constant 0 : i32
      %dma_start3A_73 = tpu.memref_slice %arg2[%dma_start3A_71, %dma_start3A_72] : memref<10000x128xf32, #tpu.memory_space<hbm>> -> memref<10000x128xf32, #tpu.memory_space<hbm>>
      %dma_start3A_74 = tpu.memref_slice %arg10[%dma_start3A_63] : memref<4x!tpu.dma_semaphore, #tpu.memory_space<semaphore_mem>> -> memref<1x!tpu.dma_semaphore, #tpu.memory_space<semaphore_mem>>
      %dma_start3A_75 = tpu.memref_squeeze %dma_start3A_74 : memref<1x!tpu.dma_semaphore, #tpu.memory_space<semaphore_mem>> -> memref<!tpu.dma_semaphore, #tpu.memory_space<semaphore_mem>>
      tpu.enqueue_indirect_dma source(%dma_start3A_73 : memref<10000x128xf32, #tpu.memory_space<hbm>>) target(%dma_start3A_67 : memref<80x128xf32, #tpu.memory_space<vmem>>) offsets(%dma_start3A_70 : memref<80xi32, #tpu.memory_space<vmem>>) semaphore(%dma_start3A_75 : memref<!tpu.dma_semaphore, #tpu.memory_space<semaphore_mem>>)
      %scan3A_76 = arith.constant 0 : i32
      %scan3A_77 = arith.constant 5 : i32
      %scan3A_78 = arith.addi %scan3A_76, %scan3A_77 : i32
      %scan3A_79 = arith.constant 1 : i32
      scf.for %scan3A_263 = %scan3A_76 to %scan3A_78 step %scan3A_79  : i32 {
        %mul3A_264 = arith.constant 1 : i32
        %mul3A_265 = arith.muli %scan3A_263, %mul3A_264 : i32
        %add3A_266 = arith.constant 0 : i32
        %add3A_267 = arith.addi %add3A_266, %mul3A_265 : i32
        %mul3A_268 = arith.constant 4 : i32
        %mul3A_269 = arith.muli %add3A_267, %mul3A_268 : i32
        %add3A_270 = arith.constant 0 : i32
        %add3A_271 = arith.addi %mul3A_269, %add3A_270 : i32
        %dma_wait3A_272 = arith.constant 0 : i32
        %dma_wait3A_273 = arith.constant 0 : i32
        %dma_wait3A_274 = arith.constant 0 : i32
        %dma_wait3A_275 = arith.constant 0 : i32
        %dma_wait3A_276 = tpu.memref_slice %arg9[%dma_wait3A_272, %dma_wait3A_274, %dma_wait3A_275] : memref<4x80x128xf32, #tpu.memory_space<vmem>> -> memref<1x80x128xf32, #tpu.memory_space<vmem>>
        %dma_wait3A_277 = tpu.memref_squeeze %dma_wait3A_276 : memref<1x80x128xf32, #tpu.memory_space<vmem>> -> memref<80x128xf32, #tpu.memory_space<vmem>>
        %dma_wait3A_278 = arith.constant 0 : i32
        %dma_wait3A_279 = tpu.memref_slice %arg7[%add3A_271, %dma_wait3A_278] : memref<25x80xi32, #tpu.memory_space<vmem>> -> memref<1x80xi32, #tpu.memory_space<vmem>>
        %dma_wait3A_280 = tpu.memref_squeeze %dma_wait3A_279 : memref<1x80xi32, #tpu.memory_space<vmem>> -> memref<80xi32, #tpu.memory_space<vmem>>
        %dma_wait3A_281 = arith.constant 0 : i32
        %dma_wait3A_282 = arith.constant 0 : i32
        %dma_wait3A_283 = tpu.memref_slice %arg2[%dma_wait3A_281, %dma_wait3A_282] : memref<10000x128xf32, #tpu.memory_space<hbm>> -> memref<10000x128xf32, #tpu.memory_space<hbm>>
        %dma_wait3A_284 = tpu.memref_slice %arg10[%dma_wait3A_273] : memref<4x!tpu.dma_semaphore, #tpu.memory_space<semaphore_mem>> -> memref<1x!tpu.dma_semaphore, #tpu.memory_space<semaphore_mem>>
        %dma_wait3A_285 = tpu.memref_squeeze %dma_wait3A_284 : memref<1x!tpu.dma_semaphore, #tpu.memory_space<semaphore_mem>> -> memref<!tpu.dma_semaphore, #tpu.memory_space<semaphore_mem>>
        tpu.wait_indirect_dma semaphore(%dma_wait3A_285 : memref<!tpu.dma_semaphore, #tpu.memory_space<semaphore_mem>>) src(%dma_wait3A_283 : memref<10000x128xf32, #tpu.memory_space<hbm>>) dst(%dma_wait3A_277 : memref<80x128xf32, #tpu.memory_space<vmem>>)
        %add3A_286 = arith.constant 0 : i32
        %add3A_287 = arith.addi %mul3A_269, %add3A_286 : i32
        %dma_start3A_288 = arith.constant 0 : i32
        %dma_start3A_289 = arith.constant 0 : i32
        %dma_start3A_290 = arith.constant 0 : i32
        %dma_start3A_291 = arith.constant 0 : i32
        %dma_start3A_292 = tpu.memref_slice %arg9[%dma_start3A_288, %dma_start3A_290, %dma_start3A_291] : memref<4x80x128xf32, #tpu.memory_space<vmem>> -> memref<1x80x128xf32, #tpu.memory_space<vmem>>
        %dma_start3A_293 = tpu.memref_squeeze %dma_start3A_292 : memref<1x80x128xf32, #tpu.memory_space<vmem>> -> memref<80x128xf32, #tpu.memory_space<vmem>>
        %dma_start3A_294 = arith.constant 0 : i32
        %dma_start3A_295 = tpu.memref_slice %arg8[%add3A_287, %dma_start3A_294] : memref<25x80xi32, #tpu.memory_space<vmem>> -> memref<1x80xi32, #tpu.memory_space<vmem>>
        %dma_start3A_296 = tpu.memref_squeeze %dma_start3A_295 : memref<1x80xi32, #tpu.memory_space<vmem>> -> memref<80xi32, #tpu.memory_space<vmem>>
        %dma_start3A_297 = arith.constant 0 : i32
        %dma_start3A_298 = arith.constant 0 : i32
        %dma_start3A_299 = tpu.memref_slice %arg12[%dma_start3A_297, %dma_start3A_298] : memref<10240x128xf32, #tpu.memory_space<vmem_shared>> -> memref<10240x128xf32, #tpu.memory_space<vmem_shared>>
        %dma_start3A_300 = tpu.memref_slice %arg11[%dma_start3A_289] : memref<4x!tpu.dma_semaphore, #tpu.memory_space<semaphore_mem>> -> memref<1x!tpu.dma_semaphore, #tpu.memory_space<semaphore_mem>>
        %dma_start3A_301 = tpu.memref_squeeze %dma_start3A_300 : memref<1x!tpu.dma_semaphore, #tpu.memory_space<semaphore_mem>> -> memref<!tpu.dma_semaphore, #tpu.memory_space<semaphore_mem>>
        tpu.enqueue_indirect_dma source(%dma_start3A_293 : memref<80x128xf32, #tpu.memory_space<vmem>>) target(%dma_start3A_299 : memref<10240x128xf32, #tpu.memory_space<vmem_shared>>) offsets(%dma_start3A_296 : memref<80xi32, #tpu.memory_space<vmem>>) semaphore(%dma_start3A_301 : memref<!tpu.dma_semaphore, #tpu.memory_space<semaphore_mem>>) {add = true}
        %add3A_302 = arith.constant 1 : i32
        %add3A_303 = arith.addi %mul3A_269, %add3A_302 : i32
        %dma_wait3A_304 = arith.constant 1 : i32
        %dma_wait3A_305 = arith.constant 1 : i32
        %dma_wait3A_306 = arith.constant 0 : i32
        %dma_wait3A_307 = arith.constant 0 : i32
        %dma_wait3A_308 = tpu.memref_slice %arg9[%dma_wait3A_304, %dma_wait3A_306, %dma_wait3A_307] : memref<4x80x128xf32, #tpu.memory_space<vmem>> -> memref<1x80x128xf32, #tpu.memory_space<vmem>>
        %dma_wait3A_309 = tpu.memref_squeeze %dma_wait3A_308 : memref<1x80x128xf32, #tpu.memory_space<vmem>> -> memref<80x128xf32, #tpu.memory_space<vmem>>
        %dma_wait3A_310 = arith.constant 0 : i32
        %dma_wait3A_311 = tpu.memref_slice %arg7[%add3A_303, %dma_wait3A_310] : memref<25x80xi32, #tpu.memory_space<vmem>> -> memref<1x80xi32, #tpu.memory_space<vmem>>
        %dma_wait3A_312 = tpu.memref_squeeze %dma_wait3A_311 : memref<1x80xi32, #tpu.memory_space<vmem>> -> memref<80xi32, #tpu.memory_space<vmem>>
        %dma_wait3A_313 = arith.constant 0 : i32
        %dma_wait3A_314 = arith.constant 0 : i32
        %dma_wait3A_315 = tpu.memref_slice %arg2[%dma_wait3A_313, %dma_wait3A_314] : memref<10000x128xf32, #tpu.memory_space<hbm>> -> memref<10000x128xf32, #tpu.memory_space<hbm>>
        %dma_wait3A_316 = tpu.memref_slice %arg10[%dma_wait3A_305] : memref<4x!tpu.dma_semaphore, #tpu.memory_space<semaphore_mem>> -> memref<1x!tpu.dma_semaphore, #tpu.memory_space<semaphore_mem>>
        %dma_wait3A_317 = tpu.memref_squeeze %dma_wait3A_316 : memref<1x!tpu.dma_semaphore, #tpu.memory_space<semaphore_mem>> -> memref<!tpu.dma_semaphore, #tpu.memory_space<semaphore_mem>>
        tpu.wait_indirect_dma semaphore(%dma_wait3A_317 : memref<!tpu.dma_semaphore, #tpu.memory_space<semaphore_mem>>) src(%dma_wait3A_315 : memref<10000x128xf32, #tpu.memory_space<hbm>>) dst(%dma_wait3A_309 : memref<80x128xf32, #tpu.memory_space<vmem>>)
        %add3A_318 = arith.constant 1 : i32
        %add3A_319 = arith.addi %mul3A_269, %add3A_318 : i32
        %dma_start3A_320 = arith.constant 1 : i32
        %dma_start3A_321 = arith.constant 1 : i32
        %dma_start3A_322 = arith.constant 0 : i32
        %dma_start3A_323 = arith.constant 0 : i32
        %dma_start3A_324 = tpu.memref_slice %arg9[%dma_start3A_320, %dma_start3A_322, %dma_start3A_323] : memref<4x80x128xf32, #tpu.memory_space<vmem>> -> memref<1x80x128xf32, #tpu.memory_space<vmem>>
        %dma_start3A_325 = tpu.memref_squeeze %dma_start3A_324 : memref<1x80x128xf32, #tpu.memory_space<vmem>> -> memref<80x128xf32, #tpu.memory_space<vmem>>
        %dma_start3A_326 = arith.constant 0 : i32
        %dma_start3A_327 = tpu.memref_slice %arg8[%add3A_319, %dma_start3A_326] : memref<25x80xi32, #tpu.memory_space<vmem>> -> memref<1x80xi32, #tpu.memory_space<vmem>>
        %dma_start3A_328 = tpu.memref_squeeze %dma_start3A_327 : memref<1x80xi32, #tpu.memory_space<vmem>> -> memref<80xi32, #tpu.memory_space<vmem>>
        %dma_start3A_329 = arith.constant 0 : i32
        %dma_start3A_330 = arith.constant 0 : i32
        %dma_start3A_331 = tpu.memref_slice %arg12[%dma_start3A_329, %dma_start3A_330] : memref<10240x128xf32, #tpu.memory_space<vmem_shared>> -> memref<10240x128xf32, #tpu.memory_space<vmem_shared>>
        %dma_start3A_332 = tpu.memref_slice %arg11[%dma_start3A_321] : memref<4x!tpu.dma_semaphore, #tpu.memory_space<semaphore_mem>> -> memref<1x!tpu.dma_semaphore, #tpu.memory_space<semaphore_mem>>
        %dma_start3A_333 = tpu.memref_squeeze %dma_start3A_332 : memref<1x!tpu.dma_semaphore, #tpu.memory_space<semaphore_mem>> -> memref<!tpu.dma_semaphore, #tpu.memory_space<semaphore_mem>>
        tpu.enqueue_indirect_dma source(%dma_start3A_325 : memref<80x128xf32, #tpu.memory_space<vmem>>) target(%dma_start3A_331 : memref<10240x128xf32, #tpu.memory_space<vmem_shared>>) offsets(%dma_start3A_328 : memref<80xi32, #tpu.memory_space<vmem>>) semaphore(%dma_start3A_333 : memref<!tpu.dma_semaphore, #tpu.memory_space<semaphore_mem>>) {add = true}
        %add3A_334 = arith.constant 2 : i32
        %add3A_335 = arith.addi %mul3A_269, %add3A_334 : i32
        %dma_wait3A_336 = arith.constant 2 : i32
        %dma_wait3A_337 = arith.constant 2 : i32
        %dma_wait3A_338 = arith.constant 0 : i32
        %dma_wait3A_339 = arith.constant 0 : i32
        %dma_wait3A_340 = tpu.memref_slice %arg9[%dma_wait3A_336, %dma_wait3A_338, %dma_wait3A_339] : memref<4x80x128xf32, #tpu.memory_space<vmem>> -> memref<1x80x128xf32, #tpu.memory_space<vmem>>
        %dma_wait3A_341 = tpu.memref_squeeze %dma_wait3A_340 : memref<1x80x128xf32, #tpu.memory_space<vmem>> -> memref<80x128xf32, #tpu.memory_space<vmem>>
        %dma_wait3A_342 = arith.constant 0 : i32
        %dma_wait3A_343 = tpu.memref_slice %arg7[%add3A_335, %dma_wait3A_342] : memref<25x80xi32, #tpu.memory_space<vmem>> -> memref<1x80xi32, #tpu.memory_space<vmem>>
        %dma_wait3A_344 = tpu.memref_squeeze %dma_wait3A_343 : memref<1x80xi32, #tpu.memory_space<vmem>> -> memref<80xi32, #tpu.memory_space<vmem>>
        %dma_wait3A_345 = arith.constant 0 : i32
        %dma_wait3A_346 = arith.constant 0 : i32
        %dma_wait3A_347 = tpu.memref_slice %arg2[%dma_wait3A_345, %dma_wait3A_346] : memref<10000x128xf32, #tpu.memory_space<hbm>> -> memref<10000x128xf32, #tpu.memory_space<hbm>>
        %dma_wait3A_348 = tpu.memref_slice %arg10[%dma_wait3A_337] : memref<4x!tpu.dma_semaphore, #tpu.memory_space<semaphore_mem>> -> memref<1x!tpu.dma_semaphore, #tpu.memory_space<semaphore_mem>>
        %dma_wait3A_349 = tpu.memref_squeeze %dma_wait3A_348 : memref<1x!tpu.dma_semaphore, #tpu.memory_space<semaphore_mem>> -> memref<!tpu.dma_semaphore, #tpu.memory_space<semaphore_mem>>
        tpu.wait_indirect_dma semaphore(%dma_wait3A_349 : memref<!tpu.dma_semaphore, #tpu.memory_space<semaphore_mem>>) src(%dma_wait3A_347 : memref<10000x128xf32, #tpu.memory_space<hbm>>) dst(%dma_wait3A_341 : memref<80x128xf32, #tpu.memory_space<vmem>>)
        %add3A_350 = arith.constant 2 : i32
        %add3A_351 = arith.addi %mul3A_269, %add3A_350 : i32
        %dma_start3A_352 = arith.constant 2 : i32
        %dma_start3A_353 = arith.constant 2 : i32
        %dma_start3A_354 = arith.constant 0 : i32
        %dma_start3A_355 = arith.constant 0 : i32
        %dma_start3A_356 = tpu.memref_slice %arg9[%dma_start3A_352, %dma_start3A_354, %dma_start3A_355] : memref<4x80x128xf32, #tpu.memory_space<vmem>> -> memref<1x80x128xf32, #tpu.memory_space<vmem>>
        %dma_start3A_357 = tpu.memref_squeeze %dma_start3A_356 : memref<1x80x128xf32, #tpu.memory_space<vmem>> -> memref<80x128xf32, #tpu.memory_space<vmem>>
        %dma_start3A_358 = arith.constant 0 : i32
        %dma_start3A_359 = tpu.memref_slice %arg8[%add3A_351, %dma_start3A_358] : memref<25x80xi32, #tpu.memory_space<vmem>> -> memref<1x80xi32, #tpu.memory_space<vmem>>
        %dma_start3A_360 = tpu.memref_squeeze %dma_start3A_359 : memref<1x80xi32, #tpu.memory_space<vmem>> -> memref<80xi32, #tpu.memory_space<vmem>>
        %dma_start3A_361 = arith.constant 0 : i32
        %dma_start3A_362 = arith.constant 0 : i32
        %dma_start3A_363 = tpu.memref_slice %arg12[%dma_start3A_361, %dma_start3A_362] : memref<10240x128xf32, #tpu.memory_space<vmem_shared>> -> memref<10240x128xf32, #tpu.memory_space<vmem_shared>>
        %dma_start3A_364 = tpu.memref_slice %arg11[%dma_start3A_353] : memref<4x!tpu.dma_semaphore, #tpu.memory_space<semaphore_mem>> -> memref<1x!tpu.dma_semaphore, #tpu.memory_space<semaphore_mem>>
        %dma_start3A_365 = tpu.memref_squeeze %dma_start3A_364 : memref<1x!tpu.dma_semaphore, #tpu.memory_space<semaphore_mem>> -> memref<!tpu.dma_semaphore, #tpu.memory_space<semaphore_mem>>
        tpu.enqueue_indirect_dma source(%dma_start3A_357 : memref<80x128xf32, #tpu.memory_space<vmem>>) target(%dma_start3A_363 : memref<10240x128xf32, #tpu.memory_space<vmem_shared>>) offsets(%dma_start3A_360 : memref<80xi32, #tpu.memory_space<vmem>>) semaphore(%dma_start3A_365 : memref<!tpu.dma_semaphore, #tpu.memory_space<semaphore_mem>>) {add = true}
        %add3A_366 = arith.constant 3 : i32
        %add3A_367 = arith.addi %mul3A_269, %add3A_366 : i32
        %dma_wait3A_368 = arith.constant 3 : i32
        %dma_wait3A_369 = arith.constant 3 : i32
        %dma_wait3A_370 = arith.constant 0 : i32
        %dma_wait3A_371 = arith.constant 0 : i32
        %dma_wait3A_372 = tpu.memref_slice %arg9[%dma_wait3A_368, %dma_wait3A_370, %dma_wait3A_371] : memref<4x80x128xf32, #tpu.memory_space<vmem>> -> memref<1x80x128xf32, #tpu.memory_space<vmem>>
        %dma_wait3A_373 = tpu.memref_squeeze %dma_wait3A_372 : memref<1x80x128xf32, #tpu.memory_space<vmem>> -> memref<80x128xf32, #tpu.memory_space<vmem>>
        %dma_wait3A_374 = arith.constant 0 : i32
        %dma_wait3A_375 = tpu.memref_slice %arg7[%add3A_367, %dma_wait3A_374] : memref<25x80xi32, #tpu.memory_space<vmem>> -> memref<1x80xi32, #tpu.memory_space<vmem>>
        %dma_wait3A_376 = tpu.memref_squeeze %dma_wait3A_375 : memref<1x80xi32, #tpu.memory_space<vmem>> -> memref<80xi32, #tpu.memory_space<vmem>>
        %dma_wait3A_377 = arith.constant 0 : i32
        %dma_wait3A_378 = arith.constant 0 : i32
        %dma_wait3A_379 = tpu.memref_slice %arg2[%dma_wait3A_377, %dma_wait3A_378] : memref<10000x128xf32, #tpu.memory_space<hbm>> -> memref<10000x128xf32, #tpu.memory_space<hbm>>
        %dma_wait3A_380 = tpu.memref_slice %arg10[%dma_wait3A_369] : memref<4x!tpu.dma_semaphore, #tpu.memory_space<semaphore_mem>> -> memref<1x!tpu.dma_semaphore, #tpu.memory_space<semaphore_mem>>
        %dma_wait3A_381 = tpu.memref_squeeze %dma_wait3A_380 : memref<1x!tpu.dma_semaphore, #tpu.memory_space<semaphore_mem>> -> memref<!tpu.dma_semaphore, #tpu.memory_space<semaphore_mem>>
        tpu.wait_indirect_dma semaphore(%dma_wait3A_381 : memref<!tpu.dma_semaphore, #tpu.memory_space<semaphore_mem>>) src(%dma_wait3A_379 : memref<10000x128xf32, #tpu.memory_space<hbm>>) dst(%dma_wait3A_373 : memref<80x128xf32, #tpu.memory_space<vmem>>)
        %add3A_382 = arith.constant 3 : i32
        %add3A_383 = arith.addi %mul3A_269, %add3A_382 : i32
        %dma_start3A_384 = arith.constant 3 : i32
        %dma_start3A_385 = arith.constant 3 : i32
        %dma_start3A_386 = arith.constant 0 : i32
        %dma_start3A_387 = arith.constant 0 : i32
        %dma_start3A_388 = tpu.memref_slice %arg9[%dma_start3A_384, %dma_start3A_386, %dma_start3A_387] : memref<4x80x128xf32, #tpu.memory_space<vmem>> -> memref<1x80x128xf32, #tpu.memory_space<vmem>>
        %dma_start3A_389 = tpu.memref_squeeze %dma_start3A_388 : memref<1x80x128xf32, #tpu.memory_space<vmem>> -> memref<80x128xf32, #tpu.memory_space<vmem>>
        %dma_start3A_390 = arith.constant 0 : i32
        %dma_start3A_391 = tpu.memref_slice %arg8[%add3A_383, %dma_start3A_390] : memref<25x80xi32, #tpu.memory_space<vmem>> -> memref<1x80xi32, #tpu.memory_space<vmem>>
        %dma_start3A_392 = tpu.memref_squeeze %dma_start3A_391 : memref<1x80xi32, #tpu.memory_space<vmem>> -> memref<80xi32, #tpu.memory_space<vmem>>
        %dma_start3A_393 = arith.constant 0 : i32
        %dma_start3A_394 = arith.constant 0 : i32
        %dma_start3A_395 = tpu.memref_slice %arg12[%dma_start3A_393, %dma_start3A_394] : memref<10240x128xf32, #tpu.memory_space<vmem_shared>> -> memref<10240x128xf32, #tpu.memory_space<vmem_shared>>
        %dma_start3A_396 = tpu.memref_slice %arg11[%dma_start3A_385] : memref<4x!tpu.dma_semaphore, #tpu.memory_space<semaphore_mem>> -> memref<1x!tpu.dma_semaphore, #tpu.memory_space<semaphore_mem>>
        %dma_start3A_397 = tpu.memref_squeeze %dma_start3A_396 : memref<1x!tpu.dma_semaphore, #tpu.memory_space<semaphore_mem>> -> memref<!tpu.dma_semaphore, #tpu.memory_space<semaphore_mem>>
        tpu.enqueue_indirect_dma source(%dma_start3A_389 : memref<80x128xf32, #tpu.memory_space<vmem>>) target(%dma_start3A_395 : memref<10240x128xf32, #tpu.memory_space<vmem_shared>>) offsets(%dma_start3A_392 : memref<80xi32, #tpu.memory_space<vmem>>) semaphore(%dma_start3A_397 : memref<!tpu.dma_semaphore, #tpu.memory_space<semaphore_mem>>) {add = true}
        %dma_wait3A_398 = arith.constant 0 : i32
        %dma_wait3A_399 = arith.constant 0 : i32
        %dma_wait3A_400 = arith.constant 0 : i32
        %dma_wait3A_401 = arith.constant 0 : i32
        %dma_wait3A_402 = tpu.memref_slice %arg9[%dma_wait3A_398, %dma_wait3A_400, %dma_wait3A_401] : memref<4x80x128xf32, #tpu.memory_space<vmem>> -> memref<1x80x128xf32, #tpu.memory_space<vmem>>
        %dma_wait3A_403 = tpu.memref_squeeze %dma_wait3A_402 : memref<1x80x128xf32, #tpu.memory_space<vmem>> -> memref<80x128xf32, #tpu.memory_space<vmem>>
        %dma_wait3A_404 = arith.constant 0 : i32
        %dma_wait3A_405 = tpu.memref_slice %arg8[%add3A_287, %dma_wait3A_404] : memref<25x80xi32, #tpu.memory_space<vmem>> -> memref<1x80xi32, #tpu.memory_space<vmem>>
        %dma_wait3A_406 = tpu.memref_squeeze %dma_wait3A_405 : memref<1x80xi32, #tpu.memory_space<vmem>> -> memref<80xi32, #tpu.memory_space<vmem>>
        %dma_wait3A_407 = arith.constant 0 : i32
        %dma_wait3A_408 = arith.constant 0 : i32
        %dma_wait3A_409 = tpu.memref_slice %arg12[%dma_wait3A_407, %dma_wait3A_408] : memref<10240x128xf32, #tpu.memory_space<vmem_shared>> -> memref<10240x128xf32, #tpu.memory_space<vmem_shared>>
        %dma_wait3A_410 = tpu.memref_slice %arg11[%dma_wait3A_399] : memref<4x!tpu.dma_semaphore, #tpu.memory_space<semaphore_mem>> -> memref<1x!tpu.dma_semaphore, #tpu.memory_space<semaphore_mem>>
        %dma_wait3A_411 = tpu.memref_squeeze %dma_wait3A_410 : memref<1x!tpu.dma_semaphore, #tpu.memory_space<semaphore_mem>> -> memref<!tpu.dma_semaphore, #tpu.memory_space<semaphore_mem>>
        tpu.wait_indirect_dma semaphore(%dma_wait3A_411 : memref<!tpu.dma_semaphore, #tpu.memory_space<semaphore_mem>>) src(%dma_wait3A_403 : memref<80x128xf32, #tpu.memory_space<vmem>>) dst(%dma_wait3A_409 : memref<10240x128xf32, #tpu.memory_space<vmem_shared>>)
        %add3A_412 = arith.constant 4 : i32
        %add3A_413 = arith.addi %mul3A_269, %add3A_412 : i32
        %add3A_414 = arith.constant 0 : i32
        %add3A_415 = arith.addi %add3A_413, %add3A_414 : i32
        %dma_start3A_416 = arith.constant 0 : i32
        %dma_start3A_417 = arith.constant 0 : i32
        %dma_start3A_418 = arith.constant 0 : i32
        %dma_start3A_419 = arith.constant 0 : i32
        %dma_start3A_420 = tpu.memref_slice %arg9[%dma_start3A_416, %dma_start3A_418, %dma_start3A_419] : memref<4x80x128xf32, #tpu.memory_space<vmem>> -> memref<1x80x128xf32, #tpu.memory_space<vmem>>
        %dma_start3A_421 = tpu.memref_squeeze %dma_start3A_420 : memref<1x80x128xf32, #tpu.memory_space<vmem>> -> memref<80x128xf32, #tpu.memory_space<vmem>>
        %dma_start3A_422 = arith.constant 0 : i32
        %dma_start3A_423 = tpu.memref_slice %arg7[%add3A_415, %dma_start3A_422] : memref<25x80xi32, #tpu.memory_space<vmem>> -> memref<1x80xi32, #tpu.memory_space<vmem>>
        %dma_start3A_424 = tpu.memref_squeeze %dma_start3A_423 : memref<1x80xi32, #tpu.memory_space<vmem>> -> memref<80xi32, #tpu.memory_space<vmem>>
        %dma_start3A_425 = arith.constant 0 : i32
        %dma_start3A_426 = arith.constant 0 : i32
        %dma_start3A_427 = tpu.memref_slice %arg2[%dma_start3A_425, %dma_start3A_426] : memref<10000x128xf32, #tpu.memory_space<hbm>> -> memref<10000x128xf32, #tpu.memory_space<hbm>>
        %dma_start3A_428 = tpu.memref_slice %arg10[%dma_start3A_417] : memref<4x!tpu.dma_semaphore, #tpu.memory_space<semaphore_mem>> -> memref<1x!tpu.dma_semaphore, #tpu.memory_space<semaphore_mem>>
        %dma_start3A_429 = tpu.memref_squeeze %dma_start3A_428 : memref<1x!tpu.dma_semaphore, #tpu.memory_space<semaphore_mem>> -> memref<!tpu.dma_semaphore, #tpu.memory_space<semaphore_mem>>
        tpu.enqueue_indirect_dma source(%dma_start3A_427 : memref<10000x128xf32, #tpu.memory_space<hbm>>) target(%dma_start3A_421 : memref<80x128xf32, #tpu.memory_space<vmem>>) offsets(%dma_start3A_424 : memref<80xi32, #tpu.memory_space<vmem>>) semaphore(%dma_start3A_429 : memref<!tpu.dma_semaphore, #tpu.memory_space<semaphore_mem>>)
        %dma_wait3A_430 = arith.constant 1 : i32
        %dma_wait3A_431 = arith.constant 1 : i32
        %dma_wait3A_432 = arith.constant 0 : i32
        %dma_wait3A_433 = arith.constant 0 : i32
        %dma_wait3A_434 = tpu.memref_slice %arg9[%dma_wait3A_430, %dma_wait3A_432, %dma_wait3A_433] : memref<4x80x128xf32, #tpu.memory_space<vmem>> -> memref<1x80x128xf32, #tpu.memory_space<vmem>>
        %dma_wait3A_435 = tpu.memref_squeeze %dma_wait3A_434 : memref<1x80x128xf32, #tpu.memory_space<vmem>> -> memref<80x128xf32, #tpu.memory_space<vmem>>
        %dma_wait3A_436 = arith.constant 0 : i32
        %dma_wait3A_437 = tpu.memref_slice %arg8[%add3A_319, %dma_wait3A_436] : memref<25x80xi32, #tpu.memory_space<vmem>> -> memref<1x80xi32, #tpu.memory_space<vmem>>
        %dma_wait3A_438 = tpu.memref_squeeze %dma_wait3A_437 : memref<1x80xi32, #tpu.memory_space<vmem>> -> memref<80xi32, #tpu.memory_space<vmem>>
        %dma_wait3A_439 = arith.constant 0 : i32
        %dma_wait3A_440 = arith.constant 0 : i32
        %dma_wait3A_441 = tpu.memref_slice %arg12[%dma_wait3A_439, %dma_wait3A_440] : memref<10240x128xf32, #tpu.memory_space<vmem_shared>> -> memref<10240x128xf32, #tpu.memory_space<vmem_shared>>
        %dma_wait3A_442 = tpu.memref_slice %arg11[%dma_wait3A_431] : memref<4x!tpu.dma_semaphore, #tpu.memory_space<semaphore_mem>> -> memref<1x!tpu.dma_semaphore, #tpu.memory_space<semaphore_mem>>
        %dma_wait3A_443 = tpu.memref_squeeze %dma_wait3A_442 : memref<1x!tpu.dma_semaphore, #tpu.memory_space<semaphore_mem>> -> memref<!tpu.dma_semaphore, #tpu.memory_space<semaphore_mem>>
        tpu.wait_indirect_dma semaphore(%dma_wait3A_443 : memref<!tpu.dma_semaphore, #tpu.memory_space<semaphore_mem>>) src(%dma_wait3A_435 : memref<80x128xf32, #tpu.memory_space<vmem>>) dst(%dma_wait3A_441 : memref<10240x128xf32, #tpu.memory_space<vmem_shared>>)
        %add3A_444 = arith.constant 4 : i32
        %add3A_445 = arith.addi %mul3A_269, %add3A_444 : i32
        %add3A_446 = arith.constant 1 : i32
        %add3A_447 = arith.addi %add3A_445, %add3A_446 : i32
        %dma_start3A_448 = arith.constant 1 : i32
        %dma_start3A_449 = arith.constant 1 : i32
        %dma_start3A_450 = arith.constant 0 : i32
        %dma_start3A_451 = arith.constant 0 : i32
        %dma_start3A_452 = tpu.memref_slice %arg9[%dma_start3A_448, %dma_start3A_450, %dma_start3A_451] : memref<4x80x128xf32, #tpu.memory_space<vmem>> -> memref<1x80x128xf32, #tpu.memory_space<vmem>>
        %dma_start3A_453 = tpu.memref_squeeze %dma_start3A_452 : memref<1x80x128xf32, #tpu.memory_space<vmem>> -> memref<80x128xf32, #tpu.memory_space<vmem>>
        %dma_start3A_454 = arith.constant 0 : i32
        %dma_start3A_455 = tpu.memref_slice %arg7[%add3A_447, %dma_start3A_454] : memref<25x80xi32, #tpu.memory_space<vmem>> -> memref<1x80xi32, #tpu.memory_space<vmem>>
        %dma_start3A_456 = tpu.memref_squeeze %dma_start3A_455 : memref<1x80xi32, #tpu.memory_space<vmem>> -> memref<80xi32, #tpu.memory_space<vmem>>
        %dma_start3A_457 = arith.constant 0 : i32
        %dma_start3A_458 = arith.constant 0 : i32
        %dma_start3A_459 = tpu.memref_slice %arg2[%dma_start3A_457, %dma_start3A_458] : memref<10000x128xf32, #tpu.memory_space<hbm>> -> memref<10000x128xf32, #tpu.memory_space<hbm>>
        %dma_start3A_460 = tpu.memref_slice %arg10[%dma_start3A_449] : memref<4x!tpu.dma_semaphore, #tpu.memory_space<semaphore_mem>> -> memref<1x!tpu.dma_semaphore, #tpu.memory_space<semaphore_mem>>
        %dma_start3A_461 = tpu.memref_squeeze %dma_start3A_460 : memref<1x!tpu.dma_semaphore, #tpu.memory_space<semaphore_mem>> -> memref<!tpu.dma_semaphore, #tpu.memory_space<semaphore_mem>>
        tpu.enqueue_indirect_dma source(%dma_start3A_459 : memref<10000x128xf32, #tpu.memory_space<hbm>>) target(%dma_start3A_453 : memref<80x128xf32, #tpu.memory_space<vmem>>) offsets(%dma_start3A_456 : memref<80xi32, #tpu.memory_space<vmem>>) semaphore(%dma_start3A_461 : memref<!tpu.dma_semaphore, #tpu.memory_space<semaphore_mem>>)
        %dma_wait3A_462 = arith.constant 2 : i32
        %dma_wait3A_463 = arith.constant 2 : i32
        %dma_wait3A_464 = arith.constant 0 : i32
        %dma_wait3A_465 = arith.constant 0 : i32
        %dma_wait3A_466 = tpu.memref_slice %arg9[%dma_wait3A_462, %dma_wait3A_464, %dma_wait3A_465] : memref<4x80x128xf32, #tpu.memory_space<vmem>> -> memref<1x80x128xf32, #tpu.memory_space<vmem>>
        %dma_wait3A_467 = tpu.memref_squeeze %dma_wait3A_466 : memref<1x80x128xf32, #tpu.memory_space<vmem>> -> memref<80x128xf32, #tpu.memory_space<vmem>>
        %dma_wait3A_468 = arith.constant 0 : i32
        %dma_wait3A_469 = tpu.memref_slice %arg8[%add3A_351, %dma_wait3A_468] : memref<25x80xi32, #tpu.memory_space<vmem>> -> memref<1x80xi32, #tpu.memory_space<vmem>>
        %dma_wait3A_470 = tpu.memref_squeeze %dma_wait3A_469 : memref<1x80xi32, #tpu.memory_space<vmem>> -> memref<80xi32, #tpu.memory_space<vmem>>
        %dma_wait3A_471 = arith.constant 0 : i32
        %dma_wait3A_472 = arith.constant 0 : i32
        %dma_wait3A_473 = tpu.memref_slice %arg12[%dma_wait3A_471, %dma_wait3A_472] : memref<10240x128xf32, #tpu.memory_space<vmem_shared>> -> memref<10240x128xf32, #tpu.memory_space<vmem_shared>>
        %dma_wait3A_474 = tpu.memref_slice %arg11[%dma_wait3A_463] : memref<4x!tpu.dma_semaphore, #tpu.memory_space<semaphore_mem>> -> memref<1x!tpu.dma_semaphore, #tpu.memory_space<semaphore_mem>>
        %dma_wait3A_475 = tpu.memref_squeeze %dma_wait3A_474 : memref<1x!tpu.dma_semaphore, #tpu.memory_space<semaphore_mem>> -> memref<!tpu.dma_semaphore, #tpu.memory_space<semaphore_mem>>
        tpu.wait_indirect_dma semaphore(%dma_wait3A_475 : memref<!tpu.dma_semaphore, #tpu.memory_space<semaphore_mem>>) src(%dma_wait3A_467 : memref<80x128xf32, #tpu.memory_space<vmem>>) dst(%dma_wait3A_473 : memref<10240x128xf32, #tpu.memory_space<vmem_shared>>)
        %add3A_476 = arith.constant 4 : i32
        %add3A_477 = arith.addi %mul3A_269, %add3A_476 : i32
        %add3A_478 = arith.constant 2 : i32
        %add3A_479 = arith.addi %add3A_477, %add3A_478 : i32
        %dma_start3A_480 = arith.constant 2 : i32
        %dma_start3A_481 = arith.constant 2 : i32
        %dma_start3A_482 = arith.constant 0 : i32
        %dma_start3A_483 = arith.constant 0 : i32
        %dma_start3A_484 = tpu.memref_slice %arg9[%dma_start3A_480, %dma_start3A_482, %dma_start3A_483] : memref<4x80x128xf32, #tpu.memory_space<vmem>> -> memref<1x80x128xf32, #tpu.memory_space<vmem>>
        %dma_start3A_485 = tpu.memref_squeeze %dma_start3A_484 : memref<1x80x128xf32, #tpu.memory_space<vmem>> -> memref<80x128xf32, #tpu.memory_space<vmem>>
        %dma_start3A_486 = arith.constant 0 : i32
        %dma_start3A_487 = tpu.memref_slice %arg7[%add3A_479, %dma_start3A_486] : memref<25x80xi32, #tpu.memory_space<vmem>> -> memref<1x80xi32, #tpu.memory_space<vmem>>
        %dma_start3A_488 = tpu.memref_squeeze %dma_start3A_487 : memref<1x80xi32, #tpu.memory_space<vmem>> -> memref<80xi32, #tpu.memory_space<vmem>>
        %dma_start3A_489 = arith.constant 0 : i32
        %dma_start3A_490 = arith.constant 0 : i32
        %dma_start3A_491 = tpu.memref_slice %arg2[%dma_start3A_489, %dma_start3A_490] : memref<10000x128xf32, #tpu.memory_space<hbm>> -> memref<10000x128xf32, #tpu.memory_space<hbm>>
        %dma_start3A_492 = tpu.memref_slice %arg10[%dma_start3A_481] : memref<4x!tpu.dma_semaphore, #tpu.memory_space<semaphore_mem>> -> memref<1x!tpu.dma_semaphore, #tpu.memory_space<semaphore_mem>>
        %dma_start3A_493 = tpu.memref_squeeze %dma_start3A_492 : memref<1x!tpu.dma_semaphore, #tpu.memory_space<semaphore_mem>> -> memref<!tpu.dma_semaphore, #tpu.memory_space<semaphore_mem>>
        tpu.enqueue_indirect_dma source(%dma_start3A_491 : memref<10000x128xf32, #tpu.memory_space<hbm>>) target(%dma_start3A_485 : memref<80x128xf32, #tpu.memory_space<vmem>>) offsets(%dma_start3A_488 : memref<80xi32, #tpu.memory_space<vmem>>) semaphore(%dma_start3A_493 : memref<!tpu.dma_semaphore, #tpu.memory_space<semaphore_mem>>)
        %dma_wait3A_494 = arith.constant 3 : i32
        %dma_wait3A_495 = arith.constant 3 : i32
        %dma_wait3A_496 = arith.constant 0 : i32
        %dma_wait3A_497 = arith.constant 0 : i32
        %dma_wait3A_498 = tpu.memref_slice %arg9[%dma_wait3A_494, %dma_wait3A_496, %dma_wait3A_497] : memref<4x80x128xf32, #tpu.memory_space<vmem>> -> memref<1x80x128xf32, #tpu.memory_space<vmem>>
        %dma_wait3A_499 = tpu.memref_squeeze %dma_wait3A_498 : memref<1x80x128xf32, #tpu.memory_space<vmem>> -> memref<80x128xf32, #tpu.memory_space<vmem>>
        %dma_wait3A_500 = arith.constant 0 : i32
        %dma_wait3A_501 = tpu.memref_slice %arg8[%add3A_383, %dma_wait3A_500] : memref<25x80xi32, #tpu.memory_space<vmem>> -> memref<1x80xi32, #tpu.memory_space<vmem>>
        %dma_wait3A_502 = tpu.memref_squeeze %dma_wait3A_501 : memref<1x80xi32, #tpu.memory_space<vmem>> -> memref<80xi32, #tpu.memory_space<vmem>>
        %dma_wait3A_503 = arith.constant 0 : i32
        %dma_wait3A_504 = arith.constant 0 : i32
        %dma_wait3A_505 = tpu.memref_slice %arg12[%dma_wait3A_503, %dma_wait3A_504] : memref<10240x128xf32, #tpu.memory_space<vmem_shared>> -> memref<10240x128xf32, #tpu.memory_space<vmem_shared>>
        %dma_wait3A_506 = tpu.memref_slice %arg11[%dma_wait3A_495] : memref<4x!tpu.dma_semaphore, #tpu.memory_space<semaphore_mem>> -> memref<1x!tpu.dma_semaphore, #tpu.memory_space<semaphore_mem>>
        %dma_wait3A_507 = tpu.memref_squeeze %dma_wait3A_506 : memref<1x!tpu.dma_semaphore, #tpu.memory_space<semaphore_mem>> -> memref<!tpu.dma_semaphore, #tpu.memory_space<semaphore_mem>>
        tpu.wait_indirect_dma semaphore(%dma_wait3A_507 : memref<!tpu.dma_semaphore, #tpu.memory_space<semaphore_mem>>) src(%dma_wait3A_499 : memref<80x128xf32, #tpu.memory_space<vmem>>) dst(%dma_wait3A_505 : memref<10240x128xf32, #tpu.memory_space<vmem_shared>>)
        %add3A_508 = arith.constant 4 : i32
        %add3A_509 = arith.addi %mul3A_269, %add3A_508 : i32
        %add3A_510 = arith.constant 3 : i32
        %add3A_511 = arith.addi %add3A_509, %add3A_510 : i32
        %dma_start3A_512 = arith.constant 3 : i32
        %dma_start3A_513 = arith.constant 3 : i32
        %dma_start3A_514 = arith.constant 0 : i32
        %dma_start3A_515 = arith.constant 0 : i32
        %dma_start3A_516 = tpu.memref_slice %arg9[%dma_start3A_512, %dma_start3A_514, %dma_start3A_515] : memref<4x80x128xf32, #tpu.memory_space<vmem>> -> memref<1x80x128xf32, #tpu.memory_space<vmem>>
        %dma_start3A_517 = tpu.memref_squeeze %dma_start3A_516 : memref<1x80x128xf32, #tpu.memory_space<vmem>> -> memref<80x128xf32, #tpu.memory_space<vmem>>
        %dma_start3A_518 = arith.constant 0 : i32
        %dma_start3A_519 = tpu.memref_slice %arg7[%add3A_511, %dma_start3A_518] : memref<25x80xi32, #tpu.memory_space<vmem>> -> memref<1x80xi32, #tpu.memory_space<vmem>>
        %dma_start3A_520 = tpu.memref_squeeze %dma_start3A_519 : memref<1x80xi32, #tpu.memory_space<vmem>> -> memref<80xi32, #tpu.memory_space<vmem>>
        %dma_start3A_521 = arith.constant 0 : i32
        %dma_start3A_522 = arith.constant 0 : i32
        %dma_start3A_523 = tpu.memref_slice %arg2[%dma_start3A_521, %dma_start3A_522] : memref<10000x128xf32, #tpu.memory_space<hbm>> -> memref<10000x128xf32, #tpu.memory_space<hbm>>
        %dma_start3A_524 = tpu.memref_slice %arg10[%dma_start3A_513] : memref<4x!tpu.dma_semaphore, #tpu.memory_space<semaphore_mem>> -> memref<1x!tpu.dma_semaphore, #tpu.memory_space<semaphore_mem>>
        %dma_start3A_525 = tpu.memref_squeeze %dma_start3A_524 : memref<1x!tpu.dma_semaphore, #tpu.memory_space<semaphore_mem>> -> memref<!tpu.dma_semaphore, #tpu.memory_space<semaphore_mem>>
        tpu.enqueue_indirect_dma source(%dma_start3A_523 : memref<10000x128xf32, #tpu.memory_space<hbm>>) target(%dma_start3A_517 : memref<80x128xf32, #tpu.memory_space<vmem>>) offsets(%dma_start3A_520 : memref<80xi32, #tpu.memory_space<vmem>>) semaphore(%dma_start3A_525 : memref<!tpu.dma_semaphore, #tpu.memory_space<semaphore_mem>>)
      }
      %scan3A_80 = arith.constant 5 : i32
      %dma_wait3A = arith.constant 20 : i32
      %dma_wait3A_81 = arith.constant 0 : i32
      %dma_wait3A_82 = arith.constant 0 : i32
      %dma_wait3A_83 = arith.constant 0 : i32
      %dma_wait3A_84 = arith.constant 0 : i32
      %dma_wait3A_85 = tpu.memref_slice %arg9[%dma_wait3A_81, %dma_wait3A_83, %dma_wait3A_84] : memref<4x80x128xf32, #tpu.memory_space<vmem>> -> memref<1x80x128xf32, #tpu.memory_space<vmem>>
      %dma_wait3A_86 = tpu.memref_squeeze %dma_wait3A_85 : memref<1x80x128xf32, #tpu.memory_space<vmem>> -> memref<80x128xf32, #tpu.memory_space<vmem>>
      %dma_wait3A_87 = arith.constant 0 : i32
      %dma_wait3A_88 = tpu.memref_slice %arg7[%dma_wait3A, %dma_wait3A_87] : memref<25x80xi32, #tpu.memory_space<vmem>> -> memref<1x80xi32, #tpu.memory_space<vmem>>
      %dma_wait3A_89 = tpu.memref_squeeze %dma_wait3A_88 : memref<1x80xi32, #tpu.memory_space<vmem>> -> memref<80xi32, #tpu.memory_space<vmem>>
      %dma_wait3A_90 = arith.constant 0 : i32
      %dma_wait3A_91 = arith.constant 0 : i32
      %dma_wait3A_92 = tpu.memref_slice %arg2[%dma_wait3A_90, %dma_wait3A_91] : memref<10000x128xf32, #tpu.memory_space<hbm>> -> memref<10000x128xf32, #tpu.memory_space<hbm>>
      %dma_wait3A_93 = tpu.memref_slice %arg10[%dma_wait3A_82] : memref<4x!tpu.dma_semaphore, #tpu.memory_space<semaphore_mem>> -> memref<1x!tpu.dma_semaphore, #tpu.memory_space<semaphore_mem>>
      %dma_wait3A_94 = tpu.memref_squeeze %dma_wait3A_93 : memref<1x!tpu.dma_semaphore, #tpu.memory_space<semaphore_mem>> -> memref<!tpu.dma_semaphore, #tpu.memory_space<semaphore_mem>>
      tpu.wait_indirect_dma semaphore(%dma_wait3A_94 : memref<!tpu.dma_semaphore, #tpu.memory_space<semaphore_mem>>) src(%dma_wait3A_92 : memref<10000x128xf32, #tpu.memory_space<hbm>>) dst(%dma_wait3A_86 : memref<80x128xf32, #tpu.memory_space<vmem>>)
      %dma_start3A_95 = arith.constant 0 : i32
      %dma_start3A_96 = arith.constant 20 : i32
      %dma_start3A_97 = arith.constant 0 : i32
      %dma_start3A_98 = arith.constant 0 : i32
      %dma_start3A_99 = arith.constant 0 : i32
      %dma_start3A_100 = tpu.memref_slice %arg9[%dma_start3A_95, %dma_start3A_98, %dma_start3A_99] : memref<4x80x128xf32, #tpu.memory_space<vmem>> -> memref<1x80x128xf32, #tpu.memory_space<vmem>>
      %dma_start3A_101 = tpu.memref_squeeze %dma_start3A_100 : memref<1x80x128xf32, #tpu.memory_space<vmem>> -> memref<80x128xf32, #tpu.memory_space<vmem>>
      %dma_start3A_102 = arith.constant 0 : i32
      %dma_start3A_103 = tpu.memref_slice %arg8[%dma_start3A_96, %dma_start3A_102] : memref<25x80xi32, #tpu.memory_space<vmem>> -> memref<1x80xi32, #tpu.memory_space<vmem>>
      %dma_start3A_104 = tpu.memref_squeeze %dma_start3A_103 : memref<1x80xi32, #tpu.memory_space<vmem>> -> memref<80xi32, #tpu.memory_space<vmem>>
      %dma_start3A_105 = arith.constant 0 : i32
      %dma_start3A_106 = arith.constant 0 : i32
      %dma_start3A_107 = tpu.memref_slice %arg12[%dma_start3A_105, %dma_start3A_106] : memref<10240x128xf32, #tpu.memory_space<vmem_shared>> -> memref<10240x128xf32, #tpu.memory_space<vmem_shared>>
      %dma_start3A_108 = tpu.memref_slice %arg11[%dma_start3A_97] : memref<4x!tpu.dma_semaphore, #tpu.memory_space<semaphore_mem>> -> memref<1x!tpu.dma_semaphore, #tpu.memory_space<semaphore_mem>>
      %dma_start3A_109 = tpu.memref_squeeze %dma_start3A_108 : memref<1x!tpu.dma_semaphore, #tpu.memory_space<semaphore_mem>> -> memref<!tpu.dma_semaphore, #tpu.memory_space<semaphore_mem>>
      tpu.enqueue_indirect_dma source(%dma_start3A_101 : memref<80x128xf32, #tpu.memory_space<vmem>>) target(%dma_start3A_107 : memref<10240x128xf32, #tpu.memory_space<vmem_shared>>) offsets(%dma_start3A_104 : memref<80xi32, #tpu.memory_space<vmem>>) semaphore(%dma_start3A_109 : memref<!tpu.dma_semaphore, #tpu.memory_space<semaphore_mem>>) {add = true}
      %dma_wait3A_110 = arith.constant 21 : i32
      %dma_wait3A_111 = arith.constant 1 : i32
      %dma_wait3A_112 = arith.constant 1 : i32
      %dma_wait3A_113 = arith.constant 0 : i32
      %dma_wait3A_114 = arith.constant 0 : i32
      %dma_wait3A_115 = tpu.memref_slice %arg9[%dma_wait3A_111, %dma_wait3A_113, %dma_wait3A_114] : memref<4x80x128xf32, #tpu.memory_space<vmem>> -> memref<1x80x128xf32, #tpu.memory_space<vmem>>
      %dma_wait3A_116 = tpu.memref_squeeze %dma_wait3A_115 : memref<1x80x128xf32, #tpu.memory_space<vmem>> -> memref<80x128xf32, #tpu.memory_space<vmem>>
      %dma_wait3A_117 = arith.constant 0 : i32
      %dma_wait3A_118 = tpu.memref_slice %arg7[%dma_wait3A_110, %dma_wait3A_117] : memref<25x80xi32, #tpu.memory_space<vmem>> -> memref<1x80xi32, #tpu.memory_space<vmem>>
      %dma_wait3A_119 = tpu.memref_squeeze %dma_wait3A_118 : memref<1x80xi32, #tpu.memory_space<vmem>> -> memref<80xi32, #tpu.memory_space<vmem>>
      %dma_wait3A_120 = arith.constant 0 : i32
      %dma_wait3A_121 = arith.constant 0 : i32
      %dma_wait3A_122 = tpu.memref_slice %arg2[%dma_wait3A_120, %dma_wait3A_121] : memref<10000x128xf32, #tpu.memory_space<hbm>> -> memref<10000x128xf32, #tpu.memory_space<hbm>>
      %dma_wait3A_123 = tpu.memref_slice %arg10[%dma_wait3A_112] : memref<4x!tpu.dma_semaphore, #tpu.memory_space<semaphore_mem>> -> memref<1x!tpu.dma_semaphore, #tpu.memory_space<semaphore_mem>>
      %dma_wait3A_124 = tpu.memref_squeeze %dma_wait3A_123 : memref<1x!tpu.dma_semaphore, #tpu.memory_space<semaphore_mem>> -> memref<!tpu.dma_semaphore, #tpu.memory_space<semaphore_mem>>
      tpu.wait_indirect_dma semaphore(%dma_wait3A_124 : memref<!tpu.dma_semaphore, #tpu.memory_space<semaphore_mem>>) src(%dma_wait3A_122 : memref<10000x128xf32, #tpu.memory_space<hbm>>) dst(%dma_wait3A_116 : memref<80x128xf32, #tpu.memory_space<vmem>>)
      %dma_start3A_125 = arith.constant 1 : i32
      %dma_start3A_126 = arith.constant 21 : i32
      %dma_start3A_127 = arith.constant 1 : i32
      %dma_start3A_128 = arith.constant 0 : i32
      %dma_start3A_129 = arith.constant 0 : i32
      %dma_start3A_130 = tpu.memref_slice %arg9[%dma_start3A_125, %dma_start3A_128, %dma_start3A_129] : memref<4x80x128xf32, #tpu.memory_space<vmem>> -> memref<1x80x128xf32, #tpu.memory_space<vmem>>
      %dma_start3A_131 = tpu.memref_squeeze %dma_start3A_130 : memref<1x80x128xf32, #tpu.memory_space<vmem>> -> memref<80x128xf32, #tpu.memory_space<vmem>>
      %dma_start3A_132 = arith.constant 0 : i32
      %dma_start3A_133 = tpu.memref_slice %arg8[%dma_start3A_126, %dma_start3A_132] : memref<25x80xi32, #tpu.memory_space<vmem>> -> memref<1x80xi32, #tpu.memory_space<vmem>>
      %dma_start3A_134 = tpu.memref_squeeze %dma_start3A_133 : memref<1x80xi32, #tpu.memory_space<vmem>> -> memref<80xi32, #tpu.memory_space<vmem>>
      %dma_start3A_135 = arith.constant 0 : i32
      %dma_start3A_136 = arith.constant 0 : i32
      %dma_start3A_137 = tpu.memref_slice %arg12[%dma_start3A_135, %dma_start3A_136] : memref<10240x128xf32, #tpu.memory_space<vmem_shared>> -> memref<10240x128xf32, #tpu.memory_space<vmem_shared>>
      %dma_start3A_138 = tpu.memref_slice %arg11[%dma_start3A_127] : memref<4x!tpu.dma_semaphore, #tpu.memory_space<semaphore_mem>> -> memref<1x!tpu.dma_semaphore, #tpu.memory_space<semaphore_mem>>
      %dma_start3A_139 = tpu.memref_squeeze %dma_start3A_138 : memref<1x!tpu.dma_semaphore, #tpu.memory_space<semaphore_mem>> -> memref<!tpu.dma_semaphore, #tpu.memory_space<semaphore_mem>>
      tpu.enqueue_indirect_dma source(%dma_start3A_131 : memref<80x128xf32, #tpu.memory_space<vmem>>) target(%dma_start3A_137 : memref<10240x128xf32, #tpu.memory_space<vmem_shared>>) offsets(%dma_start3A_134 : memref<80xi32, #tpu.memory_space<vmem>>) semaphore(%dma_start3A_139 : memref<!tpu.dma_semaphore, #tpu.memory_space<semaphore_mem>>) {add = true}
      %dma_wait3A_140 = arith.constant 22 : i32
      %dma_wait3A_141 = arith.constant 2 : i32
      %dma_wait3A_142 = arith.constant 2 : i32
      %dma_wait3A_143 = arith.constant 0 : i32
      %dma_wait3A_144 = arith.constant 0 : i32
      %dma_wait3A_145 = tpu.memref_slice %arg9[%dma_wait3A_141, %dma_wait3A_143, %dma_wait3A_144] : memref<4x80x128xf32, #tpu.memory_space<vmem>> -> memref<1x80x128xf32, #tpu.memory_space<vmem>>
      %dma_wait3A_146 = tpu.memref_squeeze %dma_wait3A_145 : memref<1x80x128xf32, #tpu.memory_space<vmem>> -> memref<80x128xf32, #tpu.memory_space<vmem>>
      %dma_wait3A_147 = arith.constant 0 : i32
      %dma_wait3A_148 = tpu.memref_slice %arg7[%dma_wait3A_140, %dma_wait3A_147] : memref<25x80xi32, #tpu.memory_space<vmem>> -> memref<1x80xi32, #tpu.memory_space<vmem>>
      %dma_wait3A_149 = tpu.memref_squeeze %dma_wait3A_148 : memref<1x80xi32, #tpu.memory_space<vmem>> -> memref<80xi32, #tpu.memory_space<vmem>>
      %dma_wait3A_150 = arith.constant 0 : i32
      %dma_wait3A_151 = arith.constant 0 : i32
      %dma_wait3A_152 = tpu.memref_slice %arg2[%dma_wait3A_150, %dma_wait3A_151] : memref<10000x128xf32, #tpu.memory_space<hbm>> -> memref<10000x128xf32, #tpu.memory_space<hbm>>
      %dma_wait3A_153 = tpu.memref_slice %arg10[%dma_wait3A_142] : memref<4x!tpu.dma_semaphore, #tpu.memory_space<semaphore_mem>> -> memref<1x!tpu.dma_semaphore, #tpu.memory_space<semaphore_mem>>
      %dma_wait3A_154 = tpu.memref_squeeze %dma_wait3A_153 : memref<1x!tpu.dma_semaphore, #tpu.memory_space<semaphore_mem>> -> memref<!tpu.dma_semaphore, #tpu.memory_space<semaphore_mem>>
      tpu.wait_indirect_dma semaphore(%dma_wait3A_154 : memref<!tpu.dma_semaphore, #tpu.memory_space<semaphore_mem>>) src(%dma_wait3A_152 : memref<10000x128xf32, #tpu.memory_space<hbm>>) dst(%dma_wait3A_146 : memref<80x128xf32, #tpu.memory_space<vmem>>)
      %dma_start3A_155 = arith.constant 2 : i32
      %dma_start3A_156 = arith.constant 22 : i32
      %dma_start3A_157 = arith.constant 2 : i32
      %dma_start3A_158 = arith.constant 0 : i32
      %dma_start3A_159 = arith.constant 0 : i32
      %dma_start3A_160 = tpu.memref_slice %arg9[%dma_start3A_155, %dma_start3A_158, %dma_start3A_159] : memref<4x80x128xf32, #tpu.memory_space<vmem>> -> memref<1x80x128xf32, #tpu.memory_space<vmem>>
      %dma_start3A_161 = tpu.memref_squeeze %dma_start3A_160 : memref<1x80x128xf32, #tpu.memory_space<vmem>> -> memref<80x128xf32, #tpu.memory_space<vmem>>
      %dma_start3A_162 = arith.constant 0 : i32
      %dma_start3A_163 = tpu.memref_slice %arg8[%dma_start3A_156, %dma_start3A_162] : memref<25x80xi32, #tpu.memory_space<vmem>> -> memref<1x80xi32, #tpu.memory_space<vmem>>
      %dma_start3A_164 = tpu.memref_squeeze %dma_start3A_163 : memref<1x80xi32, #tpu.memory_space<vmem>> -> memref<80xi32, #tpu.memory_space<vmem>>
      %dma_start3A_165 = arith.constant 0 : i32
      %dma_start3A_166 = arith.constant 0 : i32
      %dma_start3A_167 = tpu.memref_slice %arg12[%dma_start3A_165, %dma_start3A_166] : memref<10240x128xf32, #tpu.memory_space<vmem_shared>> -> memref<10240x128xf32, #tpu.memory_space<vmem_shared>>
      %dma_start3A_168 = tpu.memref_slice %arg11[%dma_start3A_157] : memref<4x!tpu.dma_semaphore, #tpu.memory_space<semaphore_mem>> -> memref<1x!tpu.dma_semaphore, #tpu.memory_space<semaphore_mem>>
      %dma_start3A_169 = tpu.memref_squeeze %dma_start3A_168 : memref<1x!tpu.dma_semaphore, #tpu.memory_space<semaphore_mem>> -> memref<!tpu.dma_semaphore, #tpu.memory_space<semaphore_mem>>
      tpu.enqueue_indirect_dma source(%dma_start3A_161 : memref<80x128xf32, #tpu.memory_space<vmem>>) target(%dma_start3A_167 : memref<10240x128xf32, #tpu.memory_space<vmem_shared>>) offsets(%dma_start3A_164 : memref<80xi32, #tpu.memory_space<vmem>>) semaphore(%dma_start3A_169 : memref<!tpu.dma_semaphore, #tpu.memory_space<semaphore_mem>>) {add = true}
      %dma_wait3A_170 = arith.constant 23 : i32
      %dma_wait3A_171 = arith.constant 3 : i32
      %dma_wait3A_172 = arith.constant 3 : i32
      %dma_wait3A_173 = arith.constant 0 : i32
      %dma_wait3A_174 = arith.constant 0 : i32
      %dma_wait3A_175 = tpu.memref_slice %arg9[%dma_wait3A_171, %dma_wait3A_173, %dma_wait3A_174] : memref<4x80x128xf32, #tpu.memory_space<vmem>> -> memref<1x80x128xf32, #tpu.memory_space<vmem>>
      %dma_wait3A_176 = tpu.memref_squeeze %dma_wait3A_175 : memref<1x80x128xf32, #tpu.memory_space<vmem>> -> memref<80x128xf32, #tpu.memory_space<vmem>>
      %dma_wait3A_177 = arith.constant 0 : i32
      %dma_wait3A_178 = tpu.memref_slice %arg7[%dma_wait3A_170, %dma_wait3A_177] : memref<25x80xi32, #tpu.memory_space<vmem>> -> memref<1x80xi32, #tpu.memory_space<vmem>>
      %dma_wait3A_179 = tpu.memref_squeeze %dma_wait3A_178 : memref<1x80xi32, #tpu.memory_space<vmem>> -> memref<80xi32, #tpu.memory_space<vmem>>
      %dma_wait3A_180 = arith.constant 0 : i32
      %dma_wait3A_181 = arith.constant 0 : i32
      %dma_wait3A_182 = tpu.memref_slice %arg2[%dma_wait3A_180, %dma_wait3A_181] : memref<10000x128xf32, #tpu.memory_space<hbm>> -> memref<10000x128xf32, #tpu.memory_space<hbm>>
      %dma_wait3A_183 = tpu.memref_slice %arg10[%dma_wait3A_172] : memref<4x!tpu.dma_semaphore, #tpu.memory_space<semaphore_mem>> -> memref<1x!tpu.dma_semaphore, #tpu.memory_space<semaphore_mem>>
      %dma_wait3A_184 = tpu.memref_squeeze %dma_wait3A_183 : memref<1x!tpu.dma_semaphore, #tpu.memory_space<semaphore_mem>> -> memref<!tpu.dma_semaphore, #tpu.memory_space<semaphore_mem>>
      tpu.wait_indirect_dma semaphore(%dma_wait3A_184 : memref<!tpu.dma_semaphore, #tpu.memory_space<semaphore_mem>>) src(%dma_wait3A_182 : memref<10000x128xf32, #tpu.memory_space<hbm>>) dst(%dma_wait3A_176 : memref<80x128xf32, #tpu.memory_space<vmem>>)
      %dma_start3A_185 = arith.constant 3 : i32
      %dma_start3A_186 = arith.constant 23 : i32
      %dma_start3A_187 = arith.constant 3 : i32
      %dma_start3A_188 = arith.constant 0 : i32
      %dma_start3A_189 = arith.constant 0 : i32
      %dma_start3A_190 = tpu.memref_slice %arg9[%dma_start3A_185, %dma_start3A_188, %dma_start3A_189] : memref<4x80x128xf32, #tpu.memory_space<vmem>> -> memref<1x80x128xf32, #tpu.memory_space<vmem>>
      %dma_start3A_191 = tpu.memref_squeeze %dma_start3A_190 : memref<1x80x128xf32, #tpu.memory_space<vmem>> -> memref<80x128xf32, #tpu.memory_space<vmem>>
      %dma_start3A_192 = arith.constant 0 : i32
      %dma_start3A_193 = tpu.memref_slice %arg8[%dma_start3A_186, %dma_start3A_192] : memref<25x80xi32, #tpu.memory_space<vmem>> -> memref<1x80xi32, #tpu.memory_space<vmem>>
      %dma_start3A_194 = tpu.memref_squeeze %dma_start3A_193 : memref<1x80xi32, #tpu.memory_space<vmem>> -> memref<80xi32, #tpu.memory_space<vmem>>
      %dma_start3A_195 = arith.constant 0 : i32
      %dma_start3A_196 = arith.constant 0 : i32
      %dma_start3A_197 = tpu.memref_slice %arg12[%dma_start3A_195, %dma_start3A_196] : memref<10240x128xf32, #tpu.memory_space<vmem_shared>> -> memref<10240x128xf32, #tpu.memory_space<vmem_shared>>
      %dma_start3A_198 = tpu.memref_slice %arg11[%dma_start3A_187] : memref<4x!tpu.dma_semaphore, #tpu.memory_space<semaphore_mem>> -> memref<1x!tpu.dma_semaphore, #tpu.memory_space<semaphore_mem>>
      %dma_start3A_199 = tpu.memref_squeeze %dma_start3A_198 : memref<1x!tpu.dma_semaphore, #tpu.memory_space<semaphore_mem>> -> memref<!tpu.dma_semaphore, #tpu.memory_space<semaphore_mem>>
      tpu.enqueue_indirect_dma source(%dma_start3A_191 : memref<80x128xf32, #tpu.memory_space<vmem>>) target(%dma_start3A_197 : memref<10240x128xf32, #tpu.memory_space<vmem_shared>>) offsets(%dma_start3A_194 : memref<80xi32, #tpu.memory_space<vmem>>) semaphore(%dma_start3A_199 : memref<!tpu.dma_semaphore, #tpu.memory_space<semaphore_mem>>) {add = true}
      %dma_wait3A_200 = arith.constant 0 : i32
      %dma_wait3A_201 = arith.constant 20 : i32
      %dma_wait3A_202 = arith.constant 0 : i32
      %dma_wait3A_203 = arith.constant 0 : i32
      %dma_wait3A_204 = arith.constant 0 : i32
      %dma_wait3A_205 = tpu.memref_slice %arg9[%dma_wait3A_200, %dma_wait3A_203, %dma_wait3A_204] : memref<4x80x128xf32, #tpu.memory_space<vmem>> -> memref<1x80x128xf32, #tpu.memory_space<vmem>>
      %dma_wait3A_206 = tpu.memref_squeeze %dma_wait3A_205 : memref<1x80x128xf32, #tpu.memory_space<vmem>> -> memref<80x128xf32, #tpu.memory_space<vmem>>
      %dma_wait3A_207 = arith.constant 0 : i32
      %dma_wait3A_208 = tpu.memref_slice %arg8[%dma_wait3A_201, %dma_wait3A_207] : memref<25x80xi32, #tpu.memory_space<vmem>> -> memref<1x80xi32, #tpu.memory_space<vmem>>
      %dma_wait3A_209 = tpu.memref_squeeze %dma_wait3A_208 : memref<1x80xi32, #tpu.memory_space<vmem>> -> memref<80xi32, #tpu.memory_space<vmem>>
      %dma_wait3A_210 = arith.constant 0 : i32
      %dma_wait3A_211 = arith.constant 0 : i32
      %dma_wait3A_212 = tpu.memref_slice %arg12[%dma_wait3A_210, %dma_wait3A_211] : memref<10240x128xf32, #tpu.memory_space<vmem_shared>> -> memref<10240x128xf32, #tpu.memory_space<vmem_shared>>
      %dma_wait3A_213 = tpu.memref_slice %arg11[%dma_wait3A_202] : memref<4x!tpu.dma_semaphore, #tpu.memory_space<semaphore_mem>> -> memref<1x!tpu.dma_semaphore, #tpu.memory_space<semaphore_mem>>
      %dma_wait3A_214 = tpu.memref_squeeze %dma_wait3A_213 : memref<1x!tpu.dma_semaphore, #tpu.memory_space<semaphore_mem>> -> memref<!tpu.dma_semaphore, #tpu.memory_space<semaphore_mem>>
      tpu.wait_indirect_dma semaphore(%dma_wait3A_214 : memref<!tpu.dma_semaphore, #tpu.memory_space<semaphore_mem>>) src(%dma_wait3A_206 : memref<80x128xf32, #tpu.memory_space<vmem>>) dst(%dma_wait3A_212 : memref<10240x128xf32, #tpu.memory_space<vmem_shared>>)
      %dma_wait3A_215 = arith.constant 1 : i32
      %dma_wait3A_216 = arith.constant 21 : i32
      %dma_wait3A_217 = arith.constant 1 : i32
      %dma_wait3A_218 = arith.constant 0 : i32
      %dma_wait3A_219 = arith.constant 0 : i32
      %dma_wait3A_220 = tpu.memref_slice %arg9[%dma_wait3A_215, %dma_wait3A_218, %dma_wait3A_219] : memref<4x80x128xf32, #tpu.memory_space<vmem>> -> memref<1x80x128xf32, #tpu.memory_space<vmem>>
      %dma_wait3A_221 = tpu.memref_squeeze %dma_wait3A_220 : memref<1x80x128xf32, #tpu.memory_space<vmem>> -> memref<80x128xf32, #tpu.memory_space<vmem>>
      %dma_wait3A_222 = arith.constant 0 : i32
      %dma_wait3A_223 = tpu.memref_slice %arg8[%dma_wait3A_216, %dma_wait3A_222] : memref<25x80xi32, #tpu.memory_space<vmem>> -> memref<1x80xi32, #tpu.memory_space<vmem>>
      %dma_wait3A_224 = tpu.memref_squeeze %dma_wait3A_223 : memref<1x80xi32, #tpu.memory_space<vmem>> -> memref<80xi32, #tpu.memory_space<vmem>>
      %dma_wait3A_225 = arith.constant 0 : i32
      %dma_wait3A_226 = arith.constant 0 : i32
      %dma_wait3A_227 = tpu.memref_slice %arg12[%dma_wait3A_225, %dma_wait3A_226] : memref<10240x128xf32, #tpu.memory_space<vmem_shared>> -> memref<10240x128xf32, #tpu.memory_space<vmem_shared>>
      %dma_wait3A_228 = tpu.memref_slice %arg11[%dma_wait3A_217] : memref<4x!tpu.dma_semaphore, #tpu.memory_space<semaphore_mem>> -> memref<1x!tpu.dma_semaphore, #tpu.memory_space<semaphore_mem>>
      %dma_wait3A_229 = tpu.memref_squeeze %dma_wait3A_228 : memref<1x!tpu.dma_semaphore, #tpu.memory_space<semaphore_mem>> -> memref<!tpu.dma_semaphore, #tpu.memory_space<semaphore_mem>>
      tpu.wait_indirect_dma semaphore(%dma_wait3A_229 : memref<!tpu.dma_semaphore, #tpu.memory_space<semaphore_mem>>) src(%dma_wait3A_221 : memref<80x128xf32, #tpu.memory_space<vmem>>) dst(%dma_wait3A_227 : memref<10240x128xf32, #tpu.memory_space<vmem_shared>>)
      %dma_wait3A_230 = arith.constant 2 : i32
      %dma_wait3A_231 = arith.constant 22 : i32
      %dma_wait3A_232 = arith.constant 2 : i32
      %dma_wait3A_233 = arith.constant 0 : i32
      %dma_wait3A_234 = arith.constant 0 : i32
      %dma_wait3A_235 = tpu.memref_slice %arg9[%dma_wait3A_230, %dma_wait3A_233, %dma_wait3A_234] : memref<4x80x128xf32, #tpu.memory_space<vmem>> -> memref<1x80x128xf32, #tpu.memory_space<vmem>>
      %dma_wait3A_236 = tpu.memref_squeeze %dma_wait3A_235 : memref<1x80x128xf32, #tpu.memory_space<vmem>> -> memref<80x128xf32, #tpu.memory_space<vmem>>
      %dma_wait3A_237 = arith.constant 0 : i32
      %dma_wait3A_238 = tpu.memref_slice %arg8[%dma_wait3A_231, %dma_wait3A_237] : memref<25x80xi32, #tpu.memory_space<vmem>> -> memref<1x80xi32, #tpu.memory_space<vmem>>
      %dma_wait3A_239 = tpu.memref_squeeze %dma_wait3A_238 : memref<1x80xi32, #tpu.memory_space<vmem>> -> memref<80xi32, #tpu.memory_space<vmem>>
      %dma_wait3A_240 = arith.constant 0 : i32
      %dma_wait3A_241 = arith.constant 0 : i32
      %dma_wait3A_242 = tpu.memref_slice %arg12[%dma_wait3A_240, %dma_wait3A_241] : memref<10240x128xf32, #tpu.memory_space<vmem_shared>> -> memref<10240x128xf32, #tpu.memory_space<vmem_shared>>
      %dma_wait3A_243 = tpu.memref_slice %arg11[%dma_wait3A_232] : memref<4x!tpu.dma_semaphore, #tpu.memory_space<semaphore_mem>> -> memref<1x!tpu.dma_semaphore, #tpu.memory_space<semaphore_mem>>
      %dma_wait3A_244 = tpu.memref_squeeze %dma_wait3A_243 : memref<1x!tpu.dma_semaphore, #tpu.memory_space<semaphore_mem>> -> memref<!tpu.dma_semaphore, #tpu.memory_space<semaphore_mem>>
      tpu.wait_indirect_dma semaphore(%dma_wait3A_244 : memref<!tpu.dma_semaphore, #tpu.memory_space<semaphore_mem>>) src(%dma_wait3A_236 : memref<80x128xf32, #tpu.memory_space<vmem>>) dst(%dma_wait3A_242 : memref<10240x128xf32, #tpu.memory_space<vmem_shared>>)
      %dma_wait3A_245 = arith.constant 3 : i32
      %dma_wait3A_246 = arith.constant 23 : i32
      %dma_wait3A_247 = arith.constant 3 : i32
      %dma_wait3A_248 = arith.constant 0 : i32
      %dma_wait3A_249 = arith.constant 0 : i32
      %dma_wait3A_250 = tpu.memref_slice %arg9[%dma_wait3A_245, %dma_wait3A_248, %dma_wait3A_249] : memref<4x80x128xf32, #tpu.memory_space<vmem>> -> memref<1x80x128xf32, #tpu.memory_space<vmem>>
      %dma_wait3A_251 = tpu.memref_squeeze %dma_wait3A_250 : memref<1x80x128xf32, #tpu.memory_space<vmem>> -> memref<80x128xf32, #tpu.memory_space<vmem>>
      %dma_wait3A_252 = arith.constant 0 : i32
      %dma_wait3A_253 = tpu.memref_slice %arg8[%dma_wait3A_246, %dma_wait3A_252] : memref<25x80xi32, #tpu.memory_space<vmem>> -> memref<1x80xi32, #tpu.memory_space<vmem>>
      %dma_wait3A_254 = tpu.memref_squeeze %dma_wait3A_253 : memref<1x80xi32, #tpu.memory_space<vmem>> -> memref<80xi32, #tpu.memory_space<vmem>>
      %dma_wait3A_255 = arith.constant 0 : i32
      %dma_wait3A_256 = arith.constant 0 : i32
      %dma_wait3A_257 = tpu.memref_slice %arg12[%dma_wait3A_255, %dma_wait3A_256] : memref<10240x128xf32, #tpu.memory_space<vmem_shared>> -> memref<10240x128xf32, #tpu.memory_space<vmem_shared>>
      %dma_wait3A_258 = tpu.memref_slice %arg11[%dma_wait3A_247] : memref<4x!tpu.dma_semaphore, #tpu.memory_space<semaphore_mem>> -> memref<1x!tpu.dma_semaphore, #tpu.memory_space<semaphore_mem>>
      %dma_wait3A_259 = tpu.memref_squeeze %dma_wait3A_258 : memref<1x!tpu.dma_semaphore, #tpu.memory_space<semaphore_mem>> -> memref<!tpu.dma_semaphore, #tpu.memory_space<semaphore_mem>>
      tpu.wait_indirect_dma semaphore(%dma_wait3A_259 : memref<!tpu.dma_semaphore, #tpu.memory_space<semaphore_mem>>) src(%dma_wait3A_251 : memref<80x128xf32, #tpu.memory_space<vmem>>) dst(%dma_wait3A_257 : memref<10240x128xf32, #tpu.memory_space<vmem_shared>>)
      %run_scoped3A = arith.constant 24 : i32
      %run_scoped3A_260 = arith.constant 0 : i32
      "tpu.region"() ({
        %run_scoped3A_263 = tpu.sem_alloc : memref<!tpu.dma_semaphore, #tpu.memory_space<semaphore_mem>>
        %dma_start3A_264 = arith.constant 0 : i32
        %dma_start3A_265 = arith.constant 0 : i32
        %dma_start3A_266 = tpu.memref_slice %arg9[%run_scoped3A_260, %dma_start3A_264, %dma_start3A_265] : memref<4x80x128xf32, #tpu.memory_space<vmem>> -> memref<1x80x128xf32, #tpu.memory_space<vmem>>
        %dma_start3A_267 = tpu.memref_squeeze %dma_start3A_266 : memref<1x80x128xf32, #tpu.memory_space<vmem>> -> memref<80x128xf32, #tpu.memory_space<vmem>>
        %dma_start3A_268 = arith.constant 0 : i32
        %dma_start3A_269 = tpu.memref_slice %arg7[%run_scoped3A, %dma_start3A_268] : memref<25x80xi32, #tpu.memory_space<vmem>> -> memref<1x80xi32, #tpu.memory_space<vmem>>
        %dma_start3A_270 = tpu.memref_squeeze %dma_start3A_269 : memref<1x80xi32, #tpu.memory_space<vmem>> -> memref<80xi32, #tpu.memory_space<vmem>>
        %dma_start3A_271 = arith.constant 0 : i32
        %dma_start3A_272 = arith.constant 0 : i32
        %dma_start3A_273 = tpu.memref_slice %arg2[%dma_start3A_271, %dma_start3A_272] : memref<10000x128xf32, #tpu.memory_space<hbm>> -> memref<10000x128xf32, #tpu.memory_space<hbm>>
        tpu.enqueue_indirect_dma source(%dma_start3A_273 : memref<10000x128xf32, #tpu.memory_space<hbm>>) target(%dma_start3A_267 : memref<80x128xf32, #tpu.memory_space<vmem>>) offsets(%dma_start3A_270 : memref<80xi32, #tpu.memory_space<vmem>>) semaphore(%run_scoped3A_263 : memref<!tpu.dma_semaphore, #tpu.memory_space<semaphore_mem>>)
        %dma_wait3A_274 = arith.constant 0 : i32
        %dma_wait3A_275 = arith.constant 0 : i32
        %dma_wait3A_276 = tpu.memref_slice %arg9[%run_scoped3A_260, %dma_wait3A_274, %dma_wait3A_275] : memref<4x80x128xf32, #tpu.memory_space<vmem>> -> memref<1x80x128xf32, #tpu.memory_space<vmem>>
        %dma_wait3A_277 = tpu.memref_squeeze %dma_wait3A_276 : memref<1x80x128xf32, #tpu.memory_space<vmem>> -> memref<80x128xf32, #tpu.memory_space<vmem>>
        %dma_wait3A_278 = arith.constant 0 : i32
        %dma_wait3A_279 = tpu.memref_slice %arg7[%run_scoped3A, %dma_wait3A_278] : memref<25x80xi32, #tpu.memory_space<vmem>> -> memref<1x80xi32, #tpu.memory_space<vmem>>
        %dma_wait3A_280 = tpu.memref_squeeze %dma_wait3A_279 : memref<1x80xi32, #tpu.memory_space<vmem>> -> memref<80xi32, #tpu.memory_space<vmem>>
        %dma_wait3A_281 = arith.constant 0 : i32
        %dma_wait3A_282 = arith.constant 0 : i32
        %dma_wait3A_283 = tpu.memref_slice %arg2[%dma_wait3A_281, %dma_wait3A_282] : memref<10000x128xf32, #tpu.memory_space<hbm>> -> memref<10000x128xf32, #tpu.memory_space<hbm>>
        tpu.wait_indirect_dma semaphore(%run_scoped3A_263 : memref<!tpu.dma_semaphore, #tpu.memory_space<semaphore_mem>>) src(%dma_wait3A_283 : memref<10000x128xf32, #tpu.memory_space<hbm>>) dst(%dma_wait3A_277 : memref<80x128xf32, #tpu.memory_space<vmem>>)
        tpu.yield
      }) : () -> ()
      %run_scoped3A_261 = arith.constant 0 : i32
      %run_scoped3A_262 = arith.constant 24 : i32
      "tpu.region"() ({
        %run_scoped3A_263 = tpu.sem_alloc : memref<!tpu.dma_semaphore, #tpu.memory_space<semaphore_mem>>
        %dma_start3A_264 = arith.constant 0 : i32
        %dma_start3A_265 = arith.constant 0 : i32
        %dma_start3A_266 = tpu.memref_slice %arg9[%run_scoped3A_261, %dma_start3A_264, %dma_start3A_265] : memref<4x80x128xf32, #tpu.memory_space<vmem>> -> memref<1x80x128xf32, #tpu.memory_space<vmem>>
        %dma_start3A_267 = tpu.memref_squeeze %dma_start3A_266 : memref<1x80x128xf32, #tpu.memory_space<vmem>> -> memref<80x128xf32, #tpu.memory_space<vmem>>
        %dma_start3A_268 = arith.constant 0 : i32
        %dma_start3A_269 = tpu.memref_slice %arg8[%run_scoped3A_262, %dma_start3A_268] : memref<25x80xi32, #tpu.memory_space<vmem>> -> memref<1x80xi32, #tpu.memory_space<vmem>>
        %dma_start3A_270 = tpu.memref_squeeze %dma_start3A_269 : memref<1x80xi32, #tpu.memory_space<vmem>> -> memref<80xi32, #tpu.memory_space<vmem>>
        %dma_start3A_271 = arith.constant 0 : i32
        %dma_start3A_272 = arith.constant 0 : i32
        %dma_start3A_273 = tpu.memref_slice %arg12[%dma_start3A_271, %dma_start3A_272] : memref<10240x128xf32, #tpu.memory_space<vmem_shared>> -> memref<10240x128xf32, #tpu.memory_space<vmem_shared>>
        tpu.enqueue_indirect_dma source(%dma_start3A_267 : memref<80x128xf32, #tpu.memory_space<vmem>>) target(%dma_start3A_273 : memref<10240x128xf32, #tpu.memory_space<vmem_shared>>) offsets(%dma_start3A_270 : memref<80xi32, #tpu.memory_space<vmem>>) semaphore(%run_scoped3A_263 : memref<!tpu.dma_semaphore, #tpu.memory_space<semaphore_mem>>) {add = true}
        %dma_wait3A_274 = arith.constant 0 : i32
        %dma_wait3A_275 = arith.constant 0 : i32
        %dma_wait3A_276 = tpu.memref_slice %arg9[%run_scoped3A_261, %dma_wait3A_274, %dma_wait3A_275] : memref<4x80x128xf32, #tpu.memory_space<vmem>> -> memref<1x80x128xf32, #tpu.memory_space<vmem>>
        %dma_wait3A_277 = tpu.memref_squeeze %dma_wait3A_276 : memref<1x80x128xf32, #tpu.memory_space<vmem>> -> memref<80x128xf32, #tpu.memory_space<vmem>>
        %dma_wait3A_278 = arith.constant 0 : i32
        %dma_wait3A_279 = tpu.memref_slice %arg8[%run_scoped3A_262, %dma_wait3A_278] : memref<25x80xi32, #tpu.memory_space<vmem>> -> memref<1x80xi32, #tpu.memory_space<vmem>>
        %dma_wait3A_280 = tpu.memref_squeeze %dma_wait3A_279 : memref<1x80xi32, #tpu.memory_space<vmem>> -> memref<80xi32, #tpu.memory_space<vmem>>
        %dma_wait3A_281 = arith.constant 0 : i32
        %dma_wait3A_282 = arith.constant 0 : i32
        %dma_wait3A_283 = tpu.memref_slice %arg12[%dma_wait3A_281, %dma_wait3A_282] : memref<10240x128xf32, #tpu.memory_space<vmem_shared>> -> memref<10240x128xf32, #tpu.memory_space<vmem_shared>>
        tpu.wait_indirect_dma semaphore(%run_scoped3A_263 : memref<!tpu.dma_semaphore, #tpu.memory_space<semaphore_mem>>) src(%dma_wait3A_277 : memref<80x128xf32, #tpu.memory_space<vmem>>) dst(%dma_wait3A_283 : memref<10240x128xf32, #tpu.memory_space<vmem_shared>>)
        tpu.yield
      }) : () -> ()
    }
    %scan3A_6 = arith.constant 5 : i32
    %barrier3A_7 = arith.constant 0 : index
    tpu.barrier barrier_id(%barrier3A_7)
    "tpu.region"() ({
      %run_scoped3A = tpu.sem_alloc : memref<!tpu.dma_semaphore, #tpu.memory_space<semaphore_mem>>
      %dma_start3A = arith.constant 0 : i32
      %dma_start3A_8 = tpu.memref_slice %arg6[%arg0, %mul3A_0, %dma_start3A] : memref<2x10240x128xf32, #tpu.memory_space<hbm>> -> memref<1x640x128xf32, #tpu.memory_space<hbm>>
      %dma_start3A_9 = tpu.memref_squeeze %dma_start3A_8 : memref<1x640x128xf32, #tpu.memory_space<hbm>> -> memref<640x128xf32, #tpu.memory_space<hbm>>
      %dma_start3A_10 = arith.constant 0 : i32
      %dma_start3A_11 = tpu.memref_slice %arg12[%mul3A_0, %dma_start3A_10] : memref<10240x128xf32, #tpu.memory_space<vmem_shared>> -> memref<640x128xf32, #tpu.memory_space<vmem_shared>>
      tpu.enqueue_dma source(%dma_start3A_11 : memref<640x128xf32, #tpu.memory_space<vmem_shared>>) target(%dma_start3A_9 : memref<640x128xf32, #tpu.memory_space<hbm>>) target_semaphore(%run_scoped3A : memref<!tpu.dma_semaphore, #tpu.memory_space<semaphore_mem>>)
      %dma_wait3A = arith.constant 0 : i32
      %dma_wait3A_12 = tpu.memref_slice %arg6[%arg0, %mul3A_0, %dma_wait3A] : memref<2x10240x128xf32, #tpu.memory_space<hbm>> -> memref<1x640x128xf32, #tpu.memory_space<hbm>>
      %dma_wait3A_13 = tpu.memref_squeeze %dma_wait3A_12 : memref<1x640x128xf32, #tpu.memory_space<hbm>> -> memref<640x128xf32, #tpu.memory_space<hbm>>
      %dma_wait3A_14 = arith.constant 0 : i32
      %dma_wait3A_15 = tpu.memref_slice %arg12[%mul3A_0, %dma_wait3A_14] : memref<10240x128xf32, #tpu.memory_space<vmem_shared>> -> memref<640x128xf32, #tpu.memory_space<vmem_shared>>
      tpu.wait_dma2 semaphore(%run_scoped3A : memref<!tpu.dma_semaphore, #tpu.memory_space<semaphore_mem>>) src(%dma_wait3A_15 : memref<640x128xf32, #tpu.memory_space<vmem_shared>>) dst(%dma_wait3A_13 : memref<640x128xf32, #tpu.memory_space<hbm>>)
      tpu.yield
    }) : () -> ()
    return
  }
}

module attributes {stable_mosaic.version = 14 : i64} {
  func.func @_prescale_body(%arg0: i32, %arg1: memref<2000x128xf32, #tpu.memory_space<vmem>>, %arg2: memref<2x2x2000x16xf32, #tpu.memory_space<vmem>>, %arg3: memref<2000x128xf32, #tpu.memory_space<vmem>>) attributes {dimension_semantics = [#tpu.dimension_semantics<arbitrary>], iteration_bounds = array<i64: 5>, scalar_prefetch = 0 : i64, scratch_operands = 0 : i64, tpu.core_type = #tpu.core_type<tc>, window_params = [{transform_indices = @transform_0, window_bounds = array<i64: 2000, 128>}, {transform_indices = @transform_1, window_bounds = array<i64: 2, 2, 2000, 16>}, {transform_indices = @transform_2, window_bounds = array<i64: 2000, 128>}]} {
    %get3A = arith.constant 0 : index
    %get3A_0 = arith.constant 0 : index
    %get3A_1 = vector.load %arg1[%get3A, %get3A_0] : memref<2000x128xf32, #tpu.memory_space<vmem>>, vector<2000x128xf32>
    %get3A_2 = arith.constant 0 : index
    %get3A_3 = arith.constant 0 : index
    %get3A_4 = arith.constant 0 : index
    %get3A_5 = arith.constant 0 : index
    %get3A_6 = vector.load %arg2[%get3A_2, %get3A_3, %get3A_4, %get3A_5] : memref<2x2x2000x16xf32, #tpu.memory_space<vmem>>, vector<1x1x2000x16xf32>
    %get3A_7 = vector.shape_cast %get3A_6 : vector<1x1x2000x16xf32> to vector<2000x16xf32>
    %slice3A = vector.extract_strided_slice %get3A_7 {offsets = [0, 0], sizes = [2000, 1], strides = [1, 1]} : vector<2000x16xf32> to vector<2000x1xf32>
    %get3A_8 = arith.constant 1 : index
    %get3A_9 = arith.constant 0 : index
    %get3A_10 = arith.constant 0 : index
    %get3A_11 = arith.constant 0 : index
    %get3A_12 = vector.load %arg2[%get3A_8, %get3A_9, %get3A_10, %get3A_11] : memref<2x2x2000x16xf32, #tpu.memory_space<vmem>>, vector<1x1x2000x16xf32>
    %get3A_13 = vector.shape_cast %get3A_12 : vector<1x1x2000x16xf32> to vector<2000x16xf32>
    %slice3A_14 = vector.extract_strided_slice %get3A_13 {offsets = [0, 0], sizes = [2000, 1], strides = [1, 1]} : vector<2000x16xf32> to vector<2000x1xf32>
    %add3A = arith.addf %slice3A, %slice3A_14 : vector<2000x1xf32>
    %max3A = arith.constant 1.000000e+00 : f32
    %max3A_15 = vector.broadcast %max3A : f32 to vector<2000x1xf32>
    %max3A_16 = arith.maximumf %add3A, %max3A_15 : vector<2000x1xf32>
    %rsqrt3A = math.rsqrt %max3A_16 : vector<2000x1xf32>
    %mul3A = vector.broadcast %rsqrt3A : vector<2000x1xf32> to vector<2000x128xf32>
    %mul3A_17 = arith.mulf %get3A_1, %mul3A : vector<2000x128xf32>
    %swap3A = arith.constant 0 : index
    %swap3A_18 = arith.constant 0 : index
    %swap3A_19 = vector.load %arg3[%swap3A, %swap3A_18] : memref<2000x128xf32, #tpu.memory_space<vmem>>, vector<2000x128xf32>
    tpu.vector_store %arg3[%swap3A, %swap3A_18], %mul3A_17 {strides = array<i32>} : memref<2000x128xf32, #tpu.memory_space<vmem>>, vector<2000x128xf32>,
    return
  }
  func.func @transform_0(%arg0: i32) -> (i32, i32) {
    %c0_i32 = arith.constant 0 : i32
    %c0_i32_0 = arith.constant 0 : i32
    return %arg0, %c0_i32 : i32, i32
  }
  func.func @transform_1(%arg0: i32) -> (i32, i32, i32, i32) {
    %c0_i32 = arith.constant 0 : i32
    %c0_i32_0 = arith.constant 0 : i32
    %c0_i32_1 = arith.constant 0 : i32
    %c0_i32_2 = arith.constant 0 : i32
    return %c0_i32, %c0_i32_0, %arg0, %c0_i32_1 : i32, i32, i32, i32
  }
  func.func @transform_2(%arg0: i32) -> (i32, i32) {
    %c0_i32 = arith.constant 0 : i32
    %c0_i32_0 = arith.constant 0 : i32
    return %arg0, %c0_i32 : i32, i32
  }
}

module attributes {stable_mosaic.version = 14 : i64} {
  func.func @_mid_body(%arg0: i32, %arg1: memref<2x2000x128xf32, #tpu.memory_space<vmem>>, %arg2: memref<2x2x2000x16xf32, #tpu.memory_space<vmem>>, %arg3: memref<128x128xf32, #tpu.memory_space<vmem>>, %arg4: memref<1x128xf32, #tpu.memory_space<vmem>>, %arg5: memref<128x64xf32, #tpu.memory_space<vmem>>, %arg6: memref<2000x64xf32, #tpu.memory_space<vmem>>) attributes {dimension_semantics = [#tpu.dimension_semantics<arbitrary>], iteration_bounds = array<i64: 5>, scalar_prefetch = 0 : i64, scratch_operands = 0 : i64, tpu.core_type = #tpu.core_type<tc>, window_params = [{transform_indices = @transform_0, window_bounds = array<i64: 2, 2000, 128>}, {transform_indices = @transform_1, window_bounds = array<i64: 2, 2, 2000, 16>}, {pipeline_mode = #tpu.pipeline_mode<synchronous>, transform_indices = @transform_2, window_bounds = array<i64: 128, 128>}, {pipeline_mode = #tpu.pipeline_mode<synchronous>, transform_indices = @transform_3, window_bounds = array<i64: 1, 128>}, {pipeline_mode = #tpu.pipeline_mode<synchronous>, transform_indices = @transform_4, window_bounds = array<i64: 128, 64>}, {transform_indices = @transform_5, window_bounds = array<i64: 2000, 64>}]} {
    %get3A = arith.constant 0 : index
    %get3A_0 = arith.constant 0 : index
    %get3A_1 = arith.constant 0 : index
    %get3A_2 = vector.load %arg1[%get3A, %get3A_0, %get3A_1] : memref<2x2000x128xf32, #tpu.memory_space<vmem>>, vector<1x2000x128xf32>
    %get3A_3 = vector.shape_cast %get3A_2 : vector<1x2000x128xf32> to vector<2000x128xf32>
    %get3A_4 = arith.constant 1 : index
    %get3A_5 = arith.constant 0 : index
    %get3A_6 = arith.constant 0 : index
    %get3A_7 = vector.load %arg1[%get3A_4, %get3A_5, %get3A_6] : memref<2x2000x128xf32, #tpu.memory_space<vmem>>, vector<1x2000x128xf32>
    %get3A_8 = vector.shape_cast %get3A_7 : vector<1x2000x128xf32> to vector<2000x128xf32>
    %add3A = arith.addf %get3A_3, %get3A_8 : vector<2000x128xf32>
    %get3A_9 = arith.constant 0 : index
    %get3A_10 = arith.constant 1 : index
    %get3A_11 = arith.constant 0 : index
    %get3A_12 = arith.constant 0 : index
    %get3A_13 = vector.load %arg2[%get3A_9, %get3A_10, %get3A_11, %get3A_12] : memref<2x2x2000x16xf32, #tpu.memory_space<vmem>>, vector<1x1x2000x16xf32>
    %get3A_14 = vector.shape_cast %get3A_13 : vector<1x1x2000x16xf32> to vector<2000x16xf32>
    %slice3A = vector.extract_strided_slice %get3A_14 {offsets = [0, 0], sizes = [2000, 1], strides = [1, 1]} : vector<2000x16xf32> to vector<2000x1xf32>
    %get3A_15 = arith.constant 1 : index
    %get3A_16 = arith.constant 1 : index
    %get3A_17 = arith.constant 0 : index
    %get3A_18 = arith.constant 0 : index
    %get3A_19 = vector.load %arg2[%get3A_15, %get3A_16, %get3A_17, %get3A_18] : memref<2x2x2000x16xf32, #tpu.memory_space<vmem>>, vector<1x1x2000x16xf32>
    %get3A_20 = vector.shape_cast %get3A_19 : vector<1x1x2000x16xf32> to vector<2000x16xf32>
    %slice3A_21 = vector.extract_strided_slice %get3A_20 {offsets = [0, 0], sizes = [2000, 1], strides = [1, 1]} : vector<2000x16xf32> to vector<2000x1xf32>
    %add3A_22 = arith.addf %slice3A, %slice3A_21 : vector<2000x1xf32>
    %max3A = arith.constant 1.000000e+00 : f32
    %max3A_23 = vector.broadcast %max3A : f32 to vector<2000x1xf32>
    %max3A_24 = arith.maximumf %add3A_22, %max3A_23 : vector<2000x1xf32>
    %rsqrt3A = math.rsqrt %max3A_24 : vector<2000x1xf32>
    %mul3A = vector.broadcast %rsqrt3A : vector<2000x1xf32> to vector<2000x128xf32>
    %mul3A_25 = arith.mulf %add3A, %mul3A : vector<2000x128xf32>
    %get3A_26 = arith.constant 0 : index
    %get3A_27 = arith.constant 0 : index
    %get3A_28 = vector.load %arg3[%get3A_26, %get3A_27] : memref<128x128xf32, #tpu.memory_space<vmem>>, vector<128x128xf32>
    %dot_general3A = arith.constant dense<0.000000e+00> : vector<2000x128xf32>
    %dot_general3A_29 = tpu.matmul %mul3A_25, %get3A_28, %dot_general3A {dimension_numbers = #tpu.dot_dimension_numbers<[1], [0], [0], [1], [0, 0, 1, 1], [], []>, transpose_lhs_hint = false} : vector<2000x128xf32>, vector<128x128xf32>, vector<2000x128xf32> -> vector<2000x128xf32>
    %get3A_30 = arith.constant 0 : index
    %get3A_31 = arith.constant 0 : index
    %get3A_32 = vector.load %arg4[%get3A_30, %get3A_31] : memref<1x128xf32, #tpu.memory_space<vmem>>, vector<1x128xf32>
    %add3A_33 = vector.broadcast %get3A_32 : vector<1x128xf32> to vector<2000x128xf32>
    %add3A_34 = arith.addf %dot_general3A_29, %add3A_33 : vector<2000x128xf32>
    %max3A_35 = arith.constant 0.000000e+00 : f32
    %max3A_36 = vector.broadcast %max3A_35 : f32 to vector<2000x128xf32>
    %max3A_37 = arith.maximumf %add3A_34, %max3A_36 : vector<2000x128xf32>
    %get3A_38 = arith.constant 0 : index
    %get3A_39 = arith.constant 0 : index
    %get3A_40 = arith.constant 0 : index
    %get3A_41 = arith.constant 0 : index
    %get3A_42 = vector.load %arg2[%get3A_38, %get3A_39, %get3A_40, %get3A_41] : memref<2x2x2000x16xf32, #tpu.memory_space<vmem>>, vector<1x1x2000x16xf32>
    %get3A_43 = vector.shape_cast %get3A_42 : vector<1x1x2000x16xf32> to vector<2000x16xf32>
    %slice3A_44 = vector.extract_strided_slice %get3A_43 {offsets = [0, 0], sizes = [2000, 1], strides = [1, 1]} : vector<2000x16xf32> to vector<2000x1xf32>
    %get3A_45 = arith.constant 1 : index
    %get3A_46 = arith.constant 0 : index
    %get3A_47 = arith.constant 0 : index
    %get3A_48 = arith.constant 0 : index
    %get3A_49 = vector.load %arg2[%get3A_45, %get3A_46, %get3A_47, %get3A_48] : memref<2x2x2000x16xf32, #tpu.memory_space<vmem>>, vector<1x1x2000x16xf32>
    %get3A_50 = vector.shape_cast %get3A_49 : vector<1x1x2000x16xf32> to vector<2000x16xf32>
    %slice3A_51 = vector.extract_strided_slice %get3A_50 {offsets = [0, 0], sizes = [2000, 1], strides = [1, 1]} : vector<2000x16xf32> to vector<2000x1xf32>
    %add3A_52 = arith.addf %slice3A_44, %slice3A_51 : vector<2000x1xf32>
    %max3A_53 = arith.constant 1.000000e+00 : f32
    %max3A_54 = vector.broadcast %max3A_53 : f32 to vector<2000x1xf32>
    %max3A_55 = arith.maximumf %add3A_52, %max3A_54 : vector<2000x1xf32>
    %rsqrt3A_56 = math.rsqrt %max3A_55 : vector<2000x1xf32>
    %mul3A_57 = vector.broadcast %rsqrt3A_56 : vector<2000x1xf32> to vector<2000x128xf32>
    %mul3A_58 = arith.mulf %max3A_37, %mul3A_57 : vector<2000x128xf32>
    %get3A_59 = arith.constant 0 : index
    %get3A_60 = arith.constant 0 : index
    %get3A_61 = vector.load %arg5[%get3A_59, %get3A_60] : memref<128x64xf32, #tpu.memory_space<vmem>>, vector<128x64xf32>
    %dot_general3A_62 = arith.constant dense<0.000000e+00> : vector<2000x64xf32>
    %dot_general3A_63 = tpu.matmul %mul3A_58, %get3A_61, %dot_general3A_62 {dimension_numbers = #tpu.dot_dimension_numbers<[1], [0], [0], [1], [0, 0, 1, 1], [], []>, transpose_lhs_hint = false} : vector<2000x128xf32>, vector<128x64xf32>, vector<2000x64xf32> -> vector<2000x64xf32>
    %swap3A = arith.constant 0 : index
    %swap3A_64 = arith.constant 0 : index
    %swap3A_65 = vector.load %arg6[%swap3A, %swap3A_64] : memref<2000x64xf32, #tpu.memory_space<vmem>>, vector<2000x64xf32>
    tpu.vector_store %arg6[%swap3A, %swap3A_64], %dot_general3A_63 {strides = array<i32>} : memref<2000x64xf32, #tpu.memory_space<vmem>>, vector<2000x64xf32>,
    return
  }
  func.func @transform_0(%arg0: i32) -> (i32, i32, i32) {
    %c0_i32 = arith.constant 0 : i32
    %c0_i32_0 = arith.constant 0 : i32
    %c0_i32_1 = arith.constant 0 : i32
    return %c0_i32, %arg0, %c0_i32_0 : i32, i32, i32
  }
  func.func @transform_1(%arg0: i32) -> (i32, i32, i32, i32) {
    %c0_i32 = arith.constant 0 : i32
    %c0_i32_0 = arith.constant 0 : i32
    %c0_i32_1 = arith.constant 0 : i32
    %c0_i32_2 = arith.constant 0 : i32
    return %c0_i32, %c0_i32_0, %arg0, %c0_i32_1 : i32, i32, i32, i32
  }
  func.func @transform_2(%arg0: i32) -> (i32, i32) {
    %c0_i32 = arith.constant 0 : i32
    %c0_i32_0 = arith.constant 0 : i32
    %c0_i32_1 = arith.constant 0 : i32
    return %c0_i32, %c0_i32_0 : i32, i32
  }
  func.func @transform_3(%arg0: i32) -> (i32, i32) {
    %c0_i32 = arith.constant 0 : i32
    %c0_i32_0 = arith.constant 0 : i32
    %c0_i32_1 = arith.constant 0 : i32
    return %c0_i32, %c0_i32_0 : i32, i32
  }
  func.func @transform_4(%arg0: i32) -> (i32, i32) {
    %c0_i32 = arith.constant 0 : i32
    %c0_i32_0 = arith.constant 0 : i32
    %c0_i32_1 = arith.constant 0 : i32
    return %c0_i32, %c0_i32_0 : i32, i32
  }
  func.func @transform_5(%arg0: i32) -> (i32, i32) {
    %c0_i32 = arith.constant 0 : i32
    %c0_i32_0 = arith.constant 0 : i32
    return %arg0, %c0_i32 : i32, i32
  }
}

module attributes {stable_mosaic.version = 14 : i64} {
  func.func @_final_body(%arg0: i32, %arg1: memref<2x2000x64xf32, #tpu.memory_space<vmem>>, %arg2: memref<2x2x2000x16xf32, #tpu.memory_space<vmem>>, %arg3: memref<1x64xf32, #tpu.memory_space<vmem>>, %arg4: memref<2000x64xf32, #tpu.memory_space<vmem>>) attributes {dimension_semantics = [#tpu.dimension_semantics<arbitrary>], iteration_bounds = array<i64: 5>, scalar_prefetch = 0 : i64, scratch_operands = 0 : i64, tpu.core_type = #tpu.core_type<tc>, window_params = [{transform_indices = @transform_0, window_bounds = array<i64: 2, 2000, 64>}, {transform_indices = @transform_1, window_bounds = array<i64: 2, 2, 2000, 16>}, {pipeline_mode = #tpu.pipeline_mode<synchronous>, transform_indices = @transform_2, window_bounds = array<i64: 1, 64>}, {transform_indices = @transform_3, window_bounds = array<i64: 2000, 64>}]} {
    %get3A = arith.constant 0 : index
    %get3A_0 = arith.constant 0 : index
    %get3A_1 = arith.constant 0 : index
    %get3A_2 = vector.load %arg1[%get3A, %get3A_0, %get3A_1] : memref<2x2000x64xf32, #tpu.memory_space<vmem>>, vector<1x2000x64xf32>
    %get3A_3 = vector.shape_cast %get3A_2 : vector<1x2000x64xf32> to vector<2000x64xf32>
    %get3A_4 = arith.constant 1 : index
    %get3A_5 = arith.constant 0 : index
    %get3A_6 = arith.constant 0 : index
    %get3A_7 = vector.load %arg1[%get3A_4, %get3A_5, %get3A_6] : memref<2x2000x64xf32, #tpu.memory_space<vmem>>, vector<1x2000x64xf32>
    %get3A_8 = vector.shape_cast %get3A_7 : vector<1x2000x64xf32> to vector<2000x64xf32>
    %add3A = arith.addf %get3A_3, %get3A_8 : vector<2000x64xf32>
    %get3A_9 = arith.constant 0 : index
    %get3A_10 = arith.constant 1 : index
    %get3A_11 = arith.constant 0 : index
    %get3A_12 = arith.constant 0 : index
    %get3A_13 = vector.load %arg2[%get3A_9, %get3A_10, %get3A_11, %get3A_12] : memref<2x2x2000x16xf32, #tpu.memory_space<vmem>>, vector<1x1x2000x16xf32>
    %get3A_14 = vector.shape_cast %get3A_13 : vector<1x1x2000x16xf32> to vector<2000x16xf32>
    %slice3A = vector.extract_strided_slice %get3A_14 {offsets = [0, 0], sizes = [2000, 1], strides = [1, 1]} : vector<2000x16xf32> to vector<2000x1xf32>
    %get3A_15 = arith.constant 1 : index
    %get3A_16 = arith.constant 1 : index
    %get3A_17 = arith.constant 0 : index
    %get3A_18 = arith.constant 0 : index
    %get3A_19 = vector.load %arg2[%get3A_15, %get3A_16, %get3A_17, %get3A_18] : memref<2x2x2000x16xf32, #tpu.memory_space<vmem>>, vector<1x1x2000x16xf32>
    %get3A_20 = vector.shape_cast %get3A_19 : vector<1x1x2000x16xf32> to vector<2000x16xf32>
    %slice3A_21 = vector.extract_strided_slice %get3A_20 {offsets = [0, 0], sizes = [2000, 1], strides = [1, 1]} : vector<2000x16xf32> to vector<2000x1xf32>
    %add3A_22 = arith.addf %slice3A, %slice3A_21 : vector<2000x1xf32>
    %max3A = arith.constant 1.000000e+00 : f32
    %max3A_23 = vector.broadcast %max3A : f32 to vector<2000x1xf32>
    %max3A_24 = arith.maximumf %add3A_22, %max3A_23 : vector<2000x1xf32>
    %rsqrt3A = math.rsqrt %max3A_24 : vector<2000x1xf32>
    %mul3A = vector.broadcast %rsqrt3A : vector<2000x1xf32> to vector<2000x64xf32>
    %mul3A_25 = arith.mulf %add3A, %mul3A : vector<2000x64xf32>
    %get3A_26 = arith.constant 0 : index
    %get3A_27 = arith.constant 0 : index
    %get3A_28 = vector.load %arg3[%get3A_26, %get3A_27] : memref<1x64xf32, #tpu.memory_space<vmem>>, vector<1x64xf32>
    %add3A_29 = vector.broadcast %get3A_28 : vector<1x64xf32> to vector<2000x64xf32>
    %add3A_30 = arith.addf %mul3A_25, %add3A_29 : vector<2000x64xf32>
    %swap3A = arith.constant 0 : index
    %swap3A_31 = arith.constant 0 : index
    %swap3A_32 = vector.load %arg4[%swap3A, %swap3A_31] : memref<2000x64xf32, #tpu.memory_space<vmem>>, vector<2000x64xf32>
    tpu.vector_store %arg4[%swap3A, %swap3A_31], %add3A_30 {strides = array<i32>} : memref<2000x64xf32, #tpu.memory_space<vmem>>, vector<2000x64xf32>,
    return
  }
  func.func @transform_0(%arg0: i32) -> (i32, i32, i32) {
    %c0_i32 = arith.constant 0 : i32
    %c0_i32_0 = arith.constant 0 : i32
    %c0_i32_1 = arith.constant 0 : i32
    return %c0_i32, %arg0, %c0_i32_0 : i32, i32, i32
  }
  func.func @transform_1(%arg0: i32) -> (i32, i32, i32, i32) {
    %c0_i32 = arith.constant 0 : i32
    %c0_i32_0 = arith.constant 0 : i32
    %c0_i32_1 = arith.constant 0 : i32
    %c0_i32_2 = arith.constant 0 : i32
    return %c0_i32, %c0_i32_0, %arg0, %c0_i32_1 : i32, i32, i32, i32
  }
  func.func @transform_2(%arg0: i32) -> (i32, i32) {
    %c0_i32 = arith.constant 0 : i32
    %c0_i32_0 = arith.constant 0 : i32
    %c0_i32_1 = arith.constant 0 : i32
    return %c0_i32, %c0_i32_0 : i32, i32
  }
  func.func @transform_3(%arg0: i32) -> (i32, i32) {
    %c0_i32 = arith.constant 0 : i32
    %c0_i32_0 = arith.constant 0 : i32
    return %arg0, %c0_i32 : i32, i32
  }
}

</mosaic_0001>

<sc_bundles>
// kernel: kernel.11.cloned.1.call-start
scs
__scs_entry_jumppad:
0x0: {  	(pc) =	sbr.rel $0x88, $3  }
0x1: {  	(tag) =	ssettag $0x0;
	lr =	simm.s32 $0x1  }
0x2: {  	[smem:$0x3F9B] =	sst lr;
	_ =	strace $0xD0000000  }
0x3: {  	_ = 	snop  }
0x4: {  	_ = 	snop  }
0x5: {  	_ = 	snop  }
0x6: {  	_ = 	snop  }
0x7: {  	_ = 	snop  }
__scs_overlays_trampoline_lowered:
0x8: {  	[smem:$0x3FAA] =	sst s0  }
0x9: {  	[smem:$0x3FAB] =	sst s1  }
0xa: {  	[smem:$0x3FAC] =	sst s2  }
0xb: {  	[smem:$0x3FAD] =	sst s3  }
0xc: {  	[smem:$0x3FAE] =	sst s4  }
0xd: {  	[smem:$0x3FAF] =	sst s5  }
0xe: {  	[smem:$0x3FB0] =	sst s6  }
0xf: {  	[smem:$0x3FB1] =	sst s7  }
0x10: {  	[smem:$0x3FB2] =	sst s8  }
0x11: {  	[smem:$0x3FB3] =	sst s9;
	s0 =	simm.s32 @!p0 $0x0  }
0x12: {  	s1 =	sld [smem:$0x3F99];
	s0 =	simm.s32 @p0 $0x1  }
0x13: {  	[smem:$0x3FB4] =	sst s0;
	s0 =	simm.s32 @!p1 $0x0  }
0x14: {  	s2 =	sld [smem:$0x3F98];
	s0 =	simm.s32 @p1 $0x1  }
0x15: {  	[smem:$0x3FB5] =	sst s0;
	s0 =	simm.s32 @!p2 $0x0  }
0x16: {  	s3 =	sld [smem:$0x3FDB];
	s0 =	simm.s32 @p2 $0x1  }
0x17: {  	s4 =	simm.s32 $0x1BF5;
	[smem:$0x3FB7] =	sst s0  }
0x18: {  	s0 =	sld [smem:$0x3F9A];
	_ =	swait.ge [sflag:s4], $0x0  }
0x19: {  	s7 =	sld [smem:$0x3F9B]  }
0x1a: {  	s8 =	sadd.s32 $0xFFFFE003, lr  }
0x1b: {  	s9 =	sadd.s32 $0xFFFFFEF7, lr;
	s5 =	simm.s32 $0xFFFFFFFF;
	p2 =	slt.u32 s8, $0xFFFFF086  }
0x1c: {  	p1 =	slt.u32 s9, $0xF7A;
	s5 =	simm.s32 @!p2 $0x0  }
0x1d: {  	s5 =	simm.s32 @p1 $0x1;
	p0 =	seq.s32 s7, s2  }
0x1e: {  	s7 =	smul.u32 @!p0 $0xF7A, s2;
	p2 =	seq.s32 @!p0 s5, $0x0  }
0x1f: {  	s9 =	smul.u32 $0xF7A, s1;
	s8 =	simm.s32 @!p0 $0x1BF5;
	p2 =	por !p2, p0  }
0x20: {  	[sflag:s8] =	ssyncset.s32 @!p0 $0xFFFFF086;
	s6 =	sadd.s32 @!p0 s3, s7;
	s7 =	simm.s32 @!p0 $0x108  }
0x21: {  	s3 =	sadd.s32 s3, s9;
	s6 =	sadd.s32 @!p0 $0x88, s6;
	s7 =	simm.s32 @p2 $0x1082  }
0x22: {  	[simem:s7], [sflag:s8] =	dma.local @!p0 [hbm:s6], $0xF7A  }
0x23: {  	s9 =	sor.u32 $0xD0000000, s2;
	s6 =	simm.s32 $0x108;
	_ =	swait.ge @!p0 [sflag:s8], $0x0  }
0x24: {  	s3 =	sadd.s32 $0x88, s3;
	s6 =	simm.s32 @!p1 $0x1082;
	[sflag:s4] =	ssyncset.s32 $0xFFFFF086  }
0x25: {  	[simem:s6], [sflag:s4] =	dma.local [hbm:s3], $0xF7A  }
0x26: {  	[smem:$0x3F9B] =	sst s1;
	(tag) =	ssettag s2;
	_ =	strace s9  }
0x27: {  	s1 =	sld [smem:$0x3FAB]  }
0x28: {  	s2 =	sld [smem:$0x3FAC]  }
0x29: {  	s4 =	sld [smem:$0x3FAE]  }
0x2a: {  	p0 =	seq.s32 s5, $0x0;
	s5 =	sld [smem:$0x3FAF]  }
0x2b: {  	s6 =	sld [smem:$0x3FB0]  }
0x2c: {  	s7 =	sld [smem:$0x3FB1]  }
0x2d: {  	s3 =	simm.s32 $0x108;
	s8 =	sld [smem:$0x3FB2]  }
0x2e: {  	s3 =	simm.s32 @!p0 $0x1082;
	s9 =	sld [smem:$0x3FB3]  }
0x2f: {  	lr =	sadd.s32 s0, s3;
	s0 =	sld [smem:$0x3FAA]  }
0x30: {  	s3 =	sld [smem:$0x3FAD]  }
0x31: {  	[smem:$0x3FB6] =	sst s10  }
0x32: {  	s10 =	sld [smem:$0x3FB4];
	_ =	sdelay $0x3  }
0x33: {  	p0 =	seq.s32 s10, $0x1;
	s10 =	sld [smem:$0x3FB6];
	_ =	sdelay $0x3  }
0x34: {  	[smem:$0x3FB6] =	sst s10  }
0x35: {  	s10 =	sld [smem:$0x3FB5];
	_ =	sdelay $0x3  }
0x36: {  	p1 =	seq.s32 s10, $0x1;
	s10 =	sld [smem:$0x3FB6];
	_ =	sdelay $0x3  }
0x37: {  	[smem:$0x3FB6] =	sst s10  }
0x38: {  	s10 =	sld [smem:$0x3FB7]  }
0x39: {  	_ = 	snop;
	(pc) =	sbr.ind lr, $3  }
0x3a: {  	_ = 	snop  }
0x3b: {  	_ = 	snop  }
0x3c: {  	p2 =	seq.s32 s10, $0x1;
	s10 =	sld [smem:$0x3FB6]  }
0x3d: {  	_ =	shalt  }
0x3e: {  	_ =	shalt  }
0x3f: {  	_ =	shalt  }
0x40: {  	_ =	shalt  }
0x41: {  	_ =	shalt  }
0x42: {  	_ =	shalt  }
0x43: {  	_ =	shalt  }
0x44: {  	_ =	shalt  }
0x45: {  	_ =	shalt  }
0x46: {  	_ =	shalt  }
0x47: {  	_ =	shalt  }
0x48: {  	_ =	shalt  }
0x49: {  	_ =	shalt  }
0x4a: {  	_ =	shalt  }
0x4b: {  	_ =	shalt  }
0x4c: {  	_ =	shalt  }
0x4d: {  	_ =	shalt  }
0x4e: {  	_ =	shalt  }
0x4f: {  	_ =	shalt  }
0x50: {  	_ =	shalt  }
0x51: {  	_ =	shalt  }
0x52: {  	_ =	shalt  }
0x53: {  	_ =	shalt  }
0x54: {  	_ =	shalt  }
0x55: {  	_ =	shalt  }
0x56: {  	_ =	shalt  }
0x57: {  	_ =	shalt  }
0x58: {  	_ =	shalt  }
0x59: {  	_ =	shalt  }
0x5a: {  	_ =	shalt  }
0x5b: {  	_ =	shalt  }
0x5c: {  	_ =	shalt  }
0x5d: {  	_ =	shalt  }
0x5e: {  	_ =	shalt  }
0x5f: {  	_ =	shalt  }
0x60: {  	_ =	shalt  }
0x61: {  	_ =	shalt  }
0x62: {  	_ =	shalt  }
0x63: {  	_ =	shalt  }
0x64: {  	_ =	shalt  }
0x65: {  	_ =	shalt  }
0x66: {  	_ =	shalt  }
0x67: {  	_ =	shalt  }
0x68: {  	_ =	shalt  }
0x69: {  	_ =	shalt  }
0x6a: {  	_ =	shalt  }
0x6b: {  	_ =	shalt  }
0x6c: {  	_ =	shalt  }
0x6d: {  	_ =	shalt  }
0x6e: {  	_ =	shalt  }
0x6f: {  	_ =	shalt  }
0x70: {  	_ =	shalt  }
0x71: {  	_ =	shalt  }
0x72: {  	_ =	shalt  }
0x73: {  	_ =	shalt  }
0x74: {  	_ =	shalt  }
0x75: {  	_ =	shalt  }
0x76: {  	_ =	shalt  }
0x77: {  	_ =	shalt  }
0x78: {  	_ =	shalt  }
0x79: {  	_ =	shalt  }
0x7a: {  	_ =	shalt  }
0x7b: {  	_ =	shalt  }
0x7c: {  	_ =	shalt  }
0x7d: {  	_ =	shalt  }
0x7e: {  	_ =	shalt  }
0x7f: {  	_ =	shalt  }
0x80: {  	_ =	shalt  }
0x81: {  	_ =	shalt  }
0x82: {  	_ =	shalt  }
0x83: {  	_ =	shalt  }
0x84: {  	_ =	shalt  }
0x85: {  	_ =	shalt  }
0x86: {  	_ =	shalt  }
0x87: {  	_ =	shalt  }
.Lfunc_end0:
.L_simem_size_0:
called_computation.1_lowered:
.L_overlay_start_0:
0x88: {  	s2 =	sld [smem:$0x3FD9]  }
0x89: {  	s3 =	sld [smem:$0x3FFE];
	_ =	sdelay $0x1  }
0x8a: {  	s1 =	srdreg.scid  }
0x8b: {  	s0 =	sand.u32 $0x1, s1  }
0x8c: {  	s16 =	sshll.u32 s0, $0xA;
	s2 =	sadd.s32 s3, s2  }
0x8d: {  	s2 =	sadd.s32 s2, s16  }
0x8e: {  	[smem:$0x3FC2] =	sst s2  }
0x8f: {  	_ = 	snop  }
0x90: {  	(tm) =	ssettm $0x1  }
0x91: {  	s17 =	sld [smem:$0x3FFB];
	_ =	sdelay $0x3  }
0x92: {  	_ =	strace s17  }
0x93: {  	s2 =	sld [smem:$0x3FFC];
	_ =	sdelay $0x3  }
0x94: {  	_ =	strace s2  }
0x95: {  	s2 =	sld [smem:$0x3FFD];
	_ =	sdelay $0x3  }
0x96: {  	_ =	strace s2  }
0x97: {  	_ =	strace $0x8FFFFFFF  }
0x98: {  	s18 =	sld [smem:$0x3FDB];
	_ =	sdelay $0x1  }
0x99: {  	s19 =	simm.s32 $_scs_section_size  }
0x9a: {  	s4 =	simm.s32 $_size__tile_overlayer_lowered;
	s5 =	simm.s32 $_tile_overlayer_lowered  }
0x9b: {  	s22 =	simm.s32 $0x1BFF;
	s21 =	sshll.u32 s5, $0x1;
	s2 =	sadd.s32 s19, s18  }
0x9c: {  	s6 =	simm.s32 $0x0;
	s20 =	sshll.u32 s4, $0x1;
	s4 =	sadd.s32 s21, s2  }
0x9d: {  	[timem:s6], [sflag:s22] =	dma.local [hbm:s4], s20  }
0x9e: {  	_ =	swait.ge [sflag:s22], s20  }
0x9f: {  	s3 =	ssub.s32 $0x0, s20;
	[sflag:s22] =	ssyncset.done $0x0  }
0xa0: {  	[sflag:s22] =	ssyncadd.s32 s3;
	_ =	sdelay $0x1  }
0xa1: {  	s23 =	simm.s32 $0x1B8B  }
0xa2: {  	_ =	swait.ge [sflag:s23], $0x1  }
0xa3: {  	[sflag:s23] =	ssyncset.done $0x0  }
0xa4: {  	s25 =	simm.s32 $0x1B8E;
	s24 =	sld [smem:$0x3FFE];
	[sflag:s23] =	ssyncadd.s32 $0xFFFFFFFF  }
0xa5: {  	s26 =	simm.s32 $execute0_lowered;
	[smem:$0x3FD2] =	sst s25  }
0xa6: {  	s4 =	sshll.u32 s26, $0x1;
	_ =	strace $0x80000049;
	[dreg:$0x1] =	wrdreg $0xFFFFFFFF  }
0xa7: {  	s28 =	simm.s32 $_size_execute0_lowered;
	s2 =	sadd.s32 s2, s4;
	[dreg:$0x0] =	wrdreg $0x0  }
0xa8: {  	s4 =	sshll.u32 s28, $0x1;
	[dreg:$0x2] =	wrdreg s2  }
0xa9: {  	[dreg:$0x3] =	wrdreg s4  }
0xaa: {  	[dreg:$0x4] =	wrdreg $0xC0  }
0xab: {  	_ =	task [dreg:s6], $0x5FFFF  }
0xac: {  	[dreg:$0x1] =	wrdreg $0xFFFFFFFF  }
0xad: {  	[dreg:$0x0] =	wrdreg $0x60  }
0xae: {  	[dreg:$0x2] =	wrdreg s24  }
0xaf: {  	[dreg:$0x3] =	wrdreg $0xAFA00  }
0xb0: {  	[dreg:$0x4] =	wrdreg $0x9  }
0xb1: {  	_ =	task.clear_ibuf [dreg:s6], $0x5FFFF;
	_ =	strace $0x90000049  }
0xb2: {  	s29 =	simm.s32 $0x9;
	_ =	strace $0x8000004B  }
0xb3: {  	_ =	swait.ge [sflag:s29], $0x1  }
0xb4: {  	[sflag:s29] =	ssyncadd.s32 $0xFFFFFFFF  }
0xb5: {  	_ =	strace $0x9000004B  }
0xb6: {  	_ =	sfence  }
0xb7: {  	s30 =	sld [smem:$0x0];
	_ =	sdelay $0x2  }
0xb8: {  	s31 =	sshll.u32 s1, $0xD;
	s1 =	sshrl.u32 s1, $0x2  }
0xb9: {  	s3 =	sand.u32 $0x4000, s31;
	s1 =	sadd.s32 s1, s30  }
0xba: {  	s0 =	sor.u32 s3, s0;
	s1 =	sshll.u32 s1, $0x11  }
0xbb: {  	s0 =	sor.u32 s1, s0  }
0xbc: {  	s0 =	sadd.s32 $0x8F2B, s0  }
0xbd: {  	[sflag:s0] =	ssyncadd.remote.s32 $0x1  }
0xbe: {  	_ =	sfence.sel $0xFFFF  }
0xbf: {  	[dreg:$0x0] =	wrdreg $0xFFFFFFFF;
	(pc) =	sbr.abs _section_cstart, $3  }
0xc0: {  	[dreg:$0x1] =	wrdreg $0xFFFFFFFF  }
0xc1: {  	_ =	task.clear_ibuf [dreg:s6], $0x2FFFF;
	_ =	strace $0x9FFFFFFF  }
0xc2: {  	(tm) =	ssettm $0x7FFFFFFF  }
0xc3: {  	_ =	shalt  }
tec
execute0_lowered:
.L_overlay_start_1:
0x0: {  	(tag) =	ssettag $0x1  }
0x1: {  	s5 =	rddreg [dreg:$0x0]  }
0x2: {  	s2 =	rddreg [dreg:$0x1];
	s3 =	simm.s32 $0x0  }
0x3: {  	s6 =	simm.s32 $0xF0;
	[smem:$0x7FF] =	sst s3  }
0x4: {  	s7 =	simm.s32 $0x820;
	_ =	strace $0x8000004A;
	[dreg:$0x6] =	wrdreg s6  }
0x5: {  	s8 =	simm.s32 $0x870;
	[dreg:$0x7] =	wrdreg s7  }
0x6: {  	s10 =	simm.s32 $0x8C0;
	[dreg:$0x8] =	wrdreg s8  }
0x7: {  	s11 =	simm.s32 $0x140;
	[dreg:$0x9] =	wrdreg s10  }
0x8: {  	s12 =	simm.s32 $0x190;
	[dreg:$0xa] =	wrdreg s11  }
0x9: {  	s13 =	simm.s32 $0x1E0;
	[dreg:$0xb] =	wrdreg s12  }
0xa: {  	s14 =	simm.s32 $0x230;
	[dreg:$0xc] =	wrdreg s13  }
0xb: {  	s0 =	srdreg.scid;
	s15 =	simm.s32 $0x910;
	[dreg:$0xd] =	wrdreg s14  }
0xc: {  	s9 =	stileid.u32;
	s16 =	simm.s32 $0x960;
	[dreg:$0xe] =	wrdreg s15  }
0xd: {  	s17 =	simm.s32 $0x9B0;
	s18 =	simm.s32 $0xA00;
	[dreg:$0xf] =	wrdreg s16  }
0xe: {  	s19 =	simm.s32 $0x280;
	s20 =	simm.s32 $0x2D0;
	[dreg:$0x10] =	wrdreg s17  }
0xf: {  	s22 =	simm.s32 $0x320;
	s23 =	simm.s32 $0x370;
	[dreg:$0x11] =	wrdreg s18  }
0x10: {  	s24 =	simm.s32 $0xA50;
	s25 =	simm.s32 $0xAA0;
	[dreg:$0x12] =	wrdreg s19  }
0x11: {  	s28 =	simm.s32 $0x730;
	s29 =	simm.s32 $0xE10;
	[dreg:$0x13] =	wrdreg s20  }
0x12: {  	s30 =	simm.s32 $0xE60;
	s31 =	simm.s32 $0xEB0;
	[dreg:$0x14] =	wrdreg s22  }
0x13: {  	s0 =	sand.u32 $0x1, s0;
	s26 =	sshll.u32 s9, $0x6;
	[dreg:$0x15] =	wrdreg s23  }
0x14: {  	s1 =	sshll.u32 s0, $0x4;
	s6 =	smul.u32 $0x14000, s9;
	[dreg:$0x16] =	wrdreg s24  }
0x15: {  	s8 =	smul.u32 $0x140000, s0;
	s0 =	ssub.s32 $0x2, s0;
	[dreg:$0x17] =	wrdreg s25  }
0x16: {  	s10 =	simm.s32 $0x3C0;
	s11 =	simm.s32 $0x410;
	s12 =	simm.s32 $0x460  }
0x17: {  	s13 =	simm.s32 $0x4B0;
	s14 =	simm.s32 $0xB90;
	[dreg:$0x1a] =	wrdreg s10  }
0x18: {  	s15 =	simm.s32 $0xBE0;
	s16 =	simm.s32 $0xC30;
	[dreg:$0x1b] =	wrdreg s11  }
0x19: {  	s17 =	simm.s32 $0xC80;
	s18 =	simm.s32 $0x500;
	[dreg:$0x1c] =	wrdreg s12  }
0x1a: {  	s19 =	simm.s32 $0x550;
	s20 =	simm.s32 $0x5A0;
	[dreg:$0x1d] =	wrdreg s13  }
0x1b: {  	s22 =	simm.s32 $0xCD0;
	s23 =	simm.s32 $0xD20;
	[dreg:$0x1e] =	wrdreg s14  }
0x1c: {  	s24 =	simm.s32 $0xD70;
	s25 =	simm.s32 $0xDC0;
	[dreg:$0x1f] =	wrdreg s15  }
0x1d: {  	s1 =	sor.u32 s9, s1;
	s21 =	sshrl.u32 s0, $0x1;
	[smem:$0x7F1] =	sst s16  }
0x1e: {  	s9 =	simm.s32 $0xB40;
	s10 =	simm.s32 $0x9;
	[smem:$0x7F2] =	sst s17  }
0x1f: {  	s11 =	simm.s32 $0x7D0;
	s12 =	simm.s32 $0x50;
	[smem:$0x7F3] =	sst s18  }
0x20: {  	s13 =	simm.s32 $0xFA0;
	s14 =	simm.s32 $0x37A0;
	[smem:$0x7F4] =	sst s19  }
0x21: {  	s15 =	simm.s32 $0x5FA0;
	s16 =	simm.s32 $0x87A0;
	[smem:$0x7F5] =	sst s20  }
0x22: {  	s17 =	simm.s32 $0x1;
	s18 =	simm.s32 $0x2;
	[smem:$0x7F7] =	sst s22  }
0x23: {  	s19 =	simm.s32 $0x3;
	s20 =	simm.s32 $0x4;
	[smem:$0x7F8] =	sst s23  }
0x24: {  	s22 =	simm.s32 $0x6;
	[smem:$0x7F9] =	sst s24;
	s23 =	simm.s32 $0x7  }
0x25: {  	[smem:$0x7FA] =	sst s25;
	s1 =	smul.u32 $0x4E2, s1;
	s7 =	sshrl.u32 s6, $0x3  }
0x26: {  	s0 =	ssub.s32 s0, s21;
	[dreg:$0x19] =	wrdreg s9;
	s21 =	simm.s32 $0x5F0  }
0x27: {  	s7 =	sadd.s32 s7, s5;
	s0 =	smax.u32 s0, $0x1;
	[smem:$0x7F6] =	sst s21  }
0x28: {  	s1 =	sadd.s32 s1, s5;
	s7 =	sadd.s32 $0xF0800, s7;
	[smem:$0x7F0] =	sst s0  }
0x29: {  	s24 =	simm.s32 $0x8;
	s4 =	sadd.s32 $0xB600, s1;
	[smem:$0x7EE] =	sst s7  }
0x2a: {  	s25 =	simm.s32 $0x690;
	s1 =	sadd.s32 $0x1800, s1;
	[dreg:$0x3] =	wrdreg s4  }
0x2b: {  	s7 =	sor.u32 $0x1C09, s26;
	s26 =	simm.s32 $0x640;
	[dreg:$0x4] =	wrdreg s1  }
0x2c: {  	s8 =	sadd.s32 s6, s8;
	s6 =	sadd.s32 s6, s2;
	[smem:$0x7FB] =	sst s26  }
0x2d: {  	s9 =	simm.s32 $0x0;
	s4 =	simm.s32 $0xA0;
	[smem:$0x7FC] =	sst s7  }
0x2e: {  	s8 =	sshrl.u32 s8, $0x3;
	s21 =	simm.s32 $0x5;
	[dreg:$0x5] =	wrdreg s4  }
0x2f: {  	s4 =	sadd.s32 $0xC9600, s5;
	s5 =	sadd.s32 s8, s5;
	s8 =	simm.s32 $0xAF0  }
0x30: {  	s0 =	simm.s32 $0x780;
	[dreg:$0x18] =	wrdreg s8;
	s5 =	sadd.s32 $0x118800, s5  }
0x31: {  	s26 =	simm.s32 $0x6E0;
	s8 =	sshrl.u32 s6, $0x3;
	[smem:$0x7EF] =	sst s5  }
0x32: {  	s1 =	simm.s32 $0xF00;
	s5 =	simm.s32 $0xF50;
	[smem:$0x7FD] =	sst s8  }
.LBB2_1:
0x33: {  	s6 =	sld [smem:$0x7EE];
	_ =	sdelay $0x1  }
0x34: {  	[smem:$0x7ED] =	sst s9  }
0x35: {  	[spmem:s8], [sflag:s7] =	dma.local [hbm:s6], $0x2800  }
0x36: {  	_ =	swait.ge [sflag:s10], $0x2800  }
0x37: {  	[sflag:s10] =	ssyncset.done $0x0  }
0x38: {  	[sflag:s10] =	ssyncadd.s32 $0xFFFFD800  }
0x39: {  	[bflag:$0x0] =	sbarrier.arrive $0xFFFF  }
0x3a: {  	s9 =	rddreg [dreg:$0x3]  }
0x3b: {  	s6 =	sadd.s32 $0x0, s9  }
0x3c: {  	[tilespmem:s3], [sflag:$0x9] =	stream.linear.gather [hbm4b:s6+s3], $0x7D0, $0x38;
	[tilespmem:$0x1EFA0] =	vst v63  }
0x3d: {  	_ =	swait.ge [sflag:s10], $0x7D0  }
0x3e: {  	s7 =	rddreg [dreg:$0x4];
	[sflag:s10] =	ssyncset.done $0x0  }
0x3f: {  	[sflag:s10] =	ssyncadd.s32 $0xFFFFF830;
	s6 =	sadd.s32 $0x0, s7  }
0x40: {  	[tilespmem:s11], [sflag:$0x9] =	stream.linear.gather [hbm4b:s6+s3], $0x7D0, $0x38;
	[tilespmem:$0x1EFA0] =	vst v63  }
0x41: {  	_ =	swait.ge [sflag:s10], $0x7D0  }
0x42: {  	[sflag:s10] =	ssyncset.done $0x0  }
0x43: {  	[sflag:s10] =	ssyncadd.s32 $0xFFFFF830  }
0x44: {  	[tilespmem:s13], [sflag:$0x1] =	stream.indirect.gather [hbm4b:s4+s12], $0x80, s3, s12, $0xb8;
	[tilespmem:$0x1EFA0] =	vst v63  }
0x45: {  	_ = 	snop  }
0x46: {  	[tilespmem:s14], [sflag:$0x2] =	stream.indirect.gather [hbm4b:s4+s12], $0x80, s12, s12, $0xb8;
	[tilespmem:$0x1EFA0] =	vst v63  }
0x47: {  	s8 =	rddreg [dreg:$0x5]  }
0x48: {  	[tilespmem:s15], [sflag:$0x3] =	stream.indirect.gather [hbm4b:s4+s12], $0x80, s8, s12, $0xb8;
	[tilespmem:$0x1EFA0] =	vst v63  }
0x49: {  	s9 =	rddreg [dreg:$0x6]  }
0x4a: {  	[tilespmem:s16], [sflag:$0x4] =	stream.indirect.gather [hbm4b:s4+s12], $0x80, s9, s12, $0xb8;
	[tilespmem:$0x1EFA0] =	vst v63  }
0x4b: {  	_ =	swait.ge [sflag:s17], $0x2800  }
0x4c: {  	[sflag:s17] =	ssyncset.done $0x0  }
0x4d: {  	[sflag:s17] =	ssyncadd.s32 $0xFFFFD800  }
0x4e: {  	[spmem:s2] =	stream.indirect.scatter.add.f32 [tilespmem:s13], [sflag:$0x5], $0x80, s11, s12, $0xb8;
	[tilespmem:$0x1EFA0] =	vst v63  }
0x4f: {  	_ =	swait.ge [sflag:s18], $0x2800  }
0x50: {  	[sflag:s18] =	ssyncset.done $0x0  }
0x51: {  	s7 =	rddreg [dreg:$0x7];
	[sflag:s18] =	ssyncadd.s32 $0xFFFFD800  }
0x52: {  	[spmem:s2] =	stream.indirect.scatter.add.f32 [tilespmem:s14], [sflag:$0x6], $0x80, s7, s12, $0xb8;
	[tilespmem:$0x1EFA0] =	vst v63  }
0x53: {  	_ =	swait.ge [sflag:s19], $0x2800  }
0x54: {  	[sflag:s19] =	ssyncset.done $0x0  }
0x55: {  	s8 =	rddreg [dreg:$0x8];
	[sflag:s19] =	ssyncadd.s32 $0xFFFFD800  }
0x56: {  	[spmem:s2] =	stream.indirect.scatter.add.f32 [tilespmem:s15], [sflag:$0x7], $0x80, s8, s12, $0xb8;
	[tilespmem:$0x1EFA0] =	vst v63  }
0x57: {  	_ =	swait.ge [sflag:s20], $0x2800  }
0x58: {  	[sflag:s20] =	ssyncset.done $0x0  }
0x59: {  	s9 =	rddreg [dreg:$0x9];
	[sflag:s20] =	ssyncadd.s32 $0xFFFFD800  }
0x5a: {  	[spmem:s2] =	stream.indirect.scatter.add.f32 [tilespmem:s16], [sflag:$0x8], $0x80, s9, s12, $0xb8;
	[tilespmem:$0x1EFA0] =	vst v63  }
0x5b: {  	_ =	swait.ge [sflag:s21], $0x2800  }
0x5c: {  	[sflag:s21] =	ssyncset.done $0x0  }
0x5d: {  	s7 =	rddreg [dreg:$0xa];
	[sflag:s21] =	ssyncadd.s32 $0xFFFFD800  }
0x5e: {  	[tilespmem:s13], [sflag:$0x1] =	stream.indirect.gather [hbm4b:s4+s12], $0x80, s7, s12, $0xb8;
	[tilespmem:$0x1EFA0] =	vst v63  }
0x5f: {  	_ =	swait.ge [sflag:s22], $0x2800  }
0x60: {  	[sflag:s22] =	ssyncset.done $0x0  }
0x61: {  	s8 =	rddreg [dreg:$0xb];
	[sflag:s22] =	ssyncadd.s32 $0xFFFFD800  }
0x62: {  	[tilespmem:s14], [sflag:$0x2] =	stream.indirect.gather [hbm4b:s4+s12], $0x80, s8, s12, $0xb8;
	[tilespmem:$0x1EFA0] =	vst v63  }
0x63: {  	_ =	swait.ge [sflag:s23], $0x2800  }
0x64: {  	[sflag:s23] =	ssyncset.done $0x0  }
0x65: {  	s9 =	rddreg [dreg:$0xc];
	[sflag:s23] =	ssyncadd.s32 $0xFFFFD800  }
0x66: {  	[tilespmem:s15], [sflag:$0x3] =	stream.indirect.gather [hbm4b:s4+s12], $0x80, s9, s12, $0xb8;
	[tilespmem:$0x1EFA0] =	vst v63  }
0x67: {  	_ =	swait.ge [sflag:s24], $0x2800  }
0x68: {  	[sflag:s24] =	ssyncset.done $0x0  }
0x69: {  	s7 =	rddreg [dreg:$0xd];
	[sflag:s24] =	ssyncadd.s32 $0xFFFFD800  }
0x6a: {  	[tilespmem:s16], [sflag:$0x4] =	stream.indirect.gather [hbm4b:s4+s12], $0x80, s7, s12, $0xb8;
	[tilespmem:$0x1EFA0] =	vst v63  }
0x6b: {  	_ =	swait.ge [sflag:s17], $0x2800  }
0x6c: {  	[sflag:s17] =	ssyncset.done $0x0  }
0x6d: {  	s8 =	rddreg [dreg:$0xe];
	[sflag:s17] =	ssyncadd.s32 $0xFFFFD800  }
0x6e: {  	[spmem:s2] =	stream.indirect.scatter.add.f32 [tilespmem:s13], [sflag:$0x5], $0x80, s8, s12, $0xb8;
	[tilespmem:$0x1EFA0] =	vst v63  }
0x6f: {  	_ =	swait.ge [sflag:s18], $0x2800  }
0x70: {  	[sflag:s18] =	ssyncset.done $0x0  }
0x71: {  	s9 =	rddreg [dreg:$0xf];
	[sflag:s18] =	ssyncadd.s32 $0xFFFFD800  }
0x72: {  	[spmem:s2] =	stream.indirect.scatter.add.f32 [tilespmem:s14], [sflag:$0x6], $0x80, s9, s12, $0xb8;
	[tilespmem:$0x1EFA0] =	vst v63  }
0x73: {  	_ =	swait.ge [sflag:s19], $0x2800  }
0x74: {  	[sflag:s19] =	ssyncset.done $0x0  }
0x75: {  	s7 =	rddreg [dreg:$0x10];
	[sflag:s19] =	ssyncadd.s32 $0xFFFFD800  }
0x76: {  	[spmem:s2] =	stream.indirect.scatter.add.f32 [tilespmem:s15], [sflag:$0x7], $0x80, s7, s12, $0xb8;
	[tilespmem:$0x1EFA0] =	vst v63  }
0x77: {  	_ =	swait.ge [sflag:s20], $0x2800  }
0x78: {  	[sflag:s20] =	ssyncset.done $0x0  }
0x79: {  	s8 =	rddreg [dreg:$0x11];
	[sflag:s20] =	ssyncadd.s32 $0xFFFFD800  }
0x7a: {  	[spmem:s2] =	stream.indirect.scatter.add.f32 [tilespmem:s16], [sflag:$0x8], $0x80, s8, s12, $0xb8;
	[tilespmem:$0x1EFA0] =	vst v63  }
0x7b: {  	_ =	swait.ge [sflag:s21], $0x2800  }
0x7c: {  	[sflag:s21] =	ssyncset.done $0x0  }
0x7d: {  	s9 =	rddreg [dreg:$0x12];
	[sflag:s21] =	ssyncadd.s32 $0xFFFFD800  }
0x7e: {  	[tilespmem:s13], [sflag:$0x1] =	stream.indirect.gather [hbm4b:s4+s12], $0x80, s9, s12, $0xb8;
	[tilespmem:$0x1EFA0] =	vst v63  }
0x7f: {  	_ =	swait.ge [sflag:s22], $0x2800  }
0x80: {  	[sflag:s22] =	ssyncset.done $0x0  }
0x81: {  	s7 =	rddreg [dreg:$0x13];
	[sflag:s22] =	ssyncadd.s32 $0xFFFFD800  }
0x82: {  	[tilespmem:s14], [sflag:$0x2] =	stream.indirect.gather [hbm4b:s4+s12], $0x80, s7, s12, $0xb8;
	[tilespmem:$0x1EFA0] =	vst v63  }
0x83: {  	_ =	swait.ge [sflag:s23], $0x2800  }
0x84: {  	[sflag:s23] =	ssyncset.done $0x0  }
0x85: {  	s8 =	rddreg [dreg:$0x14];
	[sflag:s23] =	ssyncadd.s32 $0xFFFFD800  }
0x86: {  	[tilespmem:s15], [sflag:$0x3] =	stream.indirect.gather [hbm4b:s4+s12], $0x80, s8, s12, $0xb8;
	[tilespmem:$0x1EFA0] =	vst v63  }
0x87: {  	_ =	swait.ge [sflag:s24], $0x2800  }
0x88: {  	[sflag:s24] =	ssyncset.done $0x0  }
0x89: {  	s9 =	rddreg [dreg:$0x15];
	[sflag:s24] =	ssyncadd.s32 $0xFFFFD800  }
0x8a: {  	[tilespmem:s16], [sflag:$0x4] =	stream.indirect.gather [hbm4b:s4+s12], $0x80, s9, s12, $0xb8;
	[tilespmem:$0x1EFA0] =	vst v63  }
0x8b: {  	_ =	swait.ge [sflag:s17], $0x2800  }
0x8c: {  	[sflag:s17] =	ssyncset.done $0x0  }
0x8d: {  	s7 =	rddreg [dreg:$0x16];
	[sflag:s17] =	ssyncadd.s32 $0xFFFFD800  }
0x8e: {  	[spmem:s2] =	stream.indirect.scatter.add.f32 [tilespmem:s13], [sflag:$0x5], $0x80, s7, s12, $0xb8;
	[tilespmem:$0x1EFA0] =	vst v63  }
0x8f: {  	_ =	swait.ge [sflag:s18], $0x2800  }
0x90: {  	[sflag:s18] =	ssyncset.done $0x0  }
0x91: {  	s8 =	rddreg [dreg:$0x17];
	[sflag:s18] =	ssyncadd.s32 $0xFFFFD800  }
0x92: {  	[spmem:s2] =	stream.indirect.scatter.add.f32 [tilespmem:s14], [sflag:$0x6], $0x80, s8, s12, $0xb8;
	[tilespmem:$0x1EFA0] =	vst v63  }
0x93: {  	_ =	swait.ge [sflag:s19], $0x2800  }
0x94: {  	[sflag:s19] =	ssyncset.done $0x0  }
0x95: {  	s9 =	rddreg [dreg:$0x18];
	[sflag:s19] =	ssyncadd.s32 $0xFFFFD800  }
0x96: {  	[spmem:s2] =	stream.indirect.scatter.add.f32 [tilespmem:s15], [sflag:$0x7], $0x80, s9, s12, $0xb8;
	[tilespmem:$0x1EFA0] =	vst v63  }
0x97: {  	_ =	swait.ge [sflag:s20], $0x2800  }
0x98: {  	[sflag:s20] =	ssyncset.done $0x0  }
0x99: {  	s7 =	rddreg [dreg:$0x19];
	[sflag:s20] =	ssyncadd.s32 $0xFFFFD800  }
0x9a: {  	[spmem:s2] =	stream.indirect.scatter.add.f32 [tilespmem:s16], [sflag:$0x8], $0x80, s7, s12, $0xb8;
	[tilespmem:$0x1EFA0] =	vst v63  }
0x9b: {  	_ =	swait.ge [sflag:s21], $0x2800  }
0x9c: {  	[sflag:s21] =	ssyncset.done $0x0  }
0x9d: {  	s8 =	rddreg [dreg:$0x1a];
	[sflag:s21] =	ssyncadd.s32 $0xFFFFD800  }
0x9e: {  	[tilespmem:s13], [sflag:$0x1] =	stream.indirect.gather [hbm4b:s4+s12], $0x80, s8, s12, $0xb8;
	[tilespmem:$0x1EFA0] =	vst v63  }
0x9f: {  	_ =	swait.ge [sflag:s22], $0x2800  }
0xa0: {  	[sflag:s22] =	ssyncset.done $0x0  }
0xa1: {  	s9 =	rddreg [dreg:$0x1b];
	[sflag:s22] =	ssyncadd.s32 $0xFFFFD800  }
0xa2: {  	[tilespmem:s14], [sflag:$0x2] =	stream.indirect.gather [hbm4b:s4+s12], $0x80, s9, s12, $0xb8;
	[tilespmem:$0x1EFA0] =	vst v63  }
0xa3: {  	_ =	swait.ge [sflag:s23], $0x2800  }
0xa4: {  	[sflag:s23] =	ssyncset.done $0x0  }
0xa5: {  	s7 =	rddreg [dreg:$0x1c];
	[sflag:s23] =	ssyncadd.s32 $0xFFFFD800  }
0xa6: {  	[tilespmem:s15], [sflag:$0x3] =	stream.indirect.gather [hbm4b:s4+s12], $0x80, s7, s12, $0xb8;
	[tilespmem:$0x1EFA0] =	vst v63  }
0xa7: {  	_ =	swait.ge [sflag:s24], $0x2800  }
0xa8: {  	[sflag:s24] =	ssyncset.done $0x0  }
0xa9: {  	s8 =	rddreg [dreg:$0x1d];
	[sflag:s24] =	ssyncadd.s32 $0xFFFFD800  }
0xaa: {  	[tilespmem:s16], [sflag:$0x4] =	stream.indirect.gather [hbm4b:s4+s12], $0x80, s8, s12, $0xb8;
	[tilespmem:$0x1EFA0] =	vst v63  }
0xab: {  	_ =	swait.ge [sflag:s17], $0x2800  }
0xac: {  	[sflag:s17] =	ssyncset.done $0x0  }
0xad: {  	s9 =	rddreg [dreg:$0x1e];
	[sflag:s17] =	ssyncadd.s32 $0xFFFFD800  }
0xae: {  	[spmem:s2] =	stream.indirect.scatter.add.f32 [tilespmem:s13], [sflag:$0x5], $0x80, s9, s12, $0xb8;
	[tilespmem:$0x1EFA0] =	vst v63  }
0xaf: {  	_ =	swait.ge [sflag:s18], $0x2800  }
0xb0: {  	[sflag:s18] =	ssyncset.done $0x0  }
0xb1: {  	s7 =	rddreg [dreg:$0x1f];
	[sflag:s18] =	ssyncadd.s32 $0xFFFFD800  }
0xb2: {  	[spmem:s2] =	stream.indirect.scatter.add.f32 [tilespmem:s14], [sflag:$0x6], $0x80, s7, s12, $0xb8;
	[tilespmem:$0x1EFA0] =	vst v63  }
0xb3: {  	_ =	swait.ge [sflag:s19], $0x2800  }
0xb4: {  	s8 =	sld [smem:$0x7F1]  }
0xb5: {  	[sflag:s19] =	ssyncset.done $0x0  }
0xb6: {  	[sflag:s19] =	ssyncadd.s32 $0xFFFFD800  }
0xb7: {  	[spmem:s2] =	stream.indirect.scatter.add.f32 [tilespmem:s15], [sflag:$0x7], $0x80, s8, s12, $0xb8;
	[tilespmem:$0x1EFA0] =	vst v63  }
0xb8: {  	_ =	swait.ge [sflag:s20], $0x2800  }
0xb9: {  	s9 =	sld [smem:$0x7F2]  }
0xba: {  	[sflag:s20] =	ssyncset.done $0x0  }
0xbb: {  	[sflag:s20] =	ssyncadd.s32 $0xFFFFD800  }
0xbc: {  	[spmem:s2] =	stream.indirect.scatter.add.f32 [tilespmem:s16], [sflag:$0x8], $0x80, s9, s12, $0xb8;
	[tilespmem:$0x1EFA0] =	vst v63  }
0xbd: {  	_ =	swait.ge [sflag:s21], $0x2800  }
0xbe: {  	s7 =	sld [smem:$0x7F3]  }
0xbf: {  	[sflag:s21] =	ssyncset.done $0x0  }
0xc0: {  	[sflag:s21] =	ssyncadd.s32 $0xFFFFD800  }
0xc1: {  	[tilespmem:s13], [sflag:$0x1] =	stream.indirect.gather [hbm4b:s4+s12], $0x80, s7, s12, $0xb8;
	[tilespmem:$0x1EFA0] =	vst v63  }
0xc2: {  	_ =	swait.ge [sflag:s22], $0x2800  }
0xc3: {  	s8 =	sld [smem:$0x7F4]  }
0xc4: {  	[sflag:s22] =	ssyncset.done $0x0  }
0xc5: {  	[sflag:s22] =	ssyncadd.s32 $0xFFFFD800  }
0xc6: {  	[tilespmem:s14], [sflag:$0x2] =	stream.indirect.gather [hbm4b:s4+s12], $0x80, s8, s12, $0xb8;
	[tilespmem:$0x1EFA0] =	vst v63  }
0xc7: {  	_ =	swait.ge [sflag:s23], $0x2800  }
0xc8: {  	s9 =	sld [smem:$0x7F5]  }
0xc9: {  	[sflag:s23] =	ssyncset.done $0x0  }
0xca: {  	[sflag:s23] =	ssyncadd.s32 $0xFFFFD800  }
0xcb: {  	[tilespmem:s15], [sflag:$0x3] =	stream.indirect.gather [hbm4b:s4+s12], $0x80, s9, s12, $0xb8;
	[tilespmem:$0x1EFA0] =	vst v63  }
0xcc: {  	_ =	swait.ge [sflag:s24], $0x2800  }
0xcd: {  	s7 =	sld [smem:$0x7F6]  }
0xce: {  	[sflag:s24] =	ssyncset.done $0x0  }
0xcf: {  	[sflag:s24] =	ssyncadd.s32 $0xFFFFD800  }
0xd0: {  	[tilespmem:s16], [sflag:$0x4] =	stream.indirect.gather [hbm4b:s4+s12], $0x80, s7, s12, $0xb8;
	[tilespmem:$0x1EFA0] =	vst v63  }
0xd1: {  	_ =	swait.ge [sflag:s17], $0x2800  }
0xd2: {  	s8 =	sld [smem:$0x7F7]  }
0xd3: {  	[sflag:s17] =	ssyncset.done $0x0  }
0xd4: {  	[sflag:s17] =	ssyncadd.s32 $0xFFFFD800  }
0xd5: {  	[spmem:s2] =	stream.indirect.scatter.add.f32 [tilespmem:s13], [sflag:$0x5], $0x80, s8, s12, $0xb8;
	[tilespmem:$0x1EFA0] =	vst v63  }
0xd6: {  	_ =	swait.ge [sflag:s18], $0x2800  }
0xd7: {  	s9 =	sld [smem:$0x7F8]  }
0xd8: {  	[sflag:s18] =	ssyncset.done $0x0  }
0xd9: {  	[sflag:s18] =	ssyncadd.s32 $0xFFFFD800  }
0xda: {  	[spmem:s2] =	stream.indirect.scatter.add.f32 [tilespmem:s14], [sflag:$0x6], $0x80, s9, s12, $0xb8;
	[tilespmem:$0x1EFA0] =	vst v63  }
0xdb: {  	_ =	swait.ge [sflag:s19], $0x2800  }
0xdc: {  	s7 =	sld [smem:$0x7F9]  }
0xdd: {  	[sflag:s19] =	ssyncset.done $0x0  }
0xde: {  	[sflag:s19] =	ssyncadd.s32 $0xFFFFD800  }
0xdf: {  	[spmem:s2] =	stream.indirect.scatter.add.f32 [tilespmem:s15], [sflag:$0x7], $0x80, s7, s12, $0xb8;
	[tilespmem:$0x1EFA0] =	vst v63  }
0xe0: {  	_ =	swait.ge [sflag:s20], $0x2800  }
0xe1: {  	s8 =	sld [smem:$0x7FA]  }
0xe2: {  	[sflag:s20] =	ssyncset.done $0x0  }
0xe3: {  	[sflag:s20] =	ssyncadd.s32 $0xFFFFD800  }
0xe4: {  	[spmem:s2] =	stream.indirect.scatter.add.f32 [tilespmem:s16], [sflag:$0x8], $0x80, s8, s12, $0xb8;
	[tilespmem:$0x1EFA0] =	vst v63  }
0xe5: {  	_ =	swait.ge [sflag:s21], $0x2800  }
0xe6: {  	s9 =	sld [smem:$0x7FB]  }
0xe7: {  	[sflag:s21] =	ssyncset.done $0x0  }
0xe8: {  	[sflag:s21] =	ssyncadd.s32 $0xFFFFD800  }
0xe9: {  	[tilespmem:s13], [sflag:$0x1] =	stream.indirect.gather [hbm4b:s4+s12], $0x80, s9, s12, $0xb8;
	[tilespmem:$0x1EFA0] =	vst v63  }
0xea: {  	_ =	swait.ge [sflag:s22], $0x2800  }
0xeb: {  	[sflag:s22] =	ssyncset.done $0x0  }
0xec: {  	[sflag:s22] =	ssyncadd.s32 $0xFFFFD800  }
0xed: {  	[tilespmem:s14], [sflag:$0x2] =	stream.indirect.gather [hbm4b:s4+s12], $0x80, s25, s12, $0xb8;
	[tilespmem:$0x1EFA0] =	vst v63  }
0xee: {  	_ =	swait.ge [sflag:s23], $0x2800  }
0xef: {  	[sflag:s23] =	ssyncset.done $0x0  }
0xf0: {  	[sflag:s23] =	ssyncadd.s32 $0xFFFFD800  }
0xf1: {  	[tilespmem:s15], [sflag:$0x3] =	stream.indirect.gather [hbm4b:s4+s12], $0x80, s26, s12, $0xb8;
	[tilespmem:$0x1EFA0] =	vst v63  }
0xf2: {  	_ =	swait.ge [sflag:s24], $0x2800  }
0xf3: {  	[sflag:s24] =	ssyncset.done $0x0  }
0xf4: {  	[sflag:s24] =	ssyncadd.s32 $0xFFFFD800  }
0xf5: {  	[tilespmem:s16], [sflag:$0x4] =	stream.indirect.gather [hbm4b:s4+s12], $0x80, s28, s12, $0xb8;
	[tilespmem:$0x1EFA0] =	vst v63  }
0xf6: {  	_ =	swait.ge [sflag:s17], $0x2800  }
0xf7: {  	[sflag:s17] =	ssyncset.done $0x0  }
0xf8: {  	[sflag:s17] =	ssyncadd.s32 $0xFFFFD800  }
0xf9: {  	[spmem:s2] =	stream.indirect.scatter.add.f32 [tilespmem:s13], [sflag:$0x5], $0x80, s29, s12, $0xb8;
	[tilespmem:$0x1EFA0] =	vst v63  }
0xfa: {  	_ =	swait.ge [sflag:s18], $0x2800  }
0xfb: {  	[sflag:s18] =	ssyncset.done $0x0  }
0xfc: {  	[sflag:s18] =	ssyncadd.s32 $0xFFFFD800  }
0xfd: {  	[spmem:s2] =	stream.indirect.scatter.add.f32 [tilespmem:s14], [sflag:$0x6], $0x80, s30, s12, $0xb8;
	[tilespmem:$0x1EFA0] =	vst v63  }
0xfe: {  	_ =	swait.ge [sflag:s19], $0x2800  }
0xff: {  	[sflag:s19] =	ssyncset.done $0x0  }
0x100: {  	[sflag:s19] =	ssyncadd.s32 $0xFFFFD800  }
0x101: {  	[spmem:s2] =	stream.indirect.scatter.add.f32 [tilespmem:s15], [sflag:$0x7], $0x80, s31, s12, $0xb8;
	[tilespmem:$0x1EFA0] =	vst v63  }
0x102: {  	_ =	swait.ge [sflag:s20], $0x2800  }
0x103: {  	[sflag:s20] =	ssyncset.done $0x0  }
0x104: {  	[sflag:s20] =	ssyncadd.s32 $0xFFFFD800  }
0x105: {  	[spmem:s2] =	stream.indirect.scatter.add.f32 [tilespmem:s16], [sflag:$0x8], $0x80, s1, s12, $0xb8;
	[tilespmem:$0x1EFA0] =	vst v63  }
0x106: {  	_ =	swait.ge [sflag:s21], $0x2800  }
0x107: {  	[sflag:s21] =	ssyncset.done $0x0  }
0x108: {  	[sflag:s21] =	ssyncadd.s32 $0xFFFFD800  }
0x109: {  	_ =	swait.ge [sflag:s22], $0x2800  }
0x10a: {  	[sflag:s22] =	ssyncset.done $0x0  }
0x10b: {  	[sflag:s22] =	ssyncadd.s32 $0xFFFFD800  }
0x10c: {  	_ =	swait.ge [sflag:s23], $0x2800  }
0x10d: {  	[sflag:s23] =	ssyncset.done $0x0  }
0x10e: {  	[sflag:s23] =	ssyncadd.s32 $0xFFFFD800  }
0x10f: {  	_ =	swait.ge [sflag:s24], $0x2800  }
0x110: {  	[sflag:s24] =	ssyncset.done $0x0  }
0x111: {  	[sflag:s24] =	ssyncadd.s32 $0xFFFFD800  }
0x112: {  	[tilespmem:s13], [sflag:$0x9] =	stream.indirect.gather [hbm4b:s4+s12], $0x80, s0, s12, $0xb8;
	[tilespmem:$0x1EFA0] =	vst v63  }
0x113: {  	_ =	swait.ge [sflag:s10], $0x2800  }
0x114: {  	[sflag:s10] =	ssyncset.done $0x0  }
0x115: {  	[sflag:s10] =	ssyncadd.s32 $0xFFFFD800  }
0x116: {  	[spmem:s2] =	stream.indirect.scatter.add.f32 [tilespmem:s13], [sflag:$0x9], $0x80, s5, s12, $0xb8;
	[tilespmem:$0x1EFA0] =	vst v63  }
0x117: {  	s6 =	simm.s32 $0x1F4;
	_ =	swait.ge [sflag:s10], $0x2800  }
0x118: {  	s8 =	simm.s32 $0xFA;
	s9 =	rddreg [dreg:$0x3];
	[sflag:s10] =	ssyncset.done $0x0  }
.LBB2_2:
0x119: {  	[sflag:s10] =	ssyncadd.s32 $0xFFFFD800;
	s9 =	sadd.s32 s8, s9  }
0x11a: {  	[tilespmem:s3], [sflag:$0x9] =	stream.linear.gather [hbm4b:s9+s3], $0x7D0, $0x38;
	[tilespmem:$0x1EFA0] =	vst v63  }
0x11b: {  	_ =	swait.ge [sflag:s10], $0x7D0  }
0x11c: {  	s9 =	rddreg [dreg:$0x4];
	[sflag:s10] =	ssyncset.done $0x0  }
0x11d: {  	[sflag:s10] =	ssyncadd.s32 $0xFFFFF830;
	s9 =	sadd.s32 s8, s9  }
0x11e: {  	[tilespmem:s11], [sflag:$0x9] =	stream.linear.gather [hbm4b:s9+s3], $0x7D0, $0x38;
	[tilespmem:$0x1EFA0] =	vst v63  }
0x11f: {  	_ =	swait.ge [sflag:s10], $0x7D0  }
0x120: {  	[sflag:s10] =	ssyncset.done $0x0  }
0x121: {  	[sflag:s10] =	ssyncadd.s32 $0xFFFFF830  }
0x122: {  	[tilespmem:s13], [sflag:$0x1] =	stream.indirect.gather [hbm4b:s4+s12], $0x80, s3, s12, $0xb8;
	[tilespmem:$0x1EFA0] =	vst v63  }
0x123: {  	s7 =	smov.u32 s6  }
0x124: {  	[tilespmem:s14], [sflag:$0x2] =	stream.indirect.gather [hbm4b:s4+s12], $0x80, s12, s12, $0xb8;
	[tilespmem:$0x1EFA0] =	vst v63  }
0x125: {  	s8 =	smov.u32 s7;
	s7 =	rddreg [dreg:$0x5]  }
0x126: {  	[tilespmem:s15], [sflag:$0x3] =	stream.indirect.gather [hbm4b:s4+s12], $0x80, s7, s12, $0xb8;
	[tilespmem:$0x1EFA0] =	vst v63  }
0x127: {  	s9 =	rddreg [dreg:$0x6]  }
0x128: {  	[tilespmem:s16], [sflag:$0x4] =	stream.indirect.gather [hbm4b:s4+s12], $0x80, s9, s12, $0xb8;
	[tilespmem:$0x1EFA0] =	vst v63  }
0x129: {  	_ =	swait.ge [sflag:s17], $0x2800  }
0x12a: {  	[sflag:s17] =	ssyncset.done $0x0  }
0x12b: {  	[sflag:s17] =	ssyncadd.s32 $0xFFFFD800  }
0x12c: {  	[spmem:s2] =	stream.indirect.scatter.add.f32 [tilespmem:s13], [sflag:$0x5], $0x80, s11, s12, $0xb8;
	[tilespmem:$0x1EFA0] =	vst v63  }
0x12d: {  	_ =	swait.ge [sflag:s18], $0x2800  }
0x12e: {  	[sflag:s18] =	ssyncset.done $0x0  }
0x12f: {  	s9 =	rddreg [dreg:$0x7];
	[sflag:s18] =	ssyncadd.s32 $0xFFFFD800  }
0x130: {  	[spmem:s2] =	stream.indirect.scatter.add.f32 [tilespmem:s14], [sflag:$0x6], $0x80, s9, s12, $0xb8;
	[tilespmem:$0x1EFA0] =	vst v63  }
0x131: {  	_ =	swait.ge [sflag:s19], $0x2800  }
0x132: {  	[sflag:s19] =	ssyncset.done $0x0  }
0x133: {  	s9 =	rddreg [dreg:$0x8];
	[sflag:s19] =	ssyncadd.s32 $0xFFFFD800  }
0x134: {  	[spmem:s2] =	stream.indirect.scatter.add.f32 [tilespmem:s15], [sflag:$0x7], $0x80, s9, s12, $0xb8;
	[tilespmem:$0x1EFA0] =	vst v63  }
0x135: {  	_ =	swait.ge [sflag:s20], $0x2800  }
0x136: {  	[sflag:s20] =	ssyncset.done $0x0  }
0x137: {  	s9 =	rddreg [dreg:$0x9];
	[sflag:s20] =	ssyncadd.s32 $0xFFFFD800  }
0x138: {  	[spmem:s2] =	stream.indirect.scatter.add.f32 [tilespmem:s16], [sflag:$0x8], $0x80, s9, s12, $0xb8;
	[tilespmem:$0x1EFA0] =	vst v63  }
0x139: {  	_ =	swait.ge [sflag:s21], $0x2800  }
0x13a: {  	[sflag:s21] =	ssyncset.done $0x0  }
0x13b: {  	s9 =	rddreg [dreg:$0xa];
	[sflag:s21] =	ssyncadd.s32 $0xFFFFD800  }
0x13c: {  	[tilespmem:s13], [sflag:$0x1] =	stream.indirect.gather [hbm4b:s4+s12], $0x80, s9, s12, $0xb8;
	[tilespmem:$0x1EFA0] =	vst v63  }
0x13d: {  	_ =	swait.ge [sflag:s22], $0x2800  }
0x13e: {  	[sflag:s22] =	ssyncset.done $0x0  }
0x13f: {  	s9 =	rddreg [dreg:$0xb];
	[sflag:s22] =	ssyncadd.s32 $0xFFFFD800  }
0x140: {  	[tilespmem:s14], [sflag:$0x2] =	stream.indirect.gather [hbm4b:s4+s12], $0x80, s9, s12, $0xb8;
	[tilespmem:$0x1EFA0] =	vst v63  }
0x141: {  	_ =	swait.ge [sflag:s23], $0x2800  }
0x142: {  	[sflag:s23] =	ssyncset.done $0x0  }
0x143: {  	s9 =	rddreg [dreg:$0xc];
	[sflag:s23] =	ssyncadd.s32 $0xFFFFD800  }
0x144: {  	[tilespmem:s15], [sflag:$0x3] =	stream.indirect.gather [hbm4b:s4+s12], $0x80, s9, s12, $0xb8;
	[tilespmem:$0x1EFA0] =	vst v63  }
0x145: {  	_ =	swait.ge [sflag:s24], $0x2800  }
0x146: {  	[sflag:s24] =	ssyncset.done $0x0  }
0x147: {  	s9 =	rddreg [dreg:$0xd];
	[sflag:s24] =	ssyncadd.s32 $0xFFFFD800  }
0x148: {  	[tilespmem:s16], [sflag:$0x4] =	stream.indirect.gather [hbm4b:s4+s12], $0x80, s9, s12, $0xb8;
	[tilespmem:$0x1EFA0] =	vst v63  }
0x149: {  	_ =	swait.ge [sflag:s17], $0x2800  }
0x14a: {  	[sflag:s17] =	ssyncset.done $0x0  }
0x14b: {  	s9 =	rddreg [dreg:$0xe];
	[sflag:s17] =	ssyncadd.s32 $0xFFFFD800  }
0x14c: {  	[spmem:s2] =	stream.indirect.scatter.add.f32 [tilespmem:s13], [sflag:$0x5], $0x80, s9, s12, $0xb8;
	[tilespmem:$0x1EFA0] =	vst v63  }
0x14d: {  	_ =	swait.ge [sflag:s18], $0x2800  }
0x14e: {  	[sflag:s18] =	ssyncset.done $0x0  }
0x14f: {  	s9 =	rddreg [dreg:$0xf];
	[sflag:s18] =	ssyncadd.s32 $0xFFFFD800  }
0x150: {  	[spmem:s2] =	stream.indirect.scatter.add.f32 [tilespmem:s14], [sflag:$0x6], $0x80, s9, s12, $0xb8;
	[tilespmem:$0x1EFA0] =	vst v63  }
0x151: {  	_ =	swait.ge [sflag:s19], $0x2800  }
0x152: {  	[sflag:s19] =	ssyncset.done $0x0  }
0x153: {  	s9 =	rddreg [dreg:$0x10];
	[sflag:s19] =	ssyncadd.s32 $0xFFFFD800  }
0x154: {  	[spmem:s2] =	stream.indirect.scatter.add.f32 [tilespmem:s15], [sflag:$0x7], $0x80, s9, s12, $0xb8;
	[tilespmem:$0x1EFA0] =	vst v63  }
0x155: {  	_ =	swait.ge [sflag:s20], $0x2800  }
0x156: {  	[sflag:s20] =	ssyncset.done $0x0  }
0x157: {  	s9 =	rddreg [dreg:$0x11];
	[sflag:s20] =	ssyncadd.s32 $0xFFFFD800  }
0x158: {  	[spmem:s2] =	stream.indirect.scatter.add.f32 [tilespmem:s16], [sflag:$0x8], $0x80, s9, s12, $0xb8;
	[tilespmem:$0x1EFA0] =	vst v63  }
0x159: {  	_ =	swait.ge [sflag:s21], $0x2800  }
0x15a: {  	[sflag:s21] =	ssyncset.done $0x0  }
0x15b: {  	s9 =	rddreg [dreg:$0x12];
	[sflag:s21] =	ssyncadd.s32 $0xFFFFD800  }
0x15c: {  	[tilespmem:s13], [sflag:$0x1] =	stream.indirect.gather [hbm4b:s4+s12], $0x80, s9, s12, $0xb8;
	[tilespmem:$0x1EFA0] =	vst v63  }
0x15d: {  	_ =	swait.ge [sflag:s22], $0x2800  }
0x15e: {  	[sflag:s22] =	ssyncset.done $0x0  }
0x15f: {  	s9 =	rddreg [dreg:$0x13];
	[sflag:s22] =	ssyncadd.s32 $0xFFFFD800  }
0x160: {  	[tilespmem:s14], [sflag:$0x2] =	stream.indirect.gather [hbm4b:s4+s12], $0x80, s9, s12, $0xb8;
	[tilespmem:$0x1EFA0] =	vst v63  }
0x161: {  	_ =	swait.ge [sflag:s23], $0x2800  }
0x162: {  	[sflag:s23] =	ssyncset.done $0x0  }
0x163: {  	s9 =	rddreg [dreg:$0x14];
	[sflag:s23] =	ssyncadd.s32 $0xFFFFD800  }
0x164: {  	[tilespmem:s15], [sflag:$0x3] =	stream.indirect.gather [hbm4b:s4+s12], $0x80, s9, s12, $0xb8;
	[tilespmem:$0x1EFA0] =	vst v63  }
0x165: {  	_ =	swait.ge [sflag:s24], $0x2800  }
0x166: {  	[sflag:s24] =	ssyncset.done $0x0  }
0x167: {  	s9 =	rddreg [dreg:$0x15];
	[sflag:s24] =	ssyncadd.s32 $0xFFFFD800  }
0x168: {  	[tilespmem:s16], [sflag:$0x4] =	stream.indirect.gather [hbm4b:s4+s12], $0x80, s9, s12, $0xb8;
	[tilespmem:$0x1EFA0] =	vst v63  }
0x169: {  	_ =	swait.ge [sflag:s17], $0x2800  }
0x16a: {  	[sflag:s17] =	ssyncset.done $0x0  }
0x16b: {  	s9 =	rddreg [dreg:$0x16];
	[sflag:s17] =	ssyncadd.s32 $0xFFFFD800  }
0x16c: {  	[spmem:s2] =	stream.indirect.scatter.add.f32 [tilespmem:s13], [sflag:$0x5], $0x80, s9, s12, $0xb8;
	[tilespmem:$0x1EFA0] =	vst v63  }
0x16d: {  	_ =	swait.ge [sflag:s18], $0x2800  }
0x16e: {  	[sflag:s18] =	ssyncset.done $0x0  }
0x16f: {  	s9 =	rddreg [dreg:$0x17];
	[sflag:s18] =	ssyncadd.s32 $0xFFFFD800  }
0x170: {  	[spmem:s2] =	stream.indirect.scatter.add.f32 [tilespmem:s14], [sflag:$0x6], $0x80, s9, s12, $0xb8;
	[tilespmem:$0x1EFA0] =	vst v63  }
0x171: {  	_ =	swait.ge [sflag:s19], $0x2800  }
0x172: {  	[sflag:s19] =	ssyncset.done $0x0  }
0x173: {  	s9 =	rddreg [dreg:$0x18];
	[sflag:s19] =	ssyncadd.s32 $0xFFFFD800  }
0x174: {  	[spmem:s2] =	stream.indirect.scatter.add.f32 [tilespmem:s15], [sflag:$0x7], $0x80, s9, s12, $0xb8;
	[tilespmem:$0x1EFA0] =	vst v63  }
0x175: {  	_ =	swait.ge [sflag:s20], $0x2800  }
0x176: {  	[sflag:s20] =	ssyncset.done $0x0  }
0x177: {  	s9 =	rddreg [dreg:$0x19];
	[sflag:s20] =	ssyncadd.s32 $0xFFFFD800  }
0x178: {  	[spmem:s2] =	stream.indirect.scatter.add.f32 [tilespmem:s16], [sflag:$0x8], $0x80, s9, s12, $0xb8;
	[tilespmem:$0x1EFA0] =	vst v63  }
0x179: {  	_ =	swait.ge [sflag:s21], $0x2800  }
0x17a: {  	[sflag:s21] =	ssyncset.done $0x0  }
0x17b: {  	s9 =	rddreg [dreg:$0x1a];
	[sflag:s21] =	ssyncadd.s32 $0xFFFFD800  }
0x17c: {  	[tilespmem:s13], [sflag:$0x1] =	stream.indirect.gather [hbm4b:s4+s12], $0x80, s9, s12, $0xb8;
	[tilespmem:$0x1EFA0] =	vst v63  }
0x17d: {  	_ =	swait.ge [sflag:s22], $0x2800  }
0x17e: {  	[sflag:s22] =	ssyncset.done $0x0  }
0x17f: {  	s9 =	rddreg [dreg:$0x1b];
	[sflag:s22] =	ssyncadd.s32 $0xFFFFD800  }
0x180: {  	[tilespmem:s14], [sflag:$0x2] =	stream.indirect.gather [hbm4b:s4+s12], $0x80, s9, s12, $0xb8;
	[tilespmem:$0x1EFA0] =	vst v63  }
0x181: {  	_ =	swait.ge [sflag:s23], $0x2800  }
0x182: {  	[sflag:s23] =	ssyncset.done $0x0  }
0x183: {  	s9 =	rddreg [dreg:$0x1c];
	[sflag:s23] =	ssyncadd.s32 $0xFFFFD800  }
0x184: {  	[tilespmem:s15], [sflag:$0x3] =	stream.indirect.gather [hbm4b:s4+s12], $0x80, s9, s12, $0xb8;
	[tilespmem:$0x1EFA0] =	vst v63  }
0x185: {  	_ =	swait.ge [sflag:s24], $0x2800  }
0x186: {  	[sflag:s24] =	ssyncset.done $0x0  }
0x187: {  	s9 =	rddreg [dreg:$0x1d];
	[sflag:s24] =	ssyncadd.s32 $0xFFFFD800  }
0x188: {  	[tilespmem:s16], [sflag:$0x4] =	stream.indirect.gather [hbm4b:s4+s12], $0x80, s9, s12, $0xb8;
	[tilespmem:$0x1EFA0] =	vst v63  }
0x189: {  	_ =	swait.ge [sflag:s17], $0x2800  }
0x18a: {  	[sflag:s17] =	ssyncset.done $0x0  }
0x18b: {  	s9 =	rddreg [dreg:$0x1e];
	[sflag:s17] =	ssyncadd.s32 $0xFFFFD800  }
0x18c: {  	[spmem:s2] =	stream.indirect.scatter.add.f32 [tilespmem:s13], [sflag:$0x5], $0x80, s9, s12, $0xb8;
	[tilespmem:$0x1EFA0] =	vst v63  }
0x18d: {  	_ =	swait.ge [sflag:s18], $0x2800  }
0x18e: {  	[sflag:s18] =	ssyncset.done $0x0  }
0x18f: {  	s9 =	rddreg [dreg:$0x1f];
	[sflag:s18] =	ssyncadd.s32 $0xFFFFD800  }
0x190: {  	[spmem:s2] =	stream.indirect.scatter.add.f32 [tilespmem:s14], [sflag:$0x6], $0x80, s9, s12, $0xb8;
	[tilespmem:$0x1EFA0] =	vst v63  }
0x191: {  	_ =	swait.ge [sflag:s19], $0x2800  }
0x192: {  	s9 =	sld [smem:$0x7F1]  }
0x193: {  	[sflag:s19] =	ssyncset.done $0x0  }
0x194: {  	[sflag:s19] =	ssyncadd.s32 $0xFFFFD800  }
0x195: {  	[spmem:s2] =	stream.indirect.scatter.add.f32 [tilespmem:s15], [sflag:$0x7], $0x80, s9, s12, $0xb8;
	[tilespmem:$0x1EFA0] =	vst v63  }
0x196: {  	_ =	swait.ge [sflag:s20], $0x2800  }
0x197: {  	s9 =	sld [smem:$0x7F2]  }
0x198: {  	[sflag:s20] =	ssyncset.done $0x0  }
0x199: {  	[sflag:s20] =	ssyncadd.s32 $0xFFFFD800  }
0x19a: {  	[spmem:s2] =	stream.indirect.scatter.add.f32 [tilespmem:s16], [sflag:$0x8], $0x80, s9, s12, $0xb8;
	[tilespmem:$0x1EFA0] =	vst v63  }
0x19b: {  	_ =	swait.ge [sflag:s21], $0x2800  }
0x19c: {  	s9 =	sld [smem:$0x7F3]  }
0x19d: {  	[sflag:s21] =	ssyncset.done $0x0  }
0x19e: {  	[sflag:s21] =	ssyncadd.s32 $0xFFFFD800  }
0x19f: {  	[tilespmem:s13], [sflag:$0x1] =	stream.indirect.gather [hbm4b:s4+s12], $0x80, s9, s12, $0xb8;
	[tilespmem:$0x1EFA0] =	vst v63  }
0x1a0: {  	_ =	swait.ge [sflag:s22], $0x2800  }
0x1a1: {  	s9 =	sld [smem:$0x7F4]  }
0x1a2: {  	[sflag:s22] =	ssyncset.done $0x0  }
0x1a3: {  	[sflag:s22] =	ssyncadd.s32 $0xFFFFD800  }
0x1a4: {  	[tilespmem:s14], [sflag:$0x2] =	stream.indirect.gather [hbm4b:s4+s12], $0x80, s9, s12, $0xb8;
	[tilespmem:$0x1EFA0] =	vst v63  }
0x1a5: {  	_ =	swait.ge [sflag:s23], $0x2800  }
0x1a6: {  	s9 =	sld [smem:$0x7F5]  }
0x1a7: {  	[sflag:s23] =	ssyncset.done $0x0  }
0x1a8: {  	[sflag:s23] =	ssyncadd.s32 $0xFFFFD800  }
0x1a9: {  	[tilespmem:s15], [sflag:$0x3] =	stream.indirect.gather [hbm4b:s4+s12], $0x80, s9, s12, $0xb8;
	[tilespmem:$0x1EFA0] =	vst v63  }
0x1aa: {  	_ =	swait.ge [sflag:s24], $0x2800  }
0x1ab: {  	s9 =	sld [smem:$0x7F6]  }
0x1ac: {  	[sflag:s24] =	ssyncset.done $0x0  }
0x1ad: {  	[sflag:s24] =	ssyncadd.s32 $0xFFFFD800  }
0x1ae: {  	[tilespmem:s16], [sflag:$0x4] =	stream.indirect.gather [hbm4b:s4+s12], $0x80, s9, s12, $0xb8;
	[tilespmem:$0x1EFA0] =	vst v63  }
0x1af: {  	_ =	swait.ge [sflag:s17], $0x2800  }
0x1b0: {  	s9 =	sld [smem:$0x7F7]  }
0x1b1: {  	[sflag:s17] =	ssyncset.done $0x0  }
0x1b2: {  	[sflag:s17] =	ssyncadd.s32 $0xFFFFD800  }
0x1b3: {  	[spmem:s2] =	stream.indirect.scatter.add.f32 [tilespmem:s13], [sflag:$0x5], $0x80, s9, s12, $0xb8;
	[tilespmem:$0x1EFA0] =	vst v63  }
0x1b4: {  	_ =	swait.ge [sflag:s18], $0x2800  }
0x1b5: {  	s9 =	sld [smem:$0x7F8]  }
0x1b6: {  	[sflag:s18] =	ssyncset.done $0x0  }
0x1b7: {  	[sflag:s18] =	ssyncadd.s32 $0xFFFFD800  }
0x1b8: {  	[spmem:s2] =	stream.indirect.scatter.add.f32 [tilespmem:s14], [sflag:$0x6], $0x80, s9, s12, $0xb8;
	[tilespmem:$0x1EFA0] =	vst v63  }
0x1b9: {  	_ =	swait.ge [sflag:s19], $0x2800  }
0x1ba: {  	s9 =	sld [smem:$0x7F9]  }
0x1bb: {  	[sflag:s19] =	ssyncset.done $0x0  }
0x1bc: {  	[sflag:s19] =	ssyncadd.s32 $0xFFFFD800  }
0x1bd: {  	[spmem:s2] =	stream.indirect.scatter.add.f32 [tilespmem:s15], [sflag:$0x7], $0x80, s9, s12, $0xb8;
	[tilespmem:$0x1EFA0] =	vst v63  }
0x1be: {  	_ =	swait.ge [sflag:s20], $0x2800  }
0x1bf: {  	s9 =	sld [smem:$0x7FA]  }
0x1c0: {  	[sflag:s20] =	ssyncset.done $0x0  }
0x1c1: {  	[sflag:s20] =	ssyncadd.s32 $0xFFFFD800  }
0x1c2: {  	[spmem:s2] =	stream.indirect.scatter.add.f32 [tilespmem:s16], [sflag:$0x8], $0x80, s9, s12, $0xb8;
	[tilespmem:$0x1EFA0] =	vst v63  }
0x1c3: {  	_ =	swait.ge [sflag:s21], $0x2800  }
0x1c4: {  	s9 =	sld [smem:$0x7FB]  }
0x1c5: {  	[sflag:s21] =	ssyncset.done $0x0  }
0x1c6: {  	[sflag:s21] =	ssyncadd.s32 $0xFFFFD800  }
0x1c7: {  	[tilespmem:s13], [sflag:$0x1] =	stream.indirect.gather [hbm4b:s4+s12], $0x80, s9, s12, $0xb8;
	[tilespmem:$0x1EFA0] =	vst v63  }
0x1c8: {  	_ =	swait.ge [sflag:s22], $0x2800  }
0x1c9: {  	[sflag:s22] =	ssyncset.done $0x0  }
0x1ca: {  	[sflag:s22] =	ssyncadd.s32 $0xFFFFD800  }
0x1cb: {  	[tilespmem:s14], [sflag:$0x2] =	stream.indirect.gather [hbm4b:s4+s12], $0x80, s25, s12, $0xb8;
	[tilespmem:$0x1EFA0] =	vst v63  }
0x1cc: {  	_ =	swait.ge [sflag:s23], $0x2800  }
0x1cd: {  	[sflag:s23] =	ssyncset.done $0x0  }
0x1ce: {  	[sflag:s23] =	ssyncadd.s32 $0xFFFFD800  }
0x1cf: {  	[tilespmem:s15], [sflag:$0x3] =	stream.indirect.gather [hbm4b:s4+s12], $0x80, s26, s12, $0xb8;
	[tilespmem:$0x1EFA0] =	vst v63  }
0x1d0: {  	_ =	swait.ge [sflag:s24], $0x2800  }
0x1d1: {  	[sflag:s24] =	ssyncset.done $0x0  }
0x1d2: {  	[sflag:s24] =	ssyncadd.s32 $0xFFFFD800  }
0x1d3: {  	[tilespmem:s16], [sflag:$0x4] =	stream.indirect.gather [hbm4b:s4+s12], $0x80, s28, s12, $0xb8;
	[tilespmem:$0x1EFA0] =	vst v63  }
0x1d4: {  	_ =	swait.ge [sflag:s17], $0x2800  }
0x1d5: {  	[sflag:s17] =	ssyncset.done $0x0  }
0x1d6: {  	[sflag:s17] =	ssyncadd.s32 $0xFFFFD800  }
0x1d7: {  	[spmem:s2] =	stream.indirect.scatter.add.f32 [tilespmem:s13], [sflag:$0x5], $0x80, s29, s12, $0xb8;
	[tilespmem:$0x1EFA0] =	vst v63  }
0x1d8: {  	_ =	swait.ge [sflag:s18], $0x2800  }
0x1d9: {  	[sflag:s18] =	ssyncset.done $0x0  }
0x1da: {  	[sflag:s18] =	ssyncadd.s32 $0xFFFFD800  }
0x1db: {  	[spmem:s2] =	stream.indirect.scatter.add.f32 [tilespmem:s14], [sflag:$0x6], $0x80, s30, s12, $0xb8;
	[tilespmem:$0x1EFA0] =	vst v63  }
0x1dc: {  	_ =	swait.ge [sflag:s19], $0x2800  }
0x1dd: {  	[sflag:s19] =	ssyncset.done $0x0  }
0x1de: {  	[sflag:s19] =	ssyncadd.s32 $0xFFFFD800  }
0x1df: {  	[spmem:s2] =	stream.indirect.scatter.add.f32 [tilespmem:s15], [sflag:$0x7], $0x80, s31, s12, $0xb8;
	[tilespmem:$0x1EFA0] =	vst v63  }
0x1e0: {  	_ =	swait.ge [sflag:s20], $0x2800  }
0x1e1: {  	[sflag:s20] =	ssyncset.done $0x0  }
0x1e2: {  	[sflag:s20] =	ssyncadd.s32 $0xFFFFD800  }
0x1e3: {  	[spmem:s2] =	stream.indirect.scatter.add.f32 [tilespmem:s16], [sflag:$0x8], $0x80, s1, s12, $0xb8;
	[tilespmem:$0x1EFA0] =	vst v63  }
0x1e4: {  	_ =	swait.ge [sflag:s21], $0x2800  }
0x1e5: {  	[sflag:s21] =	ssyncset.done $0x0  }
0x1e6: {  	[sflag:s21] =	ssyncadd.s32 $0xFFFFD800  }
0x1e7: {  	_ =	swait.ge [sflag:s22], $0x2800  }
0x1e8: {  	[sflag:s22] =	ssyncset.done $0x0  }
0x1e9: {  	[sflag:s22] =	ssyncadd.s32 $0xFFFFD800  }
0x1ea: {  	_ =	swait.ge [sflag:s23], $0x2800  }
0x1eb: {  	[sflag:s23] =	ssyncset.done $0x0  }
0x1ec: {  	[sflag:s23] =	ssyncadd.s32 $0xFFFFD800  }
0x1ed: {  	_ =	swait.ge [sflag:s24], $0x2800  }
0x1ee: {  	[sflag:s24] =	ssyncset.done $0x0  }
0x1ef: {  	[sflag:s24] =	ssyncadd.s32 $0xFFFFD800  }
0x1f0: {  	[tilespmem:s13], [sflag:$0x9] =	stream.indirect.gather [hbm4b:s4+s12], $0x80, s0, s12, $0xb8;
	[tilespmem:$0x1EFA0] =	vst v63  }
0x1f1: {  	p0 =	sne.s32 s6, $0x3E8;
	_ =	swait.ge [sflag:s10], $0x2800  }
.Ltmp0:
0x1f2: {  	[sflag:s10] =	ssyncset.done $0x0;
	(pc) =	sbr.rel @p0 .LBB2_2-.Ltmp0, $4  }
0x1f3: {  	[sflag:s10] =	ssyncadd.s32 $0xFFFFD800  }
0x1f4: {  	[spmem:s2] =	stream.indirect.scatter.add.f32 [tilespmem:s13], [sflag:$0x9], $0x80, s5, s12, $0xb8;
	[tilespmem:$0x1EFA0] =	vst v63  }
0x1f5: {  	_ =	swait.ge [sflag:s10], $0x2800  }
0x1f6: {  	s6 =	sadd.s32 $0xFA, s6;
	s9 =	rddreg [dreg:$0x3];
	[sflag:s10] =	ssyncset.done $0x0  }
0x1f7: {  	[sflag:s10] =	ssyncadd.s32 $0xFFFFD800;
	s6 =	sadd.s32 s8, s9  }
0x1f8: {  	[tilespmem:s3], [sflag:$0x9] =	stream.linear.gather [hbm4b:s6+s3], $0x7D0, $0x38;
	[tilespmem:$0x1EFA0] =	vst v63  }
0x1f9: {  	_ =	swait.ge [sflag:s10], $0x7D0  }
0x1fa: {  	s7 =	rddreg [dreg:$0x4];
	[sflag:s10] =	ssyncset.done $0x0  }
0x1fb: {  	[sflag:s10] =	ssyncadd.s32 $0xFFFFF830;
	s6 =	sadd.s32 s8, s7  }
0x1fc: {  	[tilespmem:s11], [sflag:$0x9] =	stream.linear.gather [hbm4b:s6+s3], $0x7D0, $0x38;
	[tilespmem:$0x1EFA0] =	vst v63  }
0x1fd: {  	_ =	swait.ge [sflag:s10], $0x7D0  }
0x1fe: {  	[sflag:s10] =	ssyncset.done $0x0  }
0x1ff: {  	[sflag:s10] =	ssyncadd.s32 $0xFFFFF830  }
0x200: {  	[tilespmem:s13], [sflag:$0x1] =	stream.indirect.gather [hbm4b:s4+s12], $0x80, s3, s12, $0xb8;
	[tilespmem:$0x1EFA0] =	vst v63  }
0x201: {  	_ = 	snop  }
0x202: {  	[tilespmem:s14], [sflag:$0x2] =	stream.indirect.gather [hbm4b:s4+s12], $0x80, s12, s12, $0xb8;
	[tilespmem:$0x1EFA0] =	vst v63  }
0x203: {  	s8 =	rddreg [dreg:$0x5]  }
0x204: {  	[tilespmem:s15], [sflag:$0x3] =	stream.indirect.gather [hbm4b:s4+s12], $0x80, s8, s12, $0xb8;
	[tilespmem:$0x1EFA0] =	vst v63  }
0x205: {  	s7 =	rddreg [dreg:$0x6]  }
0x206: {  	[tilespmem:s16], [sflag:$0x4] =	stream.indirect.gather [hbm4b:s4+s12], $0x80, s7, s12, $0xb8;
	[tilespmem:$0x1EFA0] =	vst v63  }
0x207: {  	_ =	swait.ge [sflag:s17], $0x2800  }
0x208: {  	[sflag:s17] =	ssyncset.done $0x0  }
0x209: {  	[sflag:s17] =	ssyncadd.s32 $0xFFFFD800  }
0x20a: {  	[spmem:s2] =	stream.indirect.scatter.add.f32 [tilespmem:s13], [sflag:$0x5], $0x80, s11, s12, $0xb8;
	[tilespmem:$0x1EFA0] =	vst v63  }
0x20b: {  	_ =	swait.ge [sflag:s18], $0x2800  }
0x20c: {  	[sflag:s18] =	ssyncset.done $0x0  }
0x20d: {  	s9 =	rddreg [dreg:$0x7];
	[sflag:s18] =	ssyncadd.s32 $0xFFFFD800  }
0x20e: {  	[spmem:s2] =	stream.indirect.scatter.add.f32 [tilespmem:s14], [sflag:$0x6], $0x80, s9, s12, $0xb8;
	[tilespmem:$0x1EFA0] =	vst v63  }
0x20f: {  	_ =	swait.ge [sflag:s19], $0x2800  }
0x210: {  	[sflag:s19] =	ssyncset.done $0x0  }
0x211: {  	s7 =	rddreg [dreg:$0x8];
	[sflag:s19] =	ssyncadd.s32 $0xFFFFD800  }
0x212: {  	[spmem:s2] =	stream.indirect.scatter.add.f32 [tilespmem:s15], [sflag:$0x7], $0x80, s7, s12, $0xb8;
	[tilespmem:$0x1EFA0] =	vst v63  }
0x213: {  	_ =	swait.ge [sflag:s20], $0x2800  }
0x214: {  	[sflag:s20] =	ssyncset.done $0x0  }
0x215: {  	s8 =	rddreg [dreg:$0x9];
	[sflag:s20] =	ssyncadd.s32 $0xFFFFD800  }
0x216: {  	[spmem:s2] =	stream.indirect.scatter.add.f32 [tilespmem:s16], [sflag:$0x8], $0x80, s8, s12, $0xb8;
	[tilespmem:$0x1EFA0] =	vst v63  }
0x217: {  	_ =	swait.ge [sflag:s21], $0x2800  }
0x218: {  	[sflag:s21] =	ssyncset.done $0x0  }
0x219: {  	s9 =	rddreg [dreg:$0xa];
	[sflag:s21] =	ssyncadd.s32 $0xFFFFD800  }
0x21a: {  	[tilespmem:s13], [sflag:$0x1] =	stream.indirect.gather [hbm4b:s4+s12], $0x80, s9, s12, $0xb8;
	[tilespmem:$0x1EFA0] =	vst v63  }
0x21b: {  	_ =	swait.ge [sflag:s22], $0x2800  }
0x21c: {  	[sflag:s22] =	ssyncset.done $0x0  }
0x21d: {  	s7 =	rddreg [dreg:$0xb];
	[sflag:s22] =	ssyncadd.s32 $0xFFFFD800  }
0x21e: {  	[tilespmem:s14], [sflag:$0x2] =	stream.indirect.gather [hbm4b:s4+s12], $0x80, s7, s12, $0xb8;
	[tilespmem:$0x1EFA0] =	vst v63  }
0x21f: {  	_ =	swait.ge [sflag:s23], $0x2800  }
0x220: {  	[sflag:s23] =	ssyncset.done $0x0  }
0x221: {  	s8 =	rddreg [dreg:$0xc];
	[sflag:s23] =	ssyncadd.s32 $0xFFFFD800  }
0x222: {  	[tilespmem:s15], [sflag:$0x3] =	stream.indirect.gather [hbm4b:s4+s12], $0x80, s8, s12, $0xb8;
	[tilespmem:$0x1EFA0] =	vst v63  }
0x223: {  	_ =	swait.ge [sflag:s24], $0x2800  }
0x224: {  	[sflag:s24] =	ssyncset.done $0x0  }
0x225: {  	s9 =	rddreg [dreg:$0xd];
	[sflag:s24] =	ssyncadd.s32 $0xFFFFD800  }
0x226: {  	[tilespmem:s16], [sflag:$0x4] =	stream.indirect.gather [hbm4b:s4+s12], $0x80, s9, s12, $0xb8;
	[tilespmem:$0x1EFA0] =	vst v63  }
0x227: {  	_ =	swait.ge [sflag:s17], $0x2800  }
0x228: {  	[sflag:s17] =	ssyncset.done $0x0  }
0x229: {  	s7 =	rddreg [dreg:$0xe];
	[sflag:s17] =	ssyncadd.s32 $0xFFFFD800  }
0x22a: {  	[spmem:s2] =	stream.indirect.scatter.add.f32 [tilespmem:s13], [sflag:$0x5], $0x80, s7, s12, $0xb8;
	[tilespmem:$0x1EFA0] =	vst v63  }
0x22b: {  	_ =	swait.ge [sflag:s18], $0x2800  }
0x22c: {  	[sflag:s18] =	ssyncset.done $0x0  }
0x22d: {  	s8 =	rddreg [dreg:$0xf];
	[sflag:s18] =	ssyncadd.s32 $0xFFFFD800  }
0x22e: {  	[spmem:s2] =	stream.indirect.scatter.add.f32 [tilespmem:s14], [sflag:$0x6], $0x80, s8, s12, $0xb8;
	[tilespmem:$0x1EFA0] =	vst v63  }
0x22f: {  	_ =	swait.ge [sflag:s19], $0x2800  }
0x230: {  	[sflag:s19] =	ssyncset.done $0x0  }
0x231: {  	s9 =	rddreg [dreg:$0x10];
	[sflag:s19] =	ssyncadd.s32 $0xFFFFD800  }
0x232: {  	[spmem:s2] =	stream.indirect.scatter.add.f32 [tilespmem:s15], [sflag:$0x7], $0x80, s9, s12, $0xb8;
	[tilespmem:$0x1EFA0] =	vst v63  }
0x233: {  	_ =	swait.ge [sflag:s20], $0x2800  }
0x234: {  	[sflag:s20] =	ssyncset.done $0x0  }
0x235: {  	s7 =	rddreg [dreg:$0x11];
	[sflag:s20] =	ssyncadd.s32 $0xFFFFD800  }
0x236: {  	[spmem:s2] =	stream.indirect.scatter.add.f32 [tilespmem:s16], [sflag:$0x8], $0x80, s7, s12, $0xb8;
	[tilespmem:$0x1EFA0] =	vst v63  }
0x237: {  	_ =	swait.ge [sflag:s21], $0x2800  }
0x238: {  	[sflag:s21] =	ssyncset.done $0x0  }
0x239: {  	s8 =	rddreg [dreg:$0x12];
	[sflag:s21] =	ssyncadd.s32 $0xFFFFD800  }
0x23a: {  	[tilespmem:s13], [sflag:$0x1] =	stream.indirect.gather [hbm4b:s4+s12], $0x80, s8, s12, $0xb8;
	[tilespmem:$0x1EFA0] =	vst v63  }
0x23b: {  	_ =	swait.ge [sflag:s22], $0x2800  }
0x23c: {  	[sflag:s22] =	ssyncset.done $0x0  }
0x23d: {  	s9 =	rddreg [dreg:$0x13];
	[sflag:s22] =	ssyncadd.s32 $0xFFFFD800  }
0x23e: {  	[tilespmem:s14], [sflag:$0x2] =	stream.indirect.gather [hbm4b:s4+s12], $0x80, s9, s12, $0xb8;
	[tilespmem:$0x1EFA0] =	vst v63  }
0x23f: {  	_ =	swait.ge [sflag:s23], $0x2800  }
0x240: {  	[sflag:s23] =	ssyncset.done $0x0  }
0x241: {  	s7 =	rddreg [dreg:$0x14];
	[sflag:s23] =	ssyncadd.s32 $0xFFFFD800  }
0x242: {  	[tilespmem:s15], [sflag:$0x3] =	stream.indirect.gather [hbm4b:s4+s12], $0x80, s7, s12, $0xb8;
	[tilespmem:$0x1EFA0] =	vst v63  }
0x243: {  	_ =	swait.ge [sflag:s24], $0x2800  }
0x244: {  	[sflag:s24] =	ssyncset.done $0x0  }
0x245: {  	s8 =	rddreg [dreg:$0x15];
	[sflag:s24] =	ssyncadd.s32 $0xFFFFD800  }
0x246: {  	[tilespmem:s16], [sflag:$0x4] =	stream.indirect.gather [hbm4b:s4+s12], $0x80, s8, s12, $0xb8;
	[tilespmem:$0x1EFA0] =	vst v63  }
0x247: {  	_ =	swait.ge [sflag:s17], $0x2800  }
0x248: {  	[sflag:s17] =	ssyncset.done $0x0  }
0x249: {  	s9 =	rddreg [dreg:$0x16];
	[sflag:s17] =	ssyncadd.s32 $0xFFFFD800  }
0x24a: {  	[spmem:s2] =	stream.indirect.scatter.add.f32 [tilespmem:s13], [sflag:$0x5], $0x80, s9, s12, $0xb8;
	[tilespmem:$0x1EFA0] =	vst v63  }
0x24b: {  	_ =	swait.ge [sflag:s18], $0x2800  }
0x24c: {  	[sflag:s18] =	ssyncset.done $0x0  }
0x24d: {  	s7 =	rddreg [dreg:$0x17];
	[sflag:s18] =	ssyncadd.s32 $0xFFFFD800  }
0x24e: {  	[spmem:s2] =	stream.indirect.scatter.add.f32 [tilespmem:s14], [sflag:$0x6], $0x80, s7, s12, $0xb8;
	[tilespmem:$0x1EFA0] =	vst v63  }
0x24f: {  	_ =	swait.ge [sflag:s19], $0x2800  }
0x250: {  	[sflag:s19] =	ssyncset.done $0x0  }
0x251: {  	s8 =	rddreg [dreg:$0x18];
	[sflag:s19] =	ssyncadd.s32 $0xFFFFD800  }
0x252: {  	[spmem:s2] =	stream.indirect.scatter.add.f32 [tilespmem:s15], [sflag:$0x7], $0x80, s8, s12, $0xb8;
	[tilespmem:$0x1EFA0] =	vst v63  }
0x253: {  	_ =	swait.ge [sflag:s20], $0x2800  }
0x254: {  	[sflag:s20] =	ssyncset.done $0x0  }
0x255: {  	s9 =	rddreg [dreg:$0x19];
	[sflag:s20] =	ssyncadd.s32 $0xFFFFD800  }
0x256: {  	[spmem:s2] =	stream.indirect.scatter.add.f32 [tilespmem:s16], [sflag:$0x8], $0x80, s9, s12, $0xb8;
	[tilespmem:$0x1EFA0] =	vst v63  }
0x257: {  	_ =	swait.ge [sflag:s21], $0x2800  }
0x258: {  	[sflag:s21] =	ssyncset.done $0x0  }
0x259: {  	s7 =	rddreg [dreg:$0x1a];
	[sflag:s21] =	ssyncadd.s32 $0xFFFFD800  }
0x25a: {  	[tilespmem:s13], [sflag:$0x1] =	stream.indirect.gather [hbm4b:s4+s12], $0x80, s7, s12, $0xb8;
	[tilespmem:$0x1EFA0] =	vst v63  }
0x25b: {  	_ =	swait.ge [sflag:s22], $0x2800  }
0x25c: {  	[sflag:s22] =	ssyncset.done $0x0  }
0x25d: {  	s8 =	rddreg [dreg:$0x1b];
	[sflag:s22] =	ssyncadd.s32 $0xFFFFD800  }
0x25e: {  	[tilespmem:s14], [sflag:$0x2] =	stream.indirect.gather [hbm4b:s4+s12], $0x80, s8, s12, $0xb8;
	[tilespmem:$0x1EFA0] =	vst v63  }
0x25f: {  	_ =	swait.ge [sflag:s23], $0x2800  }
0x260: {  	[sflag:s23] =	ssyncset.done $0x0  }
0x261: {  	s9 =	rddreg [dreg:$0x1c];
	[sflag:s23] =	ssyncadd.s32 $0xFFFFD800  }
0x262: {  	[tilespmem:s15], [sflag:$0x3] =	stream.indirect.gather [hbm4b:s4+s12], $0x80, s9, s12, $0xb8;
	[tilespmem:$0x1EFA0] =	vst v63  }
0x263: {  	_ =	swait.ge [sflag:s24], $0x2800  }
0x264: {  	[sflag:s24] =	ssyncset.done $0x0  }
0x265: {  	s7 =	rddreg [dreg:$0x1d];
	[sflag:s24] =	ssyncadd.s32 $0xFFFFD800  }
0x266: {  	[tilespmem:s16], [sflag:$0x4] =	stream.indirect.gather [hbm4b:s4+s12], $0x80, s7, s12, $0xb8;
	[tilespmem:$0x1EFA0] =	vst v63  }
0x267: {  	_ =	swait.ge [sflag:s17], $0x2800  }
0x268: {  	[sflag:s17] =	ssyncset.done $0x0  }
0x269: {  	s8 =	rddreg [dreg:$0x1e];
	[sflag:s17] =	ssyncadd.s32 $0xFFFFD800  }
0x26a: {  	[spmem:s2] =	stream.indirect.scatter.add.f32 [tilespmem:s13], [sflag:$0x5], $0x80, s8, s12, $0xb8;
	[tilespmem:$0x1EFA0] =	vst v63  }
0x26b: {  	_ =	swait.ge [sflag:s18], $0x2800  }
0x26c: {  	[sflag:s18] =	ssyncset.done $0x0  }
0x26d: {  	s9 =	rddreg [dreg:$0x1f];
	[sflag:s18] =	ssyncadd.s32 $0xFFFFD800  }
0x26e: {  	[spmem:s2] =	stream.indirect.scatter.add.f32 [tilespmem:s14], [sflag:$0x6], $0x80, s9, s12, $0xb8;
	[tilespmem:$0x1EFA0] =	vst v63  }
0x26f: {  	_ =	swait.ge [sflag:s19], $0x2800  }
0x270: {  	s7 =	sld [smem:$0x7F1]  }
0x271: {  	[sflag:s19] =	ssyncset.done $0x0  }
0x272: {  	[sflag:s19] =	ssyncadd.s32 $0xFFFFD800  }
0x273: {  	[spmem:s2] =	stream.indirect.scatter.add.f32 [tilespmem:s15], [sflag:$0x7], $0x80, s7, s12, $0xb8;
	[tilespmem:$0x1EFA0] =	vst v63  }
0x274: {  	_ =	swait.ge [sflag:s20], $0x2800  }
0x275: {  	s8 =	sld [smem:$0x7F2]  }
0x276: {  	[sflag:s20] =	ssyncset.done $0x0  }
0x277: {  	[sflag:s20] =	ssyncadd.s32 $0xFFFFD800  }
0x278: {  	[spmem:s2] =	stream.indirect.scatter.add.f32 [tilespmem:s16], [sflag:$0x8], $0x80, s8, s12, $0xb8;
	[tilespmem:$0x1EFA0] =	vst v63  }
0x279: {  	_ =	swait.ge [sflag:s21], $0x2800  }
0x27a: {  	s9 =	sld [smem:$0x7F3]  }
0x27b: {  	[sflag:s21] =	ssyncset.done $0x0  }
0x27c: {  	[sflag:s21] =	ssyncadd.s32 $0xFFFFD800  }
0x27d: {  	[tilespmem:s13], [sflag:$0x1] =	stream.indirect.gather [hbm4b:s4+s12], $0x80, s9, s12, $0xb8;
	[tilespmem:$0x1EFA0] =	vst v63  }
0x27e: {  	_ =	swait.ge [sflag:s22], $0x2800  }
0x27f: {  	s7 =	sld [smem:$0x7F4]  }
0x280: {  	[sflag:s22] =	ssyncset.done $0x0  }
0x281: {  	[sflag:s22] =	ssyncadd.s32 $0xFFFFD800  }
0x282: {  	[tilespmem:s14], [sflag:$0x2] =	stream.indirect.gather [hbm4b:s4+s12], $0x80, s7, s12, $0xb8;
	[tilespmem:$0x1EFA0] =	vst v63  }
0x283: {  	_ =	swait.ge [sflag:s23], $0x2800  }
0x284: {  	s8 =	sld [smem:$0x7F5]  }
0x285: {  	[sflag:s23] =	ssyncset.done $0x0  }
0x286: {  	[sflag:s23] =	ssyncadd.s32 $0xFFFFD800  }
0x287: {  	[tilespmem:s15], [sflag:$0x3] =	stream.indirect.gather [hbm4b:s4+s12], $0x80, s8, s12, $0xb8;
	[tilespmem:$0x1EFA0] =	vst v63  }
0x288: {  	_ =	swait.ge [sflag:s24], $0x2800  }
0x289: {  	s9 =	sld [smem:$0x7F6]  }
0x28a: {  	[sflag:s24] =	ssyncset.done $0x0  }
0x28b: {  	[sflag:s24] =	ssyncadd.s32 $0xFFFFD800  }
0x28c: {  	[tilespmem:s16], [sflag:$0x4] =	stream.indirect.gather [hbm4b:s4+s12], $0x80, s9, s12, $0xb8;
	[tilespmem:$0x1EFA0] =	vst v63  }
0x28d: {  	_ =	swait.ge [sflag:s17], $0x2800  }
0x28e: {  	s7 =	sld [smem:$0x7F7]  }
0x28f: {  	[sflag:s17] =	ssyncset.done $0x0  }
0x290: {  	[sflag:s17] =	ssyncadd.s32 $0xFFFFD800  }
0x291: {  	[spmem:s2] =	stream.indirect.scatter.add.f32 [tilespmem:s13], [sflag:$0x5], $0x80, s7, s12, $0xb8;
	[tilespmem:$0x1EFA0] =	vst v63  }
0x292: {  	_ =	swait.ge [sflag:s18], $0x2800  }
0x293: {  	s8 =	sld [smem:$0x7F8]  }
0x294: {  	[sflag:s18] =	ssyncset.done $0x0  }
0x295: {  	[sflag:s18] =	ssyncadd.s32 $0xFFFFD800  }
0x296: {  	[spmem:s2] =	stream.indirect.scatter.add.f32 [tilespmem:s14], [sflag:$0x6], $0x80, s8, s12, $0xb8;
	[tilespmem:$0x1EFA0] =	vst v63  }
0x297: {  	_ =	swait.ge [sflag:s19], $0x2800  }
0x298: {  	s9 =	sld [smem:$0x7F9]  }
0x299: {  	[sflag:s19] =	ssyncset.done $0x0  }
0x29a: {  	[sflag:s19] =	ssyncadd.s32 $0xFFFFD800  }
0x29b: {  	[spmem:s2] =	stream.indirect.scatter.add.f32 [tilespmem:s15], [sflag:$0x7], $0x80, s9, s12, $0xb8;
	[tilespmem:$0x1EFA0] =	vst v63  }
0x29c: {  	_ =	swait.ge [sflag:s20], $0x2800  }
0x29d: {  	s7 =	sld [smem:$0x7FA]  }
0x29e: {  	[sflag:s20] =	ssyncset.done $0x0  }
0x29f: {  	[sflag:s20] =	ssyncadd.s32 $0xFFFFD800  }
0x2a0: {  	[spmem:s2] =	stream.indirect.scatter.add.f32 [tilespmem:s16], [sflag:$0x8], $0x80, s7, s12, $0xb8;
	[tilespmem:$0x1EFA0] =	vst v63  }
0x2a1: {  	_ =	swait.ge [sflag:s21], $0x2800  }
0x2a2: {  	s8 =	sld [smem:$0x7FB]  }
0x2a3: {  	[sflag:s21] =	ssyncset.done $0x0  }
0x2a4: {  	[sflag:s21] =	ssyncadd.s32 $0xFFFFD800  }
0x2a5: {  	[tilespmem:s13], [sflag:$0x1] =	stream.indirect.gather [hbm4b:s4+s12], $0x80, s8, s12, $0xb8;
	[tilespmem:$0x1EFA0] =	vst v63  }
0x2a6: {  	_ =	swait.ge [sflag:s22], $0x2800  }
0x2a7: {  	[sflag:s22] =	ssyncset.done $0x0  }
0x2a8: {  	[sflag:s22] =	ssyncadd.s32 $0xFFFFD800  }
0x2a9: {  	[tilespmem:s14], [sflag:$0x2] =	stream.indirect.gather [hbm4b:s4+s12], $0x80, s25, s12, $0xb8;
	[tilespmem:$0x1EFA0] =	vst v63  }
0x2aa: {  	_ =	swait.ge [sflag:s23], $0x2800  }
0x2ab: {  	[sflag:s23] =	ssyncset.done $0x0  }
0x2ac: {  	[sflag:s23] =	ssyncadd.s32 $0xFFFFD800  }
0x2ad: {  	[tilespmem:s15], [sflag:$0x3] =	stream.indirect.gather [hbm4b:s4+s12], $0x80, s26, s12, $0xb8;
	[tilespmem:$0x1EFA0] =	vst v63  }
0x2ae: {  	_ =	swait.ge [sflag:s24], $0x2800  }
0x2af: {  	[sflag:s24] =	ssyncset.done $0x0  }
0x2b0: {  	[sflag:s24] =	ssyncadd.s32 $0xFFFFD800  }
0x2b1: {  	[tilespmem:s16], [sflag:$0x4] =	stream.indirect.gather [hbm4b:s4+s12], $0x80, s28, s12, $0xb8;
	[tilespmem:$0x1EFA0] =	vst v63  }
0x2b2: {  	_ =	swait.ge [sflag:s17], $0x2800  }
0x2b3: {  	[sflag:s17] =	ssyncset.done $0x0  }
0x2b4: {  	[sflag:s17] =	ssyncadd.s32 $0xFFFFD800  }
0x2b5: {  	[spmem:s2] =	stream.indirect.scatter.add.f32 [tilespmem:s13], [sflag:$0x5], $0x80, s29, s12, $0xb8;
	[tilespmem:$0x1EFA0] =	vst v63  }
0x2b6: {  	_ =	swait.ge [sflag:s18], $0x2800  }
0x2b7: {  	[sflag:s18] =	ssyncset.done $0x0  }
0x2b8: {  	[sflag:s18] =	ssyncadd.s32 $0xFFFFD800  }
0x2b9: {  	[spmem:s2] =	stream.indirect.scatter.add.f32 [tilespmem:s14], [sflag:$0x6], $0x80, s30, s12, $0xb8;
	[tilespmem:$0x1EFA0] =	vst v63  }
0x2ba: {  	_ =	swait.ge [sflag:s19], $0x2800  }
0x2bb: {  	[sflag:s19] =	ssyncset.done $0x0  }
0x2bc: {  	[sflag:s19] =	ssyncadd.s32 $0xFFFFD800  }
0x2bd: {  	[spmem:s2] =	stream.indirect.scatter.add.f32 [tilespmem:s15], [sflag:$0x7], $0x80, s31, s12, $0xb8;
	[tilespmem:$0x1EFA0] =	vst v63  }
0x2be: {  	_ =	swait.ge [sflag:s20], $0x2800  }
0x2bf: {  	[sflag:s20] =	ssyncset.done $0x0  }
0x2c0: {  	[sflag:s20] =	ssyncadd.s32 $0xFFFFD800  }
0x2c1: {  	[spmem:s2] =	stream.indirect.scatter.add.f32 [tilespmem:s16], [sflag:$0x8], $0x80, s1, s12, $0xb8;
	[tilespmem:$0x1EFA0] =	vst v63  }
0x2c2: {  	_ =	swait.ge [sflag:s21], $0x2800  }
0x2c3: {  	[sflag:s21] =	ssyncset.done $0x0  }
0x2c4: {  	[sflag:s21] =	ssyncadd.s32 $0xFFFFD800  }
0x2c5: {  	_ =	swait.ge [sflag:s22], $0x2800  }
0x2c6: {  	[sflag:s22] =	ssyncset.done $0x0  }
0x2c7: {  	[sflag:s22] =	ssyncadd.s32 $0xFFFFD800  }
0x2c8: {  	_ =	swait.ge [sflag:s23], $0x2800  }
0x2c9: {  	[sflag:s23] =	ssyncset.done $0x0  }
0x2ca: {  	[sflag:s23] =	ssyncadd.s32 $0xFFFFD800  }
0x2cb: {  	_ =	swait.ge [sflag:s24], $0x2800  }
0x2cc: {  	[sflag:s24] =	ssyncset.done $0x0  }
0x2cd: {  	[sflag:s24] =	ssyncadd.s32 $0xFFFFD800  }
0x2ce: {  	[tilespmem:s13], [sflag:$0x9] =	stream.indirect.gather [hbm4b:s4+s12], $0x80, s0, s12, $0xb8;
	[tilespmem:$0x1EFA0] =	vst v63  }
0x2cf: {  	_ =	swait.ge [sflag:s10], $0x2800  }
0x2d0: {  	[sflag:s10] =	ssyncset.done $0x0  }
0x2d1: {  	[sflag:s10] =	ssyncadd.s32 $0xFFFFD800  }
0x2d2: {  	[spmem:s2] =	stream.indirect.scatter.add.f32 [tilespmem:s13], [sflag:$0x9], $0x80, s5, s12, $0xb8;
	[tilespmem:$0x1EFA0] =	vst v63  }
0x2d3: {  	_ =	swait.ge [sflag:s10], $0x2800  }
0x2d4: {  	[sflag:s10] =	ssyncset.done $0x0  }
0x2d5: {  	[sflag:s10] =	ssyncadd.s32 $0xFFFFD800  }
0x2d6: {  	[bflag:$0x0] =	sbarrier.arrive $0xFFFF  }
0x2d7: {  	s7 =	sld [smem:$0x7FC]  }
0x2d8: {  	s9 =	sld [smem:$0x7EF]  }
0x2d9: {  	s8 =	sld [smem:$0x7FD];
	_ =	sdelay $0x2  }
0x2da: {  	[hbm:s9], [sflag:s7] =	dma.local [spmem:s8], $0x2800  }
0x2db: {  	_ =	swait.ge [sflag:s10], $0x2800  }
0x2dc: {  	s6 =	sld [smem:$0x7ED];
	_ =	sdelay $0x2  }
0x2dd: {  	s9 =	sadd.s32 $0x1, s6;
	s6 =	sld [smem:$0x7F0];
	_ =	sdelay $0x2  }
0x2de: {  	p0 =	sne.s32 s9, s6  }
.Ltmp1:
0x2df: {  	_ = 	snop;
	(pc) =	sbr.rel @p0 .LBB2_1-.Ltmp1, $3  }
0x2e0: {  	_ =	sdelay $0x1  }
0x2e1: {  	[sflag:s10] =	ssyncset.done $0x0  }
0x2e2: {  	[sflag:s10] =	ssyncadd.s32 $0xFFFFD800  }
0x2e3: {  	_ =	sfence.sel $0x180000  }
0x2e4: {  	[bflag:$0x0] =	sbarrier.arrive $0xFFFF  }
0x2e5: {  	_ =	strace $0x9000004A  }
0x2e6: {  	s0 =	stileid.u32;
	[bflag:$0x2] =	sbarrier.arrive $0xFFFF  }
0x2e7: {  	p0 =	sne.s32 s0, $0x0;
	s0 =	rddreg [dreg:$0x2]  }
0x2e8: {  	s0 =	sadd.s32 @!p0 $0x100000, s0  }
0x2e9: {  	[sflag:s0] =	ssyncadd.tile.s32 @!p0 $0x1;
	_ =	shalt  }
.Lfunc_end2:
_tile_overlayer_lowered:
.L_overlay_start_2:
0x2ea: {  	(tag) =	ssettag $0x2  }
0x2eb: {  	s0 =	rddreg [dreg:$0x0];
	s2 =	stileid.u32  }
0x2ec: {  	s1 =	rddreg [dreg:$0x1];
	p0 =	sne.s32 s2, $0x0  }
0x2ed: {  	s3 =	rddreg [dreg:$0x2];
	[bflag:$0x3] =	sbarrier.arrive $0xFFFF;
	s2 =	simm.s32 @!p0 $0x1C09  }
0x2ee: {  	[timem:s3], [sflag:s2] =	dma.local @!p0 [hbm:s0], s1  }
0x2ef: {  	s0 =	simm.s32 @!p0 $0x9  }
0x2f0: {  	_ =	swait.ge @!p0 [sflag:s0], s1  }
0x2f1: {  	s1 =	ssub.s32 @!p0 $0x0, s1;
	[sflag:s0] =	ssyncset.done @!p0 $0x0  }
0x2f2: {  	[sflag:s0] =	ssyncadd.s32 @!p0 s1  }
0x2f3: {  	[bflag:$0x3] =	sbarrier.arrive $0xFFFF  }
0x2f4: {  	_ =	shalt  }

// kernel: kernel.14.cloned.1.call-start
scs
__scs_entry_jumppad:
0x0: {  	(pc) =	sbr.rel $0x88, $3  }
0x1: {  	(tag) =	ssettag $0x0;
	lr =	simm.s32 $0x1  }
0x2: {  	[smem:$0x3F9B] =	sst lr;
	_ =	strace $0xD0000000  }
0x3: {  	_ = 	snop  }
0x4: {  	_ = 	snop  }
0x5: {  	_ = 	snop  }
0x6: {  	_ = 	snop  }
0x7: {  	_ = 	snop  }
__scs_overlays_trampoline_lowered:
0x8: {  	[smem:$0x3FAA] =	sst s0  }
0x9: {  	[smem:$0x3FAB] =	sst s1  }
0xa: {  	[smem:$0x3FAC] =	sst s2  }
0xb: {  	[smem:$0x3FAD] =	sst s3  }
0xc: {  	[smem:$0x3FAE] =	sst s4  }
0xd: {  	[smem:$0x3FAF] =	sst s5  }
0xe: {  	[smem:$0x3FB0] =	sst s6  }
0xf: {  	[smem:$0x3FB1] =	sst s7  }
0x10: {  	[smem:$0x3FB2] =	sst s8  }
0x11: {  	[smem:$0x3FB3] =	sst s9;
	s0 =	simm.s32 @!p0 $0x0  }
0x12: {  	s1 =	sld [smem:$0x3F99];
	s0 =	simm.s32 @p0 $0x1  }
0x13: {  	[smem:$0x3FB4] =	sst s0;
	s0 =	simm.s32 @!p1 $0x0  }
0x14: {  	s2 =	sld [smem:$0x3F98];
	s0 =	simm.s32 @p1 $0x1  }
0x15: {  	[smem:$0x3FB5] =	sst s0;
	s0 =	simm.s32 @!p2 $0x0  }
0x16: {  	s3 =	sld [smem:$0x3FDB];
	s0 =	simm.s32 @p2 $0x1  }
0x17: {  	s4 =	simm.s32 $0x1BF5;
	[smem:$0x3FB7] =	sst s0  }
0x18: {  	s0 =	sld [smem:$0x3F9A];
	_ =	swait.ge [sflag:s4], $0x0  }
0x19: {  	s7 =	sld [smem:$0x3F9B]  }
0x1a: {  	s8 =	sadd.s32 $0xFFFFE003, lr  }
0x1b: {  	s9 =	sadd.s32 $0xFFFFFEF7, lr;
	s5 =	simm.s32 $0xFFFFFFFF;
	p2 =	slt.u32 s8, $0xFFFFF086  }
0x1c: {  	p1 =	slt.u32 s9, $0xF7A;
	s5 =	simm.s32 @!p2 $0x0  }
0x1d: {  	s5 =	simm.s32 @p1 $0x1;
	p0 =	seq.s32 s7, s2  }
0x1e: {  	s7 =	smul.u32 @!p0 $0xF7A, s2;
	p2 =	seq.s32 @!p0 s5, $0x0  }
0x1f: {  	s9 =	smul.u32 $0xF7A, s1;
	s8 =	simm.s32 @!p0 $0x1BF5;
	p2 =	por !p2, p0  }
0x20: {  	[sflag:s8] =	ssyncset.s32 @!p0 $0xFFFFF086;
	s6 =	sadd.s32 @!p0 s3, s7;
	s7 =	simm.s32 @!p0 $0x108  }
0x21: {  	s3 =	sadd.s32 s3, s9;
	s6 =	sadd.s32 @!p0 $0x88, s6;
	s7 =	simm.s32 @p2 $0x1082  }
0x22: {  	[simem:s7], [sflag:s8] =	dma.local @!p0 [hbm:s6], $0xF7A  }
0x23: {  	s9 =	sor.u32 $0xD0000000, s2;
	s6 =	simm.s32 $0x108;
	_ =	swait.ge @!p0 [sflag:s8], $0x0  }
0x24: {  	s3 =	sadd.s32 $0x88, s3;
	s6 =	simm.s32 @!p1 $0x1082;
	[sflag:s4] =	ssyncset.s32 $0xFFFFF086  }
0x25: {  	[simem:s6], [sflag:s4] =	dma.local [hbm:s3], $0xF7A  }
0x26: {  	[smem:$0x3F9B] =	sst s1;
	(tag) =	ssettag s2;
	_ =	strace s9  }
0x27: {  	s1 =	sld [smem:$0x3FAB]  }
0x28: {  	s2 =	sld [smem:$0x3FAC]  }
0x29: {  	s4 =	sld [smem:$0x3FAE]  }
0x2a: {  	p0 =	seq.s32 s5, $0x0;
	s5 =	sld [smem:$0x3FAF]  }
0x2b: {  	s6 =	sld [smem:$0x3FB0]  }
0x2c: {  	s7 =	sld [smem:$0x3FB1]  }
0x2d: {  	s3 =	simm.s32 $0x108;
	s8 =	sld [smem:$0x3FB2]  }
0x2e: {  	s3 =	simm.s32 @!p0 $0x1082;
	s9 =	sld [smem:$0x3FB3]  }
0x2f: {  	lr =	sadd.s32 s0, s3;
	s0 =	sld [smem:$0x3FAA]  }
0x30: {  	s3 =	sld [smem:$0x3FAD]  }
0x31: {  	[smem:$0x3FB6] =	sst s10  }
0x32: {  	s10 =	sld [smem:$0x3FB4];
	_ =	sdelay $0x3  }
0x33: {  	p0 =	seq.s32 s10, $0x1;
	s10 =	sld [smem:$0x3FB6];
	_ =	sdelay $0x3  }
0x34: {  	[smem:$0x3FB6] =	sst s10  }
0x35: {  	s10 =	sld [smem:$0x3FB5];
	_ =	sdelay $0x3  }
0x36: {  	p1 =	seq.s32 s10, $0x1;
	s10 =	sld [smem:$0x3FB6];
	_ =	sdelay $0x3  }
0x37: {  	[smem:$0x3FB6] =	sst s10  }
0x38: {  	s10 =	sld [smem:$0x3FB7]  }
0x39: {  	_ = 	snop;
	(pc) =	sbr.ind lr, $3  }
0x3a: {  	_ = 	snop  }
0x3b: {  	_ = 	snop  }
0x3c: {  	p2 =	seq.s32 s10, $0x1;
	s10 =	sld [smem:$0x3FB6]  }
0x3d: {  	_ =	shalt  }
0x3e: {  	_ =	shalt  }
0x3f: {  	_ =	shalt  }
0x40: {  	_ =	shalt  }
0x41: {  	_ =	shalt  }
0x42: {  	_ =	shalt  }
0x43: {  	_ =	shalt  }
0x44: {  	_ =	shalt  }
0x45: {  	_ =	shalt  }
0x46: {  	_ =	shalt  }
0x47: {  	_ =	shalt  }
0x48: {  	_ =	shalt  }
0x49: {  	_ =	shalt  }
0x4a: {  	_ =	shalt  }
0x4b: {  	_ =	shalt  }
0x4c: {  	_ =	shalt  }
0x4d: {  	_ =	shalt  }
0x4e: {  	_ =	shalt  }
0x4f: {  	_ =	shalt  }
0x50: {  	_ =	shalt  }
0x51: {  	_ =	shalt  }
0x52: {  	_ =	shalt  }
0x53: {  	_ =	shalt  }
0x54: {  	_ =	shalt  }
0x55: {  	_ =	shalt  }
0x56: {  	_ =	shalt  }
0x57: {  	_ =	shalt  }
0x58: {  	_ =	shalt  }
0x59: {  	_ =	shalt  }
0x5a: {  	_ =	shalt  }
0x5b: {  	_ =	shalt  }
0x5c: {  	_ =	shalt  }
0x5d: {  	_ =	shalt  }
0x5e: {  	_ =	shalt  }
0x5f: {  	_ =	shalt  }
0x60: {  	_ =	shalt  }
0x61: {  	_ =	shalt  }
0x62: {  	_ =	shalt  }
0x63: {  	_ =	shalt  }
0x64: {  	_ =	shalt  }
0x65: {  	_ =	shalt  }
0x66: {  	_ =	shalt  }
0x67: {  	_ =	shalt  }
0x68: {  	_ =	shalt  }
0x69: {  	_ =	shalt  }
0x6a: {  	_ =	shalt  }
0x6b: {  	_ =	shalt  }
0x6c: {  	_ =	shalt  }
0x6d: {  	_ =	shalt  }
0x6e: {  	_ =	shalt  }
0x6f: {  	_ =	shalt  }
0x70: {  	_ =	shalt  }
0x71: {  	_ =	shalt  }
0x72: {  	_ =	shalt  }
0x73: {  	_ =	shalt  }
0x74: {  	_ =	shalt  }
0x75: {  	_ =	shalt  }
0x76: {  	_ =	shalt  }
0x77: {  	_ =	shalt  }
0x78: {  	_ =	shalt  }
0x79: {  	_ =	shalt  }
0x7a: {  	_ =	shalt  }
0x7b: {  	_ =	shalt  }
0x7c: {  	_ =	shalt  }
0x7d: {  	_ =	shalt  }
0x7e: {  	_ =	shalt  }
0x7f: {  	_ =	shalt  }
0x80: {  	_ =	shalt  }
0x81: {  	_ =	shalt  }
0x82: {  	_ =	shalt  }
0x83: {  	_ =	shalt  }
0x84: {  	_ =	shalt  }
0x85: {  	_ =	shalt  }
0x86: {  	_ =	shalt  }
0x87: {  	_ =	shalt  }
.Lfunc_end0:
.L_simem_size_0:
called_computation.2_lowered:
.L_overlay_start_0:
0x88: {  	s2 =	sld [smem:$0x3FD9]  }
0x89: {  	s3 =	sld [smem:$0x3FFE];
	_ =	sdelay $0x1  }
0x8a: {  	s1 =	srdreg.scid  }
0x8b: {  	s0 =	sand.u32 $0x1, s1  }
0x8c: {  	s17 =	sshll.u32 s0, $0xA;
	s2 =	sadd.s32 s3, s2  }
0x8d: {  	s2 =	sadd.s32 s2, s17  }
0x8e: {  	[smem:$0x3FC2] =	sst s2  }
0x8f: {  	_ = 	snop  }
0x90: {  	s2 =	sld [smem:$0x3FD0];
	(tm) =	ssettm $0x1  }
0x91: {  	s18 =	sld [smem:$0x3FFB];
	_ =	sdelay $0x3  }
0x92: {  	_ =	strace s18  }
0x93: {  	s3 =	sld [smem:$0x3FFC];
	_ =	sdelay $0x3  }
0x94: {  	_ =	strace s3  }
0x95: {  	s3 =	sld [smem:$0x3FFD];
	_ =	sdelay $0x3  }
0x96: {  	_ =	strace s3  }
0x97: {  	_ =	strace $0x8FFFFFFF  }
0x98: {  	s19 =	sld [smem:$0x3FDB];
	_ =	sdelay $0x1  }
0x99: {  	s4 =	simm.s32 $_scs_section_size  }
0x9a: {  	s5 =	simm.s32 $_size__tile_overlayer_lowered;
	s6 =	simm.s32 $_tile_overlayer_lowered  }
0x9b: {  	s22 =	simm.s32 $0x1BFF;
	s21 =	sshll.u32 s6, $0x1;
	s3 =	sadd.s32 s4, s19  }
0x9c: {  	s7 =	simm.s32 $0x0;
	s20 =	sshll.u32 s5, $0x1;
	s5 =	sadd.s32 s21, s3  }
0x9d: {  	[timem:s7], [sflag:s22] =	dma.local [hbm:s5], s20  }
0x9e: {  	_ =	swait.ge [sflag:s22], s20  }
0x9f: {  	s4 =	ssub.s32 $0x0, s20;
	[sflag:s22] =	ssyncset.done $0x0  }
0xa0: {  	[sflag:s22] =	ssyncadd.s32 s4;
	_ =	sdelay $0x1  }
0xa1: {  	s23 =	simm.s32 $0x1B8B  }
0xa2: {  	_ =	swait.ge [sflag:s23], $0x1  }
0xa3: {  	[sflag:s23] =	ssyncset.done $0x0  }
0xa4: {  	s25 =	simm.s32 $0x1B8E;
	s24 =	sld [smem:$0x3FFE];
	[sflag:s23] =	ssyncadd.s32 $0xFFFFFFFF  }
0xa5: {  	s26 =	simm.s32 $execute0_lowered;
	[smem:$0x3FD2] =	sst s25  }
0xa6: {  	s5 =	sshll.u32 s26, $0x1;
	_ =	strace $0x8000004C;
	[dreg:$0x1] =	wrdreg $0xFFFFFFFF  }
0xa7: {  	s28 =	simm.s32 $_size_execute0_lowered;
	s3 =	sadd.s32 s3, s5;
	[dreg:$0x0] =	wrdreg $0x0  }
0xa8: {  	s5 =	sshll.u32 s28, $0x1;
	[dreg:$0x2] =	wrdreg s3  }
0xa9: {  	[dreg:$0x3] =	wrdreg s5  }
0xaa: {  	[dreg:$0x4] =	wrdreg $0xC0  }
0xab: {  	_ =	task [dreg:s7], $0x5FFFF  }
0xac: {  	[dreg:$0x1] =	wrdreg $0xFFFFFFFF  }
0xad: {  	[dreg:$0x0] =	wrdreg $0x60  }
0xae: {  	[dreg:$0x2] =	wrdreg s2  }
0xaf: {  	[dreg:$0x3] =	wrdreg s24  }
0xb0: {  	[dreg:$0x4] =	wrdreg $0xEE200  }
0xb1: {  	[dreg:$0x5] =	wrdreg $0x9  }
0xb2: {  	_ =	task.clear_ibuf [dreg:s7], $0x6FFFF;
	_ =	strace $0x9000004C  }
0xb3: {  	s29 =	simm.s32 $0x9;
	_ =	strace $0x8000004E  }
0xb4: {  	_ =	swait.ge [sflag:s29], $0x1  }
0xb5: {  	[sflag:s29] =	ssyncadd.s32 $0xFFFFFFFF  }
0xb6: {  	_ =	strace $0x9000004E  }
0xb7: {  	_ =	sfence  }
0xb8: {  	s30 =	sld [smem:$0x0];
	_ =	sdelay $0x2  }
0xb9: {  	s31 =	sshll.u32 s1, $0xD;
	s1 =	sshrl.u32 s1, $0x2  }
0xba: {  	s3 =	sand.u32 $0x4000, s31;
	s1 =	sadd.s32 s1, s30  }
0xbb: {  	s0 =	sor.u32 s3, s0;
	s1 =	sshll.u32 s1, $0x11  }
0xbc: {  	s0 =	sor.u32 s1, s0  }
0xbd: {  	s0 =	sadd.s32 $0x8F2B, s0  }
0xbe: {  	[sflag:s0] =	ssyncadd.remote.s32 $0x1  }
0xbf: {  	_ =	sfence.sel $0xFFFF  }
0xc0: {  	[dreg:$0x0] =	wrdreg $0xFFFFFFFF;
	(pc) =	sbr.abs _section_cstart, $3  }
0xc1: {  	[dreg:$0x1] =	wrdreg $0xFFFFFFFF  }
0xc2: {  	_ =	task.clear_ibuf [dreg:s7], $0x2FFFF;
	_ =	strace $0x9FFFFFFF  }
0xc3: {  	(tm) =	ssettm $0x7FFFFFFF  }
tec
execute0_lowered:
.L_overlay_start_1:
0x0: {  	(tag) =	ssettag $0x1  }
0x1: {  	s0 =	srdreg.scid;
	s1 =	rddreg [dreg:$0x0]  }
0x2: {  	s9 =	stileid.u32;
	s4 =	rddreg [dreg:$0x1]  }
0x3: {  	s3 =	rddreg [dreg:$0x2];
	s6 =	simm.s32 $0x0;
	s12 =	simm.s32 $0x11  }
0x4: {  	s14 =	simm.s32 $0x50;
	s15 =	simm.s32 $0x4E20;
	s16 =	simm.s32 $0x6220  }
0x5: {  	s18 =	simm.s32 $0x7620;
	s20 =	simm.s32 $0x8A20;
	s22 =	simm.s32 $0x9E20  }
0x6: {  	s29 =	simm.s32 $0xDA20;
	s30 =	simm.s32 $0x1;
	s31 =	simm.s32 $0x2  }
0x7: {  	s13 =	simm.s32 $0x5;
	s17 =	simm.s32 $0x6;
	s19 =	simm.s32 $0x7  }
0x8: {  	s21 =	simm.s32 $0x8;
	s28 =	simm.s32 $0xB;
	s10 =	simm.s32 $0x10  }
0x9: {  	s0 =	sand.u32 $0x1, s0;
	s5 =	smul.u32 $0xA000, s9;
	[smem:$0x7FF] =	sst s6  }
0xa: {  	s24 =	sshll.u32 s9, $0x6;
	s2 =	sshll.u32 s0, $0x4;
	s23 =	smul.u32 $0xA0000, s0  }
0xb: {  	_ =	strace $0x8000004D;
	s0 =	ssub.s32 $0x2, s0;
	s2 =	sor.u32 s9, s2  }
0xc: {  	s7 =	sshrl.u32 s5, $0x3;
	s8 =	sshrl.u32 s0, $0x1;
	s9 =	simm.s32 $0xF  }
0xd: {  	s2 =	smul.u32 $0x4E2, s2;
	s6 =	sadd.s32 s5, s23;
	s7 =	sadd.s32 s7, s4  }
0xe: {  	s0 =	ssub.s32 s0, s8;
	s5 =	sadd.s32 s5, s3;
	s23 =	simm.s32 $0x9  }
0xf: {  	s8 =	simm.s32 $0xE;
	s6 =	sshrl.u32 s6, $0x3;
	s7 =	sadd.s32 $0x15400, s7  }
0x10: {  	s0 =	smax.u32 s0, $0x1;
	s11 =	sshrl.u32 s5, $0x3;
	[dreg:$0x4] =	wrdreg s7  }
0x11: {  	s5 =	simm.s32 $0xC;
	s2 =	sadd.s32 s2, s4;
	[dreg:$0x9] =	wrdreg s0  }
0x12: {  	s4 =	sadd.s32 s6, s4;
	s6 =	sor.u32 $0x1C11, s24;
	[dreg:$0xa] =	wrdreg s11  }
0x13: {  	s24 =	simm.s32 $0xB220;
	s25 =	sadd.s32 $0xB600, s2;
	[dreg:$0x5] =	wrdreg s6  }
0x14: {  	s0 =	simm.s32 $0x4;
	s2 =	sadd.s32 $0x1800, s2;
	[dreg:$0x6] =	wrdreg s25  }
0x15: {  	s7 =	simm.s32 $0xD;
	s26 =	sadd.s32 $0xC9600, s4;
	[dreg:$0x7] =	wrdreg s2  }
0x16: {  	s4 =	simm.s32 $0x0;
	[dreg:$0x8] =	wrdreg s26;
	s26 =	simm.s32 $0xC620  }
0x17: {  	s2 =	simm.s32 $0x3;
	s25 =	simm.s32 $0xA;
	[dreg:$0xb] =	wrdreg s4  }
.LBB2_1:
0x18: {  	s4 =	rddreg [dreg:$0x4]  }
0x19: {  	[spmem:s11], [sflag:s6] =	dma.local [hbm:s4], $0x1400  }
0x1a: {  	_ =	swait.ge [sflag:s12], $0x1400  }
0x1b: {  	[sflag:s12] =	ssyncset.done $0x0  }
0x1c: {  	s4 =	simm.s32 $0x0;
	s11 =	rddreg [dreg:$0x6];
	[sflag:s12] =	ssyncadd.s32 $0xFFFFEC00  }
0x1d: {  	[tilespmem:s4], [sflag:$0x11] =	stream.linear.gather [hbm4b:s11+s4], $0x2710, $0x38;
	[tilespmem:$0x18E20] =	vst v63  }
0x1e: {  	_ =	swait.ge [sflag:s12], $0x2710  }
0x1f: {  	[sflag:s12] =	ssyncset.done $0x0  }
0x20: {  	s11 =	simm.s32 $0x2710;
	s6 =	rddreg [dreg:$0x7];
	[sflag:s12] =	ssyncadd.s32 $0xFFFFD8F0  }
0x21: {  	[tilespmem:s11], [sflag:$0x11] =	stream.linear.gather [hbm4b:s6+s4], $0x2710, $0x38;
	[tilespmem:$0x18E20] =	vst v63  }
0x22: {  	_ =	swait.ge [sflag:s12], $0x2710  }
0x23: {  	[sflag:s12] =	ssyncset.done $0x0  }
0x24: {  	[sflag:s12] =	ssyncadd.s32 $0xFFFFD8F0  }
0x25: {  	[bflag:$0x0] =	sbarrier.arrive $0xFFFF  }
0x26: {  	[tilespmem:s15], [sflag:$0x1] =	stream.indirect.gather [hbm4b:s1+s14], $0x40, s4, s14, $0xb8;
	[tilespmem:$0x18E20] =	vst v63  }
0x27: {  	_ = 	snop  }
0x28: {  	[tilespmem:s16], [sflag:$0x2] =	stream.indirect.gather [hbm4b:s1+s14], $0x40, s14, s14, $0xb8;
	[tilespmem:$0x18E20] =	vst v63  }
0x29: {  	s11 =	simm.s32 $0xA0  }
0x2a: {  	[tilespmem:s18], [sflag:$0x3] =	stream.indirect.gather [hbm4b:s1+s14], $0x40, s11, s14, $0xb8;
	[tilespmem:$0x18E20] =	vst v63  }
0x2b: {  	s6 =	simm.s32 $0xF0  }
0x2c: {  	[tilespmem:s20], [sflag:$0x4] =	stream.indirect.gather [hbm4b:s1+s14], $0x40, s6, s14, $0xb8;
	[tilespmem:$0x18E20] =	vst v63  }
0x2d: {  	s11 =	simm.s32 $0x140  }
0x2e: {  	[tilespmem:s22], [sflag:$0x5] =	stream.indirect.gather [hbm4b:s1+s14], $0x40, s11, s14, $0xb8;
	[tilespmem:$0x18E20] =	vst v63  }
0x2f: {  	s6 =	simm.s32 $0x190  }
0x30: {  	[tilespmem:s24], [sflag:$0x6] =	stream.indirect.gather [hbm4b:s1+s14], $0x40, s6, s14, $0xb8;
	[tilespmem:$0x18E20] =	vst v63  }
0x31: {  	s11 =	simm.s32 $0x1E0  }
0x32: {  	[tilespmem:s26], [sflag:$0x7] =	stream.indirect.gather [hbm4b:s1+s14], $0x40, s11, s14, $0xb8;
	[tilespmem:$0x18E20] =	vst v63  }
0x33: {  	s6 =	simm.s32 $0x230  }
0x34: {  	[tilespmem:s29], [sflag:$0x8] =	stream.indirect.gather [hbm4b:s1+s14], $0x40, s6, s14, $0xb8;
	[tilespmem:$0x18E20] =	vst v63  }
0x35: {  	_ =	swait.ge [sflag:s30], $0x1400  }
0x36: {  	[sflag:s30] =	ssyncset.done $0x0  }
0x37: {  	s11 =	simm.s32 $0x2710;
	[sflag:s30] =	ssyncadd.s32 $0xFFFFEC00  }
0x38: {  	[spmem:s3] =	stream.indirect.scatter.add.f32 [tilespmem:s15], [sflag:$0x9], $0x40, s11, s14, $0xb8;
	[tilespmem:$0x18E20] =	vst v63  }
0x39: {  	_ =	swait.ge [sflag:s31], $0x1400  }
0x3a: {  	[sflag:s31] =	ssyncset.done $0x0  }
0x3b: {  	s4 =	simm.s32 $0x2760;
	[sflag:s31] =	ssyncadd.s32 $0xFFFFEC00  }
0x3c: {  	[spmem:s3] =	stream.indirect.scatter.add.f32 [tilespmem:s16], [sflag:$0xA], $0x40, s4, s14, $0xb8;
	[tilespmem:$0x18E20] =	vst v63  }
0x3d: {  	_ =	swait.ge [sflag:s2], $0x1400  }
0x3e: {  	[sflag:s2] =	ssyncset.done $0x0  }
0x3f: {  	s11 =	simm.s32 $0x27B0;
	[sflag:s2] =	ssyncadd.s32 $0xFFFFEC00  }
0x40: {  	[spmem:s3] =	stream.indirect.scatter.add.f32 [tilespmem:s18], [sflag:$0xB], $0x40, s11, s14, $0xb8;
	[tilespmem:$0x18E20] =	vst v63  }
0x41: {  	_ =	swait.ge [sflag:s0], $0x1400  }
0x42: {  	[sflag:s0] =	ssyncset.done $0x0  }
0x43: {  	s4 =	simm.s32 $0x2800;
	[sflag:s0] =	ssyncadd.s32 $0xFFFFEC00  }
0x44: {  	[spmem:s3] =	stream.indirect.scatter.add.f32 [tilespmem:s20], [sflag:$0xC], $0x40, s4, s14, $0xb8;
	[tilespmem:$0x18E20] =	vst v63  }
0x45: {  	_ =	swait.ge [sflag:s13], $0x1400  }
0x46: {  	[sflag:s13] =	ssyncset.done $0x0  }
0x47: {  	s11 =	simm.s32 $0x2850;
	[sflag:s13] =	ssyncadd.s32 $0xFFFFEC00  }
0x48: {  	[spmem:s3] =	stream.indirect.scatter.add.f32 [tilespmem:s22], [sflag:$0xD], $0x40, s11, s14, $0xb8;
	[tilespmem:$0x18E20] =	vst v63  }
0x49: {  	_ =	swait.ge [sflag:s17], $0x1400  }
0x4a: {  	[sflag:s17] =	ssyncset.done $0x0  }
0x4b: {  	s4 =	simm.s32 $0x28A0;
	[sflag:s17] =	ssyncadd.s32 $0xFFFFEC00  }
0x4c: {  	[spmem:s3] =	stream.indirect.scatter.add.f32 [tilespmem:s24], [sflag:$0xE], $0x40, s4, s14, $0xb8;
	[tilespmem:$0x18E20] =	vst v63  }
0x4d: {  	_ =	swait.ge [sflag:s19], $0x1400  }
0x4e: {  	[sflag:s19] =	ssyncset.done $0x0  }
0x4f: {  	s11 =	simm.s32 $0x28F0;
	[sflag:s19] =	ssyncadd.s32 $0xFFFFEC00  }
0x50: {  	[spmem:s3] =	stream.indirect.scatter.add.f32 [tilespmem:s26], [sflag:$0xF], $0x40, s11, s14, $0xb8;
	[tilespmem:$0x18E20] =	vst v63  }
0x51: {  	_ =	swait.ge [sflag:s21], $0x1400  }
0x52: {  	[sflag:s21] =	ssyncset.done $0x0  }
0x53: {  	s4 =	simm.s32 $0x2940;
	[sflag:s21] =	ssyncadd.s32 $0xFFFFEC00  }
0x54: {  	[spmem:s3] =	stream.indirect.scatter.add.f32 [tilespmem:s29], [sflag:$0x10], $0x40, s4, s14, $0xb8;
	[tilespmem:$0x18E20] =	vst v63  }
0x55: {  	_ =	swait.ge [sflag:s23], $0x1400  }
0x56: {  	[sflag:s23] =	ssyncset.done $0x0  }
0x57: {  	s11 =	simm.s32 $0x280;
	[sflag:s23] =	ssyncadd.s32 $0xFFFFEC00  }
0x58: {  	[tilespmem:s15], [sflag:$0x1] =	stream.indirect.gather [hbm4b:s1+s14], $0x40, s11, s14, $0xb8;
	[tilespmem:$0x18E20] =	vst v63  }
0x59: {  	_ =	swait.ge [sflag:s25], $0x1400  }
0x5a: {  	[sflag:s25] =	ssyncset.done $0x0  }
0x5b: {  	s4 =	simm.s32 $0x2D0;
	[sflag:s25] =	ssyncadd.s32 $0xFFFFEC00  }
0x5c: {  	[tilespmem:s16], [sflag:$0x2] =	stream.indirect.gather [hbm4b:s1+s14], $0x40, s4, s14, $0xb8;
	[tilespmem:$0x18E20] =	vst v63  }
0x5d: {  	_ =	swait.ge [sflag:s28], $0x1400  }
0x5e: {  	[sflag:s28] =	ssyncset.done $0x0  }
0x5f: {  	s11 =	simm.s32 $0x320;
	[sflag:s28] =	ssyncadd.s32 $0xFFFFEC00  }
0x60: {  	[tilespmem:s18], [sflag:$0x3] =	stream.indirect.gather [hbm4b:s1+s14], $0x40, s11, s14, $0xb8;
	[tilespmem:$0x18E20] =	vst v63  }
0x61: {  	_ =	swait.ge [sflag:s5], $0x1400  }
0x62: {  	[sflag:s5] =	ssyncset.done $0x0  }
0x63: {  	s4 =	simm.s32 $0x370;
	[sflag:s5] =	ssyncadd.s32 $0xFFFFEC00  }
0x64: {  	[tilespmem:s20], [sflag:$0x4] =	stream.indirect.gather [hbm4b:s1+s14], $0x40, s4, s14, $0xb8;
	[tilespmem:$0x18E20] =	vst v63  }
0x65: {  	_ =	swait.ge [sflag:s7], $0x1400  }
0x66: {  	[sflag:s7] =	ssyncset.done $0x0  }
0x67: {  	s11 =	simm.s32 $0x3C0;
	[sflag:s7] =	ssyncadd.s32 $0xFFFFEC00  }
0x68: {  	[tilespmem:s22], [sflag:$0x5] =	stream.indirect.gather [hbm4b:s1+s14], $0x40, s11, s14, $0xb8;
	[tilespmem:$0x18E20] =	vst v63  }
0x69: {  	_ =	swait.ge [sflag:s8], $0x1400  }
0x6a: {  	[sflag:s8] =	ssyncset.done $0x0  }
0x6b: {  	s4 =	simm.s32 $0x410;
	[sflag:s8] =	ssyncadd.s32 $0xFFFFEC00  }
0x6c: {  	[tilespmem:s24], [sflag:$0x6] =	stream.indirect.gather [hbm4b:s1+s14], $0x40, s4, s14, $0xb8;
	[tilespmem:$0x18E20] =	vst v63  }
0x6d: {  	_ =	swait.ge [sflag:s9], $0x1400  }
0x6e: {  	[sflag:s9] =	ssyncset.done $0x0  }
0x6f: {  	s11 =	simm.s32 $0x460;
	[sflag:s9] =	ssyncadd.s32 $0xFFFFEC00  }
0x70: {  	[tilespmem:s26], [sflag:$0x7] =	stream.indirect.gather [hbm4b:s1+s14], $0x40, s11, s14, $0xb8;
	[tilespmem:$0x18E20] =	vst v63  }
0x71: {  	_ =	swait.ge [sflag:s10], $0x1400  }
0x72: {  	[sflag:s10] =	ssyncset.done $0x0  }
0x73: {  	s6 =	simm.s32 $0xA00;
	s11 =	simm.s32 $0x4B0;
	[sflag:s10] =	ssyncadd.s32 $0xFFFFEC00  }
.LBB2_2:
0x74: {  	[tilespmem:s29], [sflag:$0x8] =	stream.indirect.gather [hbm4b:s1+s14], $0x40, s11, s14, $0xb8;
	[tilespmem:$0x18E20] =	vst v63  }
0x75: {  	s11 =	smov.u32 s6  }
0x76: {  	p0 =	sne.s32 s6, $0x8200;
	s6 =	sadd.s32 $0xA00, s6;
	_ =	swait.ge [sflag:s30], $0x1400  }
0x77: {  	s11 =	sshra.s32 s11, $0x2;
	[sflag:s30] =	ssyncset.done $0x0  }
0x78: {  	s4 =	sadd.s32 $0x2710, s11;
	[sflag:s30] =	ssyncadd.s32 $0xFFFFEC00  }
0x79: {  	[spmem:s3] =	stream.indirect.scatter.add.f32 [tilespmem:s15], [sflag:$0x9], $0x40, s4, s14, $0xb8;
	[tilespmem:$0x18E20] =	vst v63  }
0x7a: {  	_ =	swait.ge [sflag:s31], $0x1400  }
0x7b: {  	[sflag:s31] =	ssyncset.done $0x0  }
0x7c: {  	s4 =	sadd.s32 $0x2760, s11;
	[sflag:s31] =	ssyncadd.s32 $0xFFFFEC00  }
0x7d: {  	[spmem:s3] =	stream.indirect.scatter.add.f32 [tilespmem:s16], [sflag:$0xA], $0x40, s4, s14, $0xb8;
	[tilespmem:$0x18E20] =	vst v63  }
0x7e: {  	_ =	swait.ge [sflag:s2], $0x1400  }
0x7f: {  	[sflag:s2] =	ssyncset.done $0x0  }
0x80: {  	s4 =	sadd.s32 $0x27B0, s11;
	[sflag:s2] =	ssyncadd.s32 $0xFFFFEC00  }
0x81: {  	[spmem:s3] =	stream.indirect.scatter.add.f32 [tilespmem:s18], [sflag:$0xB], $0x40, s4, s14, $0xb8;
	[tilespmem:$0x18E20] =	vst v63  }
0x82: {  	_ =	swait.ge [sflag:s0], $0x1400  }
0x83: {  	[sflag:s0] =	ssyncset.done $0x0  }
0x84: {  	s4 =	sadd.s32 $0x2800, s11;
	[sflag:s0] =	ssyncadd.s32 $0xFFFFEC00  }
0x85: {  	[spmem:s3] =	stream.indirect.scatter.add.f32 [tilespmem:s20], [sflag:$0xC], $0x40, s4, s14, $0xb8;
	[tilespmem:$0x18E20] =	vst v63  }
0x86: {  	_ =	swait.ge [sflag:s13], $0x1400  }
0x87: {  	[sflag:s13] =	ssyncset.done $0x0  }
0x88: {  	s4 =	sadd.s32 $0x2850, s11;
	[sflag:s13] =	ssyncadd.s32 $0xFFFFEC00  }
0x89: {  	[spmem:s3] =	stream.indirect.scatter.add.f32 [tilespmem:s22], [sflag:$0xD], $0x40, s4, s14, $0xb8;
	[tilespmem:$0x18E20] =	vst v63  }
0x8a: {  	_ =	swait.ge [sflag:s17], $0x1400  }
0x8b: {  	[sflag:s17] =	ssyncset.done $0x0  }
0x8c: {  	s4 =	sadd.s32 $0x28A0, s11;
	[sflag:s17] =	ssyncadd.s32 $0xFFFFEC00  }
0x8d: {  	[spmem:s3] =	stream.indirect.scatter.add.f32 [tilespmem:s24], [sflag:$0xE], $0x40, s4, s14, $0xb8;
	[tilespmem:$0x18E20] =	vst v63  }
0x8e: {  	_ =	swait.ge [sflag:s19], $0x1400  }
0x8f: {  	[sflag:s19] =	ssyncset.done $0x0  }
0x90: {  	s4 =	sadd.s32 $0x28F0, s11;
	[sflag:s19] =	ssyncadd.s32 $0xFFFFEC00  }
0x91: {  	[spmem:s3] =	stream.indirect.scatter.add.f32 [tilespmem:s26], [sflag:$0xF], $0x40, s4, s14, $0xb8;
	[tilespmem:$0x18E20] =	vst v63  }
0x92: {  	_ =	swait.ge [sflag:s21], $0x1400  }
0x93: {  	[sflag:s21] =	ssyncset.done $0x0  }
0x94: {  	s4 =	sadd.s32 $0x2940, s11;
	[sflag:s21] =	ssyncadd.s32 $0xFFFFEC00  }
0x95: {  	[spmem:s3] =	stream.indirect.scatter.add.f32 [tilespmem:s29], [sflag:$0x10], $0x40, s4, s14, $0xb8;
	[tilespmem:$0x18E20] =	vst v63  }
0x96: {  	_ =	swait.ge [sflag:s23], $0x1400  }
0x97: {  	[sflag:s23] =	ssyncset.done $0x0  }
0x98: {  	s4 =	sadd.s32 $0x280, s11;
	[sflag:s23] =	ssyncadd.s32 $0xFFFFEC00  }
0x99: {  	[tilespmem:s15], [sflag:$0x1] =	stream.indirect.gather [hbm4b:s1+s14], $0x40, s4, s14, $0xb8;
	[tilespmem:$0x18E20] =	vst v63  }
0x9a: {  	_ =	swait.ge [sflag:s25], $0x1400  }
0x9b: {  	[sflag:s25] =	ssyncset.done $0x0  }
0x9c: {  	s4 =	sadd.s32 $0x2D0, s11;
	[sflag:s25] =	ssyncadd.s32 $0xFFFFEC00  }
0x9d: {  	[tilespmem:s16], [sflag:$0x2] =	stream.indirect.gather [hbm4b:s1+s14], $0x40, s4, s14, $0xb8;
	[tilespmem:$0x18E20] =	vst v63  }
0x9e: {  	_ =	swait.ge [sflag:s28], $0x1400  }
0x9f: {  	[sflag:s28] =	ssyncset.done $0x0  }
0xa0: {  	s4 =	sadd.s32 $0x320, s11;
	[sflag:s28] =	ssyncadd.s32 $0xFFFFEC00  }
0xa1: {  	[tilespmem:s18], [sflag:$0x3] =	stream.indirect.gather [hbm4b:s1+s14], $0x40, s4, s14, $0xb8;
	[tilespmem:$0x18E20] =	vst v63  }
0xa2: {  	_ =	swait.ge [sflag:s5], $0x1400  }
0xa3: {  	[sflag:s5] =	ssyncset.done $0x0  }
0xa4: {  	s4 =	sadd.s32 $0x370, s11;
	[sflag:s5] =	ssyncadd.s32 $0xFFFFEC00  }
0xa5: {  	[tilespmem:s20], [sflag:$0x4] =	stream.indirect.gather [hbm4b:s1+s14], $0x40, s4, s14, $0xb8;
	[tilespmem:$0x18E20] =	vst v63  }
0xa6: {  	_ =	swait.ge [sflag:s7], $0x1400  }
0xa7: {  	[sflag:s7] =	ssyncset.done $0x0  }
0xa8: {  	s4 =	sadd.s32 $0x3C0, s11;
	[sflag:s7] =	ssyncadd.s32 $0xFFFFEC00  }
0xa9: {  	[tilespmem:s22], [sflag:$0x5] =	stream.indirect.gather [hbm4b:s1+s14], $0x40, s4, s14, $0xb8;
	[tilespmem:$0x18E20] =	vst v63  }
0xaa: {  	_ =	swait.ge [sflag:s8], $0x1400  }
0xab: {  	[sflag:s8] =	ssyncset.done $0x0  }
0xac: {  	s4 =	sadd.s32 $0x410, s11;
	[sflag:s8] =	ssyncadd.s32 $0xFFFFEC00  }
0xad: {  	[tilespmem:s24], [sflag:$0x6] =	stream.indirect.gather [hbm4b:s1+s14], $0x40, s4, s14, $0xb8;
	[tilespmem:$0x18E20] =	vst v63  }
0xae: {  	_ =	swait.ge [sflag:s9], $0x1400  }
0xaf: {  	[sflag:s9] =	ssyncset.done $0x0  }
.Ltmp0:
0xb0: {  	s4 =	sadd.s32 $0x460, s11;
	[sflag:s9] =	ssyncadd.s32 $0xFFFFEC00;
	(pc) =	sbr.rel @p0 .LBB2_2-.Ltmp0, $4  }
0xb1: {  	[tilespmem:s26], [sflag:$0x7] =	stream.indirect.gather [hbm4b:s1+s14], $0x40, s4, s14, $0xb8;
	[tilespmem:$0x18E20] =	vst v63  }
0xb2: {  	_ =	swait.ge [sflag:s10], $0x1400  }
0xb3: {  	[sflag:s10] =	ssyncset.done $0x0  }
0xb4: {  	s11 =	sadd.s32 $0x4B0, s11;
	[sflag:s10] =	ssyncadd.s32 $0xFFFFEC00  }
0xb5: {  	[tilespmem:s29], [sflag:$0x8] =	stream.indirect.gather [hbm4b:s1+s14], $0x40, s11, s14, $0xb8;
	[tilespmem:$0x18E20] =	vst v63  }
0xb6: {  	_ =	swait.ge [sflag:s30], $0x1400  }
0xb7: {  	[sflag:s30] =	ssyncset.done $0x0  }
0xb8: {  	s4 =	simm.s32 $0x4A10;
	[sflag:s30] =	ssyncadd.s32 $0xFFFFEC00  }
0xb9: {  	[spmem:s3] =	stream.indirect.scatter.add.f32 [tilespmem:s15], [sflag:$0x9], $0x40, s4, s14, $0xb8;
	[tilespmem:$0x18E20] =	vst v63  }
0xba: {  	_ =	swait.ge [sflag:s31], $0x1400  }
0xbb: {  	[sflag:s31] =	ssyncset.done $0x0  }
0xbc: {  	s11 =	simm.s32 $0x4A60;
	[sflag:s31] =	ssyncadd.s32 $0xFFFFEC00  }
0xbd: {  	[spmem:s3] =	stream.indirect.scatter.add.f32 [tilespmem:s16], [sflag:$0xA], $0x40, s11, s14, $0xb8;
	[tilespmem:$0x18E20] =	vst v63  }
0xbe: {  	_ =	swait.ge [sflag:s2], $0x1400  }
0xbf: {  	[sflag:s2] =	ssyncset.done $0x0  }
0xc0: {  	s6 =	simm.s32 $0x4AB0;
	[sflag:s2] =	ssyncadd.s32 $0xFFFFEC00  }
0xc1: {  	[spmem:s3] =	stream.indirect.scatter.add.f32 [tilespmem:s18], [sflag:$0xB], $0x40, s6, s14, $0xb8;
	[tilespmem:$0x18E20] =	vst v63  }
0xc2: {  	_ =	swait.ge [sflag:s0], $0x1400  }
0xc3: {  	[sflag:s0] =	ssyncset.done $0x0  }
0xc4: {  	s11 =	simm.s32 $0x4B00;
	[sflag:s0] =	ssyncadd.s32 $0xFFFFEC00  }
0xc5: {  	[spmem:s3] =	stream.indirect.scatter.add.f32 [tilespmem:s20], [sflag:$0xC], $0x40, s11, s14, $0xb8;
	[tilespmem:$0x18E20] =	vst v63  }
0xc6: {  	_ =	swait.ge [sflag:s13], $0x1400  }
0xc7: {  	[sflag:s13] =	ssyncset.done $0x0  }
0xc8: {  	s6 =	simm.s32 $0x4B50;
	[sflag:s13] =	ssyncadd.s32 $0xFFFFEC00  }
0xc9: {  	[spmem:s3] =	stream.indirect.scatter.add.f32 [tilespmem:s22], [sflag:$0xD], $0x40, s6, s14, $0xb8;
	[tilespmem:$0x18E20] =	vst v63  }
0xca: {  	_ =	swait.ge [sflag:s17], $0x1400  }
0xcb: {  	[sflag:s17] =	ssyncset.done $0x0  }
0xcc: {  	s11 =	simm.s32 $0x4BA0;
	[sflag:s17] =	ssyncadd.s32 $0xFFFFEC00  }
0xcd: {  	[spmem:s3] =	stream.indirect.scatter.add.f32 [tilespmem:s24], [sflag:$0xE], $0x40, s11, s14, $0xb8;
	[tilespmem:$0x18E20] =	vst v63  }
0xce: {  	_ =	swait.ge [sflag:s19], $0x1400  }
0xcf: {  	[sflag:s19] =	ssyncset.done $0x0  }
0xd0: {  	s6 =	simm.s32 $0x4BF0;
	[sflag:s19] =	ssyncadd.s32 $0xFFFFEC00  }
0xd1: {  	[spmem:s3] =	stream.indirect.scatter.add.f32 [tilespmem:s26], [sflag:$0xF], $0x40, s6, s14, $0xb8;
	[tilespmem:$0x18E20] =	vst v63  }
0xd2: {  	_ =	swait.ge [sflag:s21], $0x1400  }
0xd3: {  	[sflag:s21] =	ssyncset.done $0x0  }
0xd4: {  	s11 =	simm.s32 $0x4C40;
	[sflag:s21] =	ssyncadd.s32 $0xFFFFEC00  }
0xd5: {  	[spmem:s3] =	stream.indirect.scatter.add.f32 [tilespmem:s29], [sflag:$0x10], $0x40, s11, s14, $0xb8;
	[tilespmem:$0x18E20] =	vst v63  }
0xd6: {  	_ =	swait.ge [sflag:s23], $0x1400  }
0xd7: {  	[sflag:s23] =	ssyncset.done $0x0  }
0xd8: {  	[sflag:s23] =	ssyncadd.s32 $0xFFFFEC00  }
0xd9: {  	_ =	swait.ge [sflag:s25], $0x1400  }
0xda: {  	[sflag:s25] =	ssyncset.done $0x0  }
0xdb: {  	[sflag:s25] =	ssyncadd.s32 $0xFFFFEC00  }
0xdc: {  	_ =	swait.ge [sflag:s28], $0x1400  }
0xdd: {  	[sflag:s28] =	ssyncset.done $0x0  }
0xde: {  	[sflag:s28] =	ssyncadd.s32 $0xFFFFEC00  }
0xdf: {  	_ =	swait.ge [sflag:s5], $0x1400  }
0xe0: {  	[sflag:s5] =	ssyncset.done $0x0  }
0xe1: {  	[sflag:s5] =	ssyncadd.s32 $0xFFFFEC00  }
0xe2: {  	_ =	swait.ge [sflag:s7], $0x1400  }
0xe3: {  	[sflag:s7] =	ssyncset.done $0x0  }
0xe4: {  	[sflag:s7] =	ssyncadd.s32 $0xFFFFEC00  }
0xe5: {  	_ =	swait.ge [sflag:s8], $0x1400  }
0xe6: {  	[sflag:s8] =	ssyncset.done $0x0  }
0xe7: {  	[sflag:s8] =	ssyncadd.s32 $0xFFFFEC00  }
0xe8: {  	_ =	swait.ge [sflag:s9], $0x1400  }
0xe9: {  	[sflag:s9] =	ssyncset.done $0x0  }
0xea: {  	[sflag:s9] =	ssyncadd.s32 $0xFFFFEC00  }
0xeb: {  	_ =	swait.ge [sflag:s10], $0x1400  }
0xec: {  	[sflag:s10] =	ssyncset.done $0x0  }
0xed: {  	s6 =	simm.s32 $0x2580;
	[sflag:s10] =	ssyncadd.s32 $0xFFFFEC00  }
0xee: {  	[tilespmem:s15], [sflag:$0x11] =	stream.indirect.gather [hbm4b:s1+s14], $0x40, s6, s14, $0xb8;
	[tilespmem:$0x18E20] =	vst v63  }
0xef: {  	_ =	swait.ge [sflag:s12], $0x1400  }
0xf0: {  	[sflag:s12] =	ssyncset.done $0x0  }
0xf1: {  	s11 =	simm.s32 $0x4C90;
	[sflag:s12] =	ssyncadd.s32 $0xFFFFEC00  }
0xf2: {  	[spmem:s3] =	stream.indirect.scatter.add.f32 [tilespmem:s15], [sflag:$0x11], $0x40, s11, s14, $0xb8;
	[tilespmem:$0x18E20] =	vst v63  }
0xf3: {  	_ =	swait.ge [sflag:s12], $0x1400  }
0xf4: {  	[sflag:s12] =	ssyncset.done $0x0  }
0xf5: {  	s6 =	simm.s32 $0x25D0;
	[sflag:s12] =	ssyncadd.s32 $0xFFFFEC00  }
0xf6: {  	[tilespmem:s15], [sflag:$0x11] =	stream.indirect.gather [hbm4b:s1+s14], $0x40, s6, s14, $0xb8;
	[tilespmem:$0x18E20] =	vst v63  }
0xf7: {  	_ =	swait.ge [sflag:s12], $0x1400  }
0xf8: {  	[sflag:s12] =	ssyncset.done $0x0  }
0xf9: {  	s11 =	simm.s32 $0x4CE0;
	[sflag:s12] =	ssyncadd.s32 $0xFFFFEC00  }
0xfa: {  	[spmem:s3] =	stream.indirect.scatter.add.f32 [tilespmem:s15], [sflag:$0x11], $0x40, s11, s14, $0xb8;
	[tilespmem:$0x18E20] =	vst v63  }
0xfb: {  	_ =	swait.ge [sflag:s12], $0x1400  }
0xfc: {  	[sflag:s12] =	ssyncset.done $0x0  }
0xfd: {  	s6 =	simm.s32 $0x2620;
	[sflag:s12] =	ssyncadd.s32 $0xFFFFEC00  }
0xfe: {  	[tilespmem:s15], [sflag:$0x11] =	stream.indirect.gather [hbm4b:s1+s14], $0x40, s6, s14, $0xb8;
	[tilespmem:$0x18E20] =	vst v63  }
0xff: {  	_ =	swait.ge [sflag:s12], $0x1400  }
0x100: {  	[sflag:s12] =	ssyncset.done $0x0  }
0x101: {  	s11 =	simm.s32 $0x4D30;
	[sflag:s12] =	ssyncadd.s32 $0xFFFFEC00  }
0x102: {  	[spmem:s3] =	stream.indirect.scatter.add.f32 [tilespmem:s15], [sflag:$0x11], $0x40, s11, s14, $0xb8;
	[tilespmem:$0x18E20] =	vst v63  }
0x103: {  	_ =	swait.ge [sflag:s12], $0x1400  }
0x104: {  	[sflag:s12] =	ssyncset.done $0x0  }
0x105: {  	s6 =	simm.s32 $0x2670;
	[sflag:s12] =	ssyncadd.s32 $0xFFFFEC00  }
0x106: {  	[tilespmem:s15], [sflag:$0x11] =	stream.indirect.gather [hbm4b:s1+s14], $0x40, s6, s14, $0xb8;
	[tilespmem:$0x18E20] =	vst v63  }
0x107: {  	_ =	swait.ge [sflag:s12], $0x1400  }
0x108: {  	[sflag:s12] =	ssyncset.done $0x0  }
0x109: {  	s11 =	simm.s32 $0x4D80;
	[sflag:s12] =	ssyncadd.s32 $0xFFFFEC00  }
0x10a: {  	[spmem:s3] =	stream.indirect.scatter.add.f32 [tilespmem:s15], [sflag:$0x11], $0x40, s11, s14, $0xb8;
	[tilespmem:$0x18E20] =	vst v63  }
0x10b: {  	_ =	swait.ge [sflag:s12], $0x1400  }
0x10c: {  	[sflag:s12] =	ssyncset.done $0x0  }
0x10d: {  	s6 =	simm.s32 $0x26C0;
	[sflag:s12] =	ssyncadd.s32 $0xFFFFEC00  }
0x10e: {  	[tilespmem:s15], [sflag:$0x11] =	stream.indirect.gather [hbm4b:s1+s14], $0x40, s6, s14, $0xb8;
	[tilespmem:$0x18E20] =	vst v63  }
0x10f: {  	_ =	swait.ge [sflag:s12], $0x1400  }
0x110: {  	[sflag:s12] =	ssyncset.done $0x0  }
0x111: {  	s11 =	simm.s32 $0x4DD0;
	[sflag:s12] =	ssyncadd.s32 $0xFFFFEC00  }
0x112: {  	[spmem:s3] =	stream.indirect.scatter.add.f32 [tilespmem:s15], [sflag:$0x11], $0x40, s11, s14, $0xb8;
	[tilespmem:$0x18E20] =	vst v63  }
0x113: {  	_ =	swait.ge [sflag:s12], $0x1400  }
0x114: {  	[sflag:s12] =	ssyncset.done $0x0  }
0x115: {  	[sflag:s12] =	ssyncadd.s32 $0xFFFFEC00  }
0x116: {  	[bflag:$0x0] =	sbarrier.arrive $0xFFFF  }
0x117: {  	s6 =	rddreg [dreg:$0x5]  }
0x118: {  	s4 =	rddreg [dreg:$0x8]  }
0x119: {  	s11 =	rddreg [dreg:$0xa]  }
0x11a: {  	[hbm:s4], [sflag:s6] =	dma.local [spmem:s11], $0x1400  }
0x11b: {  	_ =	swait.ge [sflag:s12], $0x1400  }
0x11c: {  	s4 =	simm.s32 $0x11;
	s12 =	rddreg [dreg:$0xb]  }
0x11d: {  	[sflag:s4] =	ssyncset.done $0x0;
	s4 =	rddreg [dreg:$0x9];
	s12 =	sadd.s32 $0x1, s12  }
0x11e: {  	p0 =	sne.s32 s12, s4  }
.Ltmp1:
0x11f: {  	_ = 	snop;
	(pc) =	sbr.rel @p0 .LBB2_1-.Ltmp1, $3  }
0x120: {  	_ =	sdelay $0x1  }
0x121: {  	[dreg:$0xb] =	wrdreg s12;
	s12 =	simm.s32 $0x11  }
0x122: {  	[sflag:s12] =	ssyncadd.s32 $0xFFFFEC00  }
0x123: {  	_ =	sfence.sel $0x180000  }
0x124: {  	[bflag:$0x0] =	sbarrier.arrive $0xFFFF  }
0x125: {  	_ =	strace $0x9000004D  }
0x126: {  	s0 =	stileid.u32;
	[bflag:$0x2] =	sbarrier.arrive $0xFFFF  }
0x127: {  	p0 =	sne.s32 s0, $0x0;
	s0 =	rddreg [dreg:$0x3]  }
0x128: {  	s0 =	sadd.s32 @!p0 $0x100000, s0  }
0x129: {  	[sflag:s0] =	ssyncadd.tile.s32 @!p0 $0x1;
	_ =	shalt  }
.Lfunc_end2:
_tile_overlayer_lowered:
.L_overlay_start_2:
0x12a: {  	(tag) =	ssettag $0x2  }
0x12b: {  	s0 =	rddreg [dreg:$0x0];
	s2 =	stileid.u32  }
0x12c: {  	s1 =	rddreg [dreg:$0x1];
	p0 =	sne.s32 s2, $0x0  }
0x12d: {  	s3 =	rddreg [dreg:$0x2];
	[bflag:$0x3] =	sbarrier.arrive $0xFFFF;
	s2 =	simm.s32 @!p0 $0x1C11  }
0x12e: {  	[timem:s3], [sflag:s2] =	dma.local @!p0 [hbm:s0], s1  }
0x12f: {  	s0 =	simm.s32 @!p0 $0x11  }
0x130: {  	_ =	swait.ge @!p0 [sflag:s0], s1  }
0x131: {  	s1 =	ssub.s32 @!p0 $0x0, s1;
	[sflag:s0] =	ssyncset.done @!p0 $0x0  }
0x132: {  	[sflag:s0] =	ssyncadd.s32 @!p0 s1  }
0x133: {  	[bflag:$0x3] =	sbarrier.arrive $0xFFFF  }
0x134: {  	_ =	shalt  }

// kernel: kernel.8.cloned.1.call-start
scs
__scs_entry_jumppad:
0x0: {  	(pc) =	sbr.rel $0x88, $3  }
0x1: {  	(tag) =	ssettag $0x0;
	lr =	simm.s32 $0x1  }
0x2: {  	[smem:$0x3F9B] =	sst lr;
	_ =	strace $0xD0000000  }
0x3: {  	_ = 	snop  }
0x4: {  	_ = 	snop  }
0x5: {  	_ = 	snop  }
0x6: {  	_ = 	snop  }
0x7: {  	_ = 	snop  }
__scs_overlays_trampoline_lowered:
0x8: {  	[smem:$0x3FAA] =	sst s0  }
0x9: {  	[smem:$0x3FAB] =	sst s1  }
0xa: {  	[smem:$0x3FAC] =	sst s2  }
0xb: {  	[smem:$0x3FAD] =	sst s3  }
0xc: {  	[smem:$0x3FAE] =	sst s4  }
0xd: {  	[smem:$0x3FAF] =	sst s5  }
0xe: {  	[smem:$0x3FB0] =	sst s6  }
0xf: {  	[smem:$0x3FB1] =	sst s7  }
0x10: {  	[smem:$0x3FB2] =	sst s8  }
0x11: {  	[smem:$0x3FB3] =	sst s9;
	s0 =	simm.s32 @!p0 $0x0  }
0x12: {  	s1 =	sld [smem:$0x3F99];
	s0 =	simm.s32 @p0 $0x1  }
0x13: {  	[smem:$0x3FB4] =	sst s0;
	s0 =	simm.s32 @!p1 $0x0  }
0x14: {  	s2 =	sld [smem:$0x3F98];
	s0 =	simm.s32 @p1 $0x1  }
0x15: {  	[smem:$0x3FB5] =	sst s0;
	s0 =	simm.s32 @!p2 $0x0  }
0x16: {  	s3 =	sld [smem:$0x3FDB];
	s0 =	simm.s32 @p2 $0x1  }
0x17: {  	s4 =	simm.s32 $0x1BF5;
	[smem:$0x3FB7] =	sst s0  }
0x18: {  	s0 =	sld [smem:$0x3F9A];
	_ =	swait.ge [sflag:s4], $0x0  }
0x19: {  	s7 =	sld [smem:$0x3F9B]  }
0x1a: {  	s8 =	sadd.s32 $0xFFFFE003, lr  }
0x1b: {  	s9 =	sadd.s32 $0xFFFFFEF7, lr;
	s5 =	simm.s32 $0xFFFFFFFF;
	p2 =	slt.u32 s8, $0xFFFFF086  }
0x1c: {  	p1 =	slt.u32 s9, $0xF7A;
	s5 =	simm.s32 @!p2 $0x0  }
0x1d: {  	s5 =	simm.s32 @p1 $0x1;
	p0 =	seq.s32 s7, s2  }
0x1e: {  	s7 =	smul.u32 @!p0 $0xF7A, s2;
	p2 =	seq.s32 @!p0 s5, $0x0  }
0x1f: {  	s9 =	smul.u32 $0xF7A, s1;
	s8 =	simm.s32 @!p0 $0x1BF5;
	p2 =	por !p2, p0  }
0x20: {  	[sflag:s8] =	ssyncset.s32 @!p0 $0xFFFFF086;
	s6 =	sadd.s32 @!p0 s3, s7;
	s7 =	simm.s32 @!p0 $0x108  }
0x21: {  	s3 =	sadd.s32 s3, s9;
	s6 =	sadd.s32 @!p0 $0x88, s6;
	s7 =	simm.s32 @p2 $0x1082  }
0x22: {  	[simem:s7], [sflag:s8] =	dma.local @!p0 [hbm:s6], $0xF7A  }
0x23: {  	s9 =	sor.u32 $0xD0000000, s2;
	s6 =	simm.s32 $0x108;
	_ =	swait.ge @!p0 [sflag:s8], $0x0  }
0x24: {  	s3 =	sadd.s32 $0x88, s3;
	s6 =	simm.s32 @!p1 $0x1082;
	[sflag:s4] =	ssyncset.s32 $0xFFFFF086  }
0x25: {  	[simem:s6], [sflag:s4] =	dma.local [hbm:s3], $0xF7A  }
0x26: {  	[smem:$0x3F9B] =	sst s1;
	(tag) =	ssettag s2;
	_ =	strace s9  }
0x27: {  	s1 =	sld [smem:$0x3FAB]  }
0x28: {  	s2 =	sld [smem:$0x3FAC]  }
0x29: {  	s4 =	sld [smem:$0x3FAE]  }
0x2a: {  	p0 =	seq.s32 s5, $0x0;
	s5 =	sld [smem:$0x3FAF]  }
0x2b: {  	s6 =	sld [smem:$0x3FB0]  }
0x2c: {  	s7 =	sld [smem:$0x3FB1]  }
0x2d: {  	s3 =	simm.s32 $0x108;
	s8 =	sld [smem:$0x3FB2]  }
0x2e: {  	s3 =	simm.s32 @!p0 $0x1082;
	s9 =	sld [smem:$0x3FB3]  }
0x2f: {  	lr =	sadd.s32 s0, s3;
	s0 =	sld [smem:$0x3FAA]  }
0x30: {  	s3 =	sld [smem:$0x3FAD]  }
0x31: {  	[smem:$0x3FB6] =	sst s10  }
0x32: {  	s10 =	sld [smem:$0x3FB4];
	_ =	sdelay $0x3  }
0x33: {  	p0 =	seq.s32 s10, $0x1;
	s10 =	sld [smem:$0x3FB6];
	_ =	sdelay $0x3  }
0x34: {  	[smem:$0x3FB6] =	sst s10  }
0x35: {  	s10 =	sld [smem:$0x3FB5];
	_ =	sdelay $0x3  }
0x36: {  	p1 =	seq.s32 s10, $0x1;
	s10 =	sld [smem:$0x3FB6];
	_ =	sdelay $0x3  }
0x37: {  	[smem:$0x3FB6] =	sst s10  }
0x38: {  	s10 =	sld [smem:$0x3FB7]  }
0x39: {  	_ = 	snop;
	(pc) =	sbr.ind lr, $3  }
0x3a: {  	_ = 	snop  }
0x3b: {  	_ = 	snop  }
0x3c: {  	p2 =	seq.s32 s10, $0x1;
	s10 =	sld [smem:$0x3FB6]  }
0x3d: {  	_ =	shalt  }
0x3e: {  	_ =	shalt  }
0x3f: {  	_ =	shalt  }
0x40: {  	_ =	shalt  }
0x41: {  	_ =	shalt  }
0x42: {  	_ =	shalt  }
0x43: {  	_ =	shalt  }
0x44: {  	_ =	shalt  }
0x45: {  	_ =	shalt  }
0x46: {  	_ =	shalt  }
0x47: {  	_ =	shalt  }
0x48: {  	_ =	shalt  }
0x49: {  	_ =	shalt  }
0x4a: {  	_ =	shalt  }
0x4b: {  	_ =	shalt  }
0x4c: {  	_ =	shalt  }
0x4d: {  	_ =	shalt  }
0x4e: {  	_ =	shalt  }
0x4f: {  	_ =	shalt  }
0x50: {  	_ =	shalt  }
0x51: {  	_ =	shalt  }
0x52: {  	_ =	shalt  }
0x53: {  	_ =	shalt  }
0x54: {  	_ =	shalt  }
0x55: {  	_ =	shalt  }
0x56: {  	_ =	shalt  }
0x57: {  	_ =	shalt  }
0x58: {  	_ =	shalt  }
0x59: {  	_ =	shalt  }
0x5a: {  	_ =	shalt  }
0x5b: {  	_ =	shalt  }
0x5c: {  	_ =	shalt  }
0x5d: {  	_ =	shalt  }
0x5e: {  	_ =	shalt  }
0x5f: {  	_ =	shalt  }
0x60: {  	_ =	shalt  }
0x61: {  	_ =	shalt  }
0x62: {  	_ =	shalt  }
0x63: {  	_ =	shalt  }
0x64: {  	_ =	shalt  }
0x65: {  	_ =	shalt  }
0x66: {  	_ =	shalt  }
0x67: {  	_ =	shalt  }
0x68: {  	_ =	shalt  }
0x69: {  	_ =	shalt  }
0x6a: {  	_ =	shalt  }
0x6b: {  	_ =	shalt  }
0x6c: {  	_ =	shalt  }
0x6d: {  	_ =	shalt  }
0x6e: {  	_ =	shalt  }
0x6f: {  	_ =	shalt  }
0x70: {  	_ =	shalt  }
0x71: {  	_ =	shalt  }
0x72: {  	_ =	shalt  }
0x73: {  	_ =	shalt  }
0x74: {  	_ =	shalt  }
0x75: {  	_ =	shalt  }
0x76: {  	_ =	shalt  }
0x77: {  	_ =	shalt  }
0x78: {  	_ =	shalt  }
0x79: {  	_ =	shalt  }
0x7a: {  	_ =	shalt  }
0x7b: {  	_ =	shalt  }
0x7c: {  	_ =	shalt  }
0x7d: {  	_ =	shalt  }
0x7e: {  	_ =	shalt  }
0x7f: {  	_ =	shalt  }
0x80: {  	_ =	shalt  }
0x81: {  	_ =	shalt  }
0x82: {  	_ =	shalt  }
0x83: {  	_ =	shalt  }
0x84: {  	_ =	shalt  }
0x85: {  	_ =	shalt  }
0x86: {  	_ =	shalt  }
0x87: {  	_ =	shalt  }
.Lfunc_end0:
.L_simem_size_0:
called_computation_lowered:
.L_overlay_start_0:
0x88: {  	s2 =	sld [smem:$0x3FD9]  }
0x89: {  	s3 =	sld [smem:$0x3FFE];
	_ =	sdelay $0x1  }
0x8a: {  	s1 =	srdreg.scid  }
0x8b: {  	s0 =	sand.u32 $0x1, s1  }
0x8c: {  	s17 =	sshll.u32 s0, $0xA;
	s2 =	sadd.s32 s3, s2  }
0x8d: {  	s2 =	sadd.s32 s2, s17  }
0x8e: {  	[smem:$0x3FC2] =	sst s2  }
0x8f: {  	_ = 	snop  }
0x90: {  	s2 =	sld [smem:$0x3FD0];
	(tm) =	ssettm $0x1  }
0x91: {  	s18 =	sld [smem:$0x3FFB];
	_ =	sdelay $0x3  }
0x92: {  	_ =	strace s18  }
0x93: {  	s3 =	sld [smem:$0x3FFC];
	_ =	sdelay $0x3  }
0x94: {  	_ =	strace s3  }
0x95: {  	s3 =	sld [smem:$0x3FFD];
	_ =	sdelay $0x3  }
0x96: {  	_ =	strace s3  }
0x97: {  	_ =	strace $0x8FFFFFFF  }
0x98: {  	s19 =	sld [smem:$0x3FDB];
	_ =	sdelay $0x1  }
0x99: {  	s4 =	simm.s32 $_scs_section_size  }
0x9a: {  	s5 =	simm.s32 $_size__tile_overlayer_lowered;
	s6 =	simm.s32 $_tile_overlayer_lowered  }
0x9b: {  	s22 =	simm.s32 $0x1BFF;
	s21 =	sshll.u32 s6, $0x1;
	s3 =	sadd.s32 s4, s19  }
0x9c: {  	s7 =	simm.s32 $0x0;
	s20 =	sshll.u32 s5, $0x1;
	s5 =	sadd.s32 s21, s3  }
0x9d: {  	[timem:s7], [sflag:s22] =	dma.local [hbm:s5], s20  }
0x9e: {  	_ =	swait.ge [sflag:s22], s20  }
0x9f: {  	s4 =	ssub.s32 $0x0, s20;
	[sflag:s22] =	ssyncset.done $0x0  }
0xa0: {  	[sflag:s22] =	ssyncadd.s32 s4;
	_ =	sdelay $0x1  }
0xa1: {  	s23 =	simm.s32 $0x1B8B  }
0xa2: {  	_ =	swait.ge [sflag:s23], $0x1  }
0xa3: {  	[sflag:s23] =	ssyncset.done $0x0  }
0xa4: {  	s25 =	simm.s32 $0x1B8E;
	s24 =	sld [smem:$0x3FFE];
	[sflag:s23] =	ssyncadd.s32 $0xFFFFFFFF  }
0xa5: {  	s26 =	simm.s32 $execute0_lowered;
	[smem:$0x3FD2] =	sst s25  }
0xa6: {  	s5 =	sshll.u32 s26, $0x1;
	_ =	strace $0x80000046;
	[dreg:$0x1] =	wrdreg $0xFFFFFFFF  }
0xa7: {  	s28 =	simm.s32 $_size_execute0_lowered;
	s3 =	sadd.s32 s3, s5;
	[dreg:$0x0] =	wrdreg $0x0  }
0xa8: {  	s5 =	sshll.u32 s28, $0x1;
	[dreg:$0x2] =	wrdreg s3  }
0xa9: {  	[dreg:$0x3] =	wrdreg s5  }
0xaa: {  	[dreg:$0x4] =	wrdreg $0xC0  }
0xab: {  	_ =	task [dreg:s7], $0x5FFFF  }
0xac: {  	[dreg:$0x1] =	wrdreg $0xFFFFFFFF  }
0xad: {  	[dreg:$0x0] =	wrdreg $0x60  }
0xae: {  	[dreg:$0x2] =	wrdreg s24  }
0xaf: {  	[dreg:$0x3] =	wrdreg s2  }
0xb0: {  	[dreg:$0x4] =	wrdreg $0x53200  }
0xb1: {  	[dreg:$0x5] =	wrdreg $0x7B200  }
0xb2: {  	[dreg:$0x6] =	wrdreg $0x9  }
0xb3: {  	_ =	task.clear_ibuf [dreg:s7], $0x7FFFF;
	_ =	strace $0x90000046  }
0xb4: {  	s29 =	simm.s32 $0x9;
	_ =	strace $0x80000048  }
0xb5: {  	_ =	swait.ge [sflag:s29], $0x1  }
0xb6: {  	[sflag:s29] =	ssyncadd.s32 $0xFFFFFFFF  }
0xb7: {  	_ =	strace $0x90000048  }
0xb8: {  	_ =	sfence  }
0xb9: {  	s30 =	sld [smem:$0x0];
	_ =	sdelay $0x2  }
0xba: {  	s31 =	sshll.u32 s1, $0xD;
	s1 =	sshrl.u32 s1, $0x2  }
0xbb: {  	s3 =	sand.u32 $0x4000, s31;
	s1 =	sadd.s32 s1, s30  }
0xbc: {  	s0 =	sor.u32 s3, s0;
	s1 =	sshll.u32 s1, $0x11  }
0xbd: {  	s0 =	sor.u32 s1, s0  }
0xbe: {  	s0 =	sadd.s32 $0x8F2B, s0  }
0xbf: {  	[sflag:s0] =	ssyncadd.remote.s32 $0x1  }
0xc0: {  	_ =	sfence.sel $0xFFFF  }
0xc1: {  	[dreg:$0x0] =	wrdreg $0xFFFFFFFF;
	(pc) =	sbr.abs _section_cstart, $3  }
0xc2: {  	[dreg:$0x1] =	wrdreg $0xFFFFFFFF  }
0xc3: {  	_ =	task.clear_ibuf [dreg:s7], $0x2FFFF;
	_ =	strace $0x9FFFFFFF  }
0xc4: {  	(tm) =	ssettm $0x7FFFFFFF  }
0xc5: {  	_ =	shalt  }
tec
execute0_lowered:
.L_overlay_start_1:
0x0: {  	(tag) =	ssettag $0x1  }
0x1: {  	s0 =	rddreg [dreg:$0x0]  }
0x2: {  	s1 =	rddreg [dreg:$0x1]  }
0x3: {  	s2 =	rddreg [dreg:$0x2];
	s4 =	srdreg.scid  }
0x4: {  	s3 =	rddreg [dreg:$0x3];
	s10 =	stileid.u32  }
0x5: {  	s14 =	simm.s32 $0xB;
	s16 =	simm.s32 $0x4E20;
	s17 =	simm.s32 $0x2710  }
0x6: {  	s18 =	simm.s32 $0x50;
	s28 =	simm.s32 $0x6;
	s29 =	simm.s32 $0x2  }
0x7: {  	s30 =	simm.s32 $0x7;
	s31 =	simm.s32 $0x3;
	s19 =	simm.s32 $0x9  }
0x8: {  	s20 =	simm.s32 $0x5;
	s5 =	sand.u32 $0x1, s4;
	s8 =	smul.u32 $0x2800, s10  }
0x9: {  	s4 =	simm.s32 $0x0;
	s25 =	sshll.u32 s10, $0x6;
	s6 =	sshll.u32 s5, $0x4  }
0xa: {  	s7 =	smul.u32 $0x50000, s5;
	[smem:$0x7FF] =	sst s4;
	s22 =	ssub.s32 $0x2, s5  }
0xb: {  	s5 =	sadd.s32 $0x15400, s0;
	s6 =	sor.u32 s10, s6;
	_ =	strace $0x80000047  }
0xc: {  	s23 =	sshrl.u32 s22, $0x1;
	s24 =	sshrl.u32 s8, $0x3;
	s13 =	sadd.s32 s8, s2  }
0xd: {  	s26 =	sadd.s32 s8, s3;
	s6 =	smul.u32 $0x4E2, s6;
	s7 =	sadd.s32 s8, s7  }
0xe: {  	s12 =	ssub.s32 s22, s23;
	s13 =	sshrl.u32 s13, $0x3;
	s15 =	sshrl.u32 s26, $0x3  }
0xf: {  	s26 =	simm.s32 $0x1;
	s22 =	simm.s32 $0x0;
	s21 =	sshrl.u32 s7, $0x3  }
0x10: {  	s7 =	sor.u32 $0x1C0B, s25;
	s12 =	smax.u32 s12, $0x1;
	s9 =	sadd.s32 s6, s0  }
0x11: {  	s0 =	sadd.s32 s21, s0;
	s6 =	sadd.s32 s1, s24;
	s1 =	simm.s32 $0x4  }
0x12: {  	s21 =	simm.s32 $0xA;
	s8 =	sadd.s32 $0xB600, s9;
	s9 =	sadd.s32 $0x1800, s9  }
0x13: {  	s10 =	sadd.s32 $0x15600, s0;
	s11 =	sadd.s32 $0x1A600, s0;
	s0 =	simm.s32 $0x8  }
.LBB2_1:
0x14: {  	[spmem:s13], [sflag:s7] =	dma.local [hbm:s6], $0x500  }
0x15: {  	_ =	swait.ge [sflag:s14], $0x500  }
0x16: {  	[sflag:s14] =	ssyncset.done $0x0  }
0x17: {  	[sflag:s14] =	ssyncadd.s32 $0xFFFFFB00  }
0x18: {  	[spmem:s15], [sflag:s7] =	dma.local [hbm:s6], $0x500  }
0x19: {  	_ =	swait.ge [sflag:s14], $0x500  }
0x1a: {  	[sflag:s14] =	ssyncset.done $0x0  }
0x1b: {  	[sflag:s14] =	ssyncadd.s32 $0xFFFFFB00  }
0x1c: {  	[tilespmem:s16], [sflag:$0xB] =	stream.linear.gather [hbm4b:s5+s4], $0x500, $0x38;
	[tilespmem:$0xA320] =	vst v63  }
0x1d: {  	_ =	swait.ge [sflag:s14], $0x500  }
0x1e: {  	[sflag:s14] =	ssyncset.done $0x0  }
0x1f: {  	[sflag:s14] =	ssyncadd.s32 $0xFFFFFB00  }
0x20: {  	[tilespmem:s4], [sflag:$0xB] =	stream.linear.gather [hbm4b:s8+s4], $0x2710, $0x38;
	[tilespmem:$0xA320] =	vst v63  }
0x21: {  	_ =	swait.ge [sflag:s14], $0x2710  }
0x22: {  	[sflag:s14] =	ssyncset.done $0x0  }
0x23: {  	[sflag:s14] =	ssyncadd.s32 $0xFFFFD8F0  }
0x24: {  	[tilespmem:s17], [sflag:$0xB] =	stream.linear.gather [hbm4b:s9+s4], $0x2710, $0x38;
	[tilespmem:$0xA320] =	vst v63  }
0x25: {  	_ =	swait.ge [sflag:s14], $0x2710  }
0x26: {  	[sflag:s14] =	ssyncset.done $0x0  }
0x27: {  	[sflag:s14] =	ssyncadd.s32 $0xFFFFD8F0  }
0x28: {  	[bflag:$0x0] =	sbarrier.arrive $0xFFFF  }
0x29: {  	[spmem:s2] =	stream.indirect.scatter.add.f32 [tilespmem:s16], [sflag:$0x1], $0x10, s4, s18, $0xb8;
	[tilespmem:$0xA320] =	vst v63  }
0x2a: {  	_ = 	snop  }
0x2b: {  	[spmem:s3] =	stream.indirect.scatter.add.f32 [tilespmem:s16], [sflag:$0x6], $0x10, s17, s18, $0xb8;
	[tilespmem:$0xA320] =	vst v63  }
0x2c: {  	_ = 	snop  }
0x2d: {  	[spmem:s2] =	stream.indirect.scatter.add.f32 [tilespmem:s16], [sflag:$0x2], $0x10, s18, s18, $0xb8;
	[tilespmem:$0xA320] =	vst v63  }
0x2e: {  	s23 =	simm.s32 $0x2760  }
0x2f: {  	[spmem:s3] =	stream.indirect.scatter.add.f32 [tilespmem:s16], [sflag:$0x7], $0x10, s23, s18, $0xb8;
	[tilespmem:$0xA320] =	vst v63  }
0x30: {  	s25 =	simm.s32 $0xA0  }
0x31: {  	[spmem:s2] =	stream.indirect.scatter.add.f32 [tilespmem:s16], [sflag:$0x3], $0x10, s25, s18, $0xb8;
	[tilespmem:$0xA320] =	vst v63  }
0x32: {  	s24 =	simm.s32 $0x27B0  }
0x33: {  	[spmem:s3] =	stream.indirect.scatter.add.f32 [tilespmem:s16], [sflag:$0x8], $0x10, s24, s18, $0xb8;
	[tilespmem:$0xA320] =	vst v63  }
0x34: {  	s25 =	simm.s32 $0xF0  }
0x35: {  	[spmem:s2] =	stream.indirect.scatter.add.f32 [tilespmem:s16], [sflag:$0x4], $0x10, s25, s18, $0xb8;
	[tilespmem:$0xA320] =	vst v63  }
0x36: {  	s24 =	simm.s32 $0x2800  }
0x37: {  	[spmem:s3] =	stream.indirect.scatter.add.f32 [tilespmem:s16], [sflag:$0x9], $0x10, s24, s18, $0xb8;
	[tilespmem:$0xA320] =	vst v63  }
0x38: {  	s25 =	simm.s32 $0x140  }
0x39: {  	[spmem:s2] =	stream.indirect.scatter.add.f32 [tilespmem:s16], [sflag:$0x5], $0x10, s25, s18, $0xb8;
	[tilespmem:$0xA320] =	vst v63  }
0x3a: {  	s24 =	simm.s32 $0x2850  }
0x3b: {  	[spmem:s3] =	stream.indirect.scatter.add.f32 [tilespmem:s16], [sflag:$0xA], $0x10, s24, s18, $0xb8;
	[tilespmem:$0xA320] =	vst v63  }
0x3c: {  	_ =	swait.ge [sflag:s26], $0x500  }
0x3d: {  	[sflag:s26] =	ssyncset.done $0x0  }
0x3e: {  	[sflag:s26] =	ssyncadd.s32 $0xFFFFFB00  }
0x3f: {  	_ =	swait.ge [sflag:s28], $0x500  }
0x40: {  	[sflag:s28] =	ssyncset.done $0x0  }
0x41: {  	s25 =	simm.s32 $0x190;
	[sflag:s28] =	ssyncadd.s32 $0xFFFFFB00  }
0x42: {  	[spmem:s2] =	stream.indirect.scatter.add.f32 [tilespmem:s16], [sflag:$0x1], $0x10, s25, s18, $0xb8;
	[tilespmem:$0xA320] =	vst v63  }
0x43: {  	s24 =	simm.s32 $0x28A0  }
0x44: {  	[spmem:s3] =	stream.indirect.scatter.add.f32 [tilespmem:s16], [sflag:$0x6], $0x10, s24, s18, $0xb8;
	[tilespmem:$0xA320] =	vst v63  }
0x45: {  	_ =	swait.ge [sflag:s29], $0x500  }
0x46: {  	[sflag:s29] =	ssyncset.done $0x0  }
0x47: {  	[sflag:s29] =	ssyncadd.s32 $0xFFFFFB00  }
0x48: {  	_ =	swait.ge [sflag:s30], $0x500  }
0x49: {  	[sflag:s30] =	ssyncset.done $0x0  }
0x4a: {  	s25 =	simm.s32 $0x1E0;
	[sflag:s30] =	ssyncadd.s32 $0xFFFFFB00  }
0x4b: {  	[spmem:s2] =	stream.indirect.scatter.add.f32 [tilespmem:s16], [sflag:$0x2], $0x10, s25, s18, $0xb8;
	[tilespmem:$0xA320] =	vst v63  }
0x4c: {  	s24 =	simm.s32 $0x28F0  }
0x4d: {  	[spmem:s3] =	stream.indirect.scatter.add.f32 [tilespmem:s16], [sflag:$0x7], $0x10, s24, s18, $0xb8;
	[tilespmem:$0xA320] =	vst v63  }
0x4e: {  	_ =	swait.ge [sflag:s31], $0x500  }
0x4f: {  	[sflag:s31] =	ssyncset.done $0x0  }
0x50: {  	[sflag:s31] =	ssyncadd.s32 $0xFFFFFB00  }
0x51: {  	_ =	swait.ge [sflag:s0], $0x500  }
0x52: {  	[sflag:s0] =	ssyncset.done $0x0  }
0x53: {  	s25 =	simm.s32 $0x230;
	[sflag:s0] =	ssyncadd.s32 $0xFFFFFB00  }
0x54: {  	[spmem:s2] =	stream.indirect.scatter.add.f32 [tilespmem:s16], [sflag:$0x3], $0x10, s25, s18, $0xb8;
	[tilespmem:$0xA320] =	vst v63  }
0x55: {  	s24 =	simm.s32 $0x2940  }
0x56: {  	[spmem:s3] =	stream.indirect.scatter.add.f32 [tilespmem:s16], [sflag:$0x8], $0x10, s24, s18, $0xb8;
	[tilespmem:$0xA320] =	vst v63  }
0x57: {  	_ =	swait.ge [sflag:s1], $0x500  }
0x58: {  	[sflag:s1] =	ssyncset.done $0x0  }
0x59: {  	[sflag:s1] =	ssyncadd.s32 $0xFFFFFB00  }
0x5a: {  	_ =	swait.ge [sflag:s19], $0x500  }
0x5b: {  	[sflag:s19] =	ssyncset.done $0x0  }
0x5c: {  	s25 =	simm.s32 $0x280;
	[sflag:s19] =	ssyncadd.s32 $0xFFFFFB00  }
0x5d: {  	[spmem:s2] =	stream.indirect.scatter.add.f32 [tilespmem:s16], [sflag:$0x4], $0x10, s25, s18, $0xb8;
	[tilespmem:$0xA320] =	vst v63  }
0x5e: {  	s24 =	simm.s32 $0x2990  }
0x5f: {  	[spmem:s3] =	stream.indirect.scatter.add.f32 [tilespmem:s16], [sflag:$0x9], $0x10, s24, s18, $0xb8;
	[tilespmem:$0xA320] =	vst v63  }
0x60: {  	_ =	swait.ge [sflag:s20], $0x500  }
0x61: {  	[sflag:s20] =	ssyncset.done $0x0  }
0x62: {  	[sflag:s20] =	ssyncadd.s32 $0xFFFFFB00  }
0x63: {  	_ =	swait.ge [sflag:s21], $0x500  }
0x64: {  	s23 =	simm.s32 $0x640;
	[sflag:s21] =	ssyncset.done $0x0  }
0x65: {  	s25 =	simm.s32 $0x2D0;
	s24 =	simm.s32 $0x29E0;
	[sflag:s21] =	ssyncadd.s32 $0xFFFFFB00  }
0x66: {  	[spmem:s2] =	stream.indirect.scatter.add.f32 [tilespmem:s16], [sflag:$0x5], $0x10, s25, s18, $0xb8;
	[tilespmem:$0xA320] =	vst v63  }
.LBB2_2:
0x67: {  	[spmem:s3] =	stream.indirect.scatter.add.f32 [tilespmem:s16], [sflag:$0xA], $0x10, s24, s18, $0xb8;
	[tilespmem:$0xA320] =	vst v63  }
0x68: {  	s24 =	smov.u32 s23  }
0x69: {  	p0 =	sne.s32 s23, $0x8FC0;
	s23 =	sadd.s32 $0x640, s23;
	_ =	swait.ge [sflag:s26], $0x500  }
0x6a: {  	[sflag:s26] =	ssyncset.done $0x0  }
0x6b: {  	[sflag:s26] =	ssyncadd.s32 $0xFFFFFB00  }
0x6c: {  	_ =	swait.ge [sflag:s28], $0x500  }
0x6d: {  	s24 =	sshra.s32 s24, $0x2;
	[sflag:s28] =	ssyncset.done $0x0  }
0x6e: {  	s25 =	sadd.s32 $0x190, s24;
	[sflag:s28] =	ssyncadd.s32 $0xFFFFFB00  }
0x6f: {  	[spmem:s2] =	stream.indirect.scatter.add.f32 [tilespmem:s16], [sflag:$0x1], $0x10, s25, s18, $0xb8;
	[tilespmem:$0xA320] =	vst v63  }
0x70: {  	s25 =	sadd.s32 $0x28A0, s24  }
0x71: {  	[spmem:s3] =	stream.indirect.scatter.add.f32 [tilespmem:s16], [sflag:$0x6], $0x10, s25, s18, $0xb8;
	[tilespmem:$0xA320] =	vst v63  }
0x72: {  	_ =	swait.ge [sflag:s29], $0x500  }
0x73: {  	[sflag:s29] =	ssyncset.done $0x0  }
0x74: {  	[sflag:s29] =	ssyncadd.s32 $0xFFFFFB00  }
0x75: {  	_ =	swait.ge [sflag:s30], $0x500  }
0x76: {  	[sflag:s30] =	ssyncset.done $0x0  }
0x77: {  	s25 =	sadd.s32 $0x1E0, s24;
	[sflag:s30] =	ssyncadd.s32 $0xFFFFFB00  }
0x78: {  	[spmem:s2] =	stream.indirect.scatter.add.f32 [tilespmem:s16], [sflag:$0x2], $0x10, s25, s18, $0xb8;
	[tilespmem:$0xA320] =	vst v63  }
0x79: {  	s25 =	sadd.s32 $0x28F0, s24  }
0x7a: {  	[spmem:s3] =	stream.indirect.scatter.add.f32 [tilespmem:s16], [sflag:$0x7], $0x10, s25, s18, $0xb8;
	[tilespmem:$0xA320] =	vst v63  }
0x7b: {  	_ =	swait.ge [sflag:s31], $0x500  }
0x7c: {  	[sflag:s31] =	ssyncset.done $0x0  }
0x7d: {  	[sflag:s31] =	ssyncadd.s32 $0xFFFFFB00  }
0x7e: {  	_ =	swait.ge [sflag:s0], $0x500  }
0x7f: {  	[sflag:s0] =	ssyncset.done $0x0  }
0x80: {  	s25 =	sadd.s32 $0x230, s24;
	[sflag:s0] =	ssyncadd.s32 $0xFFFFFB00  }
0x81: {  	[spmem:s2] =	stream.indirect.scatter.add.f32 [tilespmem:s16], [sflag:$0x3], $0x10, s25, s18, $0xb8;
	[tilespmem:$0xA320] =	vst v63  }
0x82: {  	s25 =	sadd.s32 $0x2940, s24  }
0x83: {  	[spmem:s3] =	stream.indirect.scatter.add.f32 [tilespmem:s16], [sflag:$0x8], $0x10, s25, s18, $0xb8;
	[tilespmem:$0xA320] =	vst v63  }
0x84: {  	_ =	swait.ge [sflag:s1], $0x500  }
0x85: {  	[sflag:s1] =	ssyncset.done $0x0  }
0x86: {  	[sflag:s1] =	ssyncadd.s32 $0xFFFFFB00  }
0x87: {  	_ =	swait.ge [sflag:s19], $0x500  }
0x88: {  	[sflag:s19] =	ssyncset.done $0x0  }
0x89: {  	s25 =	sadd.s32 $0x280, s24;
	[sflag:s19] =	ssyncadd.s32 $0xFFFFFB00  }
0x8a: {  	[spmem:s2] =	stream.indirect.scatter.add.f32 [tilespmem:s16], [sflag:$0x4], $0x10, s25, s18, $0xb8;
	[tilespmem:$0xA320] =	vst v63  }
0x8b: {  	s25 =	sadd.s32 $0x2990, s24  }
0x8c: {  	[spmem:s3] =	stream.indirect.scatter.add.f32 [tilespmem:s16], [sflag:$0x9], $0x10, s25, s18, $0xb8;
	[tilespmem:$0xA320] =	vst v63  }
0x8d: {  	_ =	swait.ge [sflag:s20], $0x500  }
0x8e: {  	[sflag:s20] =	ssyncset.done $0x0  }
0x8f: {  	[sflag:s20] =	ssyncadd.s32 $0xFFFFFB00  }
.Ltmp0:
0x90: {  	_ =	swait.ge [sflag:s21], $0x500;
	(pc) =	sbr.rel @p0 .LBB2_2-.Ltmp0, $4  }
0x91: {  	[sflag:s21] =	ssyncset.done $0x0  }
0x92: {  	s25 =	sadd.s32 $0x2D0, s24;
	[sflag:s21] =	ssyncadd.s32 $0xFFFFFB00  }
0x93: {  	[spmem:s2] =	stream.indirect.scatter.add.f32 [tilespmem:s16], [sflag:$0x5], $0x10, s25, s18, $0xb8;
	[tilespmem:$0xA320] =	vst v63  }
0x94: {  	s24 =	sadd.s32 $0x29E0, s24  }
0x95: {  	[spmem:s3] =	stream.indirect.scatter.add.f32 [tilespmem:s16], [sflag:$0xA], $0x10, s24, s18, $0xb8;
	[tilespmem:$0xA320] =	vst v63  }
0x96: {  	_ =	swait.ge [sflag:s26], $0x500  }
0x97: {  	[sflag:s26] =	ssyncset.done $0x0  }
0x98: {  	[sflag:s26] =	ssyncadd.s32 $0xFFFFFB00  }
0x99: {  	_ =	swait.ge [sflag:s28], $0x500  }
0x9a: {  	[sflag:s28] =	ssyncset.done $0x0  }
0x9b: {  	[sflag:s28] =	ssyncadd.s32 $0xFFFFFB00  }
0x9c: {  	_ =	swait.ge [sflag:s29], $0x500  }
0x9d: {  	[sflag:s29] =	ssyncset.done $0x0  }
0x9e: {  	[sflag:s29] =	ssyncadd.s32 $0xFFFFFB00  }
0x9f: {  	_ =	swait.ge [sflag:s30], $0x500  }
0xa0: {  	[sflag:s30] =	ssyncset.done $0x0  }
0xa1: {  	[sflag:s30] =	ssyncadd.s32 $0xFFFFFB00  }
0xa2: {  	_ =	swait.ge [sflag:s31], $0x500  }
0xa3: {  	[sflag:s31] =	ssyncset.done $0x0  }
0xa4: {  	[sflag:s31] =	ssyncadd.s32 $0xFFFFFB00  }
0xa5: {  	_ =	swait.ge [sflag:s0], $0x500  }
0xa6: {  	[sflag:s0] =	ssyncset.done $0x0  }
0xa7: {  	[sflag:s0] =	ssyncadd.s32 $0xFFFFFB00  }
0xa8: {  	_ =	swait.ge [sflag:s1], $0x500  }
0xa9: {  	[sflag:s1] =	ssyncset.done $0x0  }
0xaa: {  	[sflag:s1] =	ssyncadd.s32 $0xFFFFFB00  }
0xab: {  	_ =	swait.ge [sflag:s19], $0x500  }
0xac: {  	[sflag:s19] =	ssyncset.done $0x0  }
0xad: {  	[sflag:s19] =	ssyncadd.s32 $0xFFFFFB00  }
0xae: {  	_ =	swait.ge [sflag:s20], $0x500  }
0xaf: {  	[sflag:s20] =	ssyncset.done $0x0  }
0xb0: {  	[sflag:s20] =	ssyncadd.s32 $0xFFFFFB00  }
0xb1: {  	_ =	swait.ge [sflag:s21], $0x500  }
0xb2: {  	[sflag:s21] =	ssyncset.done $0x0  }
0xb3: {  	[sflag:s21] =	ssyncadd.s32 $0xFFFFFB00  }
0xb4: {  	[bflag:$0x0] =	sbarrier.arrive $0xFFFF  }
0xb5: {  	[hbm:s10], [sflag:s7] =	dma.local [spmem:s13], $0x500  }
0xb6: {  	s22 =	sadd.s32 $0x1, s22;
	_ =	swait.ge [sflag:s14], $0x500  }
0xb7: {  	p0 =	sne.s32 s22, s12;
	[sflag:s14] =	ssyncset.done $0x0  }
.Ltmp1:
0xb8: {  	[sflag:s14] =	ssyncadd.s32 $0xFFFFFB00;
	(pc) =	sbr.rel @p0 .LBB2_1-.Ltmp1, $4  }
0xb9: {  	[hbm:s11], [sflag:s7] =	dma.local [spmem:s15], $0x500  }
0xba: {  	_ =	swait.ge [sflag:s14], $0x500  }
0xbb: {  	[sflag:s14] =	ssyncset.done $0x0  }
0xbc: {  	[sflag:s14] =	ssyncadd.s32 $0xFFFFFB00  }
0xbd: {  	_ =	sfence.sel $0x180000  }
0xbe: {  	[bflag:$0x0] =	sbarrier.arrive $0xFFFF  }
0xbf: {  	_ =	strace $0x90000047  }
0xc0: {  	s0 =	stileid.u32;
	[bflag:$0x2] =	sbarrier.arrive $0xFFFF  }
0xc1: {  	p0 =	sne.s32 s0, $0x0;
	s0 =	rddreg [dreg:$0x4]  }
0xc2: {  	s0 =	sadd.s32 @!p0 $0x100000, s0  }
0xc3: {  	[sflag:s0] =	ssyncadd.tile.s32 @!p0 $0x1;
	_ =	shalt  }
.Lfunc_end2:
_tile_overlayer_lowered:
.L_overlay_start_2:
0xc4: {  	(tag) =	ssettag $0x2  }
0xc5: {  	s0 =	rddreg [dreg:$0x0];
	s2 =	stileid.u32  }
0xc6: {  	s1 =	rddreg [dreg:$0x1];
	p0 =	sne.s32 s2, $0x0  }
0xc7: {  	s3 =	rddreg [dreg:$0x2];
	[bflag:$0x3] =	sbarrier.arrive $0xFFFF;
	s2 =	simm.s32 @!p0 $0x1C0B  }
0xc8: {  	[timem:s3], [sflag:s2] =	dma.local @!p0 [hbm:s0], s1  }
0xc9: {  	s0 =	simm.s32 @!p0 $0xB  }
0xca: {  	_ =	swait.ge @!p0 [sflag:s0], s1  }
0xcb: {  	s1 =	ssub.s32 @!p0 $0x0, s1;
	[sflag:s0] =	ssyncset.done @!p0 $0x0  }
0xcc: {  	[sflag:s0] =	ssyncadd.s32 @!p0 s1  }
0xcd: {  	[bflag:$0x3] =	sbarrier.arrive $0xFFFF  }
0xce: {  	_ =	shalt  }

</sc_bundles>
